<compile_context>
chip_gen: v7x
topology: tpu7x:2x2x1
jax: 0.10.2.dev20260603
libtpu: 0.0.44.dev20260713+nightly
codegen_flags: <defaults>
</compile_context>

<pallas_src>
import jax
import jax.numpy as jnp
from jax import lax
from jax.experimental import pallas as pl
from jax.experimental.pallas import tpu as pltpu
from jax.experimental.pallas import tpu_sc as plsc

_NUM_TASKS = 1000
_TOTAL_HEADS = 32
_NUM_HEADS = 8
_GROUPS = _TOTAL_HEADS // _NUM_HEADS
_BATCH = 16384

_NC = 2
_NS = 16
_LANES = 16

_ROWS_PER_TILE = 64
_LAST_BASE = _NUM_TASKS - _ROWS_PER_TILE
_B_PER_W = _BATCH // (_NC * _NS)
_BLK = 128
_BLOCKS = _BATCH // _BLK
_BLOCKS_PER_W = _B_PER_W // _BLK


def _body(sc_hbm, tids_hbm, outw_hbm, outi_hbm,
          hl_v, g1_v, g2_v, ti_loc, ti_sh, ti_v,
          tids_v, ow_v, oi_v, dsem):
    s = lax.axis_index("s")
    c = lax.axis_index("c")
    ones16 = jnp.full((_LANES,), 1.0, jnp.float32)
    three16 = jnp.full((_LANES,), 3, jnp.int32)

    wid = c * _NS + s
    base = wid * _B_PER_W
    rbase = jnp.minimum(s * _ROWS_PER_TILE, _LAST_BASE)
    tt = rbase >> 7
    toff = pl.multiple_of(rbase & (_BLK - 1), 8)
    cp_hl = pltpu.async_copy(sc_hbm.at[0, :, tt, :, pl.ds(toff, _ROWS_PER_TILE)], hl_v, dsem)
    cp_g1 = pltpu.async_copy(sc_hbm.at[1, :, tt, :, pl.ds(toff, _ROWS_PER_TILE)], g1_v, dsem)
    cp_g2 = pltpu.async_copy(sc_hbm.at[2, :, tt, :, pl.ds(toff, _ROWS_PER_TILE)], g2_v, dsem)
    cp_ti = pltpu.async_copy(tids_hbm.at[pl.ds(base, _B_PER_W)], tids_v, dsem)
    cp_hl.wait()
    cp_g1.wait()
    cp_g2.wait()
    cp_ti.wait()

    for c4 in range(_ROWS_PER_TILE // _LANES):
        tsl = pl.ds(c4 * _LANES, _LANES)
        packed = jnp.zeros((_LANES,), jnp.int32)
        for h in range(_NUM_HEADS):
            best = hl_v[0, h, tsl] + g1_v[0, h, tsl] - g2_v[0, h, tsl]
            bg = jnp.zeros((_LANES,), jnp.int32)
            for g in range(1, _GROUPS):
                v = hl_v[g, h, tsl] + g1_v[g, h, tsl] - g2_v[g, h, tsl]
                m = v > best
                best = jnp.where(m, v, best)
                bg = jnp.where(m, g, bg)
            packed = packed | (bg << (2 * h))
        ti_loc[tsl] = packed

    pltpu.sync_copy(ti_loc, ti_sh.at[pl.ds(rbase, _ROWS_PER_TILE)])
    plsc.subcore_barrier()
    pltpu.sync_copy(ti_sh, ti_v)

    def grp(q, _):
        tv = tids_v[pl.ds(q * _LANES, _LANES)]
        w = plsc.load_gather(ti_v, [tv])
        blk = q >> 3
        off = (q & 7) * _LANES
        for h in range(_NUM_HEADS):
            bg = (w >> (2 * h)) & three16
            oi_v[blk, h, pl.ds(off, _LANES)] = (bg << 3) | h
            ow_v[blk, h, pl.ds(off, _LANES)] = ones16
        return _

    lax.fori_loop(0, _B_PER_W // _LANES, grp, None)

    cp_ow = pltpu.async_copy(ow_v, outw_hbm.at[pl.ds(wid * _BLOCKS_PER_W, _BLOCKS_PER_W)], dsem)
    cp_oi = pltpu.async_copy(oi_v, outi_hbm.at[pl.ds(wid * _BLOCKS_PER_W, _BLOCKS_PER_W)], dsem)
    cp_ow.wait()
    cp_oi.wait()


_sc_call = pl.kernel(
    _body,
    out_type=(
        jax.ShapeDtypeStruct((_BLOCKS, _NUM_HEADS, _BLK), jnp.float32),
        jax.ShapeDtypeStruct((_BLOCKS, _NUM_HEADS, _BLK), jnp.int32),
    ),
    mesh=plsc.VectorSubcoreMesh(core_axis_name="c", subcore_axis_name="s"),
    scratch_types=[
        pltpu.VMEM((_GROUPS, _NUM_HEADS, _ROWS_PER_TILE), jnp.float32),
        pltpu.VMEM((_GROUPS, _NUM_HEADS, _ROWS_PER_TILE), jnp.float32),
        pltpu.VMEM((_GROUPS, _NUM_HEADS, _ROWS_PER_TILE), jnp.float32),
        pltpu.VMEM((_ROWS_PER_TILE,), jnp.int32),
        pltpu.VMEM_SHARED((_NUM_TASKS,), jnp.int32),
        pltpu.VMEM((_NUM_TASKS,), jnp.int32),
        pltpu.VMEM((_B_PER_W,), jnp.int32),
        pltpu.VMEM((_BLOCKS_PER_W, _NUM_HEADS, _BLK), jnp.float32),
        pltpu.VMEM((_BLOCKS_PER_W, _NUM_HEADS, _BLK), jnp.int32),
        pltpu.SemaphoreType.DMA,
    ],
    compiler_params=pltpu.CompilerParams(needs_layout_passes=False,
                                         use_tc_tiling_on_sc=False),
)


def kernel(task_ids, layer_idx, head_logits, gumbels1, gumbels2):
    hl = lax.dynamic_index_in_dim(head_logits, layer_idx, 1, keepdims=False)
    g1 = lax.dynamic_index_in_dim(gumbels1, layer_idx, 1, keepdims=False)
    g2 = lax.dynamic_index_in_dim(gumbels2, layer_idx, 1, keepdims=False)
    stacked = jnp.stack([hl, g1, g2]).transpose(0, 2, 1)
    padded = jnp.pad(stacked, ((0, 0), (0, 0), (0, _NUM_HEADS * _BLK - _NUM_TASKS)))
    x5 = padded.reshape(3, _GROUPS, _NUM_HEADS, 8, _BLK).transpose(0, 1, 3, 2, 4)
    outw, outi = _sc_call(x5, task_ids.astype(jnp.int32))
    outw = outw.transpose(0, 2, 1).reshape(_BATCH, _NUM_HEADS)
    outi = outi.transpose(0, 2, 1).reshape(_BATCH, _NUM_HEADS)
    return (outi, outw)

# --- scband reference (transcript-rebuilt; emitter-appended) ---
"""Pipeline reference for scband-attn-head-selector-88287347737215 (READ-ONLY COPY).

The authoritative reference and input builder live on the scoring server;
editing this copy changes nothing except your own understanding.
"""

import jax, jax.numpy as jnp
import numpy as np

NUM_TASKS = 1000
NUM_LAYERS = 24
TOTAL_HEADS = 32
NUM_HEADS = 8
TEMP = 5.0
BATCH = 16384
LAYER_IDX = 12


def setup_inputs(seed: int = 0) -> dict:
    key = jax.random.key(seed)
    k1, k2, k3, k4 = jax.random.split(key, 4)
    shape = (NUM_TASKS, NUM_LAYERS, TOTAL_HEADS)
    head_logits = jax.random.uniform(k1, shape, minval=float(np.log(0.01)), maxval=float(np.log(1.0)), dtype=jnp.float32)
    # torch: gumbels = -Exponential(1).sample().log()
    gumbels1 = -jnp.log(jax.random.exponential(k2, shape, dtype=jnp.float32))
    gumbels2 = -jnp.log(jax.random.exponential(k3, shape, dtype=jnp.float32))
    task_ids = jax.random.randint(k4, (BATCH,), 0, NUM_TASKS, dtype=jnp.int32)
    return {
        "task_ids": task_ids,
        "layer_idx": LAYER_IDX,
        "head_logits": head_logits,
        "gumbels1": gumbels1,
        "gumbels2": gumbels2,
    }


def reference(task_ids, layer_idx, head_logits, gumbels1, gumbels2):
    # gumbel_sample
    g = (head_logits + gumbels1 - gumbels2) / TEMP
    y_soft = jax.nn.sigmoid(g)
    # group_selet: view heads as [groups, topk], max over groups
    y = y_soft.reshape(NUM_TASKS, NUM_LAYERS, -1, NUM_HEADS)
    top_values = jnp.max(y, axis=2)
    top_inds = jnp.argmax(y, axis=2)
    top_inds = top_inds * NUM_HEADS + jnp.arange(NUM_HEADS, dtype=top_inds.dtype)[None, None, :]
    # straight-through weights: forward value 1.0, grad flows through top_values
    top_ret = 1.0 - jax.lax.stop_gradient(top_values) + top_values
    subset_heads = jax.lax.stop_gradient(top_inds)
    # head_select(task_ids) followed by forward(layer_idx)
    batch_subset = subset_heads[task_ids, layer_idx, :]
    batch_weights = top_ret[task_ids, layer_idx, :]
    return (batch_subset, batch_weights)

if __name__ == "__main__":
    import jax
    _d = setup_inputs()
    print(jax.jit(kernel)(*tuple(_d.values())))

</pallas_src>

<mosaic_0001>
#map = affine_map<(d0, d1) -> (0, 0, 0, 0, 0)>
#map1 = affine_map<(d0, d1) -> (0)>
#map2 = affine_map<(d0, d1) -> (0, 0, 0)>
module attributes {stable_mosaic.version = 14 : i64} {
  func.func @_body(%arg0: i32, %arg1: i32, %arg2: memref<3x4x8x8x128xf32, #tpu.memory_space<hbm>>, %arg3: memref<16384xi32, #tpu.memory_space<hbm>>, %arg4: memref<128x8x128xf32, #tpu.memory_space<hbm>>, %arg5: memref<128x8x128xi32, #tpu.memory_space<hbm>>, %arg6: memref<4x8x64xf32, #tpu.memory_space<vmem>>, %arg7: memref<4x8x64xf32, #tpu.memory_space<vmem>>, %arg8: memref<4x8x64xf32, #tpu.memory_space<vmem>>, %arg9: memref<64xi32, #tpu.memory_space<vmem>>, %arg10: memref<1000xi32, #tpu.memory_space<vmem_shared>>, %arg11: memref<1000xi32, #tpu.memory_space<vmem>>, %arg12: memref<512xi32, #tpu.memory_space<vmem>>, %arg13: memref<4x8x128xf32, #tpu.memory_space<vmem>>, %arg14: memref<4x8x128xi32, #tpu.memory_space<vmem>>, %arg15: memref<!tpu.dma_semaphore, #tpu.memory_space<semaphore_mem>>) attributes {dimension_semantics = [#tpu.dimension_semantics<core_parallel>, #tpu.dimension_semantics<subcore_parallel>], iteration_bounds = array<i64: 2, 16>, scalar_prefetch = 0 : i64, scratch_operands = 10 : i64, tpu.core_type = #tpu.core_type<sc_vector_subcore>, window_params = [{transform_indices = #map}, {transform_indices = #map1}, {transform_indices = #map2}, {transform_indices = #map2}]} {
    %broadcast_in_dim3A = arith.constant 1.000000e+00 : f32
    %broadcast_in_dim3A_0 = vector.broadcast %broadcast_in_dim3A : f32 to vector<16xf32>
    %broadcast_in_dim3A_1 = arith.constant 3 : i32
    %broadcast_in_dim3A_2 = vector.broadcast %broadcast_in_dim3A_1 : i32 to vector<16xi32>
    %mul3A = arith.constant 16 : i32
    %mul3A_3 = arith.muli %arg0, %mul3A : i32
    %add3A = arith.addi %mul3A_3, %arg1 : i32
    %mul3A_4 = arith.constant 512 : i32
    %mul3A_5 = arith.muli %add3A, %mul3A_4 : i32
    %mul3A_6 = arith.constant 64 : i32
    %mul3A_7 = arith.muli %arg1, %mul3A_6 : i32
    %min3A = arith.constant 936 : i32
    %min3A_8 = arith.minsi %mul3A_7, %min3A : i32
    %shift_right_arithmetic3A = arith.constant 7 : i32
    %shift_right_arithmetic3A_9 = arith.shrsi %min3A_8, %shift_right_arithmetic3A : i32
    %and3A = arith.constant 127 : i32
    %and3A_10 = arith.andi %min3A_8, %and3A : i32
    %multiple_of3A = tpu.assume_multiple %and3A_10, 8 : i32
    %dma_start3A = arith.constant 0 : i32
    %dma_start3A_11 = arith.constant 0 : i32
    %dma_start3A_12 = arith.constant 0 : i32
    %dma_start3A_13 = tpu.memref_slice %arg2[%dma_start3A, %dma_start3A_11, %shift_right_arithmetic3A_9, %dma_start3A_12, %multiple_of3A] : memref<3x4x8x8x128xf32, #tpu.memory_space<hbm>> -> memref<1x4x1x8x64xf32, #tpu.memory_space<hbm>>
    %dma_start3A_14 = tpu.memref_squeeze %dma_start3A_13 : memref<1x4x1x8x64xf32, #tpu.memory_space<hbm>> -> memref<4x8x64xf32, #tpu.memory_space<hbm>>
    %dma_start3A_15 = arith.constant 0 : i32
    %dma_start3A_16 = arith.constant 0 : i32
    %dma_start3A_17 = tpu.memref_slice %arg2[%dma_start3A, %dma_start3A_15, %shift_right_arithmetic3A_9, %dma_start3A_16, %multiple_of3A] : memref<3x4x8x8x128xf32, #tpu.memory_space<hbm>> -> memref<1x4x1x8x64xf32, #tpu.memory_space<hbm>>
    %dma_start3A_18 = tpu.memref_squeeze %dma_start3A_17 : memref<1x4x1x8x64xf32, #tpu.memory_space<hbm>> -> memref<4x8x64xf32, #tpu.memory_space<hbm>>
    tpu.enqueue_dma source(%dma_start3A_18 : memref<4x8x64xf32, #tpu.memory_space<hbm>>) target(%arg6 : memref<4x8x64xf32, #tpu.memory_space<vmem>>) target_semaphore(%arg15 : memref<!tpu.dma_semaphore, #tpu.memory_space<semaphore_mem>>)
    %dma_start3A_19 = arith.constant 1 : i32
    %dma_start3A_20 = arith.constant 0 : i32
    %dma_start3A_21 = arith.constant 0 : i32
    %dma_start3A_22 = tpu.memref_slice %arg2[%dma_start3A_19, %dma_start3A_20, %shift_right_arithmetic3A_9, %dma_start3A_21, %multiple_of3A] : memref<3x4x8x8x128xf32, #tpu.memory_space<hbm>> -> memref<1x4x1x8x64xf32, #tpu.memory_space<hbm>>
    %dma_start3A_23 = tpu.memref_squeeze %dma_start3A_22 : memref<1x4x1x8x64xf32, #tpu.memory_space<hbm>> -> memref<4x8x64xf32, #tpu.memory_space<hbm>>
    %dma_start3A_24 = arith.constant 0 : i32
    %dma_start3A_25 = arith.constant 0 : i32
    %dma_start3A_26 = tpu.memref_slice %arg2[%dma_start3A_19, %dma_start3A_24, %shift_right_arithmetic3A_9, %dma_start3A_25, %multiple_of3A] : memref<3x4x8x8x128xf32, #tpu.memory_space<hbm>> -> memref<1x4x1x8x64xf32, #tpu.memory_space<hbm>>
    %dma_start3A_27 = tpu.memref_squeeze %dma_start3A_26 : memref<1x4x1x8x64xf32, #tpu.memory_space<hbm>> -> memref<4x8x64xf32, #tpu.memory_space<hbm>>
    tpu.enqueue_dma source(%dma_start3A_27 : memref<4x8x64xf32, #tpu.memory_space<hbm>>) target(%arg7 : memref<4x8x64xf32, #tpu.memory_space<vmem>>) target_semaphore(%arg15 : memref<!tpu.dma_semaphore, #tpu.memory_space<semaphore_mem>>)
    %dma_start3A_28 = arith.constant 2 : i32
    %dma_start3A_29 = arith.constant 0 : i32
    %dma_start3A_30 = arith.constant 0 : i32
    %dma_start3A_31 = tpu.memref_slice %arg2[%dma_start3A_28, %dma_start3A_29, %shift_right_arithmetic3A_9, %dma_start3A_30, %multiple_of3A] : memref<3x4x8x8x128xf32, #tpu.memory_space<hbm>> -> memref<1x4x1x8x64xf32, #tpu.memory_space<hbm>>
    %dma_start3A_32 = tpu.memref_squeeze %dma_start3A_31 : memref<1x4x1x8x64xf32, #tpu.memory_space<hbm>> -> memref<4x8x64xf32, #tpu.memory_space<hbm>>
    %dma_start3A_33 = arith.constant 0 : i32
    %dma_start3A_34 = arith.constant 0 : i32
    %dma_start3A_35 = tpu.memref_slice %arg2[%dma_start3A_28, %dma_start3A_33, %shift_right_arithmetic3A_9, %dma_start3A_34, %multiple_of3A] : memref<3x4x8x8x128xf32, #tpu.memory_space<hbm>> -> memref<1x4x1x8x64xf32, #tpu.memory_space<hbm>>
    %dma_start3A_36 = tpu.memref_squeeze %dma_start3A_35 : memref<1x4x1x8x64xf32, #tpu.memory_space<hbm>> -> memref<4x8x64xf32, #tpu.memory_space<hbm>>
    tpu.enqueue_dma source(%dma_start3A_36 : memref<4x8x64xf32, #tpu.memory_space<hbm>>) target(%arg8 : memref<4x8x64xf32, #tpu.memory_space<vmem>>) target_semaphore(%arg15 : memref<!tpu.dma_semaphore, #tpu.memory_space<semaphore_mem>>)
    %dma_start3A_37 = tpu.memref_slice %arg3[%mul3A_5] : memref<16384xi32, #tpu.memory_space<hbm>> -> memref<512xi32, #tpu.memory_space<hbm>>
    %dma_start3A_38 = tpu.memref_slice %arg3[%mul3A_5] : memref<16384xi32, #tpu.memory_space<hbm>> -> memref<512xi32, #tpu.memory_space<hbm>>
    tpu.enqueue_dma source(%dma_start3A_38 : memref<512xi32, #tpu.memory_space<hbm>>) target(%arg12 : memref<512xi32, #tpu.memory_space<vmem>>) target_semaphore(%arg15 : memref<!tpu.dma_semaphore, #tpu.memory_space<semaphore_mem>>)
    %dma_wait3A = arith.constant 0 : i32
    %dma_wait3A_39 = arith.constant 0 : i32
    %dma_wait3A_40 = arith.constant 0 : i32
    %dma_wait3A_41 = tpu.memref_slice %arg2[%dma_wait3A, %dma_wait3A_39, %shift_right_arithmetic3A_9, %dma_wait3A_40, %multiple_of3A] : memref<3x4x8x8x128xf32, #tpu.memory_space<hbm>> -> memref<1x4x1x8x64xf32, #tpu.memory_space<hbm>>
    %dma_wait3A_42 = tpu.memref_squeeze %dma_wait3A_41 : memref<1x4x1x8x64xf32, #tpu.memory_space<hbm>> -> memref<4x8x64xf32, #tpu.memory_space<hbm>>
    %dma_wait3A_43 = arith.constant 0 : i32
    %dma_wait3A_44 = arith.constant 0 : i32
    %dma_wait3A_45 = tpu.memref_slice %arg2[%dma_wait3A, %dma_wait3A_43, %shift_right_arithmetic3A_9, %dma_wait3A_44, %multiple_of3A] : memref<3x4x8x8x128xf32, #tpu.memory_space<hbm>> -> memref<1x4x1x8x64xf32, #tpu.memory_space<hbm>>
    %dma_wait3A_46 = tpu.memref_squeeze %dma_wait3A_45 : memref<1x4x1x8x64xf32, #tpu.memory_space<hbm>> -> memref<4x8x64xf32, #tpu.memory_space<hbm>>
    tpu.wait_dma2 semaphore(%arg15 : memref<!tpu.dma_semaphore, #tpu.memory_space<semaphore_mem>>) src(%dma_wait3A_46 : memref<4x8x64xf32, #tpu.memory_space<hbm>>) dst(%arg6 : memref<4x8x64xf32, #tpu.memory_space<vmem>>)
    %dma_wait3A_47 = arith.constant 1 : i32
    %dma_wait3A_48 = arith.constant 0 : i32
    %dma_wait3A_49 = arith.constant 0 : i32
    %dma_wait3A_50 = tpu.memref_slice %arg2[%dma_wait3A_47, %dma_wait3A_48, %shift_right_arithmetic3A_9, %dma_wait3A_49, %multiple_of3A] : memref<3x4x8x8x128xf32, #tpu.memory_space<hbm>> -> memref<1x4x1x8x64xf32, #tpu.memory_space<hbm>>
    %dma_wait3A_51 = tpu.memref_squeeze %dma_wait3A_50 : memref<1x4x1x8x64xf32, #tpu.memory_space<hbm>> -> memref<4x8x64xf32, #tpu.memory_space<hbm>>
    %dma_wait3A_52 = arith.constant 0 : i32
    %dma_wait3A_53 = arith.constant 0 : i32
    %dma_wait3A_54 = tpu.memref_slice %arg2[%dma_wait3A_47, %dma_wait3A_52, %shift_right_arithmetic3A_9, %dma_wait3A_53, %multiple_of3A] : memref<3x4x8x8x128xf32, #tpu.memory_space<hbm>> -> memref<1x4x1x8x64xf32, #tpu.memory_space<hbm>>
    %dma_wait3A_55 = tpu.memref_squeeze %dma_wait3A_54 : memref<1x4x1x8x64xf32, #tpu.memory_space<hbm>> -> memref<4x8x64xf32, #tpu.memory_space<hbm>>
    tpu.wait_dma2 semaphore(%arg15 : memref<!tpu.dma_semaphore, #tpu.memory_space<semaphore_mem>>) src(%dma_wait3A_55 : memref<4x8x64xf32, #tpu.memory_space<hbm>>) dst(%arg7 : memref<4x8x64xf32, #tpu.memory_space<vmem>>)
    %dma_wait3A_56 = arith.constant 2 : i32
    %dma_wait3A_57 = arith.constant 0 : i32
    %dma_wait3A_58 = arith.constant 0 : i32
    %dma_wait3A_59 = tpu.memref_slice %arg2[%dma_wait3A_56, %dma_wait3A_57, %shift_right_arithmetic3A_9, %dma_wait3A_58, %multiple_of3A] : memref<3x4x8x8x128xf32, #tpu.memory_space<hbm>> -> memref<1x4x1x8x64xf32, #tpu.memory_space<hbm>>
    %dma_wait3A_60 = tpu.memref_squeeze %dma_wait3A_59 : memref<1x4x1x8x64xf32, #tpu.memory_space<hbm>> -> memref<4x8x64xf32, #tpu.memory_space<hbm>>
    %dma_wait3A_61 = arith.constant 0 : i32
    %dma_wait3A_62 = arith.constant 0 : i32
    %dma_wait3A_63 = tpu.memref_slice %arg2[%dma_wait3A_56, %dma_wait3A_61, %shift_right_arithmetic3A_9, %dma_wait3A_62, %multiple_of3A] : memref<3x4x8x8x128xf32, #tpu.memory_space<hbm>> -> memref<1x4x1x8x64xf32, #tpu.memory_space<hbm>>
    %dma_wait3A_64 = tpu.memref_squeeze %dma_wait3A_63 : memref<1x4x1x8x64xf32, #tpu.memory_space<hbm>> -> memref<4x8x64xf32, #tpu.memory_space<hbm>>
    tpu.wait_dma2 semaphore(%arg15 : memref<!tpu.dma_semaphore, #tpu.memory_space<semaphore_mem>>) src(%dma_wait3A_64 : memref<4x8x64xf32, #tpu.memory_space<hbm>>) dst(%arg8 : memref<4x8x64xf32, #tpu.memory_space<vmem>>)
    %dma_wait3A_65 = tpu.memref_slice %arg3[%mul3A_5] : memref<16384xi32, #tpu.memory_space<hbm>> -> memref<512xi32, #tpu.memory_space<hbm>>
    %dma_wait3A_66 = tpu.memref_slice %arg3[%mul3A_5] : memref<16384xi32, #tpu.memory_space<hbm>> -> memref<512xi32, #tpu.memory_space<hbm>>
    tpu.wait_dma2 semaphore(%arg15 : memref<!tpu.dma_semaphore, #tpu.memory_space<semaphore_mem>>) src(%dma_wait3A_66 : memref<512xi32, #tpu.memory_space<hbm>>) dst(%arg12 : memref<512xi32, #tpu.memory_space<vmem>>)
    %broadcast_in_dim3A_67 = arith.constant 0 : i32
    %broadcast_in_dim3A_68 = vector.broadcast %broadcast_in_dim3A_67 : i32 to vector<16xi32>
    %get3A = arith.constant 0 : i32
    %get3A_69 = arith.constant 0 : i32
    %get3A_70 = arith.index_cast %get3A : i32 to index
    %get3A_71 = arith.index_cast %get3A_69 : i32 to index
    %get3A_72 = arith.constant 0 : index
    %get3A_73 = tpu.vector_load %arg6[%get3A_70, %get3A_71, %get3A_72] {strides = array<i32>} : memref<4x8x64xf32, #tpu.memory_space<vmem>>, vector<16xf32>,
    %get3A_74 = arith.constant 0 : i32
    %get3A_75 = arith.constant 0 : i32
    %get3A_76 = arith.index_cast %get3A_74 : i32 to index
    %get3A_77 = arith.index_cast %get3A_75 : i32 to index
    %get3A_78 = arith.constant 0 : index
    %get3A_79 = tpu.vector_load %arg7[%get3A_76, %get3A_77, %get3A_78] {strides = array<i32>} : memref<4x8x64xf32, #tpu.memory_space<vmem>>, vector<16xf32>,
    %add3A_80 = arith.addf %get3A_73, %get3A_79 : vector<16xf32>
    %get3A_81 = arith.constant 0 : i32
    %get3A_82 = arith.constant 0 : i32
    %get3A_83 = arith.index_cast %get3A_81 : i32 to index
    %get3A_84 = arith.index_cast %get3A_82 : i32 to index
    %get3A_85 = arith.constant 0 : index
    %get3A_86 = tpu.vector_load %arg8[%get3A_83, %get3A_84, %get3A_85] {strides = array<i32>} : memref<4x8x64xf32, #tpu.memory_space<vmem>>, vector<16xf32>,
    %sub3A = arith.subf %add3A_80, %get3A_86 : vector<16xf32>
    %broadcast_in_dim3A_87 = arith.constant 0 : i32
    %broadcast_in_dim3A_88 = vector.broadcast %broadcast_in_dim3A_87 : i32 to vector<16xi32>
    %get3A_89 = arith.constant 1 : i32
    %get3A_90 = arith.constant 0 : i32
    %get3A_91 = arith.index_cast %get3A_89 : i32 to index
    %get3A_92 = arith.index_cast %get3A_90 : i32 to index
    %get3A_93 = arith.constant 0 : index
    %get3A_94 = tpu.vector_load %arg6[%get3A_91, %get3A_92, %get3A_93] {strides = array<i32>} : memref<4x8x64xf32, #tpu.memory_space<vmem>>, vector<16xf32>,
    %get3A_95 = arith.constant 1 : i32
    %get3A_96 = arith.constant 0 : i32
    %get3A_97 = arith.index_cast %get3A_95 : i32 to index
    %get3A_98 = arith.index_cast %get3A_96 : i32 to index
    %get3A_99 = arith.constant 0 : index
    %get3A_100 = tpu.vector_load %arg7[%get3A_97, %get3A_98, %get3A_99] {strides = array<i32>} : memref<4x8x64xf32, #tpu.memory_space<vmem>>, vector<16xf32>,
    %add3A_101 = arith.addf %get3A_94, %get3A_100 : vector<16xf32>
    %get3A_102 = arith.constant 1 : i32
    %get3A_103 = arith.constant 0 : i32
    %get3A_104 = arith.index_cast %get3A_102 : i32 to index
    %get3A_105 = arith.index_cast %get3A_103 : i32 to index
    %get3A_106 = arith.constant 0 : index
    %get3A_107 = tpu.vector_load %arg8[%get3A_104, %get3A_105, %get3A_106] {strides = array<i32>} : memref<4x8x64xf32, #tpu.memory_space<vmem>>, vector<16xf32>,
    %sub3A_108 = arith.subf %add3A_101, %get3A_107 : vector<16xf32>
    %gt3A = arith.cmpf ogt, %sub3A_108, %sub3A : vector<16xf32>
    %select_n3A = arith.select %gt3A, %sub3A_108, %sub3A : vector<16xi1>, vector<16xf32>
    %jit3A = arith.constant 1 : i32
    %broadcast_in_dim3A_109 = vector.broadcast %jit3A : i32 to vector<16xi32>
    %select_n3A_110 = arith.select %gt3A, %broadcast_in_dim3A_109, %broadcast_in_dim3A_88 : vector<16xi1>, vector<16xi32>
    %get3A_111 = arith.constant 2 : i32
    %get3A_112 = arith.constant 0 : i32
    %get3A_113 = arith.index_cast %get3A_111 : i32 to index
    %get3A_114 = arith.index_cast %get3A_112 : i32 to index
    %get3A_115 = arith.constant 0 : index
    %get3A_116 = tpu.vector_load %arg6[%get3A_113, %get3A_114, %get3A_115] {strides = array<i32>} : memref<4x8x64xf32, #tpu.memory_space<vmem>>, vector<16xf32>,
    %get3A_117 = arith.constant 2 : i32
    %get3A_118 = arith.constant 0 : i32
    %get3A_119 = arith.index_cast %get3A_117 : i32 to index
    %get3A_120 = arith.index_cast %get3A_118 : i32 to index
    %get3A_121 = arith.constant 0 : index
    %get3A_122 = tpu.vector_load %arg7[%get3A_119, %get3A_120, %get3A_121] {strides = array<i32>} : memref<4x8x64xf32, #tpu.memory_space<vmem>>, vector<16xf32>,
    %add3A_123 = arith.addf %get3A_116, %get3A_122 : vector<16xf32>
    %get3A_124 = arith.constant 2 : i32
    %get3A_125 = arith.constant 0 : i32
    %get3A_126 = arith.index_cast %get3A_124 : i32 to index
    %get3A_127 = arith.index_cast %get3A_125 : i32 to index
    %get3A_128 = arith.constant 0 : index
    %get3A_129 = tpu.vector_load %arg8[%get3A_126, %get3A_127, %get3A_128] {strides = array<i32>} : memref<4x8x64xf32, #tpu.memory_space<vmem>>, vector<16xf32>,
    %sub3A_130 = arith.subf %add3A_123, %get3A_129 : vector<16xf32>
    %gt3A_131 = arith.cmpf ogt, %sub3A_130, %select_n3A : vector<16xf32>
    %select_n3A_132 = arith.select %gt3A_131, %sub3A_130, %select_n3A : vector<16xi1>, vector<16xf32>
    %jit3A_133 = arith.constant 2 : i32
    %broadcast_in_dim3A_134 = vector.broadcast %jit3A_133 : i32 to vector<16xi32>
    %select_n3A_135 = arith.select %gt3A_131, %broadcast_in_dim3A_134, %select_n3A_110 : vector<16xi1>, vector<16xi32>
    %get3A_136 = arith.constant 3 : i32
    %get3A_137 = arith.constant 0 : i32
    %get3A_138 = arith.index_cast %get3A_136 : i32 to index
    %get3A_139 = arith.index_cast %get3A_137 : i32 to index
    %get3A_140 = arith.constant 0 : index
    %get3A_141 = tpu.vector_load %arg6[%get3A_138, %get3A_139, %get3A_140] {strides = array<i32>} : memref<4x8x64xf32, #tpu.memory_space<vmem>>, vector<16xf32>,
    %get3A_142 = arith.constant 3 : i32
    %get3A_143 = arith.constant 0 : i32
    %get3A_144 = arith.index_cast %get3A_142 : i32 to index
    %get3A_145 = arith.index_cast %get3A_143 : i32 to index
    %get3A_146 = arith.constant 0 : index
    %get3A_147 = tpu.vector_load %arg7[%get3A_144, %get3A_145, %get3A_146] {strides = array<i32>} : memref<4x8x64xf32, #tpu.memory_space<vmem>>, vector<16xf32>,
    %add3A_148 = arith.addf %get3A_141, %get3A_147 : vector<16xf32>
    %get3A_149 = arith.constant 3 : i32
    %get3A_150 = arith.constant 0 : i32
    %get3A_151 = arith.index_cast %get3A_149 : i32 to index
    %get3A_152 = arith.index_cast %get3A_150 : i32 to index
    %get3A_153 = arith.constant 0 : index
    %get3A_154 = tpu.vector_load %arg8[%get3A_151, %get3A_152, %get3A_153] {strides = array<i32>} : memref<4x8x64xf32, #tpu.memory_space<vmem>>, vector<16xf32>,
    %sub3A_155 = arith.subf %add3A_148, %get3A_154 : vector<16xf32>
    %gt3A_156 = arith.cmpf ogt, %sub3A_155, %select_n3A_132 : vector<16xf32>
    %select_n3A_157 = arith.select %gt3A_156, %sub3A_155, %select_n3A_132 : vector<16xi1>, vector<16xf32>
    %jit3A_158 = arith.constant 3 : i32
    %broadcast_in_dim3A_159 = vector.broadcast %jit3A_158 : i32 to vector<16xi32>
    %select_n3A_160 = arith.select %gt3A_156, %broadcast_in_dim3A_159, %select_n3A_135 : vector<16xi1>, vector<16xi32>
    %shift_left3A = arith.constant 0 : i32
    %shift_left3A_161 = vector.broadcast %shift_left3A : i32 to vector<16xi32>
    %shift_left3A_162 = arith.shli %select_n3A_160, %shift_left3A_161 : vector<16xi32>
    %or3A = arith.ori %broadcast_in_dim3A_68, %shift_left3A_162 : vector<16xi32>
    %get3A_163 = arith.constant 0 : i32
    %get3A_164 = arith.constant 1 : i32
    %get3A_165 = arith.index_cast %get3A_163 : i32 to index
    %get3A_166 = arith.index_cast %get3A_164 : i32 to index
    %get3A_167 = arith.constant 0 : index
    %get3A_168 = tpu.vector_load %arg6[%get3A_165, %get3A_166, %get3A_167] {strides = array<i32>} : memref<4x8x64xf32, #tpu.memory_space<vmem>>, vector<16xf32>,
    %get3A_169 = arith.constant 0 : i32
    %get3A_170 = arith.constant 1 : i32
    %get3A_171 = arith.index_cast %get3A_169 : i32 to index
    %get3A_172 = arith.index_cast %get3A_170 : i32 to index
    %get3A_173 = arith.constant 0 : index
    %get3A_174 = tpu.vector_load %arg7[%get3A_171, %get3A_172, %get3A_173] {strides = array<i32>} : memref<4x8x64xf32, #tpu.memory_space<vmem>>, vector<16xf32>,
    %add3A_175 = arith.addf %get3A_168, %get3A_174 : vector<16xf32>
    %get3A_176 = arith.constant 0 : i32
    %get3A_177 = arith.constant 1 : i32
    %get3A_178 = arith.index_cast %get3A_176 : i32 to index
    %get3A_179 = arith.index_cast %get3A_177 : i32 to index
    %get3A_180 = arith.constant 0 : index
    %get3A_181 = tpu.vector_load %arg8[%get3A_178, %get3A_179, %get3A_180] {strides = array<i32>} : memref<4x8x64xf32, #tpu.memory_space<vmem>>, vector<16xf32>,
    %sub3A_182 = arith.subf %add3A_175, %get3A_181 : vector<16xf32>
    %broadcast_in_dim3A_183 = arith.constant 0 : i32
    %broadcast_in_dim3A_184 = vector.broadcast %broadcast_in_dim3A_183 : i32 to vector<16xi32>
    %get3A_185 = arith.constant 1 : i32
    %get3A_186 = arith.constant 1 : i32
    %get3A_187 = arith.index_cast %get3A_185 : i32 to index
    %get3A_188 = arith.index_cast %get3A_186 : i32 to index
    %get3A_189 = arith.constant 0 : index
    %get3A_190 = tpu.vector_load %arg6[%get3A_187, %get3A_188, %get3A_189] {strides = array<i32>} : memref<4x8x64xf32, #tpu.memory_space<vmem>>, vector<16xf32>,
    %get3A_191 = arith.constant 1 : i32
    %get3A_192 = arith.constant 1 : i32
    %get3A_193 = arith.index_cast %get3A_191 : i32 to index
    %get3A_194 = arith.index_cast %get3A_192 : i32 to index
    %get3A_195 = arith.constant 0 : index
    %get3A_196 = tpu.vector_load %arg7[%get3A_193, %get3A_194, %get3A_195] {strides = array<i32>} : memref<4x8x64xf32, #tpu.memory_space<vmem>>, vector<16xf32>,
    %add3A_197 = arith.addf %get3A_190, %get3A_196 : vector<16xf32>
    %get3A_198 = arith.constant 1 : i32
    %get3A_199 = arith.constant 1 : i32
    %get3A_200 = arith.index_cast %get3A_198 : i32 to index
    %get3A_201 = arith.index_cast %get3A_199 : i32 to index
    %get3A_202 = arith.constant 0 : index
    %get3A_203 = tpu.vector_load %arg8[%get3A_200, %get3A_201, %get3A_202] {strides = array<i32>} : memref<4x8x64xf32, #tpu.memory_space<vmem>>, vector<16xf32>,
    %sub3A_204 = arith.subf %add3A_197, %get3A_203 : vector<16xf32>
    %gt3A_205 = arith.cmpf ogt, %sub3A_204, %sub3A_182 : vector<16xf32>
    %select_n3A_206 = arith.select %gt3A_205, %sub3A_204, %sub3A_182 : vector<16xi1>, vector<16xf32>
    %jit3A_207 = arith.constant 1 : i32
    %broadcast_in_dim3A_208 = vector.broadcast %jit3A_207 : i32 to vector<16xi32>
    %select_n3A_209 = arith.select %gt3A_205, %broadcast_in_dim3A_208, %broadcast_in_dim3A_184 : vector<16xi1>, vector<16xi32>
    %get3A_210 = arith.constant 2 : i32
    %get3A_211 = arith.constant 1 : i32
    %get3A_212 = arith.index_cast %get3A_210 : i32 to index
    %get3A_213 = arith.index_cast %get3A_211 : i32 to index
    %get3A_214 = arith.constant 0 : index
    %get3A_215 = tpu.vector_load %arg6[%get3A_212, %get3A_213, %get3A_214] {strides = array<i32>} : memref<4x8x64xf32, #tpu.memory_space<vmem>>, vector<16xf32>,
    %get3A_216 = arith.constant 2 : i32
    %get3A_217 = arith.constant 1 : i32
    %get3A_218 = arith.index_cast %get3A_216 : i32 to index
    %get3A_219 = arith.index_cast %get3A_217 : i32 to index
    %get3A_220 = arith.constant 0 : index
    %get3A_221 = tpu.vector_load %arg7[%get3A_218, %get3A_219, %get3A_220] {strides = array<i32>} : memref<4x8x64xf32, #tpu.memory_space<vmem>>, vector<16xf32>,
    %add3A_222 = arith.addf %get3A_215, %get3A_221 : vector<16xf32>
    %get3A_223 = arith.constant 2 : i32
    %get3A_224 = arith.constant 1 : i32
    %get3A_225 = arith.index_cast %get3A_223 : i32 to index
    %get3A_226 = arith.index_cast %get3A_224 : i32 to index
    %get3A_227 = arith.constant 0 : index
    %get3A_228 = tpu.vector_load %arg8[%get3A_225, %get3A_226, %get3A_227] {strides = array<i32>} : memref<4x8x64xf32, #tpu.memory_space<vmem>>, vector<16xf32>,
    %sub3A_229 = arith.subf %add3A_222, %get3A_228 : vector<16xf32>
    %gt3A_230 = arith.cmpf ogt, %sub3A_229, %select_n3A_206 : vector<16xf32>
    %select_n3A_231 = arith.select %gt3A_230, %sub3A_229, %select_n3A_206 : vector<16xi1>, vector<16xf32>
    %jit3A_232 = arith.constant 2 : i32
    %broadcast_in_dim3A_233 = vector.broadcast %jit3A_232 : i32 to vector<16xi32>
    %select_n3A_234 = arith.select %gt3A_230, %broadcast_in_dim3A_233, %select_n3A_209 : vector<16xi1>, vector<16xi32>
    %get3A_235 = arith.constant 3 : i32
    %get3A_236 = arith.constant 1 : i32
    %get3A_237 = arith.index_cast %get3A_235 : i32 to index
    %get3A_238 = arith.index_cast %get3A_236 : i32 to index
    %get3A_239 = arith.constant 0 : index
    %get3A_240 = tpu.vector_load %arg6[%get3A_237, %get3A_238, %get3A_239] {strides = array<i32>} : memref<4x8x64xf32, #tpu.memory_space<vmem>>, vector<16xf32>,
    %get3A_241 = arith.constant 3 : i32
    %get3A_242 = arith.constant 1 : i32
    %get3A_243 = arith.index_cast %get3A_241 : i32 to index
    %get3A_244 = arith.index_cast %get3A_242 : i32 to index
    %get3A_245 = arith.constant 0 : index
    %get3A_246 = tpu.vector_load %arg7[%get3A_243, %get3A_244, %get3A_245] {strides = array<i32>} : memref<4x8x64xf32, #tpu.memory_space<vmem>>, vector<16xf32>,
    %add3A_247 = arith.addf %get3A_240, %get3A_246 : vector<16xf32>
    %get3A_248 = arith.constant 3 : i32
    %get3A_249 = arith.constant 1 : i32
    %get3A_250 = arith.index_cast %get3A_248 : i32 to index
    %get3A_251 = arith.index_cast %get3A_249 : i32 to index
    %get3A_252 = arith.constant 0 : index
    %get3A_253 = tpu.vector_load %arg8[%get3A_250, %get3A_251, %get3A_252] {strides = array<i32>} : memref<4x8x64xf32, #tpu.memory_space<vmem>>, vector<16xf32>,
    %sub3A_254 = arith.subf %add3A_247, %get3A_253 : vector<16xf32>
    %gt3A_255 = arith.cmpf ogt, %sub3A_254, %select_n3A_231 : vector<16xf32>
    %select_n3A_256 = arith.select %gt3A_255, %sub3A_254, %select_n3A_231 : vector<16xi1>, vector<16xf32>
    %jit3A_257 = arith.constant 3 : i32
    %broadcast_in_dim3A_258 = vector.broadcast %jit3A_257 : i32 to vector<16xi32>
    %select_n3A_259 = arith.select %gt3A_255, %broadcast_in_dim3A_258, %select_n3A_234 : vector<16xi1>, vector<16xi32>
    %shift_left3A_260 = arith.constant 2 : i32
    %shift_left3A_261 = vector.broadcast %shift_left3A_260 : i32 to vector<16xi32>
    %shift_left3A_262 = arith.shli %select_n3A_259, %shift_left3A_261 : vector<16xi32>
    %or3A_263 = arith.ori %or3A, %shift_left3A_262 : vector<16xi32>
    %get3A_264 = arith.constant 0 : i32
    %get3A_265 = arith.constant 2 : i32
    %get3A_266 = arith.index_cast %get3A_264 : i32 to index
    %get3A_267 = arith.index_cast %get3A_265 : i32 to index
    %get3A_268 = arith.constant 0 : index
    %get3A_269 = tpu.vector_load %arg6[%get3A_266, %get3A_267, %get3A_268] {strides = array<i32>} : memref<4x8x64xf32, #tpu.memory_space<vmem>>, vector<16xf32>,
    %get3A_270 = arith.constant 0 : i32
    %get3A_271 = arith.constant 2 : i32
    %get3A_272 = arith.index_cast %get3A_270 : i32 to index
    %get3A_273 = arith.index_cast %get3A_271 : i32 to index
    %get3A_274 = arith.constant 0 : index
    %get3A_275 = tpu.vector_load %arg7[%get3A_272, %get3A_273, %get3A_274] {strides = array<i32>} : memref<4x8x64xf32, #tpu.memory_space<vmem>>, vector<16xf32>,
    %add3A_276 = arith.addf %get3A_269, %get3A_275 : vector<16xf32>
    %get3A_277 = arith.constant 0 : i32
    %get3A_278 = arith.constant 2 : i32
    %get3A_279 = arith.index_cast %get3A_277 : i32 to index
    %get3A_280 = arith.index_cast %get3A_278 : i32 to index
    %get3A_281 = arith.constant 0 : index
    %get3A_282 = tpu.vector_load %arg8[%get3A_279, %get3A_280, %get3A_281] {strides = array<i32>} : memref<4x8x64xf32, #tpu.memory_space<vmem>>, vector<16xf32>,
    %sub3A_283 = arith.subf %add3A_276, %get3A_282 : vector<16xf32>
    %broadcast_in_dim3A_284 = arith.constant 0 : i32
    %broadcast_in_dim3A_285 = vector.broadcast %broadcast_in_dim3A_284 : i32 to vector<16xi32>
    %get3A_286 = arith.constant 1 : i32
    %get3A_287 = arith.constant 2 : i32
    %get3A_288 = arith.index_cast %get3A_286 : i32 to index
    %get3A_289 = arith.index_cast %get3A_287 : i32 to index
    %get3A_290 = arith.constant 0 : index
    %get3A_291 = tpu.vector_load %arg6[%get3A_288, %get3A_289, %get3A_290] {strides = array<i32>} : memref<4x8x64xf32, #tpu.memory_space<vmem>>, vector<16xf32>,
    %get3A_292 = arith.constant 1 : i32
    %get3A_293 = arith.constant 2 : i32
    %get3A_294 = arith.index_cast %get3A_292 : i32 to index
    %get3A_295 = arith.index_cast %get3A_293 : i32 to index
    %get3A_296 = arith.constant 0 : index
    %get3A_297 = tpu.vector_load %arg7[%get3A_294, %get3A_295, %get3A_296] {strides = array<i32>} : memref<4x8x64xf32, #tpu.memory_space<vmem>>, vector<16xf32>,
    %add3A_298 = arith.addf %get3A_291, %get3A_297 : vector<16xf32>
    %get3A_299 = arith.constant 1 : i32
    %get3A_300 = arith.constant 2 : i32
    %get3A_301 = arith.index_cast %get3A_299 : i32 to index
    %get3A_302 = arith.index_cast %get3A_300 : i32 to index
    %get3A_303 = arith.constant 0 : index
    %get3A_304 = tpu.vector_load %arg8[%get3A_301, %get3A_302, %get3A_303] {strides = array<i32>} : memref<4x8x64xf32, #tpu.memory_space<vmem>>, vector<16xf32>,
    %sub3A_305 = arith.subf %add3A_298, %get3A_304 : vector<16xf32>
    %gt3A_306 = arith.cmpf ogt, %sub3A_305, %sub3A_283 : vector<16xf32>
    %select_n3A_307 = arith.select %gt3A_306, %sub3A_305, %sub3A_283 : vector<16xi1>, vector<16xf32>
    %jit3A_308 = arith.constant 1 : i32
    %broadcast_in_dim3A_309 = vector.broadcast %jit3A_308 : i32 to vector<16xi32>
    %select_n3A_310 = arith.select %gt3A_306, %broadcast_in_dim3A_309, %broadcast_in_dim3A_285 : vector<16xi1>, vector<16xi32>
    %get3A_311 = arith.constant 2 : i32
    %get3A_312 = arith.constant 2 : i32
    %get3A_313 = arith.index_cast %get3A_311 : i32 to index
    %get3A_314 = arith.index_cast %get3A_312 : i32 to index
    %get3A_315 = arith.constant 0 : index
    %get3A_316 = tpu.vector_load %arg6[%get3A_313, %get3A_314, %get3A_315] {strides = array<i32>} : memref<4x8x64xf32, #tpu.memory_space<vmem>>, vector<16xf32>,
    %get3A_317 = arith.constant 2 : i32
    %get3A_318 = arith.constant 2 : i32
    %get3A_319 = arith.index_cast %get3A_317 : i32 to index
    %get3A_320 = arith.index_cast %get3A_318 : i32 to index
    %get3A_321 = arith.constant 0 : index
    %get3A_322 = tpu.vector_load %arg7[%get3A_319, %get3A_320, %get3A_321] {strides = array<i32>} : memref<4x8x64xf32, #tpu.memory_space<vmem>>, vector<16xf32>,
    %add3A_323 = arith.addf %get3A_316, %get3A_322 : vector<16xf32>
    %get3A_324 = arith.constant 2 : i32
    %get3A_325 = arith.constant 2 : i32
    %get3A_326 = arith.index_cast %get3A_324 : i32 to index
    %get3A_327 = arith.index_cast %get3A_325 : i32 to index
    %get3A_328 = arith.constant 0 : index
    %get3A_329 = tpu.vector_load %arg8[%get3A_326, %get3A_327, %get3A_328] {strides = array<i32>} : memref<4x8x64xf32, #tpu.memory_space<vmem>>, vector<16xf32>,
    %sub3A_330 = arith.subf %add3A_323, %get3A_329 : vector<16xf32>
    %gt3A_331 = arith.cmpf ogt, %sub3A_330, %select_n3A_307 : vector<16xf32>
    %select_n3A_332 = arith.select %gt3A_331, %sub3A_330, %select_n3A_307 : vector<16xi1>, vector<16xf32>
    %jit3A_333 = arith.constant 2 : i32
    %broadcast_in_dim3A_334 = vector.broadcast %jit3A_333 : i32 to vector<16xi32>
    %select_n3A_335 = arith.select %gt3A_331, %broadcast_in_dim3A_334, %select_n3A_310 : vector<16xi1>, vector<16xi32>
    %get3A_336 = arith.constant 3 : i32
    %get3A_337 = arith.constant 2 : i32
    %get3A_338 = arith.index_cast %get3A_336 : i32 to index
    %get3A_339 = arith.index_cast %get3A_337 : i32 to index
    %get3A_340 = arith.constant 0 : index
    %get3A_341 = tpu.vector_load %arg6[%get3A_338, %get3A_339, %get3A_340] {strides = array<i32>} : memref<4x8x64xf32, #tpu.memory_space<vmem>>, vector<16xf32>,
    %get3A_342 = arith.constant 3 : i32
    %get3A_343 = arith.constant 2 : i32
    %get3A_344 = arith.index_cast %get3A_342 : i32 to index
    %get3A_345 = arith.index_cast %get3A_343 : i32 to index
    %get3A_346 = arith.constant 0 : index
    %get3A_347 = tpu.vector_load %arg7[%get3A_344, %get3A_345, %get3A_346] {strides = array<i32>} : memref<4x8x64xf32, #tpu.memory_space<vmem>>, vector<16xf32>,
    %add3A_348 = arith.addf %get3A_341, %get3A_347 : vector<16xf32>
    %get3A_349 = arith.constant 3 : i32
    %get3A_350 = arith.constant 2 : i32
    %get3A_351 = arith.index_cast %get3A_349 : i32 to index
    %get3A_352 = arith.index_cast %get3A_350 : i32 to index
    %get3A_353 = arith.constant 0 : index
    %get3A_354 = tpu.vector_load %arg8[%get3A_351, %get3A_352, %get3A_353] {strides = array<i32>} : memref<4x8x64xf32, #tpu.memory_space<vmem>>, vector<16xf32>,
    %sub3A_355 = arith.subf %add3A_348, %get3A_354 : vector<16xf32>
    %gt3A_356 = arith.cmpf ogt, %sub3A_355, %select_n3A_332 : vector<16xf32>
    %select_n3A_357 = arith.select %gt3A_356, %sub3A_355, %select_n3A_332 : vector<16xi1>, vector<16xf32>
    %jit3A_358 = arith.constant 3 : i32
    %broadcast_in_dim3A_359 = vector.broadcast %jit3A_358 : i32 to vector<16xi32>
    %select_n3A_360 = arith.select %gt3A_356, %broadcast_in_dim3A_359, %select_n3A_335 : vector<16xi1>, vector<16xi32>
    %shift_left3A_361 = arith.constant 4 : i32
    %shift_left3A_362 = vector.broadcast %shift_left3A_361 : i32 to vector<16xi32>
    %shift_left3A_363 = arith.shli %select_n3A_360, %shift_left3A_362 : vector<16xi32>
    %or3A_364 = arith.ori %or3A_263, %shift_left3A_363 : vector<16xi32>
    %get3A_365 = arith.constant 0 : i32
    %get3A_366 = arith.constant 3 : i32
    %get3A_367 = arith.index_cast %get3A_365 : i32 to index
    %get3A_368 = arith.index_cast %get3A_366 : i32 to index
    %get3A_369 = arith.constant 0 : index
    %get3A_370 = tpu.vector_load %arg6[%get3A_367, %get3A_368, %get3A_369] {strides = array<i32>} : memref<4x8x64xf32, #tpu.memory_space<vmem>>, vector<16xf32>,
    %get3A_371 = arith.constant 0 : i32
    %get3A_372 = arith.constant 3 : i32
    %get3A_373 = arith.index_cast %get3A_371 : i32 to index
    %get3A_374 = arith.index_cast %get3A_372 : i32 to index
    %get3A_375 = arith.constant 0 : index
    %get3A_376 = tpu.vector_load %arg7[%get3A_373, %get3A_374, %get3A_375] {strides = array<i32>} : memref<4x8x64xf32, #tpu.memory_space<vmem>>, vector<16xf32>,
    %add3A_377 = arith.addf %get3A_370, %get3A_376 : vector<16xf32>
    %get3A_378 = arith.constant 0 : i32
    %get3A_379 = arith.constant 3 : i32
    %get3A_380 = arith.index_cast %get3A_378 : i32 to index
    %get3A_381 = arith.index_cast %get3A_379 : i32 to index
    %get3A_382 = arith.constant 0 : index
    %get3A_383 = tpu.vector_load %arg8[%get3A_380, %get3A_381, %get3A_382] {strides = array<i32>} : memref<4x8x64xf32, #tpu.memory_space<vmem>>, vector<16xf32>,
    %sub3A_384 = arith.subf %add3A_377, %get3A_383 : vector<16xf32>
    %broadcast_in_dim3A_385 = arith.constant 0 : i32
    %broadcast_in_dim3A_386 = vector.broadcast %broadcast_in_dim3A_385 : i32 to vector<16xi32>
    %get3A_387 = arith.constant 1 : i32
    %get3A_388 = arith.constant 3 : i32
    %get3A_389 = arith.index_cast %get3A_387 : i32 to index
    %get3A_390 = arith.index_cast %get3A_388 : i32 to index
    %get3A_391 = arith.constant 0 : index
    %get3A_392 = tpu.vector_load %arg6[%get3A_389, %get3A_390, %get3A_391] {strides = array<i32>} : memref<4x8x64xf32, #tpu.memory_space<vmem>>, vector<16xf32>,
    %get3A_393 = arith.constant 1 : i32
    %get3A_394 = arith.constant 3 : i32
    %get3A_395 = arith.index_cast %get3A_393 : i32 to index
    %get3A_396 = arith.index_cast %get3A_394 : i32 to index
    %get3A_397 = arith.constant 0 : index
    %get3A_398 = tpu.vector_load %arg7[%get3A_395, %get3A_396, %get3A_397] {strides = array<i32>} : memref<4x8x64xf32, #tpu.memory_space<vmem>>, vector<16xf32>,
    %add3A_399 = arith.addf %get3A_392, %get3A_398 : vector<16xf32>
    %get3A_400 = arith.constant 1 : i32
    %get3A_401 = arith.constant 3 : i32
    %get3A_402 = arith.index_cast %get3A_400 : i32 to index
    %get3A_403 = arith.index_cast %get3A_401 : i32 to index
    %get3A_404 = arith.constant 0 : index
    %get3A_405 = tpu.vector_load %arg8[%get3A_402, %get3A_403, %get3A_404] {strides = array<i32>} : memref<4x8x64xf32, #tpu.memory_space<vmem>>, vector<16xf32>,
    %sub3A_406 = arith.subf %add3A_399, %get3A_405 : vector<16xf32>
    %gt3A_407 = arith.cmpf ogt, %sub3A_406, %sub3A_384 : vector<16xf32>
    %select_n3A_408 = arith.select %gt3A_407, %sub3A_406, %sub3A_384 : vector<16xi1>, vector<16xf32>
    %jit3A_409 = arith.constant 1 : i32
    %broadcast_in_dim3A_410 = vector.broadcast %jit3A_409 : i32 to vector<16xi32>
    %select_n3A_411 = arith.select %gt3A_407, %broadcast_in_dim3A_410, %broadcast_in_dim3A_386 : vector<16xi1>, vector<16xi32>
    %get3A_412 = arith.constant 2 : i32
    %get3A_413 = arith.constant 3 : i32
    %get3A_414 = arith.index_cast %get3A_412 : i32 to index
    %get3A_415 = arith.index_cast %get3A_413 : i32 to index
    %get3A_416 = arith.constant 0 : index
    %get3A_417 = tpu.vector_load %arg6[%get3A_414, %get3A_415, %get3A_416] {strides = array<i32>} : memref<4x8x64xf32, #tpu.memory_space<vmem>>, vector<16xf32>,
    %get3A_418 = arith.constant 2 : i32
    %get3A_419 = arith.constant 3 : i32
    %get3A_420 = arith.index_cast %get3A_418 : i32 to index
    %get3A_421 = arith.index_cast %get3A_419 : i32 to index
    %get3A_422 = arith.constant 0 : index
    %get3A_423 = tpu.vector_load %arg7[%get3A_420, %get3A_421, %get3A_422] {strides = array<i32>} : memref<4x8x64xf32, #tpu.memory_space<vmem>>, vector<16xf32>,
    %add3A_424 = arith.addf %get3A_417, %get3A_423 : vector<16xf32>
    %get3A_425 = arith.constant 2 : i32
    %get3A_426 = arith.constant 3 : i32
    %get3A_427 = arith.index_cast %get3A_425 : i32 to index
    %get3A_428 = arith.index_cast %get3A_426 : i32 to index
    %get3A_429 = arith.constant 0 : index
    %get3A_430 = tpu.vector_load %arg8[%get3A_427, %get3A_428, %get3A_429] {strides = array<i32>} : memref<4x8x64xf32, #tpu.memory_space<vmem>>, vector<16xf32>,
    %sub3A_431 = arith.subf %add3A_424, %get3A_430 : vector<16xf32>
    %gt3A_432 = arith.cmpf ogt, %sub3A_431, %select_n3A_408 : vector<16xf32>
    %select_n3A_433 = arith.select %gt3A_432, %sub3A_431, %select_n3A_408 : vector<16xi1>, vector<16xf32>
    %jit3A_434 = arith.constant 2 : i32
    %broadcast_in_dim3A_435 = vector.broadcast %jit3A_434 : i32 to vector<16xi32>
    %select_n3A_436 = arith.select %gt3A_432, %broadcast_in_dim3A_435, %select_n3A_411 : vector<16xi1>, vector<16xi32>
    %get3A_437 = arith.constant 3 : i32
    %get3A_438 = arith.constant 3 : i32
    %get3A_439 = arith.index_cast %get3A_437 : i32 to index
    %get3A_440 = arith.index_cast %get3A_438 : i32 to index
    %get3A_441 = arith.constant 0 : index
    %get3A_442 = tpu.vector_load %arg6[%get3A_439, %get3A_440, %get3A_441] {strides = array<i32>} : memref<4x8x64xf32, #tpu.memory_space<vmem>>, vector<16xf32>,
    %get3A_443 = arith.constant 3 : i32
    %get3A_444 = arith.constant 3 : i32
    %get3A_445 = arith.index_cast %get3A_443 : i32 to index
    %get3A_446 = arith.index_cast %get3A_444 : i32 to index
    %get3A_447 = arith.constant 0 : index
    %get3A_448 = tpu.vector_load %arg7[%get3A_445, %get3A_446, %get3A_447] {strides = array<i32>} : memref<4x8x64xf32, #tpu.memory_space<vmem>>, vector<16xf32>,
    %add3A_449 = arith.addf %get3A_442, %get3A_448 : vector<16xf32>
    %get3A_450 = arith.constant 3 : i32
    %get3A_451 = arith.constant 3 : i32
    %get3A_452 = arith.index_cast %get3A_450 : i32 to index
    %get3A_453 = arith.index_cast %get3A_451 : i32 to index
    %get3A_454 = arith.constant 0 : index
    %get3A_455 = tpu.vector_load %arg8[%get3A_452, %get3A_453, %get3A_454] {strides = array<i32>} : memref<4x8x64xf32, #tpu.memory_space<vmem>>, vector<16xf32>,
    %sub3A_456 = arith.subf %add3A_449, %get3A_455 : vector<16xf32>
    %gt3A_457 = arith.cmpf ogt, %sub3A_456, %select_n3A_433 : vector<16xf32>
    %select_n3A_458 = arith.select %gt3A_457, %sub3A_456, %select_n3A_433 : vector<16xi1>, vector<16xf32>
    %jit3A_459 = arith.constant 3 : i32
    %broadcast_in_dim3A_460 = vector.broadcast %jit3A_459 : i32 to vector<16xi32>
    %select_n3A_461 = arith.select %gt3A_457, %broadcast_in_dim3A_460, %select_n3A_436 : vector<16xi1>, vector<16xi32>
    %shift_left3A_462 = arith.constant 6 : i32
    %shift_left3A_463 = vector.broadcast %shift_left3A_462 : i32 to vector<16xi32>
    %shift_left3A_464 = arith.shli %select_n3A_461, %shift_left3A_463 : vector<16xi32>
    %or3A_465 = arith.ori %or3A_364, %shift_left3A_464 : vector<16xi32>
    %get3A_466 = arith.constant 0 : i32
    %get3A_467 = arith.constant 4 : i32
    %get3A_468 = arith.index_cast %get3A_466 : i32 to index
    %get3A_469 = arith.index_cast %get3A_467 : i32 to index
    %get3A_470 = arith.constant 0 : index
    %get3A_471 = tpu.vector_load %arg6[%get3A_468, %get3A_469, %get3A_470] {strides = array<i32>} : memref<4x8x64xf32, #tpu.memory_space<vmem>>, vector<16xf32>,
    %get3A_472 = arith.constant 0 : i32
    %get3A_473 = arith.constant 4 : i32
    %get3A_474 = arith.index_cast %get3A_472 : i32 to index
    %get3A_475 = arith.index_cast %get3A_473 : i32 to index
    %get3A_476 = arith.constant 0 : index
    %get3A_477 = tpu.vector_load %arg7[%get3A_474, %get3A_475, %get3A_476] {strides = array<i32>} : memref<4x8x64xf32, #tpu.memory_space<vmem>>, vector<16xf32>,
    %add3A_478 = arith.addf %get3A_471, %get3A_477 : vector<16xf32>
    %get3A_479 = arith.constant 0 : i32
    %get3A_480 = arith.constant 4 : i32
    %get3A_481 = arith.index_cast %get3A_479 : i32 to index
    %get3A_482 = arith.index_cast %get3A_480 : i32 to index
    %get3A_483 = arith.constant 0 : index
    %get3A_484 = tpu.vector_load %arg8[%get3A_481, %get3A_482, %get3A_483] {strides = array<i32>} : memref<4x8x64xf32, #tpu.memory_space<vmem>>, vector<16xf32>,
    %sub3A_485 = arith.subf %add3A_478, %get3A_484 : vector<16xf32>
    %broadcast_in_dim3A_486 = arith.constant 0 : i32
    %broadcast_in_dim3A_487 = vector.broadcast %broadcast_in_dim3A_486 : i32 to vector<16xi32>
    %get3A_488 = arith.constant 1 : i32
    %get3A_489 = arith.constant 4 : i32
    %get3A_490 = arith.index_cast %get3A_488 : i32 to index
    %get3A_491 = arith.index_cast %get3A_489 : i32 to index
    %get3A_492 = arith.constant 0 : index
    %get3A_493 = tpu.vector_load %arg6[%get3A_490, %get3A_491, %get3A_492] {strides = array<i32>} : memref<4x8x64xf32, #tpu.memory_space<vmem>>, vector<16xf32>,
    %get3A_494 = arith.constant 1 : i32
    %get3A_495 = arith.constant 4 : i32
    %get3A_496 = arith.index_cast %get3A_494 : i32 to index
    %get3A_497 = arith.index_cast %get3A_495 : i32 to index
    %get3A_498 = arith.constant 0 : index
    %get3A_499 = tpu.vector_load %arg7[%get3A_496, %get3A_497, %get3A_498] {strides = array<i32>} : memref<4x8x64xf32, #tpu.memory_space<vmem>>, vector<16xf32>,
    %add3A_500 = arith.addf %get3A_493, %get3A_499 : vector<16xf32>
    %get3A_501 = arith.constant 1 : i32
    %get3A_502 = arith.constant 4 : i32
    %get3A_503 = arith.index_cast %get3A_501 : i32 to index
    %get3A_504 = arith.index_cast %get3A_502 : i32 to index
    %get3A_505 = arith.constant 0 : index
    %get3A_506 = tpu.vector_load %arg8[%get3A_503, %get3A_504, %get3A_505] {strides = array<i32>} : memref<4x8x64xf32, #tpu.memory_space<vmem>>, vector<16xf32>,
    %sub3A_507 = arith.subf %add3A_500, %get3A_506 : vector<16xf32>
    %gt3A_508 = arith.cmpf ogt, %sub3A_507, %sub3A_485 : vector<16xf32>
    %select_n3A_509 = arith.select %gt3A_508, %sub3A_507, %sub3A_485 : vector<16xi1>, vector<16xf32>
    %jit3A_510 = arith.constant 1 : i32
    %broadcast_in_dim3A_511 = vector.broadcast %jit3A_510 : i32 to vector<16xi32>
    %select_n3A_512 = arith.select %gt3A_508, %broadcast_in_dim3A_511, %broadcast_in_dim3A_487 : vector<16xi1>, vector<16xi32>
    %get3A_513 = arith.constant 2 : i32
    %get3A_514 = arith.constant 4 : i32
    %get3A_515 = arith.index_cast %get3A_513 : i32 to index
    %get3A_516 = arith.index_cast %get3A_514 : i32 to index
    %get3A_517 = arith.constant 0 : index
    %get3A_518 = tpu.vector_load %arg6[%get3A_515, %get3A_516, %get3A_517] {strides = array<i32>} : memref<4x8x64xf32, #tpu.memory_space<vmem>>, vector<16xf32>,
    %get3A_519 = arith.constant 2 : i32
    %get3A_520 = arith.constant 4 : i32
    %get3A_521 = arith.index_cast %get3A_519 : i32 to index
    %get3A_522 = arith.index_cast %get3A_520 : i32 to index
    %get3A_523 = arith.constant 0 : index
    %get3A_524 = tpu.vector_load %arg7[%get3A_521, %get3A_522, %get3A_523] {strides = array<i32>} : memref<4x8x64xf32, #tpu.memory_space<vmem>>, vector<16xf32>,
    %add3A_525 = arith.addf %get3A_518, %get3A_524 : vector<16xf32>
    %get3A_526 = arith.constant 2 : i32
    %get3A_527 = arith.constant 4 : i32
    %get3A_528 = arith.index_cast %get3A_526 : i32 to index
    %get3A_529 = arith.index_cast %get3A_527 : i32 to index
    %get3A_530 = arith.constant 0 : index
    %get3A_531 = tpu.vector_load %arg8[%get3A_528, %get3A_529, %get3A_530] {strides = array<i32>} : memref<4x8x64xf32, #tpu.memory_space<vmem>>, vector<16xf32>,
    %sub3A_532 = arith.subf %add3A_525, %get3A_531 : vector<16xf32>
    %gt3A_533 = arith.cmpf ogt, %sub3A_532, %select_n3A_509 : vector<16xf32>
    %select_n3A_534 = arith.select %gt3A_533, %sub3A_532, %select_n3A_509 : vector<16xi1>, vector<16xf32>
    %jit3A_535 = arith.constant 2 : i32
    %broadcast_in_dim3A_536 = vector.broadcast %jit3A_535 : i32 to vector<16xi32>
    %select_n3A_537 = arith.select %gt3A_533, %broadcast_in_dim3A_536, %select_n3A_512 : vector<16xi1>, vector<16xi32>
    %get3A_538 = arith.constant 3 : i32
    %get3A_539 = arith.constant 4 : i32
    %get3A_540 = arith.index_cast %get3A_538 : i32 to index
    %get3A_541 = arith.index_cast %get3A_539 : i32 to index
    %get3A_542 = arith.constant 0 : index
    %get3A_543 = tpu.vector_load %arg6[%get3A_540, %get3A_541, %get3A_542] {strides = array<i32>} : memref<4x8x64xf32, #tpu.memory_space<vmem>>, vector<16xf32>,
    %get3A_544 = arith.constant 3 : i32
    %get3A_545 = arith.constant 4 : i32
    %get3A_546 = arith.index_cast %get3A_544 : i32 to index
    %get3A_547 = arith.index_cast %get3A_545 : i32 to index
    %get3A_548 = arith.constant 0 : index
    %get3A_549 = tpu.vector_load %arg7[%get3A_546, %get3A_547, %get3A_548] {strides = array<i32>} : memref<4x8x64xf32, #tpu.memory_space<vmem>>, vector<16xf32>,
    %add3A_550 = arith.addf %get3A_543, %get3A_549 : vector<16xf32>
    %get3A_551 = arith.constant 3 : i32
    %get3A_552 = arith.constant 4 : i32
    %get3A_553 = arith.index_cast %get3A_551 : i32 to index
    %get3A_554 = arith.index_cast %get3A_552 : i32 to index
    %get3A_555 = arith.constant 0 : index
    %get3A_556 = tpu.vector_load %arg8[%get3A_553, %get3A_554, %get3A_555] {strides = array<i32>} : memref<4x8x64xf32, #tpu.memory_space<vmem>>, vector<16xf32>,
    %sub3A_557 = arith.subf %add3A_550, %get3A_556 : vector<16xf32>
    %gt3A_558 = arith.cmpf ogt, %sub3A_557, %select_n3A_534 : vector<16xf32>
    %select_n3A_559 = arith.select %gt3A_558, %sub3A_557, %select_n3A_534 : vector<16xi1>, vector<16xf32>
    %jit3A_560 = arith.constant 3 : i32
    %broadcast_in_dim3A_561 = vector.broadcast %jit3A_560 : i32 to vector<16xi32>
    %select_n3A_562 = arith.select %gt3A_558, %broadcast_in_dim3A_561, %select_n3A_537 : vector<16xi1>, vector<16xi32>
    %shift_left3A_563 = arith.constant 8 : i32
    %shift_left3A_564 = vector.broadcast %shift_left3A_563 : i32 to vector<16xi32>
    %shift_left3A_565 = arith.shli %select_n3A_562, %shift_left3A_564 : vector<16xi32>
    %or3A_566 = arith.ori %or3A_465, %shift_left3A_565 : vector<16xi32>
    %get3A_567 = arith.constant 0 : i32
    %get3A_568 = arith.constant 5 : i32
    %get3A_569 = arith.index_cast %get3A_567 : i32 to index
    %get3A_570 = arith.index_cast %get3A_568 : i32 to index
    %get3A_571 = arith.constant 0 : index
    %get3A_572 = tpu.vector_load %arg6[%get3A_569, %get3A_570, %get3A_571] {strides = array<i32>} : memref<4x8x64xf32, #tpu.memory_space<vmem>>, vector<16xf32>,
    %get3A_573 = arith.constant 0 : i32
    %get3A_574 = arith.constant 5 : i32
    %get3A_575 = arith.index_cast %get3A_573 : i32 to index
    %get3A_576 = arith.index_cast %get3A_574 : i32 to index
    %get3A_577 = arith.constant 0 : index
    %get3A_578 = tpu.vector_load %arg7[%get3A_575, %get3A_576, %get3A_577] {strides = array<i32>} : memref<4x8x64xf32, #tpu.memory_space<vmem>>, vector<16xf32>,
    %add3A_579 = arith.addf %get3A_572, %get3A_578 : vector<16xf32>
    %get3A_580 = arith.constant 0 : i32
    %get3A_581 = arith.constant 5 : i32
    %get3A_582 = arith.index_cast %get3A_580 : i32 to index
    %get3A_583 = arith.index_cast %get3A_581 : i32 to index
    %get3A_584 = arith.constant 0 : index
    %get3A_585 = tpu.vector_load %arg8[%get3A_582, %get3A_583, %get3A_584] {strides = array<i32>} : memref<4x8x64xf32, #tpu.memory_space<vmem>>, vector<16xf32>,
    %sub3A_586 = arith.subf %add3A_579, %get3A_585 : vector<16xf32>
    %broadcast_in_dim3A_587 = arith.constant 0 : i32
    %broadcast_in_dim3A_588 = vector.broadcast %broadcast_in_dim3A_587 : i32 to vector<16xi32>
    %get3A_589 = arith.constant 1 : i32
    %get3A_590 = arith.constant 5 : i32
    %get3A_591 = arith.index_cast %get3A_589 : i32 to index
    %get3A_592 = arith.index_cast %get3A_590 : i32 to index
    %get3A_593 = arith.constant 0 : index
    %get3A_594 = tpu.vector_load %arg6[%get3A_591, %get3A_592, %get3A_593] {strides = array<i32>} : memref<4x8x64xf32, #tpu.memory_space<vmem>>, vector<16xf32>,
    %get3A_595 = arith.constant 1 : i32
    %get3A_596 = arith.constant 5 : i32
    %get3A_597 = arith.index_cast %get3A_595 : i32 to index
    %get3A_598 = arith.index_cast %get3A_596 : i32 to index
    %get3A_599 = arith.constant 0 : index
    %get3A_600 = tpu.vector_load %arg7[%get3A_597, %get3A_598, %get3A_599] {strides = array<i32>} : memref<4x8x64xf32, #tpu.memory_space<vmem>>, vector<16xf32>,
    %add3A_601 = arith.addf %get3A_594, %get3A_600 : vector<16xf32>
    %get3A_602 = arith.constant 1 : i32
    %get3A_603 = arith.constant 5 : i32
    %get3A_604 = arith.index_cast %get3A_602 : i32 to index
    %get3A_605 = arith.index_cast %get3A_603 : i32 to index
    %get3A_606 = arith.constant 0 : index
    %get3A_607 = tpu.vector_load %arg8[%get3A_604, %get3A_605, %get3A_606] {strides = array<i32>} : memref<4x8x64xf32, #tpu.memory_space<vmem>>, vector<16xf32>,
    %sub3A_608 = arith.subf %add3A_601, %get3A_607 : vector<16xf32>
    %gt3A_609 = arith.cmpf ogt, %sub3A_608, %sub3A_586 : vector<16xf32>
    %select_n3A_610 = arith.select %gt3A_609, %sub3A_608, %sub3A_586 : vector<16xi1>, vector<16xf32>
    %jit3A_611 = arith.constant 1 : i32
    %broadcast_in_dim3A_612 = vector.broadcast %jit3A_611 : i32 to vector<16xi32>
    %select_n3A_613 = arith.select %gt3A_609, %broadcast_in_dim3A_612, %broadcast_in_dim3A_588 : vector<16xi1>, vector<16xi32>
    %get3A_614 = arith.constant 2 : i32
    %get3A_615 = arith.constant 5 : i32
    %get3A_616 = arith.index_cast %get3A_614 : i32 to index
    %get3A_617 = arith.index_cast %get3A_615 : i32 to index
    %get3A_618 = arith.constant 0 : index
    %get3A_619 = tpu.vector_load %arg6[%get3A_616, %get3A_617, %get3A_618] {strides = array<i32>} : memref<4x8x64xf32, #tpu.memory_space<vmem>>, vector<16xf32>,
    %get3A_620 = arith.constant 2 : i32
    %get3A_621 = arith.constant 5 : i32
    %get3A_622 = arith.index_cast %get3A_620 : i32 to index
    %get3A_623 = arith.index_cast %get3A_621 : i32 to index
    %get3A_624 = arith.constant 0 : index
    %get3A_625 = tpu.vector_load %arg7[%get3A_622, %get3A_623, %get3A_624] {strides = array<i32>} : memref<4x8x64xf32, #tpu.memory_space<vmem>>, vector<16xf32>,
    %add3A_626 = arith.addf %get3A_619, %get3A_625 : vector<16xf32>
    %get3A_627 = arith.constant 2 : i32
    %get3A_628 = arith.constant 5 : i32
    %get3A_629 = arith.index_cast %get3A_627 : i32 to index
    %get3A_630 = arith.index_cast %get3A_628 : i32 to index
    %get3A_631 = arith.constant 0 : index
    %get3A_632 = tpu.vector_load %arg8[%get3A_629, %get3A_630, %get3A_631] {strides = array<i32>} : memref<4x8x64xf32, #tpu.memory_space<vmem>>, vector<16xf32>,
    %sub3A_633 = arith.subf %add3A_626, %get3A_632 : vector<16xf32>
    %gt3A_634 = arith.cmpf ogt, %sub3A_633, %select_n3A_610 : vector<16xf32>
    %select_n3A_635 = arith.select %gt3A_634, %sub3A_633, %select_n3A_610 : vector<16xi1>, vector<16xf32>
    %jit3A_636 = arith.constant 2 : i32
    %broadcast_in_dim3A_637 = vector.broadcast %jit3A_636 : i32 to vector<16xi32>
    %select_n3A_638 = arith.select %gt3A_634, %broadcast_in_dim3A_637, %select_n3A_613 : vector<16xi1>, vector<16xi32>
    %get3A_639 = arith.constant 3 : i32
    %get3A_640 = arith.constant 5 : i32
    %get3A_641 = arith.index_cast %get3A_639 : i32 to index
    %get3A_642 = arith.index_cast %get3A_640 : i32 to index
    %get3A_643 = arith.constant 0 : index
    %get3A_644 = tpu.vector_load %arg6[%get3A_641, %get3A_642, %get3A_643] {strides = array<i32>} : memref<4x8x64xf32, #tpu.memory_space<vmem>>, vector<16xf32>,
    %get3A_645 = arith.constant 3 : i32
    %get3A_646 = arith.constant 5 : i32
    %get3A_647 = arith.index_cast %get3A_645 : i32 to index
    %get3A_648 = arith.index_cast %get3A_646 : i32 to index
    %get3A_649 = arith.constant 0 : index
    %get3A_650 = tpu.vector_load %arg7[%get3A_647, %get3A_648, %get3A_649] {strides = array<i32>} : memref<4x8x64xf32, #tpu.memory_space<vmem>>, vector<16xf32>,
    %add3A_651 = arith.addf %get3A_644, %get3A_650 : vector<16xf32>
    %get3A_652 = arith.constant 3 : i32
    %get3A_653 = arith.constant 5 : i32
    %get3A_654 = arith.index_cast %get3A_652 : i32 to index
    %get3A_655 = arith.index_cast %get3A_653 : i32 to index
    %get3A_656 = arith.constant 0 : index
    %get3A_657 = tpu.vector_load %arg8[%get3A_654, %get3A_655, %get3A_656] {strides = array<i32>} : memref<4x8x64xf32, #tpu.memory_space<vmem>>, vector<16xf32>,
    %sub3A_658 = arith.subf %add3A_651, %get3A_657 : vector<16xf32>
    %gt3A_659 = arith.cmpf ogt, %sub3A_658, %select_n3A_635 : vector<16xf32>
    %select_n3A_660 = arith.select %gt3A_659, %sub3A_658, %select_n3A_635 : vector<16xi1>, vector<16xf32>
    %jit3A_661 = arith.constant 3 : i32
    %broadcast_in_dim3A_662 = vector.broadcast %jit3A_661 : i32 to vector<16xi32>
    %select_n3A_663 = arith.select %gt3A_659, %broadcast_in_dim3A_662, %select_n3A_638 : vector<16xi1>, vector<16xi32>
    %shift_left3A_664 = arith.constant 10 : i32
    %shift_left3A_665 = vector.broadcast %shift_left3A_664 : i32 to vector<16xi32>
    %shift_left3A_666 = arith.shli %select_n3A_663, %shift_left3A_665 : vector<16xi32>
    %or3A_667 = arith.ori %or3A_566, %shift_left3A_666 : vector<16xi32>
    %get3A_668 = arith.constant 0 : i32
    %get3A_669 = arith.constant 6 : i32
    %get3A_670 = arith.index_cast %get3A_668 : i32 to index
    %get3A_671 = arith.index_cast %get3A_669 : i32 to index
    %get3A_672 = arith.constant 0 : index
    %get3A_673 = tpu.vector_load %arg6[%get3A_670, %get3A_671, %get3A_672] {strides = array<i32>} : memref<4x8x64xf32, #tpu.memory_space<vmem>>, vector<16xf32>,
    %get3A_674 = arith.constant 0 : i32
    %get3A_675 = arith.constant 6 : i32
    %get3A_676 = arith.index_cast %get3A_674 : i32 to index
    %get3A_677 = arith.index_cast %get3A_675 : i32 to index
    %get3A_678 = arith.constant 0 : index
    %get3A_679 = tpu.vector_load %arg7[%get3A_676, %get3A_677, %get3A_678] {strides = array<i32>} : memref<4x8x64xf32, #tpu.memory_space<vmem>>, vector<16xf32>,
    %add3A_680 = arith.addf %get3A_673, %get3A_679 : vector<16xf32>
    %get3A_681 = arith.constant 0 : i32
    %get3A_682 = arith.constant 6 : i32
    %get3A_683 = arith.index_cast %get3A_681 : i32 to index
    %get3A_684 = arith.index_cast %get3A_682 : i32 to index
    %get3A_685 = arith.constant 0 : index
    %get3A_686 = tpu.vector_load %arg8[%get3A_683, %get3A_684, %get3A_685] {strides = array<i32>} : memref<4x8x64xf32, #tpu.memory_space<vmem>>, vector<16xf32>,
    %sub3A_687 = arith.subf %add3A_680, %get3A_686 : vector<16xf32>
    %broadcast_in_dim3A_688 = arith.constant 0 : i32
    %broadcast_in_dim3A_689 = vector.broadcast %broadcast_in_dim3A_688 : i32 to vector<16xi32>
    %get3A_690 = arith.constant 1 : i32
    %get3A_691 = arith.constant 6 : i32
    %get3A_692 = arith.index_cast %get3A_690 : i32 to index
    %get3A_693 = arith.index_cast %get3A_691 : i32 to index
    %get3A_694 = arith.constant 0 : index
    %get3A_695 = tpu.vector_load %arg6[%get3A_692, %get3A_693, %get3A_694] {strides = array<i32>} : memref<4x8x64xf32, #tpu.memory_space<vmem>>, vector<16xf32>,
    %get3A_696 = arith.constant 1 : i32
    %get3A_697 = arith.constant 6 : i32
    %get3A_698 = arith.index_cast %get3A_696 : i32 to index
    %get3A_699 = arith.index_cast %get3A_697 : i32 to index
    %get3A_700 = arith.constant 0 : index
    %get3A_701 = tpu.vector_load %arg7[%get3A_698, %get3A_699, %get3A_700] {strides = array<i32>} : memref<4x8x64xf32, #tpu.memory_space<vmem>>, vector<16xf32>,
    %add3A_702 = arith.addf %get3A_695, %get3A_701 : vector<16xf32>
    %get3A_703 = arith.constant 1 : i32
    %get3A_704 = arith.constant 6 : i32
    %get3A_705 = arith.index_cast %get3A_703 : i32 to index
    %get3A_706 = arith.index_cast %get3A_704 : i32 to index
    %get3A_707 = arith.constant 0 : index
    %get3A_708 = tpu.vector_load %arg8[%get3A_705, %get3A_706, %get3A_707] {strides = array<i32>} : memref<4x8x64xf32, #tpu.memory_space<vmem>>, vector<16xf32>,
    %sub3A_709 = arith.subf %add3A_702, %get3A_708 : vector<16xf32>
    %gt3A_710 = arith.cmpf ogt, %sub3A_709, %sub3A_687 : vector<16xf32>
    %select_n3A_711 = arith.select %gt3A_710, %sub3A_709, %sub3A_687 : vector<16xi1>, vector<16xf32>
    %jit3A_712 = arith.constant 1 : i32
    %broadcast_in_dim3A_713 = vector.broadcast %jit3A_712 : i32 to vector<16xi32>
    %select_n3A_714 = arith.select %gt3A_710, %broadcast_in_dim3A_713, %broadcast_in_dim3A_689 : vector<16xi1>, vector<16xi32>
    %get3A_715 = arith.constant 2 : i32
    %get3A_716 = arith.constant 6 : i32
    %get3A_717 = arith.index_cast %get3A_715 : i32 to index
    %get3A_718 = arith.index_cast %get3A_716 : i32 to index
    %get3A_719 = arith.constant 0 : index
    %get3A_720 = tpu.vector_load %arg6[%get3A_717, %get3A_718, %get3A_719] {strides = array<i32>} : memref<4x8x64xf32, #tpu.memory_space<vmem>>, vector<16xf32>,
    %get3A_721 = arith.constant 2 : i32
    %get3A_722 = arith.constant 6 : i32
    %get3A_723 = arith.index_cast %get3A_721 : i32 to index
    %get3A_724 = arith.index_cast %get3A_722 : i32 to index
    %get3A_725 = arith.constant 0 : index
    %get3A_726 = tpu.vector_load %arg7[%get3A_723, %get3A_724, %get3A_725] {strides = array<i32>} : memref<4x8x64xf32, #tpu.memory_space<vmem>>, vector<16xf32>,
    %add3A_727 = arith.addf %get3A_720, %get3A_726 : vector<16xf32>
    %get3A_728 = arith.constant 2 : i32
    %get3A_729 = arith.constant 6 : i32
    %get3A_730 = arith.index_cast %get3A_728 : i32 to index
    %get3A_731 = arith.index_cast %get3A_729 : i32 to index
    %get3A_732 = arith.constant 0 : index
    %get3A_733 = tpu.vector_load %arg8[%get3A_730, %get3A_731, %get3A_732] {strides = array<i32>} : memref<4x8x64xf32, #tpu.memory_space<vmem>>, vector<16xf32>,
    %sub3A_734 = arith.subf %add3A_727, %get3A_733 : vector<16xf32>
    %gt3A_735 = arith.cmpf ogt, %sub3A_734, %select_n3A_711 : vector<16xf32>
    %select_n3A_736 = arith.select %gt3A_735, %sub3A_734, %select_n3A_711 : vector<16xi1>, vector<16xf32>
    %jit3A_737 = arith.constant 2 : i32
    %broadcast_in_dim3A_738 = vector.broadcast %jit3A_737 : i32 to vector<16xi32>
    %select_n3A_739 = arith.select %gt3A_735, %broadcast_in_dim3A_738, %select_n3A_714 : vector<16xi1>, vector<16xi32>
    %get3A_740 = arith.constant 3 : i32
    %get3A_741 = arith.constant 6 : i32
    %get3A_742 = arith.index_cast %get3A_740 : i32 to index
    %get3A_743 = arith.index_cast %get3A_741 : i32 to index
    %get3A_744 = arith.constant 0 : index
    %get3A_745 = tpu.vector_load %arg6[%get3A_742, %get3A_743, %get3A_744] {strides = array<i32>} : memref<4x8x64xf32, #tpu.memory_space<vmem>>, vector<16xf32>,
    %get3A_746 = arith.constant 3 : i32
    %get3A_747 = arith.constant 6 : i32
    %get3A_748 = arith.index_cast %get3A_746 : i32 to index
    %get3A_749 = arith.index_cast %get3A_747 : i32 to index
    %get3A_750 = arith.constant 0 : index
    %get3A_751 = tpu.vector_load %arg7[%get3A_748, %get3A_749, %get3A_750] {strides = array<i32>} : memref<4x8x64xf32, #tpu.memory_space<vmem>>, vector<16xf32>,
    %add3A_752 = arith.addf %get3A_745, %get3A_751 : vector<16xf32>
    %get3A_753 = arith.constant 3 : i32
    %get3A_754 = arith.constant 6 : i32
    %get3A_755 = arith.index_cast %get3A_753 : i32 to index
    %get3A_756 = arith.index_cast %get3A_754 : i32 to index
    %get3A_757 = arith.constant 0 : index
    %get3A_758 = tpu.vector_load %arg8[%get3A_755, %get3A_756, %get3A_757] {strides = array<i32>} : memref<4x8x64xf32, #tpu.memory_space<vmem>>, vector<16xf32>,
    %sub3A_759 = arith.subf %add3A_752, %get3A_758 : vector<16xf32>
    %gt3A_760 = arith.cmpf ogt, %sub3A_759, %select_n3A_736 : vector<16xf32>
    %select_n3A_761 = arith.select %gt3A_760, %sub3A_759, %select_n3A_736 : vector<16xi1>, vector<16xf32>
    %jit3A_762 = arith.constant 3 : i32
    %broadcast_in_dim3A_763 = vector.broadcast %jit3A_762 : i32 to vector<16xi32>
    %select_n3A_764 = arith.select %gt3A_760, %broadcast_in_dim3A_763, %select_n3A_739 : vector<16xi1>, vector<16xi32>
    %shift_left3A_765 = arith.constant 12 : i32
    %shift_left3A_766 = vector.broadcast %shift_left3A_765 : i32 to vector<16xi32>
    %shift_left3A_767 = arith.shli %select_n3A_764, %shift_left3A_766 : vector<16xi32>
    %or3A_768 = arith.ori %or3A_667, %shift_left3A_767 : vector<16xi32>
    %get3A_769 = arith.constant 0 : i32
    %get3A_770 = arith.constant 7 : i32
    %get3A_771 = arith.index_cast %get3A_769 : i32 to index
    %get3A_772 = arith.index_cast %get3A_770 : i32 to index
    %get3A_773 = arith.constant 0 : index
    %get3A_774 = tpu.vector_load %arg6[%get3A_771, %get3A_772, %get3A_773] {strides = array<i32>} : memref<4x8x64xf32, #tpu.memory_space<vmem>>, vector<16xf32>,
    %get3A_775 = arith.constant 0 : i32
    %get3A_776 = arith.constant 7 : i32
    %get3A_777 = arith.index_cast %get3A_775 : i32 to index
    %get3A_778 = arith.index_cast %get3A_776 : i32 to index
    %get3A_779 = arith.constant 0 : index
    %get3A_780 = tpu.vector_load %arg7[%get3A_777, %get3A_778, %get3A_779] {strides = array<i32>} : memref<4x8x64xf32, #tpu.memory_space<vmem>>, vector<16xf32>,
    %add3A_781 = arith.addf %get3A_774, %get3A_780 : vector<16xf32>
    %get3A_782 = arith.constant 0 : i32
    %get3A_783 = arith.constant 7 : i32
    %get3A_784 = arith.index_cast %get3A_782 : i32 to index
    %get3A_785 = arith.index_cast %get3A_783 : i32 to index
    %get3A_786 = arith.constant 0 : index
    %get3A_787 = tpu.vector_load %arg8[%get3A_784, %get3A_785, %get3A_786] {strides = array<i32>} : memref<4x8x64xf32, #tpu.memory_space<vmem>>, vector<16xf32>,
    %sub3A_788 = arith.subf %add3A_781, %get3A_787 : vector<16xf32>
    %broadcast_in_dim3A_789 = arith.constant 0 : i32
    %broadcast_in_dim3A_790 = vector.broadcast %broadcast_in_dim3A_789 : i32 to vector<16xi32>
    %get3A_791 = arith.constant 1 : i32
    %get3A_792 = arith.constant 7 : i32
    %get3A_793 = arith.index_cast %get3A_791 : i32 to index
    %get3A_794 = arith.index_cast %get3A_792 : i32 to index
    %get3A_795 = arith.constant 0 : index
    %get3A_796 = tpu.vector_load %arg6[%get3A_793, %get3A_794, %get3A_795] {strides = array<i32>} : memref<4x8x64xf32, #tpu.memory_space<vmem>>, vector<16xf32>,
    %get3A_797 = arith.constant 1 : i32
    %get3A_798 = arith.constant 7 : i32
    %get3A_799 = arith.index_cast %get3A_797 : i32 to index
    %get3A_800 = arith.index_cast %get3A_798 : i32 to index
    %get3A_801 = arith.constant 0 : index
    %get3A_802 = tpu.vector_load %arg7[%get3A_799, %get3A_800, %get3A_801] {strides = array<i32>} : memref<4x8x64xf32, #tpu.memory_space<vmem>>, vector<16xf32>,
    %add3A_803 = arith.addf %get3A_796, %get3A_802 : vector<16xf32>
    %get3A_804 = arith.constant 1 : i32
    %get3A_805 = arith.constant 7 : i32
    %get3A_806 = arith.index_cast %get3A_804 : i32 to index
    %get3A_807 = arith.index_cast %get3A_805 : i32 to index
    %get3A_808 = arith.constant 0 : index
    %get3A_809 = tpu.vector_load %arg8[%get3A_806, %get3A_807, %get3A_808] {strides = array<i32>} : memref<4x8x64xf32, #tpu.memory_space<vmem>>, vector<16xf32>,
    %sub3A_810 = arith.subf %add3A_803, %get3A_809 : vector<16xf32>
    %gt3A_811 = arith.cmpf ogt, %sub3A_810, %sub3A_788 : vector<16xf32>
    %select_n3A_812 = arith.select %gt3A_811, %sub3A_810, %sub3A_788 : vector<16xi1>, vector<16xf32>
    %jit3A_813 = arith.constant 1 : i32
    %broadcast_in_dim3A_814 = vector.broadcast %jit3A_813 : i32 to vector<16xi32>
    %select_n3A_815 = arith.select %gt3A_811, %broadcast_in_dim3A_814, %broadcast_in_dim3A_790 : vector<16xi1>, vector<16xi32>
    %get3A_816 = arith.constant 2 : i32
    %get3A_817 = arith.constant 7 : i32
    %get3A_818 = arith.index_cast %get3A_816 : i32 to index
    %get3A_819 = arith.index_cast %get3A_817 : i32 to index
    %get3A_820 = arith.constant 0 : index
    %get3A_821 = tpu.vector_load %arg6[%get3A_818, %get3A_819, %get3A_820] {strides = array<i32>} : memref<4x8x64xf32, #tpu.memory_space<vmem>>, vector<16xf32>,
    %get3A_822 = arith.constant 2 : i32
    %get3A_823 = arith.constant 7 : i32
    %get3A_824 = arith.index_cast %get3A_822 : i32 to index
    %get3A_825 = arith.index_cast %get3A_823 : i32 to index
    %get3A_826 = arith.constant 0 : index
    %get3A_827 = tpu.vector_load %arg7[%get3A_824, %get3A_825, %get3A_826] {strides = array<i32>} : memref<4x8x64xf32, #tpu.memory_space<vmem>>, vector<16xf32>,
    %add3A_828 = arith.addf %get3A_821, %get3A_827 : vector<16xf32>
    %get3A_829 = arith.constant 2 : i32
    %get3A_830 = arith.constant 7 : i32
    %get3A_831 = arith.index_cast %get3A_829 : i32 to index
    %get3A_832 = arith.index_cast %get3A_830 : i32 to index
    %get3A_833 = arith.constant 0 : index
    %get3A_834 = tpu.vector_load %arg8[%get3A_831, %get3A_832, %get3A_833] {strides = array<i32>} : memref<4x8x64xf32, #tpu.memory_space<vmem>>, vector<16xf32>,
    %sub3A_835 = arith.subf %add3A_828, %get3A_834 : vector<16xf32>
    %gt3A_836 = arith.cmpf ogt, %sub3A_835, %select_n3A_812 : vector<16xf32>
    %select_n3A_837 = arith.select %gt3A_836, %sub3A_835, %select_n3A_812 : vector<16xi1>, vector<16xf32>
    %jit3A_838 = arith.constant 2 : i32
    %broadcast_in_dim3A_839 = vector.broadcast %jit3A_838 : i32 to vector<16xi32>
    %select_n3A_840 = arith.select %gt3A_836, %broadcast_in_dim3A_839, %select_n3A_815 : vector<16xi1>, vector<16xi32>
    %get3A_841 = arith.constant 3 : i32
    %get3A_842 = arith.constant 7 : i32
    %get3A_843 = arith.index_cast %get3A_841 : i32 to index
    %get3A_844 = arith.index_cast %get3A_842 : i32 to index
    %get3A_845 = arith.constant 0 : index
    %get3A_846 = tpu.vector_load %arg6[%get3A_843, %get3A_844, %get3A_845] {strides = array<i32>} : memref<4x8x64xf32, #tpu.memory_space<vmem>>, vector<16xf32>,
    %get3A_847 = arith.constant 3 : i32
    %get3A_848 = arith.constant 7 : i32
    %get3A_849 = arith.index_cast %get3A_847 : i32 to index
    %get3A_850 = arith.index_cast %get3A_848 : i32 to index
    %get3A_851 = arith.constant 0 : index
    %get3A_852 = tpu.vector_load %arg7[%get3A_849, %get3A_850, %get3A_851] {strides = array<i32>} : memref<4x8x64xf32, #tpu.memory_space<vmem>>, vector<16xf32>,
    %add3A_853 = arith.addf %get3A_846, %get3A_852 : vector<16xf32>
    %get3A_854 = arith.constant 3 : i32
    %get3A_855 = arith.constant 7 : i32
    %get3A_856 = arith.index_cast %get3A_854 : i32 to index
    %get3A_857 = arith.index_cast %get3A_855 : i32 to index
    %get3A_858 = arith.constant 0 : index
    %get3A_859 = tpu.vector_load %arg8[%get3A_856, %get3A_857, %get3A_858] {strides = array<i32>} : memref<4x8x64xf32, #tpu.memory_space<vmem>>, vector<16xf32>,
    %sub3A_860 = arith.subf %add3A_853, %get3A_859 : vector<16xf32>
    %gt3A_861 = arith.cmpf ogt, %sub3A_860, %select_n3A_837 : vector<16xf32>
    %select_n3A_862 = arith.select %gt3A_861, %sub3A_860, %select_n3A_837 : vector<16xi1>, vector<16xf32>
    %jit3A_863 = arith.constant 3 : i32
    %broadcast_in_dim3A_864 = vector.broadcast %jit3A_863 : i32 to vector<16xi32>
    %select_n3A_865 = arith.select %gt3A_861, %broadcast_in_dim3A_864, %select_n3A_840 : vector<16xi1>, vector<16xi32>
    %shift_left3A_866 = arith.constant 14 : i32
    %shift_left3A_867 = vector.broadcast %shift_left3A_866 : i32 to vector<16xi32>
    %shift_left3A_868 = arith.shli %select_n3A_865, %shift_left3A_867 : vector<16xi32>
    %or3A_869 = arith.ori %or3A_768, %shift_left3A_868 : vector<16xi32>
    %swap3A = arith.constant 0 : index
    %swap3A_870 = tpu.vector_load %arg9[%swap3A] {strides = array<i32>} : memref<64xi32, #tpu.memory_space<vmem>>, vector<16xi32>,
    tpu.vector_store %arg9[%swap3A], %or3A_869 {strides = array<i32>} : memref<64xi32, #tpu.memory_space<vmem>>, vector<16xi32>,
    %broadcast_in_dim3A_871 = arith.constant 0 : i32
    %broadcast_in_dim3A_872 = vector.broadcast %broadcast_in_dim3A_871 : i32 to vector<16xi32>
    %get3A_873 = arith.constant 0 : i32
    %get3A_874 = arith.constant 0 : i32
    %get3A_875 = arith.index_cast %get3A_873 : i32 to index
    %get3A_876 = arith.index_cast %get3A_874 : i32 to index
    %get3A_877 = arith.constant 16 : index
    %get3A_878 = tpu.vector_load %arg6[%get3A_875, %get3A_876, %get3A_877] {strides = array<i32>} : memref<4x8x64xf32, #tpu.memory_space<vmem>>, vector<16xf32>,
    %get3A_879 = arith.constant 0 : i32
    %get3A_880 = arith.constant 0 : i32
    %get3A_881 = arith.index_cast %get3A_879 : i32 to index
    %get3A_882 = arith.index_cast %get3A_880 : i32 to index
    %get3A_883 = arith.constant 16 : index
    %get3A_884 = tpu.vector_load %arg7[%get3A_881, %get3A_882, %get3A_883] {strides = array<i32>} : memref<4x8x64xf32, #tpu.memory_space<vmem>>, vector<16xf32>,
    %add3A_885 = arith.addf %get3A_878, %get3A_884 : vector<16xf32>
    %get3A_886 = arith.constant 0 : i32
    %get3A_887 = arith.constant 0 : i32
    %get3A_888 = arith.index_cast %get3A_886 : i32 to index
    %get3A_889 = arith.index_cast %get3A_887 : i32 to index
    %get3A_890 = arith.constant 16 : index
    %get3A_891 = tpu.vector_load %arg8[%get3A_888, %get3A_889, %get3A_890] {strides = array<i32>} : memref<4x8x64xf32, #tpu.memory_space<vmem>>, vector<16xf32>,
    %sub3A_892 = arith.subf %add3A_885, %get3A_891 : vector<16xf32>
    %broadcast_in_dim3A_893 = arith.constant 0 : i32
    %broadcast_in_dim3A_894 = vector.broadcast %broadcast_in_dim3A_893 : i32 to vector<16xi32>
    %get3A_895 = arith.constant 1 : i32
    %get3A_896 = arith.constant 0 : i32
    %get3A_897 = arith.index_cast %get3A_895 : i32 to index
    %get3A_898 = arith.index_cast %get3A_896 : i32 to index
    %get3A_899 = arith.constant 16 : index
    %get3A_900 = tpu.vector_load %arg6[%get3A_897, %get3A_898, %get3A_899] {strides = array<i32>} : memref<4x8x64xf32, #tpu.memory_space<vmem>>, vector<16xf32>,
    %get3A_901 = arith.constant 1 : i32
    %get3A_902 = arith.constant 0 : i32
    %get3A_903 = arith.index_cast %get3A_901 : i32 to index
    %get3A_904 = arith.index_cast %get3A_902 : i32 to index
    %get3A_905 = arith.constant 16 : index
    %get3A_906 = tpu.vector_load %arg7[%get3A_903, %get3A_904, %get3A_905] {strides = array<i32>} : memref<4x8x64xf32, #tpu.memory_space<vmem>>, vector<16xf32>,
    %add3A_907 = arith.addf %get3A_900, %get3A_906 : vector<16xf32>
    %get3A_908 = arith.constant 1 : i32
    %get3A_909 = arith.constant 0 : i32
    %get3A_910 = arith.index_cast %get3A_908 : i32 to index
    %get3A_911 = arith.index_cast %get3A_909 : i32 to index
    %get3A_912 = arith.constant 16 : index
    %get3A_913 = tpu.vector_load %arg8[%get3A_910, %get3A_911, %get3A_912] {strides = array<i32>} : memref<4x8x64xf32, #tpu.memory_space<vmem>>, vector<16xf32>,
    %sub3A_914 = arith.subf %add3A_907, %get3A_913 : vector<16xf32>
    %gt3A_915 = arith.cmpf ogt, %sub3A_914, %sub3A_892 : vector<16xf32>
    %select_n3A_916 = arith.select %gt3A_915, %sub3A_914, %sub3A_892 : vector<16xi1>, vector<16xf32>
    %jit3A_917 = arith.constant 1 : i32
    %broadcast_in_dim3A_918 = vector.broadcast %jit3A_917 : i32 to vector<16xi32>
    %select_n3A_919 = arith.select %gt3A_915, %broadcast_in_dim3A_918, %broadcast_in_dim3A_894 : vector<16xi1>, vector<16xi32>
    %get3A_920 = arith.constant 2 : i32
    %get3A_921 = arith.constant 0 : i32
    %get3A_922 = arith.index_cast %get3A_920 : i32 to index
    %get3A_923 = arith.index_cast %get3A_921 : i32 to index
    %get3A_924 = arith.constant 16 : index
    %get3A_925 = tpu.vector_load %arg6[%get3A_922, %get3A_923, %get3A_924] {strides = array<i32>} : memref<4x8x64xf32, #tpu.memory_space<vmem>>, vector<16xf32>,
    %get3A_926 = arith.constant 2 : i32
    %get3A_927 = arith.constant 0 : i32
    %get3A_928 = arith.index_cast %get3A_926 : i32 to index
    %get3A_929 = arith.index_cast %get3A_927 : i32 to index
    %get3A_930 = arith.constant 16 : index
    %get3A_931 = tpu.vector_load %arg7[%get3A_928, %get3A_929, %get3A_930] {strides = array<i32>} : memref<4x8x64xf32, #tpu.memory_space<vmem>>, vector<16xf32>,
    %add3A_932 = arith.addf %get3A_925, %get3A_931 : vector<16xf32>
    %get3A_933 = arith.constant 2 : i32
    %get3A_934 = arith.constant 0 : i32
    %get3A_935 = arith.index_cast %get3A_933 : i32 to index
    %get3A_936 = arith.index_cast %get3A_934 : i32 to index
    %get3A_937 = arith.constant 16 : index
    %get3A_938 = tpu.vector_load %arg8[%get3A_935, %get3A_936, %get3A_937] {strides = array<i32>} : memref<4x8x64xf32, #tpu.memory_space<vmem>>, vector<16xf32>,
    %sub3A_939 = arith.subf %add3A_932, %get3A_938 : vector<16xf32>
    %gt3A_940 = arith.cmpf ogt, %sub3A_939, %select_n3A_916 : vector<16xf32>
    %select_n3A_941 = arith.select %gt3A_940, %sub3A_939, %select_n3A_916 : vector<16xi1>, vector<16xf32>
    %jit3A_942 = arith.constant 2 : i32
    %broadcast_in_dim3A_943 = vector.broadcast %jit3A_942 : i32 to vector<16xi32>
    %select_n3A_944 = arith.select %gt3A_940, %broadcast_in_dim3A_943, %select_n3A_919 : vector<16xi1>, vector<16xi32>
    %get3A_945 = arith.constant 3 : i32
    %get3A_946 = arith.constant 0 : i32
    %get3A_947 = arith.index_cast %get3A_945 : i32 to index
    %get3A_948 = arith.index_cast %get3A_946 : i32 to index
    %get3A_949 = arith.constant 16 : index
    %get3A_950 = tpu.vector_load %arg6[%get3A_947, %get3A_948, %get3A_949] {strides = array<i32>} : memref<4x8x64xf32, #tpu.memory_space<vmem>>, vector<16xf32>,
    %get3A_951 = arith.constant 3 : i32
    %get3A_952 = arith.constant 0 : i32
    %get3A_953 = arith.index_cast %get3A_951 : i32 to index
    %get3A_954 = arith.index_cast %get3A_952 : i32 to index
    %get3A_955 = arith.constant 16 : index
    %get3A_956 = tpu.vector_load %arg7[%get3A_953, %get3A_954, %get3A_955] {strides = array<i32>} : memref<4x8x64xf32, #tpu.memory_space<vmem>>, vector<16xf32>,
    %add3A_957 = arith.addf %get3A_950, %get3A_956 : vector<16xf32>
    %get3A_958 = arith.constant 3 : i32
    %get3A_959 = arith.constant 0 : i32
    %get3A_960 = arith.index_cast %get3A_958 : i32 to index
    %get3A_961 = arith.index_cast %get3A_959 : i32 to index
    %get3A_962 = arith.constant 16 : index
    %get3A_963 = tpu.vector_load %arg8[%get3A_960, %get3A_961, %get3A_962] {strides = array<i32>} : memref<4x8x64xf32, #tpu.memory_space<vmem>>, vector<16xf32>,
    %sub3A_964 = arith.subf %add3A_957, %get3A_963 : vector<16xf32>
    %gt3A_965 = arith.cmpf ogt, %sub3A_964, %select_n3A_941 : vector<16xf32>
    %select_n3A_966 = arith.select %gt3A_965, %sub3A_964, %select_n3A_941 : vector<16xi1>, vector<16xf32>
    %jit3A_967 = arith.constant 3 : i32
    %broadcast_in_dim3A_968 = vector.broadcast %jit3A_967 : i32 to vector<16xi32>
    %select_n3A_969 = arith.select %gt3A_965, %broadcast_in_dim3A_968, %select_n3A_944 : vector<16xi1>, vector<16xi32>
    %shift_left3A_970 = arith.constant 0 : i32
    %shift_left3A_971 = vector.broadcast %shift_left3A_970 : i32 to vector<16xi32>
    %shift_left3A_972 = arith.shli %select_n3A_969, %shift_left3A_971 : vector<16xi32>
    %or3A_973 = arith.ori %broadcast_in_dim3A_872, %shift_left3A_972 : vector<16xi32>
    %get3A_974 = arith.constant 0 : i32
    %get3A_975 = arith.constant 1 : i32
    %get3A_976 = arith.index_cast %get3A_974 : i32 to index
    %get3A_977 = arith.index_cast %get3A_975 : i32 to index
    %get3A_978 = arith.constant 16 : index
    %get3A_979 = tpu.vector_load %arg6[%get3A_976, %get3A_977, %get3A_978] {strides = array<i32>} : memref<4x8x64xf32, #tpu.memory_space<vmem>>, vector<16xf32>,
    %get3A_980 = arith.constant 0 : i32
    %get3A_981 = arith.constant 1 : i32
    %get3A_982 = arith.index_cast %get3A_980 : i32 to index
    %get3A_983 = arith.index_cast %get3A_981 : i32 to index
    %get3A_984 = arith.constant 16 : index
    %get3A_985 = tpu.vector_load %arg7[%get3A_982, %get3A_983, %get3A_984] {strides = array<i32>} : memref<4x8x64xf32, #tpu.memory_space<vmem>>, vector<16xf32>,
    %add3A_986 = arith.addf %get3A_979, %get3A_985 : vector<16xf32>
    %get3A_987 = arith.constant 0 : i32
    %get3A_988 = arith.constant 1 : i32
    %get3A_989 = arith.index_cast %get3A_987 : i32 to index
    %get3A_990 = arith.index_cast %get3A_988 : i32 to index
    %get3A_991 = arith.constant 16 : index
    %get3A_992 = tpu.vector_load %arg8[%get3A_989, %get3A_990, %get3A_991] {strides = array<i32>} : memref<4x8x64xf32, #tpu.memory_space<vmem>>, vector<16xf32>,
    %sub3A_993 = arith.subf %add3A_986, %get3A_992 : vector<16xf32>
    %broadcast_in_dim3A_994 = arith.constant 0 : i32
    %broadcast_in_dim3A_995 = vector.broadcast %broadcast_in_dim3A_994 : i32 to vector<16xi32>
    %get3A_996 = arith.constant 1 : i32
    %get3A_997 = arith.constant 1 : i32
    %get3A_998 = arith.index_cast %get3A_996 : i32 to index
    %get3A_999 = arith.index_cast %get3A_997 : i32 to index
    %get3A_1000 = arith.constant 16 : index
    %get3A_1001 = tpu.vector_load %arg6[%get3A_998, %get3A_999, %get3A_1000] {strides = array<i32>} : memref<4x8x64xf32, #tpu.memory_space<vmem>>, vector<16xf32>,
    %get3A_1002 = arith.constant 1 : i32
    %get3A_1003 = arith.constant 1 : i32
    %get3A_1004 = arith.index_cast %get3A_1002 : i32 to index
    %get3A_1005 = arith.index_cast %get3A_1003 : i32 to index
    %get3A_1006 = arith.constant 16 : index
    %get3A_1007 = tpu.vector_load %arg7[%get3A_1004, %get3A_1005, %get3A_1006] {strides = array<i32>} : memref<4x8x64xf32, #tpu.memory_space<vmem>>, vector<16xf32>,
    %add3A_1008 = arith.addf %get3A_1001, %get3A_1007 : vector<16xf32>
    %get3A_1009 = arith.constant 1 : i32
    %get3A_1010 = arith.constant 1 : i32
    %get3A_1011 = arith.index_cast %get3A_1009 : i32 to index
    %get3A_1012 = arith.index_cast %get3A_1010 : i32 to index
    %get3A_1013 = arith.constant 16 : index
    %get3A_1014 = tpu.vector_load %arg8[%get3A_1011, %get3A_1012, %get3A_1013] {strides = array<i32>} : memref<4x8x64xf32, #tpu.memory_space<vmem>>, vector<16xf32>,
    %sub3A_1015 = arith.subf %add3A_1008, %get3A_1014 : vector<16xf32>
    %gt3A_1016 = arith.cmpf ogt, %sub3A_1015, %sub3A_993 : vector<16xf32>
    %select_n3A_1017 = arith.select %gt3A_1016, %sub3A_1015, %sub3A_993 : vector<16xi1>, vector<16xf32>
    %jit3A_1018 = arith.constant 1 : i32
    %broadcast_in_dim3A_1019 = vector.broadcast %jit3A_1018 : i32 to vector<16xi32>
    %select_n3A_1020 = arith.select %gt3A_1016, %broadcast_in_dim3A_1019, %broadcast_in_dim3A_995 : vector<16xi1>, vector<16xi32>
    %get3A_1021 = arith.constant 2 : i32
    %get3A_1022 = arith.constant 1 : i32
    %get3A_1023 = arith.index_cast %get3A_1021 : i32 to index
    %get3A_1024 = arith.index_cast %get3A_1022 : i32 to index
    %get3A_1025 = arith.constant 16 : index
    %get3A_1026 = tpu.vector_load %arg6[%get3A_1023, %get3A_1024, %get3A_1025] {strides = array<i32>} : memref<4x8x64xf32, #tpu.memory_space<vmem>>, vector<16xf32>,
    %get3A_1027 = arith.constant 2 : i32
    %get3A_1028 = arith.constant 1 : i32
    %get3A_1029 = arith.index_cast %get3A_1027 : i32 to index
    %get3A_1030 = arith.index_cast %get3A_1028 : i32 to index
    %get3A_1031 = arith.constant 16 : index
    %get3A_1032 = tpu.vector_load %arg7[%get3A_1029, %get3A_1030, %get3A_1031] {strides = array<i32>} : memref<4x8x64xf32, #tpu.memory_space<vmem>>, vector<16xf32>,
    %add3A_1033 = arith.addf %get3A_1026, %get3A_1032 : vector<16xf32>
    %get3A_1034 = arith.constant 2 : i32
    %get3A_1035 = arith.constant 1 : i32
    %get3A_1036 = arith.index_cast %get3A_1034 : i32 to index
    %get3A_1037 = arith.index_cast %get3A_1035 : i32 to index
    %get3A_1038 = arith.constant 16 : index
    %get3A_1039 = tpu.vector_load %arg8[%get3A_1036, %get3A_1037, %get3A_1038] {strides = array<i32>} : memref<4x8x64xf32, #tpu.memory_space<vmem>>, vector<16xf32>,
    %sub3A_1040 = arith.subf %add3A_1033, %get3A_1039 : vector<16xf32>
    %gt3A_1041 = arith.cmpf ogt, %sub3A_1040, %select_n3A_1017 : vector<16xf32>
    %select_n3A_1042 = arith.select %gt3A_1041, %sub3A_1040, %select_n3A_1017 : vector<16xi1>, vector<16xf32>
    %jit3A_1043 = arith.constant 2 : i32
    %broadcast_in_dim3A_1044 = vector.broadcast %jit3A_1043 : i32 to vector<16xi32>
    %select_n3A_1045 = arith.select %gt3A_1041, %broadcast_in_dim3A_1044, %select_n3A_1020 : vector<16xi1>, vector<16xi32>
    %get3A_1046 = arith.constant 3 : i32
    %get3A_1047 = arith.constant 1 : i32
    %get3A_1048 = arith.index_cast %get3A_1046 : i32 to index
    %get3A_1049 = arith.index_cast %get3A_1047 : i32 to index
    %get3A_1050 = arith.constant 16 : index
    %get3A_1051 = tpu.vector_load %arg6[%get3A_1048, %get3A_1049, %get3A_1050] {strides = array<i32>} : memref<4x8x64xf32, #tpu.memory_space<vmem>>, vector<16xf32>,
    %get3A_1052 = arith.constant 3 : i32
    %get3A_1053 = arith.constant 1 : i32
    %get3A_1054 = arith.index_cast %get3A_1052 : i32 to index
    %get3A_1055 = arith.index_cast %get3A_1053 : i32 to index
    %get3A_1056 = arith.constant 16 : index
    %get3A_1057 = tpu.vector_load %arg7[%get3A_1054, %get3A_1055, %get3A_1056] {strides = array<i32>} : memref<4x8x64xf32, #tpu.memory_space<vmem>>, vector<16xf32>,
    %add3A_1058 = arith.addf %get3A_1051, %get3A_1057 : vector<16xf32>
    %get3A_1059 = arith.constant 3 : i32
    %get3A_1060 = arith.constant 1 : i32
    %get3A_1061 = arith.index_cast %get3A_1059 : i32 to index
    %get3A_1062 = arith.index_cast %get3A_1060 : i32 to index
    %get3A_1063 = arith.constant 16 : index
    %get3A_1064 = tpu.vector_load %arg8[%get3A_1061, %get3A_1062, %get3A_1063] {strides = array<i32>} : memref<4x8x64xf32, #tpu.memory_space<vmem>>, vector<16xf32>,
    %sub3A_1065 = arith.subf %add3A_1058, %get3A_1064 : vector<16xf32>
    %gt3A_1066 = arith.cmpf ogt, %sub3A_1065, %select_n3A_1042 : vector<16xf32>
    %select_n3A_1067 = arith.select %gt3A_1066, %sub3A_1065, %select_n3A_1042 : vector<16xi1>, vector<16xf32>
    %jit3A_1068 = arith.constant 3 : i32
    %broadcast_in_dim3A_1069 = vector.broadcast %jit3A_1068 : i32 to vector<16xi32>
    %select_n3A_1070 = arith.select %gt3A_1066, %broadcast_in_dim3A_1069, %select_n3A_1045 : vector<16xi1>, vector<16xi32>
    %shift_left3A_1071 = arith.constant 2 : i32
    %shift_left3A_1072 = vector.broadcast %shift_left3A_1071 : i32 to vector<16xi32>
    %shift_left3A_1073 = arith.shli %select_n3A_1070, %shift_left3A_1072 : vector<16xi32>
    %or3A_1074 = arith.ori %or3A_973, %shift_left3A_1073 : vector<16xi32>
    %get3A_1075 = arith.constant 0 : i32
    %get3A_1076 = arith.constant 2 : i32
    %get3A_1077 = arith.index_cast %get3A_1075 : i32 to index
    %get3A_1078 = arith.index_cast %get3A_1076 : i32 to index
    %get3A_1079 = arith.constant 16 : index
    %get3A_1080 = tpu.vector_load %arg6[%get3A_1077, %get3A_1078, %get3A_1079] {strides = array<i32>} : memref<4x8x64xf32, #tpu.memory_space<vmem>>, vector<16xf32>,
    %get3A_1081 = arith.constant 0 : i32
    %get3A_1082 = arith.constant 2 : i32
    %get3A_1083 = arith.index_cast %get3A_1081 : i32 to index
    %get3A_1084 = arith.index_cast %get3A_1082 : i32 to index
    %get3A_1085 = arith.constant 16 : index
    %get3A_1086 = tpu.vector_load %arg7[%get3A_1083, %get3A_1084, %get3A_1085] {strides = array<i32>} : memref<4x8x64xf32, #tpu.memory_space<vmem>>, vector<16xf32>,
    %add3A_1087 = arith.addf %get3A_1080, %get3A_1086 : vector<16xf32>
    %get3A_1088 = arith.constant 0 : i32
    %get3A_1089 = arith.constant 2 : i32
    %get3A_1090 = arith.index_cast %get3A_1088 : i32 to index
    %get3A_1091 = arith.index_cast %get3A_1089 : i32 to index
    %get3A_1092 = arith.constant 16 : index
    %get3A_1093 = tpu.vector_load %arg8[%get3A_1090, %get3A_1091, %get3A_1092] {strides = array<i32>} : memref<4x8x64xf32, #tpu.memory_space<vmem>>, vector<16xf32>,
    %sub3A_1094 = arith.subf %add3A_1087, %get3A_1093 : vector<16xf32>
    %broadcast_in_dim3A_1095 = arith.constant 0 : i32
    %broadcast_in_dim3A_1096 = vector.broadcast %broadcast_in_dim3A_1095 : i32 to vector<16xi32>
    %get3A_1097 = arith.constant 1 : i32
    %get3A_1098 = arith.constant 2 : i32
    %get3A_1099 = arith.index_cast %get3A_1097 : i32 to index
    %get3A_1100 = arith.index_cast %get3A_1098 : i32 to index
    %get3A_1101 = arith.constant 16 : index
    %get3A_1102 = tpu.vector_load %arg6[%get3A_1099, %get3A_1100, %get3A_1101] {strides = array<i32>} : memref<4x8x64xf32, #tpu.memory_space<vmem>>, vector<16xf32>,
    %get3A_1103 = arith.constant 1 : i32
    %get3A_1104 = arith.constant 2 : i32
    %get3A_1105 = arith.index_cast %get3A_1103 : i32 to index
    %get3A_1106 = arith.index_cast %get3A_1104 : i32 to index
    %get3A_1107 = arith.constant 16 : index
    %get3A_1108 = tpu.vector_load %arg7[%get3A_1105, %get3A_1106, %get3A_1107] {strides = array<i32>} : memref<4x8x64xf32, #tpu.memory_space<vmem>>, vector<16xf32>,
    %add3A_1109 = arith.addf %get3A_1102, %get3A_1108 : vector<16xf32>
    %get3A_1110 = arith.constant 1 : i32
    %get3A_1111 = arith.constant 2 : i32
    %get3A_1112 = arith.index_cast %get3A_1110 : i32 to index
    %get3A_1113 = arith.index_cast %get3A_1111 : i32 to index
    %get3A_1114 = arith.constant 16 : index
    %get3A_1115 = tpu.vector_load %arg8[%get3A_1112, %get3A_1113, %get3A_1114] {strides = array<i32>} : memref<4x8x64xf32, #tpu.memory_space<vmem>>, vector<16xf32>,
    %sub3A_1116 = arith.subf %add3A_1109, %get3A_1115 : vector<16xf32>
    %gt3A_1117 = arith.cmpf ogt, %sub3A_1116, %sub3A_1094 : vector<16xf32>
    %select_n3A_1118 = arith.select %gt3A_1117, %sub3A_1116, %sub3A_1094 : vector<16xi1>, vector<16xf32>
    %jit3A_1119 = arith.constant 1 : i32
    %broadcast_in_dim3A_1120 = vector.broadcast %jit3A_1119 : i32 to vector<16xi32>
    %select_n3A_1121 = arith.select %gt3A_1117, %broadcast_in_dim3A_1120, %broadcast_in_dim3A_1096 : vector<16xi1>, vector<16xi32>
    %get3A_1122 = arith.constant 2 : i32
    %get3A_1123 = arith.constant 2 : i32
    %get3A_1124 = arith.index_cast %get3A_1122 : i32 to index
    %get3A_1125 = arith.index_cast %get3A_1123 : i32 to index
    %get3A_1126 = arith.constant 16 : index
    %get3A_1127 = tpu.vector_load %arg6[%get3A_1124, %get3A_1125, %get3A_1126] {strides = array<i32>} : memref<4x8x64xf32, #tpu.memory_space<vmem>>, vector<16xf32>,
    %get3A_1128 = arith.constant 2 : i32
    %get3A_1129 = arith.constant 2 : i32
    %get3A_1130 = arith.index_cast %get3A_1128 : i32 to index
    %get3A_1131 = arith.index_cast %get3A_1129 : i32 to index
    %get3A_1132 = arith.constant 16 : index
    %get3A_1133 = tpu.vector_load %arg7[%get3A_1130, %get3A_1131, %get3A_1132] {strides = array<i32>} : memref<4x8x64xf32, #tpu.memory_space<vmem>>, vector<16xf32>,
    %add3A_1134 = arith.addf %get3A_1127, %get3A_1133 : vector<16xf32>
    %get3A_1135 = arith.constant 2 : i32
    %get3A_1136 = arith.constant 2 : i32
    %get3A_1137 = arith.index_cast %get3A_1135 : i32 to index
    %get3A_1138 = arith.index_cast %get3A_1136 : i32 to index
    %get3A_1139 = arith.constant 16 : index
    %get3A_1140 = tpu.vector_load %arg8[%get3A_1137, %get3A_1138, %get3A_1139] {strides = array<i32>} : memref<4x8x64xf32, #tpu.memory_space<vmem>>, vector<16xf32>,
    %sub3A_1141 = arith.subf %add3A_1134, %get3A_1140 : vector<16xf32>
    %gt3A_1142 = arith.cmpf ogt, %sub3A_1141, %select_n3A_1118 : vector<16xf32>
    %select_n3A_1143 = arith.select %gt3A_1142, %sub3A_1141, %select_n3A_1118 : vector<16xi1>, vector<16xf32>
    %jit3A_1144 = arith.constant 2 : i32
    %broadcast_in_dim3A_1145 = vector.broadcast %jit3A_1144 : i32 to vector<16xi32>
    %select_n3A_1146 = arith.select %gt3A_1142, %broadcast_in_dim3A_1145, %select_n3A_1121 : vector<16xi1>, vector<16xi32>
    %get3A_1147 = arith.constant 3 : i32
    %get3A_1148 = arith.constant 2 : i32
    %get3A_1149 = arith.index_cast %get3A_1147 : i32 to index
    %get3A_1150 = arith.index_cast %get3A_1148 : i32 to index
    %get3A_1151 = arith.constant 16 : index
    %get3A_1152 = tpu.vector_load %arg6[%get3A_1149, %get3A_1150, %get3A_1151] {strides = array<i32>} : memref<4x8x64xf32, #tpu.memory_space<vmem>>, vector<16xf32>,
    %get3A_1153 = arith.constant 3 : i32
    %get3A_1154 = arith.constant 2 : i32
    %get3A_1155 = arith.index_cast %get3A_1153 : i32 to index
    %get3A_1156 = arith.index_cast %get3A_1154 : i32 to index
    %get3A_1157 = arith.constant 16 : index
    %get3A_1158 = tpu.vector_load %arg7[%get3A_1155, %get3A_1156, %get3A_1157] {strides = array<i32>} : memref<4x8x64xf32, #tpu.memory_space<vmem>>, vector<16xf32>,
    %add3A_1159 = arith.addf %get3A_1152, %get3A_1158 : vector<16xf32>
    %get3A_1160 = arith.constant 3 : i32
    %get3A_1161 = arith.constant 2 : i32
    %get3A_1162 = arith.index_cast %get3A_1160 : i32 to index
    %get3A_1163 = arith.index_cast %get3A_1161 : i32 to index
    %get3A_1164 = arith.constant 16 : index
    %get3A_1165 = tpu.vector_load %arg8[%get3A_1162, %get3A_1163, %get3A_1164] {strides = array<i32>} : memref<4x8x64xf32, #tpu.memory_space<vmem>>, vector<16xf32>,
    %sub3A_1166 = arith.subf %add3A_1159, %get3A_1165 : vector<16xf32>
    %gt3A_1167 = arith.cmpf ogt, %sub3A_1166, %select_n3A_1143 : vector<16xf32>
    %select_n3A_1168 = arith.select %gt3A_1167, %sub3A_1166, %select_n3A_1143 : vector<16xi1>, vector<16xf32>
    %jit3A_1169 = arith.constant 3 : i32
    %broadcast_in_dim3A_1170 = vector.broadcast %jit3A_1169 : i32 to vector<16xi32>
    %select_n3A_1171 = arith.select %gt3A_1167, %broadcast_in_dim3A_1170, %select_n3A_1146 : vector<16xi1>, vector<16xi32>
    %shift_left3A_1172 = arith.constant 4 : i32
    %shift_left3A_1173 = vector.broadcast %shift_left3A_1172 : i32 to vector<16xi32>
    %shift_left3A_1174 = arith.shli %select_n3A_1171, %shift_left3A_1173 : vector<16xi32>
    %or3A_1175 = arith.ori %or3A_1074, %shift_left3A_1174 : vector<16xi32>
    %get3A_1176 = arith.constant 0 : i32
    %get3A_1177 = arith.constant 3 : i32
    %get3A_1178 = arith.index_cast %get3A_1176 : i32 to index
    %get3A_1179 = arith.index_cast %get3A_1177 : i32 to index
    %get3A_1180 = arith.constant 16 : index
    %get3A_1181 = tpu.vector_load %arg6[%get3A_1178, %get3A_1179, %get3A_1180] {strides = array<i32>} : memref<4x8x64xf32, #tpu.memory_space<vmem>>, vector<16xf32>,
    %get3A_1182 = arith.constant 0 : i32
    %get3A_1183 = arith.constant 3 : i32
    %get3A_1184 = arith.index_cast %get3A_1182 : i32 to index
    %get3A_1185 = arith.index_cast %get3A_1183 : i32 to index
    %get3A_1186 = arith.constant 16 : index
    %get3A_1187 = tpu.vector_load %arg7[%get3A_1184, %get3A_1185, %get3A_1186] {strides = array<i32>} : memref<4x8x64xf32, #tpu.memory_space<vmem>>, vector<16xf32>,
    %add3A_1188 = arith.addf %get3A_1181, %get3A_1187 : vector<16xf32>
    %get3A_1189 = arith.constant 0 : i32
    %get3A_1190 = arith.constant 3 : i32
    %get3A_1191 = arith.index_cast %get3A_1189 : i32 to index
    %get3A_1192 = arith.index_cast %get3A_1190 : i32 to index
    %get3A_1193 = arith.constant 16 : index
    %get3A_1194 = tpu.vector_load %arg8[%get3A_1191, %get3A_1192, %get3A_1193] {strides = array<i32>} : memref<4x8x64xf32, #tpu.memory_space<vmem>>, vector<16xf32>,
    %sub3A_1195 = arith.subf %add3A_1188, %get3A_1194 : vector<16xf32>
    %broadcast_in_dim3A_1196 = arith.constant 0 : i32
    %broadcast_in_dim3A_1197 = vector.broadcast %broadcast_in_dim3A_1196 : i32 to vector<16xi32>
    %get3A_1198 = arith.constant 1 : i32
    %get3A_1199 = arith.constant 3 : i32
    %get3A_1200 = arith.index_cast %get3A_1198 : i32 to index
    %get3A_1201 = arith.index_cast %get3A_1199 : i32 to index
    %get3A_1202 = arith.constant 16 : index
    %get3A_1203 = tpu.vector_load %arg6[%get3A_1200, %get3A_1201, %get3A_1202] {strides = array<i32>} : memref<4x8x64xf32, #tpu.memory_space<vmem>>, vector<16xf32>,
    %get3A_1204 = arith.constant 1 : i32
    %get3A_1205 = arith.constant 3 : i32
    %get3A_1206 = arith.index_cast %get3A_1204 : i32 to index
    %get3A_1207 = arith.index_cast %get3A_1205 : i32 to index
    %get3A_1208 = arith.constant 16 : index
    %get3A_1209 = tpu.vector_load %arg7[%get3A_1206, %get3A_1207, %get3A_1208] {strides = array<i32>} : memref<4x8x64xf32, #tpu.memory_space<vmem>>, vector<16xf32>,
    %add3A_1210 = arith.addf %get3A_1203, %get3A_1209 : vector<16xf32>
    %get3A_1211 = arith.constant 1 : i32
    %get3A_1212 = arith.constant 3 : i32
    %get3A_1213 = arith.index_cast %get3A_1211 : i32 to index
    %get3A_1214 = arith.index_cast %get3A_1212 : i32 to index
    %get3A_1215 = arith.constant 16 : index
    %get3A_1216 = tpu.vector_load %arg8[%get3A_1213, %get3A_1214, %get3A_1215] {strides = array<i32>} : memref<4x8x64xf32, #tpu.memory_space<vmem>>, vector<16xf32>,
    %sub3A_1217 = arith.subf %add3A_1210, %get3A_1216 : vector<16xf32>
    %gt3A_1218 = arith.cmpf ogt, %sub3A_1217, %sub3A_1195 : vector<16xf32>
    %select_n3A_1219 = arith.select %gt3A_1218, %sub3A_1217, %sub3A_1195 : vector<16xi1>, vector<16xf32>
    %jit3A_1220 = arith.constant 1 : i32
    %broadcast_in_dim3A_1221 = vector.broadcast %jit3A_1220 : i32 to vector<16xi32>
    %select_n3A_1222 = arith.select %gt3A_1218, %broadcast_in_dim3A_1221, %broadcast_in_dim3A_1197 : vector<16xi1>, vector<16xi32>
    %get3A_1223 = arith.constant 2 : i32
    %get3A_1224 = arith.constant 3 : i32
    %get3A_1225 = arith.index_cast %get3A_1223 : i32 to index
    %get3A_1226 = arith.index_cast %get3A_1224 : i32 to index
    %get3A_1227 = arith.constant 16 : index
    %get3A_1228 = tpu.vector_load %arg6[%get3A_1225, %get3A_1226, %get3A_1227] {strides = array<i32>} : memref<4x8x64xf32, #tpu.memory_space<vmem>>, vector<16xf32>,
    %get3A_1229 = arith.constant 2 : i32
    %get3A_1230 = arith.constant 3 : i32
    %get3A_1231 = arith.index_cast %get3A_1229 : i32 to index
    %get3A_1232 = arith.index_cast %get3A_1230 : i32 to index
    %get3A_1233 = arith.constant 16 : index
    %get3A_1234 = tpu.vector_load %arg7[%get3A_1231, %get3A_1232, %get3A_1233] {strides = array<i32>} : memref<4x8x64xf32, #tpu.memory_space<vmem>>, vector<16xf32>,
    %add3A_1235 = arith.addf %get3A_1228, %get3A_1234 : vector<16xf32>
    %get3A_1236 = arith.constant 2 : i32
    %get3A_1237 = arith.constant 3 : i32
    %get3A_1238 = arith.index_cast %get3A_1236 : i32 to index
    %get3A_1239 = arith.index_cast %get3A_1237 : i32 to index
    %get3A_1240 = arith.constant 16 : index
    %get3A_1241 = tpu.vector_load %arg8[%get3A_1238, %get3A_1239, %get3A_1240] {strides = array<i32>} : memref<4x8x64xf32, #tpu.memory_space<vmem>>, vector<16xf32>,
    %sub3A_1242 = arith.subf %add3A_1235, %get3A_1241 : vector<16xf32>
    %gt3A_1243 = arith.cmpf ogt, %sub3A_1242, %select_n3A_1219 : vector<16xf32>
    %select_n3A_1244 = arith.select %gt3A_1243, %sub3A_1242, %select_n3A_1219 : vector<16xi1>, vector<16xf32>
    %jit3A_1245 = arith.constant 2 : i32
    %broadcast_in_dim3A_1246 = vector.broadcast %jit3A_1245 : i32 to vector<16xi32>
    %select_n3A_1247 = arith.select %gt3A_1243, %broadcast_in_dim3A_1246, %select_n3A_1222 : vector<16xi1>, vector<16xi32>
    %get3A_1248 = arith.constant 3 : i32
    %get3A_1249 = arith.constant 3 : i32
    %get3A_1250 = arith.index_cast %get3A_1248 : i32 to index
    %get3A_1251 = arith.index_cast %get3A_1249 : i32 to index
    %get3A_1252 = arith.constant 16 : index
    %get3A_1253 = tpu.vector_load %arg6[%get3A_1250, %get3A_1251, %get3A_1252] {strides = array<i32>} : memref<4x8x64xf32, #tpu.memory_space<vmem>>, vector<16xf32>,
    %get3A_1254 = arith.constant 3 : i32
    %get3A_1255 = arith.constant 3 : i32
    %get3A_1256 = arith.index_cast %get3A_1254 : i32 to index
    %get3A_1257 = arith.index_cast %get3A_1255 : i32 to index
    %get3A_1258 = arith.constant 16 : index
    %get3A_1259 = tpu.vector_load %arg7[%get3A_1256, %get3A_1257, %get3A_1258] {strides = array<i32>} : memref<4x8x64xf32, #tpu.memory_space<vmem>>, vector<16xf32>,
    %add3A_1260 = arith.addf %get3A_1253, %get3A_1259 : vector<16xf32>
    %get3A_1261 = arith.constant 3 : i32
    %get3A_1262 = arith.constant 3 : i32
    %get3A_1263 = arith.index_cast %get3A_1261 : i32 to index
    %get3A_1264 = arith.index_cast %get3A_1262 : i32 to index
    %get3A_1265 = arith.constant 16 : index
    %get3A_1266 = tpu.vector_load %arg8[%get3A_1263, %get3A_1264, %get3A_1265] {strides = array<i32>} : memref<4x8x64xf32, #tpu.memory_space<vmem>>, vector<16xf32>,
    %sub3A_1267 = arith.subf %add3A_1260, %get3A_1266 : vector<16xf32>
    %gt3A_1268 = arith.cmpf ogt, %sub3A_1267, %select_n3A_1244 : vector<16xf32>
    %select_n3A_1269 = arith.select %gt3A_1268, %sub3A_1267, %select_n3A_1244 : vector<16xi1>, vector<16xf32>
    %jit3A_1270 = arith.constant 3 : i32
    %broadcast_in_dim3A_1271 = vector.broadcast %jit3A_1270 : i32 to vector<16xi32>
    %select_n3A_1272 = arith.select %gt3A_1268, %broadcast_in_dim3A_1271, %select_n3A_1247 : vector<16xi1>, vector<16xi32>
    %shift_left3A_1273 = arith.constant 6 : i32
    %shift_left3A_1274 = vector.broadcast %shift_left3A_1273 : i32 to vector<16xi32>
    %shift_left3A_1275 = arith.shli %select_n3A_1272, %shift_left3A_1274 : vector<16xi32>
    %or3A_1276 = arith.ori %or3A_1175, %shift_left3A_1275 : vector<16xi32>
    %get3A_1277 = arith.constant 0 : i32
    %get3A_1278 = arith.constant 4 : i32
    %get3A_1279 = arith.index_cast %get3A_1277 : i32 to index
    %get3A_1280 = arith.index_cast %get3A_1278 : i32 to index
    %get3A_1281 = arith.constant 16 : index
    %get3A_1282 = tpu.vector_load %arg6[%get3A_1279, %get3A_1280, %get3A_1281] {strides = array<i32>} : memref<4x8x64xf32, #tpu.memory_space<vmem>>, vector<16xf32>,
    %get3A_1283 = arith.constant 0 : i32
    %get3A_1284 = arith.constant 4 : i32
    %get3A_1285 = arith.index_cast %get3A_1283 : i32 to index
    %get3A_1286 = arith.index_cast %get3A_1284 : i32 to index
    %get3A_1287 = arith.constant 16 : index
    %get3A_1288 = tpu.vector_load %arg7[%get3A_1285, %get3A_1286, %get3A_1287] {strides = array<i32>} : memref<4x8x64xf32, #tpu.memory_space<vmem>>, vector<16xf32>,
    %add3A_1289 = arith.addf %get3A_1282, %get3A_1288 : vector<16xf32>
    %get3A_1290 = arith.constant 0 : i32
    %get3A_1291 = arith.constant 4 : i32
    %get3A_1292 = arith.index_cast %get3A_1290 : i32 to index
    %get3A_1293 = arith.index_cast %get3A_1291 : i32 to index
    %get3A_1294 = arith.constant 16 : index
    %get3A_1295 = tpu.vector_load %arg8[%get3A_1292, %get3A_1293, %get3A_1294] {strides = array<i32>} : memref<4x8x64xf32, #tpu.memory_space<vmem>>, vector<16xf32>,
    %sub3A_1296 = arith.subf %add3A_1289, %get3A_1295 : vector<16xf32>
    %broadcast_in_dim3A_1297 = arith.constant 0 : i32
    %broadcast_in_dim3A_1298 = vector.broadcast %broadcast_in_dim3A_1297 : i32 to vector<16xi32>
    %get3A_1299 = arith.constant 1 : i32
    %get3A_1300 = arith.constant 4 : i32
    %get3A_1301 = arith.index_cast %get3A_1299 : i32 to index
    %get3A_1302 = arith.index_cast %get3A_1300 : i32 to index
    %get3A_1303 = arith.constant 16 : index
    %get3A_1304 = tpu.vector_load %arg6[%get3A_1301, %get3A_1302, %get3A_1303] {strides = array<i32>} : memref<4x8x64xf32, #tpu.memory_space<vmem>>, vector<16xf32>,
    %get3A_1305 = arith.constant 1 : i32
    %get3A_1306 = arith.constant 4 : i32
    %get3A_1307 = arith.index_cast %get3A_1305 : i32 to index
    %get3A_1308 = arith.index_cast %get3A_1306 : i32 to index
    %get3A_1309 = arith.constant 16 : index
    %get3A_1310 = tpu.vector_load %arg7[%get3A_1307, %get3A_1308, %get3A_1309] {strides = array<i32>} : memref<4x8x64xf32, #tpu.memory_space<vmem>>, vector<16xf32>,
    %add3A_1311 = arith.addf %get3A_1304, %get3A_1310 : vector<16xf32>
    %get3A_1312 = arith.constant 1 : i32
    %get3A_1313 = arith.constant 4 : i32
    %get3A_1314 = arith.index_cast %get3A_1312 : i32 to index
    %get3A_1315 = arith.index_cast %get3A_1313 : i32 to index
    %get3A_1316 = arith.constant 16 : index
    %get3A_1317 = tpu.vector_load %arg8[%get3A_1314, %get3A_1315, %get3A_1316] {strides = array<i32>} : memref<4x8x64xf32, #tpu.memory_space<vmem>>, vector<16xf32>,
    %sub3A_1318 = arith.subf %add3A_1311, %get3A_1317 : vector<16xf32>
    %gt3A_1319 = arith.cmpf ogt, %sub3A_1318, %sub3A_1296 : vector<16xf32>
    %select_n3A_1320 = arith.select %gt3A_1319, %sub3A_1318, %sub3A_1296 : vector<16xi1>, vector<16xf32>
    %jit3A_1321 = arith.constant 1 : i32
    %broadcast_in_dim3A_1322 = vector.broadcast %jit3A_1321 : i32 to vector<16xi32>
    %select_n3A_1323 = arith.select %gt3A_1319, %broadcast_in_dim3A_1322, %broadcast_in_dim3A_1298 : vector<16xi1>, vector<16xi32>
    %get3A_1324 = arith.constant 2 : i32
    %get3A_1325 = arith.constant 4 : i32
    %get3A_1326 = arith.index_cast %get3A_1324 : i32 to index
    %get3A_1327 = arith.index_cast %get3A_1325 : i32 to index
    %get3A_1328 = arith.constant 16 : index
    %get3A_1329 = tpu.vector_load %arg6[%get3A_1326, %get3A_1327, %get3A_1328] {strides = array<i32>} : memref<4x8x64xf32, #tpu.memory_space<vmem>>, vector<16xf32>,
    %get3A_1330 = arith.constant 2 : i32
    %get3A_1331 = arith.constant 4 : i32
    %get3A_1332 = arith.index_cast %get3A_1330 : i32 to index
    %get3A_1333 = arith.index_cast %get3A_1331 : i32 to index
    %get3A_1334 = arith.constant 16 : index
    %get3A_1335 = tpu.vector_load %arg7[%get3A_1332, %get3A_1333, %get3A_1334] {strides = array<i32>} : memref<4x8x64xf32, #tpu.memory_space<vmem>>, vector<16xf32>,
    %add3A_1336 = arith.addf %get3A_1329, %get3A_1335 : vector<16xf32>
    %get3A_1337 = arith.constant 2 : i32
    %get3A_1338 = arith.constant 4 : i32
    %get3A_1339 = arith.index_cast %get3A_1337 : i32 to index
    %get3A_1340 = arith.index_cast %get3A_1338 : i32 to index
    %get3A_1341 = arith.constant 16 : index
    %get3A_1342 = tpu.vector_load %arg8[%get3A_1339, %get3A_1340, %get3A_1341] {strides = array<i32>} : memref<4x8x64xf32, #tpu.memory_space<vmem>>, vector<16xf32>,
    %sub3A_1343 = arith.subf %add3A_1336, %get3A_1342 : vector<16xf32>
    %gt3A_1344 = arith.cmpf ogt, %sub3A_1343, %select_n3A_1320 : vector<16xf32>
    %select_n3A_1345 = arith.select %gt3A_1344, %sub3A_1343, %select_n3A_1320 : vector<16xi1>, vector<16xf32>
    %jit3A_1346 = arith.constant 2 : i32
    %broadcast_in_dim3A_1347 = vector.broadcast %jit3A_1346 : i32 to vector<16xi32>
    %select_n3A_1348 = arith.select %gt3A_1344, %broadcast_in_dim3A_1347, %select_n3A_1323 : vector<16xi1>, vector<16xi32>
    %get3A_1349 = arith.constant 3 : i32
    %get3A_1350 = arith.constant 4 : i32
    %get3A_1351 = arith.index_cast %get3A_1349 : i32 to index
    %get3A_1352 = arith.index_cast %get3A_1350 : i32 to index
    %get3A_1353 = arith.constant 16 : index
    %get3A_1354 = tpu.vector_load %arg6[%get3A_1351, %get3A_1352, %get3A_1353] {strides = array<i32>} : memref<4x8x64xf32, #tpu.memory_space<vmem>>, vector<16xf32>,
    %get3A_1355 = arith.constant 3 : i32
    %get3A_1356 = arith.constant 4 : i32
    %get3A_1357 = arith.index_cast %get3A_1355 : i32 to index
    %get3A_1358 = arith.index_cast %get3A_1356 : i32 to index
    %get3A_1359 = arith.constant 16 : index
    %get3A_1360 = tpu.vector_load %arg7[%get3A_1357, %get3A_1358, %get3A_1359] {strides = array<i32>} : memref<4x8x64xf32, #tpu.memory_space<vmem>>, vector<16xf32>,
    %add3A_1361 = arith.addf %get3A_1354, %get3A_1360 : vector<16xf32>
    %get3A_1362 = arith.constant 3 : i32
    %get3A_1363 = arith.constant 4 : i32
    %get3A_1364 = arith.index_cast %get3A_1362 : i32 to index
    %get3A_1365 = arith.index_cast %get3A_1363 : i32 to index
    %get3A_1366 = arith.constant 16 : index
    %get3A_1367 = tpu.vector_load %arg8[%get3A_1364, %get3A_1365, %get3A_1366] {strides = array<i32>} : memref<4x8x64xf32, #tpu.memory_space<vmem>>, vector<16xf32>,
    %sub3A_1368 = arith.subf %add3A_1361, %get3A_1367 : vector<16xf32>
    %gt3A_1369 = arith.cmpf ogt, %sub3A_1368, %select_n3A_1345 : vector<16xf32>
    %select_n3A_1370 = arith.select %gt3A_1369, %sub3A_1368, %select_n3A_1345 : vector<16xi1>, vector<16xf32>
    %jit3A_1371 = arith.constant 3 : i32
    %broadcast_in_dim3A_1372 = vector.broadcast %jit3A_1371 : i32 to vector<16xi32>
    %select_n3A_1373 = arith.select %gt3A_1369, %broadcast_in_dim3A_1372, %select_n3A_1348 : vector<16xi1>, vector<16xi32>
    %shift_left3A_1374 = arith.constant 8 : i32
    %shift_left3A_1375 = vector.broadcast %shift_left3A_1374 : i32 to vector<16xi32>
    %shift_left3A_1376 = arith.shli %select_n3A_1373, %shift_left3A_1375 : vector<16xi32>
    %or3A_1377 = arith.ori %or3A_1276, %shift_left3A_1376 : vector<16xi32>
    %get3A_1378 = arith.constant 0 : i32
    %get3A_1379 = arith.constant 5 : i32
    %get3A_1380 = arith.index_cast %get3A_1378 : i32 to index
    %get3A_1381 = arith.index_cast %get3A_1379 : i32 to index
    %get3A_1382 = arith.constant 16 : index
    %get3A_1383 = tpu.vector_load %arg6[%get3A_1380, %get3A_1381, %get3A_1382] {strides = array<i32>} : memref<4x8x64xf32, #tpu.memory_space<vmem>>, vector<16xf32>,
    %get3A_1384 = arith.constant 0 : i32
    %get3A_1385 = arith.constant 5 : i32
    %get3A_1386 = arith.index_cast %get3A_1384 : i32 to index
    %get3A_1387 = arith.index_cast %get3A_1385 : i32 to index
    %get3A_1388 = arith.constant 16 : index
    %get3A_1389 = tpu.vector_load %arg7[%get3A_1386, %get3A_1387, %get3A_1388] {strides = array<i32>} : memref<4x8x64xf32, #tpu.memory_space<vmem>>, vector<16xf32>,
    %add3A_1390 = arith.addf %get3A_1383, %get3A_1389 : vector<16xf32>
    %get3A_1391 = arith.constant 0 : i32
    %get3A_1392 = arith.constant 5 : i32
    %get3A_1393 = arith.index_cast %get3A_1391 : i32 to index
    %get3A_1394 = arith.index_cast %get3A_1392 : i32 to index
    %get3A_1395 = arith.constant 16 : index
    %get3A_1396 = tpu.vector_load %arg8[%get3A_1393, %get3A_1394, %get3A_1395] {strides = array<i32>} : memref<4x8x64xf32, #tpu.memory_space<vmem>>, vector<16xf32>,
    %sub3A_1397 = arith.subf %add3A_1390, %get3A_1396 : vector<16xf32>
    %broadcast_in_dim3A_1398 = arith.constant 0 : i32
    %broadcast_in_dim3A_1399 = vector.broadcast %broadcast_in_dim3A_1398 : i32 to vector<16xi32>
    %get3A_1400 = arith.constant 1 : i32
    %get3A_1401 = arith.constant 5 : i32
    %get3A_1402 = arith.index_cast %get3A_1400 : i32 to index
    %get3A_1403 = arith.index_cast %get3A_1401 : i32 to index
    %get3A_1404 = arith.constant 16 : index
    %get3A_1405 = tpu.vector_load %arg6[%get3A_1402, %get3A_1403, %get3A_1404] {strides = array<i32>} : memref<4x8x64xf32, #tpu.memory_space<vmem>>, vector<16xf32>,
    %get3A_1406 = arith.constant 1 : i32
    %get3A_1407 = arith.constant 5 : i32
    %get3A_1408 = arith.index_cast %get3A_1406 : i32 to index
    %get3A_1409 = arith.index_cast %get3A_1407 : i32 to index
    %get3A_1410 = arith.constant 16 : index
    %get3A_1411 = tpu.vector_load %arg7[%get3A_1408, %get3A_1409, %get3A_1410] {strides = array<i32>} : memref<4x8x64xf32, #tpu.memory_space<vmem>>, vector<16xf32>,
    %add3A_1412 = arith.addf %get3A_1405, %get3A_1411 : vector<16xf32>
    %get3A_1413 = arith.constant 1 : i32
    %get3A_1414 = arith.constant 5 : i32
    %get3A_1415 = arith.index_cast %get3A_1413 : i32 to index
    %get3A_1416 = arith.index_cast %get3A_1414 : i32 to index
    %get3A_1417 = arith.constant 16 : index
    %get3A_1418 = tpu.vector_load %arg8[%get3A_1415, %get3A_1416, %get3A_1417] {strides = array<i32>} : memref<4x8x64xf32, #tpu.memory_space<vmem>>, vector<16xf32>,
    %sub3A_1419 = arith.subf %add3A_1412, %get3A_1418 : vector<16xf32>
    %gt3A_1420 = arith.cmpf ogt, %sub3A_1419, %sub3A_1397 : vector<16xf32>
    %select_n3A_1421 = arith.select %gt3A_1420, %sub3A_1419, %sub3A_1397 : vector<16xi1>, vector<16xf32>
    %jit3A_1422 = arith.constant 1 : i32
    %broadcast_in_dim3A_1423 = vector.broadcast %jit3A_1422 : i32 to vector<16xi32>
    %select_n3A_1424 = arith.select %gt3A_1420, %broadcast_in_dim3A_1423, %broadcast_in_dim3A_1399 : vector<16xi1>, vector<16xi32>
    %get3A_1425 = arith.constant 2 : i32
    %get3A_1426 = arith.constant 5 : i32
    %get3A_1427 = arith.index_cast %get3A_1425 : i32 to index
    %get3A_1428 = arith.index_cast %get3A_1426 : i32 to index
    %get3A_1429 = arith.constant 16 : index
    %get3A_1430 = tpu.vector_load %arg6[%get3A_1427, %get3A_1428, %get3A_1429] {strides = array<i32>} : memref<4x8x64xf32, #tpu.memory_space<vmem>>, vector<16xf32>,
    %get3A_1431 = arith.constant 2 : i32
    %get3A_1432 = arith.constant 5 : i32
    %get3A_1433 = arith.index_cast %get3A_1431 : i32 to index
    %get3A_1434 = arith.index_cast %get3A_1432 : i32 to index
    %get3A_1435 = arith.constant 16 : index
    %get3A_1436 = tpu.vector_load %arg7[%get3A_1433, %get3A_1434, %get3A_1435] {strides = array<i32>} : memref<4x8x64xf32, #tpu.memory_space<vmem>>, vector<16xf32>,
    %add3A_1437 = arith.addf %get3A_1430, %get3A_1436 : vector<16xf32>
    %get3A_1438 = arith.constant 2 : i32
    %get3A_1439 = arith.constant 5 : i32
    %get3A_1440 = arith.index_cast %get3A_1438 : i32 to index
    %get3A_1441 = arith.index_cast %get3A_1439 : i32 to index
    %get3A_1442 = arith.constant 16 : index
    %get3A_1443 = tpu.vector_load %arg8[%get3A_1440, %get3A_1441, %get3A_1442] {strides = array<i32>} : memref<4x8x64xf32, #tpu.memory_space<vmem>>, vector<16xf32>,
    %sub3A_1444 = arith.subf %add3A_1437, %get3A_1443 : vector<16xf32>
    %gt3A_1445 = arith.cmpf ogt, %sub3A_1444, %select_n3A_1421 : vector<16xf32>
    %select_n3A_1446 = arith.select %gt3A_1445, %sub3A_1444, %select_n3A_1421 : vector<16xi1>, vector<16xf32>
    %jit3A_1447 = arith.constant 2 : i32
    %broadcast_in_dim3A_1448 = vector.broadcast %jit3A_1447 : i32 to vector<16xi32>
    %select_n3A_1449 = arith.select %gt3A_1445, %broadcast_in_dim3A_1448, %select_n3A_1424 : vector<16xi1>, vector<16xi32>
    %get3A_1450 = arith.constant 3 : i32
    %get3A_1451 = arith.constant 5 : i32
    %get3A_1452 = arith.index_cast %get3A_1450 : i32 to index
    %get3A_1453 = arith.index_cast %get3A_1451 : i32 to index
    %get3A_1454 = arith.constant 16 : index
    %get3A_1455 = tpu.vector_load %arg6[%get3A_1452, %get3A_1453, %get3A_1454] {strides = array<i32>} : memref<4x8x64xf32, #tpu.memory_space<vmem>>, vector<16xf32>,
    %get3A_1456 = arith.constant 3 : i32
    %get3A_1457 = arith.constant 5 : i32
    %get3A_1458 = arith.index_cast %get3A_1456 : i32 to index
    %get3A_1459 = arith.index_cast %get3A_1457 : i32 to index
    %get3A_1460 = arith.constant 16 : index
    %get3A_1461 = tpu.vector_load %arg7[%get3A_1458, %get3A_1459, %get3A_1460] {strides = array<i32>} : memref<4x8x64xf32, #tpu.memory_space<vmem>>, vector<16xf32>,
    %add3A_1462 = arith.addf %get3A_1455, %get3A_1461 : vector<16xf32>
    %get3A_1463 = arith.constant 3 : i32
    %get3A_1464 = arith.constant 5 : i32
    %get3A_1465 = arith.index_cast %get3A_1463 : i32 to index
    %get3A_1466 = arith.index_cast %get3A_1464 : i32 to index
    %get3A_1467 = arith.constant 16 : index
    %get3A_1468 = tpu.vector_load %arg8[%get3A_1465, %get3A_1466, %get3A_1467] {strides = array<i32>} : memref<4x8x64xf32, #tpu.memory_space<vmem>>, vector<16xf32>,
    %sub3A_1469 = arith.subf %add3A_1462, %get3A_1468 : vector<16xf32>
    %gt3A_1470 = arith.cmpf ogt, %sub3A_1469, %select_n3A_1446 : vector<16xf32>
    %select_n3A_1471 = arith.select %gt3A_1470, %sub3A_1469, %select_n3A_1446 : vector<16xi1>, vector<16xf32>
    %jit3A_1472 = arith.constant 3 : i32
    %broadcast_in_dim3A_1473 = vector.broadcast %jit3A_1472 : i32 to vector<16xi32>
    %select_n3A_1474 = arith.select %gt3A_1470, %broadcast_in_dim3A_1473, %select_n3A_1449 : vector<16xi1>, vector<16xi32>
    %shift_left3A_1475 = arith.constant 10 : i32
    %shift_left3A_1476 = vector.broadcast %shift_left3A_1475 : i32 to vector<16xi32>
    %shift_left3A_1477 = arith.shli %select_n3A_1474, %shift_left3A_1476 : vector<16xi32>
    %or3A_1478 = arith.ori %or3A_1377, %shift_left3A_1477 : vector<16xi32>
    %get3A_1479 = arith.constant 0 : i32
    %get3A_1480 = arith.constant 6 : i32
    %get3A_1481 = arith.index_cast %get3A_1479 : i32 to index
    %get3A_1482 = arith.index_cast %get3A_1480 : i32 to index
    %get3A_1483 = arith.constant 16 : index
    %get3A_1484 = tpu.vector_load %arg6[%get3A_1481, %get3A_1482, %get3A_1483] {strides = array<i32>} : memref<4x8x64xf32, #tpu.memory_space<vmem>>, vector<16xf32>,
    %get3A_1485 = arith.constant 0 : i32
    %get3A_1486 = arith.constant 6 : i32
    %get3A_1487 = arith.index_cast %get3A_1485 : i32 to index
    %get3A_1488 = arith.index_cast %get3A_1486 : i32 to index
    %get3A_1489 = arith.constant 16 : index
    %get3A_1490 = tpu.vector_load %arg7[%get3A_1487, %get3A_1488, %get3A_1489] {strides = array<i32>} : memref<4x8x64xf32, #tpu.memory_space<vmem>>, vector<16xf32>,
    %add3A_1491 = arith.addf %get3A_1484, %get3A_1490 : vector<16xf32>
    %get3A_1492 = arith.constant 0 : i32
    %get3A_1493 = arith.constant 6 : i32
    %get3A_1494 = arith.index_cast %get3A_1492 : i32 to index
    %get3A_1495 = arith.index_cast %get3A_1493 : i32 to index
    %get3A_1496 = arith.constant 16 : index
    %get3A_1497 = tpu.vector_load %arg8[%get3A_1494, %get3A_1495, %get3A_1496] {strides = array<i32>} : memref<4x8x64xf32, #tpu.memory_space<vmem>>, vector<16xf32>,
    %sub3A_1498 = arith.subf %add3A_1491, %get3A_1497 : vector<16xf32>
    %broadcast_in_dim3A_1499 = arith.constant 0 : i32
    %broadcast_in_dim3A_1500 = vector.broadcast %broadcast_in_dim3A_1499 : i32 to vector<16xi32>
    %get3A_1501 = arith.constant 1 : i32
    %get3A_1502 = arith.constant 6 : i32
    %get3A_1503 = arith.index_cast %get3A_1501 : i32 to index
    %get3A_1504 = arith.index_cast %get3A_1502 : i32 to index
    %get3A_1505 = arith.constant 16 : index
    %get3A_1506 = tpu.vector_load %arg6[%get3A_1503, %get3A_1504, %get3A_1505] {strides = array<i32>} : memref<4x8x64xf32, #tpu.memory_space<vmem>>, vector<16xf32>,
    %get3A_1507 = arith.constant 1 : i32
    %get3A_1508 = arith.constant 6 : i32
    %get3A_1509 = arith.index_cast %get3A_1507 : i32 to index
    %get3A_1510 = arith.index_cast %get3A_1508 : i32 to index
    %get3A_1511 = arith.constant 16 : index
    %get3A_1512 = tpu.vector_load %arg7[%get3A_1509, %get3A_1510, %get3A_1511] {strides = array<i32>} : memref<4x8x64xf32, #tpu.memory_space<vmem>>, vector<16xf32>,
    %add3A_1513 = arith.addf %get3A_1506, %get3A_1512 : vector<16xf32>
    %get3A_1514 = arith.constant 1 : i32
    %get3A_1515 = arith.constant 6 : i32
    %get3A_1516 = arith.index_cast %get3A_1514 : i32 to index
    %get3A_1517 = arith.index_cast %get3A_1515 : i32 to index
    %get3A_1518 = arith.constant 16 : index
    %get3A_1519 = tpu.vector_load %arg8[%get3A_1516, %get3A_1517, %get3A_1518] {strides = array<i32>} : memref<4x8x64xf32, #tpu.memory_space<vmem>>, vector<16xf32>,
    %sub3A_1520 = arith.subf %add3A_1513, %get3A_1519 : vector<16xf32>
    %gt3A_1521 = arith.cmpf ogt, %sub3A_1520, %sub3A_1498 : vector<16xf32>
    %select_n3A_1522 = arith.select %gt3A_1521, %sub3A_1520, %sub3A_1498 : vector<16xi1>, vector<16xf32>
    %jit3A_1523 = arith.constant 1 : i32
    %broadcast_in_dim3A_1524 = vector.broadcast %jit3A_1523 : i32 to vector<16xi32>
    %select_n3A_1525 = arith.select %gt3A_1521, %broadcast_in_dim3A_1524, %broadcast_in_dim3A_1500 : vector<16xi1>, vector<16xi32>
    %get3A_1526 = arith.constant 2 : i32
    %get3A_1527 = arith.constant 6 : i32
    %get3A_1528 = arith.index_cast %get3A_1526 : i32 to index
    %get3A_1529 = arith.index_cast %get3A_1527 : i32 to index
    %get3A_1530 = arith.constant 16 : index
    %get3A_1531 = tpu.vector_load %arg6[%get3A_1528, %get3A_1529, %get3A_1530] {strides = array<i32>} : memref<4x8x64xf32, #tpu.memory_space<vmem>>, vector<16xf32>,
    %get3A_1532 = arith.constant 2 : i32
    %get3A_1533 = arith.constant 6 : i32
    %get3A_1534 = arith.index_cast %get3A_1532 : i32 to index
    %get3A_1535 = arith.index_cast %get3A_1533 : i32 to index
    %get3A_1536 = arith.constant 16 : index
    %get3A_1537 = tpu.vector_load %arg7[%get3A_1534, %get3A_1535, %get3A_1536] {strides = array<i32>} : memref<4x8x64xf32, #tpu.memory_space<vmem>>, vector<16xf32>,
    %add3A_1538 = arith.addf %get3A_1531, %get3A_1537 : vector<16xf32>
    %get3A_1539 = arith.constant 2 : i32
    %get3A_1540 = arith.constant 6 : i32
    %get3A_1541 = arith.index_cast %get3A_1539 : i32 to index
    %get3A_1542 = arith.index_cast %get3A_1540 : i32 to index
    %get3A_1543 = arith.constant 16 : index
    %get3A_1544 = tpu.vector_load %arg8[%get3A_1541, %get3A_1542, %get3A_1543] {strides = array<i32>} : memref<4x8x64xf32, #tpu.memory_space<vmem>>, vector<16xf32>,
    %sub3A_1545 = arith.subf %add3A_1538, %get3A_1544 : vector<16xf32>
    %gt3A_1546 = arith.cmpf ogt, %sub3A_1545, %select_n3A_1522 : vector<16xf32>
    %select_n3A_1547 = arith.select %gt3A_1546, %sub3A_1545, %select_n3A_1522 : vector<16xi1>, vector<16xf32>
    %jit3A_1548 = arith.constant 2 : i32
    %broadcast_in_dim3A_1549 = vector.broadcast %jit3A_1548 : i32 to vector<16xi32>
    %select_n3A_1550 = arith.select %gt3A_1546, %broadcast_in_dim3A_1549, %select_n3A_1525 : vector<16xi1>, vector<16xi32>
    %get3A_1551 = arith.constant 3 : i32
    %get3A_1552 = arith.constant 6 : i32
    %get3A_1553 = arith.index_cast %get3A_1551 : i32 to index
    %get3A_1554 = arith.index_cast %get3A_1552 : i32 to index
    %get3A_1555 = arith.constant 16 : index
    %get3A_1556 = tpu.vector_load %arg6[%get3A_1553, %get3A_1554, %get3A_1555] {strides = array<i32>} : memref<4x8x64xf32, #tpu.memory_space<vmem>>, vector<16xf32>,
    %get3A_1557 = arith.constant 3 : i32
    %get3A_1558 = arith.constant 6 : i32
    %get3A_1559 = arith.index_cast %get3A_1557 : i32 to index
    %get3A_1560 = arith.index_cast %get3A_1558 : i32 to index
    %get3A_1561 = arith.constant 16 : index
    %get3A_1562 = tpu.vector_load %arg7[%get3A_1559, %get3A_1560, %get3A_1561] {strides = array<i32>} : memref<4x8x64xf32, #tpu.memory_space<vmem>>, vector<16xf32>,
    %add3A_1563 = arith.addf %get3A_1556, %get3A_1562 : vector<16xf32>
    %get3A_1564 = arith.constant 3 : i32
    %get3A_1565 = arith.constant 6 : i32
    %get3A_1566 = arith.index_cast %get3A_1564 : i32 to index
    %get3A_1567 = arith.index_cast %get3A_1565 : i32 to index
    %get3A_1568 = arith.constant 16 : index
    %get3A_1569 = tpu.vector_load %arg8[%get3A_1566, %get3A_1567, %get3A_1568] {strides = array<i32>} : memref<4x8x64xf32, #tpu.memory_space<vmem>>, vector<16xf32>,
    %sub3A_1570 = arith.subf %add3A_1563, %get3A_1569 : vector<16xf32>
    %gt3A_1571 = arith.cmpf ogt, %sub3A_1570, %select_n3A_1547 : vector<16xf32>
    %select_n3A_1572 = arith.select %gt3A_1571, %sub3A_1570, %select_n3A_1547 : vector<16xi1>, vector<16xf32>
    %jit3A_1573 = arith.constant 3 : i32
    %broadcast_in_dim3A_1574 = vector.broadcast %jit3A_1573 : i32 to vector<16xi32>
    %select_n3A_1575 = arith.select %gt3A_1571, %broadcast_in_dim3A_1574, %select_n3A_1550 : vector<16xi1>, vector<16xi32>
    %shift_left3A_1576 = arith.constant 12 : i32
    %shift_left3A_1577 = vector.broadcast %shift_left3A_1576 : i32 to vector<16xi32>
    %shift_left3A_1578 = arith.shli %select_n3A_1575, %shift_left3A_1577 : vector<16xi32>
    %or3A_1579 = arith.ori %or3A_1478, %shift_left3A_1578 : vector<16xi32>
    %get3A_1580 = arith.constant 0 : i32
    %get3A_1581 = arith.constant 7 : i32
    %get3A_1582 = arith.index_cast %get3A_1580 : i32 to index
    %get3A_1583 = arith.index_cast %get3A_1581 : i32 to index
    %get3A_1584 = arith.constant 16 : index
    %get3A_1585 = tpu.vector_load %arg6[%get3A_1582, %get3A_1583, %get3A_1584] {strides = array<i32>} : memref<4x8x64xf32, #tpu.memory_space<vmem>>, vector<16xf32>,
    %get3A_1586 = arith.constant 0 : i32
    %get3A_1587 = arith.constant 7 : i32
    %get3A_1588 = arith.index_cast %get3A_1586 : i32 to index
    %get3A_1589 = arith.index_cast %get3A_1587 : i32 to index
    %get3A_1590 = arith.constant 16 : index
    %get3A_1591 = tpu.vector_load %arg7[%get3A_1588, %get3A_1589, %get3A_1590] {strides = array<i32>} : memref<4x8x64xf32, #tpu.memory_space<vmem>>, vector<16xf32>,
    %add3A_1592 = arith.addf %get3A_1585, %get3A_1591 : vector<16xf32>
    %get3A_1593 = arith.constant 0 : i32
    %get3A_1594 = arith.constant 7 : i32
    %get3A_1595 = arith.index_cast %get3A_1593 : i32 to index
    %get3A_1596 = arith.index_cast %get3A_1594 : i32 to index
    %get3A_1597 = arith.constant 16 : index
    %get3A_1598 = tpu.vector_load %arg8[%get3A_1595, %get3A_1596, %get3A_1597] {strides = array<i32>} : memref<4x8x64xf32, #tpu.memory_space<vmem>>, vector<16xf32>,
    %sub3A_1599 = arith.subf %add3A_1592, %get3A_1598 : vector<16xf32>
    %broadcast_in_dim3A_1600 = arith.constant 0 : i32
    %broadcast_in_dim3A_1601 = vector.broadcast %broadcast_in_dim3A_1600 : i32 to vector<16xi32>
    %get3A_1602 = arith.constant 1 : i32
    %get3A_1603 = arith.constant 7 : i32
    %get3A_1604 = arith.index_cast %get3A_1602 : i32 to index
    %get3A_1605 = arith.index_cast %get3A_1603 : i32 to index
    %get3A_1606 = arith.constant 16 : index
    %get3A_1607 = tpu.vector_load %arg6[%get3A_1604, %get3A_1605, %get3A_1606] {strides = array<i32>} : memref<4x8x64xf32, #tpu.memory_space<vmem>>, vector<16xf32>,
    %get3A_1608 = arith.constant 1 : i32
    %get3A_1609 = arith.constant 7 : i32
    %get3A_1610 = arith.index_cast %get3A_1608 : i32 to index
    %get3A_1611 = arith.index_cast %get3A_1609 : i32 to index
    %get3A_1612 = arith.constant 16 : index
    %get3A_1613 = tpu.vector_load %arg7[%get3A_1610, %get3A_1611, %get3A_1612] {strides = array<i32>} : memref<4x8x64xf32, #tpu.memory_space<vmem>>, vector<16xf32>,
    %add3A_1614 = arith.addf %get3A_1607, %get3A_1613 : vector<16xf32>
    %get3A_1615 = arith.constant 1 : i32
    %get3A_1616 = arith.constant 7 : i32
    %get3A_1617 = arith.index_cast %get3A_1615 : i32 to index
    %get3A_1618 = arith.index_cast %get3A_1616 : i32 to index
    %get3A_1619 = arith.constant 16 : index
    %get3A_1620 = tpu.vector_load %arg8[%get3A_1617, %get3A_1618, %get3A_1619] {strides = array<i32>} : memref<4x8x64xf32, #tpu.memory_space<vmem>>, vector<16xf32>,
    %sub3A_1621 = arith.subf %add3A_1614, %get3A_1620 : vector<16xf32>
    %gt3A_1622 = arith.cmpf ogt, %sub3A_1621, %sub3A_1599 : vector<16xf32>
    %select_n3A_1623 = arith.select %gt3A_1622, %sub3A_1621, %sub3A_1599 : vector<16xi1>, vector<16xf32>
    %jit3A_1624 = arith.constant 1 : i32
    %broadcast_in_dim3A_1625 = vector.broadcast %jit3A_1624 : i32 to vector<16xi32>
    %select_n3A_1626 = arith.select %gt3A_1622, %broadcast_in_dim3A_1625, %broadcast_in_dim3A_1601 : vector<16xi1>, vector<16xi32>
    %get3A_1627 = arith.constant 2 : i32
    %get3A_1628 = arith.constant 7 : i32
    %get3A_1629 = arith.index_cast %get3A_1627 : i32 to index
    %get3A_1630 = arith.index_cast %get3A_1628 : i32 to index
    %get3A_1631 = arith.constant 16 : index
    %get3A_1632 = tpu.vector_load %arg6[%get3A_1629, %get3A_1630, %get3A_1631] {strides = array<i32>} : memref<4x8x64xf32, #tpu.memory_space<vmem>>, vector<16xf32>,
    %get3A_1633 = arith.constant 2 : i32
    %get3A_1634 = arith.constant 7 : i32
    %get3A_1635 = arith.index_cast %get3A_1633 : i32 to index
    %get3A_1636 = arith.index_cast %get3A_1634 : i32 to index
    %get3A_1637 = arith.constant 16 : index
    %get3A_1638 = tpu.vector_load %arg7[%get3A_1635, %get3A_1636, %get3A_1637] {strides = array<i32>} : memref<4x8x64xf32, #tpu.memory_space<vmem>>, vector<16xf32>,
    %add3A_1639 = arith.addf %get3A_1632, %get3A_1638 : vector<16xf32>
    %get3A_1640 = arith.constant 2 : i32
    %get3A_1641 = arith.constant 7 : i32
    %get3A_1642 = arith.index_cast %get3A_1640 : i32 to index
    %get3A_1643 = arith.index_cast %get3A_1641 : i32 to index
    %get3A_1644 = arith.constant 16 : index
    %get3A_1645 = tpu.vector_load %arg8[%get3A_1642, %get3A_1643, %get3A_1644] {strides = array<i32>} : memref<4x8x64xf32, #tpu.memory_space<vmem>>, vector<16xf32>,
    %sub3A_1646 = arith.subf %add3A_1639, %get3A_1645 : vector<16xf32>
    %gt3A_1647 = arith.cmpf ogt, %sub3A_1646, %select_n3A_1623 : vector<16xf32>
    %select_n3A_1648 = arith.select %gt3A_1647, %sub3A_1646, %select_n3A_1623 : vector<16xi1>, vector<16xf32>
    %jit3A_1649 = arith.constant 2 : i32
    %broadcast_in_dim3A_1650 = vector.broadcast %jit3A_1649 : i32 to vector<16xi32>
    %select_n3A_1651 = arith.select %gt3A_1647, %broadcast_in_dim3A_1650, %select_n3A_1626 : vector<16xi1>, vector<16xi32>
    %get3A_1652 = arith.constant 3 : i32
    %get3A_1653 = arith.constant 7 : i32
    %get3A_1654 = arith.index_cast %get3A_1652 : i32 to index
    %get3A_1655 = arith.index_cast %get3A_1653 : i32 to index
    %get3A_1656 = arith.constant 16 : index
    %get3A_1657 = tpu.vector_load %arg6[%get3A_1654, %get3A_1655, %get3A_1656] {strides = array<i32>} : memref<4x8x64xf32, #tpu.memory_space<vmem>>, vector<16xf32>,
    %get3A_1658 = arith.constant 3 : i32
    %get3A_1659 = arith.constant 7 : i32
    %get3A_1660 = arith.index_cast %get3A_1658 : i32 to index
    %get3A_1661 = arith.index_cast %get3A_1659 : i32 to index
    %get3A_1662 = arith.constant 16 : index
    %get3A_1663 = tpu.vector_load %arg7[%get3A_1660, %get3A_1661, %get3A_1662] {strides = array<i32>} : memref<4x8x64xf32, #tpu.memory_space<vmem>>, vector<16xf32>,
    %add3A_1664 = arith.addf %get3A_1657, %get3A_1663 : vector<16xf32>
    %get3A_1665 = arith.constant 3 : i32
    %get3A_1666 = arith.constant 7 : i32
    %get3A_1667 = arith.index_cast %get3A_1665 : i32 to index
    %get3A_1668 = arith.index_cast %get3A_1666 : i32 to index
    %get3A_1669 = arith.constant 16 : index
    %get3A_1670 = tpu.vector_load %arg8[%get3A_1667, %get3A_1668, %get3A_1669] {strides = array<i32>} : memref<4x8x64xf32, #tpu.memory_space<vmem>>, vector<16xf32>,
    %sub3A_1671 = arith.subf %add3A_1664, %get3A_1670 : vector<16xf32>
    %gt3A_1672 = arith.cmpf ogt, %sub3A_1671, %select_n3A_1648 : vector<16xf32>
    %select_n3A_1673 = arith.select %gt3A_1672, %sub3A_1671, %select_n3A_1648 : vector<16xi1>, vector<16xf32>
    %jit3A_1674 = arith.constant 3 : i32
    %broadcast_in_dim3A_1675 = vector.broadcast %jit3A_1674 : i32 to vector<16xi32>
    %select_n3A_1676 = arith.select %gt3A_1672, %broadcast_in_dim3A_1675, %select_n3A_1651 : vector<16xi1>, vector<16xi32>
    %shift_left3A_1677 = arith.constant 14 : i32
    %shift_left3A_1678 = vector.broadcast %shift_left3A_1677 : i32 to vector<16xi32>
    %shift_left3A_1679 = arith.shli %select_n3A_1676, %shift_left3A_1678 : vector<16xi32>
    %or3A_1680 = arith.ori %or3A_1579, %shift_left3A_1679 : vector<16xi32>
    %swap3A_1681 = arith.constant 16 : index
    %swap3A_1682 = tpu.vector_load %arg9[%swap3A_1681] {strides = array<i32>} : memref<64xi32, #tpu.memory_space<vmem>>, vector<16xi32>,
    tpu.vector_store %arg9[%swap3A_1681], %or3A_1680 {strides = array<i32>} : memref<64xi32, #tpu.memory_space<vmem>>, vector<16xi32>,
    %broadcast_in_dim3A_1683 = arith.constant 0 : i32
    %broadcast_in_dim3A_1684 = vector.broadcast %broadcast_in_dim3A_1683 : i32 to vector<16xi32>
    %get3A_1685 = arith.constant 0 : i32
    %get3A_1686 = arith.constant 0 : i32
    %get3A_1687 = arith.index_cast %get3A_1685 : i32 to index
    %get3A_1688 = arith.index_cast %get3A_1686 : i32 to index
    %get3A_1689 = arith.constant 32 : index
    %get3A_1690 = tpu.vector_load %arg6[%get3A_1687, %get3A_1688, %get3A_1689] {strides = array<i32>} : memref<4x8x64xf32, #tpu.memory_space<vmem>>, vector<16xf32>,
    %get3A_1691 = arith.constant 0 : i32
    %get3A_1692 = arith.constant 0 : i32
    %get3A_1693 = arith.index_cast %get3A_1691 : i32 to index
    %get3A_1694 = arith.index_cast %get3A_1692 : i32 to index
    %get3A_1695 = arith.constant 32 : index
    %get3A_1696 = tpu.vector_load %arg7[%get3A_1693, %get3A_1694, %get3A_1695] {strides = array<i32>} : memref<4x8x64xf32, #tpu.memory_space<vmem>>, vector<16xf32>,
    %add3A_1697 = arith.addf %get3A_1690, %get3A_1696 : vector<16xf32>
    %get3A_1698 = arith.constant 0 : i32
    %get3A_1699 = arith.constant 0 : i32
    %get3A_1700 = arith.index_cast %get3A_1698 : i32 to index
    %get3A_1701 = arith.index_cast %get3A_1699 : i32 to index
    %get3A_1702 = arith.constant 32 : index
    %get3A_1703 = tpu.vector_load %arg8[%get3A_1700, %get3A_1701, %get3A_1702] {strides = array<i32>} : memref<4x8x64xf32, #tpu.memory_space<vmem>>, vector<16xf32>,
    %sub3A_1704 = arith.subf %add3A_1697, %get3A_1703 : vector<16xf32>
    %broadcast_in_dim3A_1705 = arith.constant 0 : i32
    %broadcast_in_dim3A_1706 = vector.broadcast %broadcast_in_dim3A_1705 : i32 to vector<16xi32>
    %get3A_1707 = arith.constant 1 : i32
    %get3A_1708 = arith.constant 0 : i32
    %get3A_1709 = arith.index_cast %get3A_1707 : i32 to index
    %get3A_1710 = arith.index_cast %get3A_1708 : i32 to index
    %get3A_1711 = arith.constant 32 : index
    %get3A_1712 = tpu.vector_load %arg6[%get3A_1709, %get3A_1710, %get3A_1711] {strides = array<i32>} : memref<4x8x64xf32, #tpu.memory_space<vmem>>, vector<16xf32>,
    %get3A_1713 = arith.constant 1 : i32
    %get3A_1714 = arith.constant 0 : i32
    %get3A_1715 = arith.index_cast %get3A_1713 : i32 to index
    %get3A_1716 = arith.index_cast %get3A_1714 : i32 to index
    %get3A_1717 = arith.constant 32 : index
    %get3A_1718 = tpu.vector_load %arg7[%get3A_1715, %get3A_1716, %get3A_1717] {strides = array<i32>} : memref<4x8x64xf32, #tpu.memory_space<vmem>>, vector<16xf32>,
    %add3A_1719 = arith.addf %get3A_1712, %get3A_1718 : vector<16xf32>
    %get3A_1720 = arith.constant 1 : i32
    %get3A_1721 = arith.constant 0 : i32
    %get3A_1722 = arith.index_cast %get3A_1720 : i32 to index
    %get3A_1723 = arith.index_cast %get3A_1721 : i32 to index
    %get3A_1724 = arith.constant 32 : index
    %get3A_1725 = tpu.vector_load %arg8[%get3A_1722, %get3A_1723, %get3A_1724] {strides = array<i32>} : memref<4x8x64xf32, #tpu.memory_space<vmem>>, vector<16xf32>,
    %sub3A_1726 = arith.subf %add3A_1719, %get3A_1725 : vector<16xf32>
    %gt3A_1727 = arith.cmpf ogt, %sub3A_1726, %sub3A_1704 : vector<16xf32>
    %select_n3A_1728 = arith.select %gt3A_1727, %sub3A_1726, %sub3A_1704 : vector<16xi1>, vector<16xf32>
    %jit3A_1729 = arith.constant 1 : i32
    %broadcast_in_dim3A_1730 = vector.broadcast %jit3A_1729 : i32 to vector<16xi32>
    %select_n3A_1731 = arith.select %gt3A_1727, %broadcast_in_dim3A_1730, %broadcast_in_dim3A_1706 : vector<16xi1>, vector<16xi32>
    %get3A_1732 = arith.constant 2 : i32
    %get3A_1733 = arith.constant 0 : i32
    %get3A_1734 = arith.index_cast %get3A_1732 : i32 to index
    %get3A_1735 = arith.index_cast %get3A_1733 : i32 to index
    %get3A_1736 = arith.constant 32 : index
    %get3A_1737 = tpu.vector_load %arg6[%get3A_1734, %get3A_1735, %get3A_1736] {strides = array<i32>} : memref<4x8x64xf32, #tpu.memory_space<vmem>>, vector<16xf32>,
    %get3A_1738 = arith.constant 2 : i32
    %get3A_1739 = arith.constant 0 : i32
    %get3A_1740 = arith.index_cast %get3A_1738 : i32 to index
    %get3A_1741 = arith.index_cast %get3A_1739 : i32 to index
    %get3A_1742 = arith.constant 32 : index
    %get3A_1743 = tpu.vector_load %arg7[%get3A_1740, %get3A_1741, %get3A_1742] {strides = array<i32>} : memref<4x8x64xf32, #tpu.memory_space<vmem>>, vector<16xf32>,
    %add3A_1744 = arith.addf %get3A_1737, %get3A_1743 : vector<16xf32>
    %get3A_1745 = arith.constant 2 : i32
    %get3A_1746 = arith.constant 0 : i32
    %get3A_1747 = arith.index_cast %get3A_1745 : i32 to index
    %get3A_1748 = arith.index_cast %get3A_1746 : i32 to index
    %get3A_1749 = arith.constant 32 : index
    %get3A_1750 = tpu.vector_load %arg8[%get3A_1747, %get3A_1748, %get3A_1749] {strides = array<i32>} : memref<4x8x64xf32, #tpu.memory_space<vmem>>, vector<16xf32>,
    %sub3A_1751 = arith.subf %add3A_1744, %get3A_1750 : vector<16xf32>
    %gt3A_1752 = arith.cmpf ogt, %sub3A_1751, %select_n3A_1728 : vector<16xf32>
    %select_n3A_1753 = arith.select %gt3A_1752, %sub3A_1751, %select_n3A_1728 : vector<16xi1>, vector<16xf32>
    %jit3A_1754 = arith.constant 2 : i32
    %broadcast_in_dim3A_1755 = vector.broadcast %jit3A_1754 : i32 to vector<16xi32>
    %select_n3A_1756 = arith.select %gt3A_1752, %broadcast_in_dim3A_1755, %select_n3A_1731 : vector<16xi1>, vector<16xi32>
    %get3A_1757 = arith.constant 3 : i32
    %get3A_1758 = arith.constant 0 : i32
    %get3A_1759 = arith.index_cast %get3A_1757 : i32 to index
    %get3A_1760 = arith.index_cast %get3A_1758 : i32 to index
    %get3A_1761 = arith.constant 32 : index
    %get3A_1762 = tpu.vector_load %arg6[%get3A_1759, %get3A_1760, %get3A_1761] {strides = array<i32>} : memref<4x8x64xf32, #tpu.memory_space<vmem>>, vector<16xf32>,
    %get3A_1763 = arith.constant 3 : i32
    %get3A_1764 = arith.constant 0 : i32
    %get3A_1765 = arith.index_cast %get3A_1763 : i32 to index
    %get3A_1766 = arith.index_cast %get3A_1764 : i32 to index
    %get3A_1767 = arith.constant 32 : index
    %get3A_1768 = tpu.vector_load %arg7[%get3A_1765, %get3A_1766, %get3A_1767] {strides = array<i32>} : memref<4x8x64xf32, #tpu.memory_space<vmem>>, vector<16xf32>,
    %add3A_1769 = arith.addf %get3A_1762, %get3A_1768 : vector<16xf32>
    %get3A_1770 = arith.constant 3 : i32
    %get3A_1771 = arith.constant 0 : i32
    %get3A_1772 = arith.index_cast %get3A_1770 : i32 to index
    %get3A_1773 = arith.index_cast %get3A_1771 : i32 to index
    %get3A_1774 = arith.constant 32 : index
    %get3A_1775 = tpu.vector_load %arg8[%get3A_1772, %get3A_1773, %get3A_1774] {strides = array<i32>} : memref<4x8x64xf32, #tpu.memory_space<vmem>>, vector<16xf32>,
    %sub3A_1776 = arith.subf %add3A_1769, %get3A_1775 : vector<16xf32>
    %gt3A_1777 = arith.cmpf ogt, %sub3A_1776, %select_n3A_1753 : vector<16xf32>
    %select_n3A_1778 = arith.select %gt3A_1777, %sub3A_1776, %select_n3A_1753 : vector<16xi1>, vector<16xf32>
    %jit3A_1779 = arith.constant 3 : i32
    %broadcast_in_dim3A_1780 = vector.broadcast %jit3A_1779 : i32 to vector<16xi32>
    %select_n3A_1781 = arith.select %gt3A_1777, %broadcast_in_dim3A_1780, %select_n3A_1756 : vector<16xi1>, vector<16xi32>
    %shift_left3A_1782 = arith.constant 0 : i32
    %shift_left3A_1783 = vector.broadcast %shift_left3A_1782 : i32 to vector<16xi32>
    %shift_left3A_1784 = arith.shli %select_n3A_1781, %shift_left3A_1783 : vector<16xi32>
    %or3A_1785 = arith.ori %broadcast_in_dim3A_1684, %shift_left3A_1784 : vector<16xi32>
    %get3A_1786 = arith.constant 0 : i32
    %get3A_1787 = arith.constant 1 : i32
    %get3A_1788 = arith.index_cast %get3A_1786 : i32 to index
    %get3A_1789 = arith.index_cast %get3A_1787 : i32 to index
    %get3A_1790 = arith.constant 32 : index
    %get3A_1791 = tpu.vector_load %arg6[%get3A_1788, %get3A_1789, %get3A_1790] {strides = array<i32>} : memref<4x8x64xf32, #tpu.memory_space<vmem>>, vector<16xf32>,
    %get3A_1792 = arith.constant 0 : i32
    %get3A_1793 = arith.constant 1 : i32
    %get3A_1794 = arith.index_cast %get3A_1792 : i32 to index
    %get3A_1795 = arith.index_cast %get3A_1793 : i32 to index
    %get3A_1796 = arith.constant 32 : index
    %get3A_1797 = tpu.vector_load %arg7[%get3A_1794, %get3A_1795, %get3A_1796] {strides = array<i32>} : memref<4x8x64xf32, #tpu.memory_space<vmem>>, vector<16xf32>,
    %add3A_1798 = arith.addf %get3A_1791, %get3A_1797 : vector<16xf32>
    %get3A_1799 = arith.constant 0 : i32
    %get3A_1800 = arith.constant 1 : i32
    %get3A_1801 = arith.index_cast %get3A_1799 : i32 to index
    %get3A_1802 = arith.index_cast %get3A_1800 : i32 to index
    %get3A_1803 = arith.constant 32 : index
    %get3A_1804 = tpu.vector_load %arg8[%get3A_1801, %get3A_1802, %get3A_1803] {strides = array<i32>} : memref<4x8x64xf32, #tpu.memory_space<vmem>>, vector<16xf32>,
    %sub3A_1805 = arith.subf %add3A_1798, %get3A_1804 : vector<16xf32>
    %broadcast_in_dim3A_1806 = arith.constant 0 : i32
    %broadcast_in_dim3A_1807 = vector.broadcast %broadcast_in_dim3A_1806 : i32 to vector<16xi32>
    %get3A_1808 = arith.constant 1 : i32
    %get3A_1809 = arith.constant 1 : i32
    %get3A_1810 = arith.index_cast %get3A_1808 : i32 to index
    %get3A_1811 = arith.index_cast %get3A_1809 : i32 to index
    %get3A_1812 = arith.constant 32 : index
    %get3A_1813 = tpu.vector_load %arg6[%get3A_1810, %get3A_1811, %get3A_1812] {strides = array<i32>} : memref<4x8x64xf32, #tpu.memory_space<vmem>>, vector<16xf32>,
    %get3A_1814 = arith.constant 1 : i32
    %get3A_1815 = arith.constant 1 : i32
    %get3A_1816 = arith.index_cast %get3A_1814 : i32 to index
    %get3A_1817 = arith.index_cast %get3A_1815 : i32 to index
    %get3A_1818 = arith.constant 32 : index
    %get3A_1819 = tpu.vector_load %arg7[%get3A_1816, %get3A_1817, %get3A_1818] {strides = array<i32>} : memref<4x8x64xf32, #tpu.memory_space<vmem>>, vector<16xf32>,
    %add3A_1820 = arith.addf %get3A_1813, %get3A_1819 : vector<16xf32>
    %get3A_1821 = arith.constant 1 : i32
    %get3A_1822 = arith.constant 1 : i32
    %get3A_1823 = arith.index_cast %get3A_1821 : i32 to index
    %get3A_1824 = arith.index_cast %get3A_1822 : i32 to index
    %get3A_1825 = arith.constant 32 : index
    %get3A_1826 = tpu.vector_load %arg8[%get3A_1823, %get3A_1824, %get3A_1825] {strides = array<i32>} : memref<4x8x64xf32, #tpu.memory_space<vmem>>, vector<16xf32>,
    %sub3A_1827 = arith.subf %add3A_1820, %get3A_1826 : vector<16xf32>
    %gt3A_1828 = arith.cmpf ogt, %sub3A_1827, %sub3A_1805 : vector<16xf32>
    %select_n3A_1829 = arith.select %gt3A_1828, %sub3A_1827, %sub3A_1805 : vector<16xi1>, vector<16xf32>
    %jit3A_1830 = arith.constant 1 : i32
    %broadcast_in_dim3A_1831 = vector.broadcast %jit3A_1830 : i32 to vector<16xi32>
    %select_n3A_1832 = arith.select %gt3A_1828, %broadcast_in_dim3A_1831, %broadcast_in_dim3A_1807 : vector<16xi1>, vector<16xi32>
    %get3A_1833 = arith.constant 2 : i32
    %get3A_1834 = arith.constant 1 : i32
    %get3A_1835 = arith.index_cast %get3A_1833 : i32 to index
    %get3A_1836 = arith.index_cast %get3A_1834 : i32 to index
    %get3A_1837 = arith.constant 32 : index
    %get3A_1838 = tpu.vector_load %arg6[%get3A_1835, %get3A_1836, %get3A_1837] {strides = array<i32>} : memref<4x8x64xf32, #tpu.memory_space<vmem>>, vector<16xf32>,
    %get3A_1839 = arith.constant 2 : i32
    %get3A_1840 = arith.constant 1 : i32
    %get3A_1841 = arith.index_cast %get3A_1839 : i32 to index
    %get3A_1842 = arith.index_cast %get3A_1840 : i32 to index
    %get3A_1843 = arith.constant 32 : index
    %get3A_1844 = tpu.vector_load %arg7[%get3A_1841, %get3A_1842, %get3A_1843] {strides = array<i32>} : memref<4x8x64xf32, #tpu.memory_space<vmem>>, vector<16xf32>,
    %add3A_1845 = arith.addf %get3A_1838, %get3A_1844 : vector<16xf32>
    %get3A_1846 = arith.constant 2 : i32
    %get3A_1847 = arith.constant 1 : i32
    %get3A_1848 = arith.index_cast %get3A_1846 : i32 to index
    %get3A_1849 = arith.index_cast %get3A_1847 : i32 to index
    %get3A_1850 = arith.constant 32 : index
    %get3A_1851 = tpu.vector_load %arg8[%get3A_1848, %get3A_1849, %get3A_1850] {strides = array<i32>} : memref<4x8x64xf32, #tpu.memory_space<vmem>>, vector<16xf32>,
    %sub3A_1852 = arith.subf %add3A_1845, %get3A_1851 : vector<16xf32>
    %gt3A_1853 = arith.cmpf ogt, %sub3A_1852, %select_n3A_1829 : vector<16xf32>
    %select_n3A_1854 = arith.select %gt3A_1853, %sub3A_1852, %select_n3A_1829 : vector<16xi1>, vector<16xf32>
    %jit3A_1855 = arith.constant 2 : i32
    %broadcast_in_dim3A_1856 = vector.broadcast %jit3A_1855 : i32 to vector<16xi32>
    %select_n3A_1857 = arith.select %gt3A_1853, %broadcast_in_dim3A_1856, %select_n3A_1832 : vector<16xi1>, vector<16xi32>
    %get3A_1858 = arith.constant 3 : i32
    %get3A_1859 = arith.constant 1 : i32
    %get3A_1860 = arith.index_cast %get3A_1858 : i32 to index
    %get3A_1861 = arith.index_cast %get3A_1859 : i32 to index
    %get3A_1862 = arith.constant 32 : index
    %get3A_1863 = tpu.vector_load %arg6[%get3A_1860, %get3A_1861, %get3A_1862] {strides = array<i32>} : memref<4x8x64xf32, #tpu.memory_space<vmem>>, vector<16xf32>,
    %get3A_1864 = arith.constant 3 : i32
    %get3A_1865 = arith.constant 1 : i32
    %get3A_1866 = arith.index_cast %get3A_1864 : i32 to index
    %get3A_1867 = arith.index_cast %get3A_1865 : i32 to index
    %get3A_1868 = arith.constant 32 : index
    %get3A_1869 = tpu.vector_load %arg7[%get3A_1866, %get3A_1867, %get3A_1868] {strides = array<i32>} : memref<4x8x64xf32, #tpu.memory_space<vmem>>, vector<16xf32>,
    %add3A_1870 = arith.addf %get3A_1863, %get3A_1869 : vector<16xf32>
    %get3A_1871 = arith.constant 3 : i32
    %get3A_1872 = arith.constant 1 : i32
    %get3A_1873 = arith.index_cast %get3A_1871 : i32 to index
    %get3A_1874 = arith.index_cast %get3A_1872 : i32 to index
    %get3A_1875 = arith.constant 32 : index
    %get3A_1876 = tpu.vector_load %arg8[%get3A_1873, %get3A_1874, %get3A_1875] {strides = array<i32>} : memref<4x8x64xf32, #tpu.memory_space<vmem>>, vector<16xf32>,
    %sub3A_1877 = arith.subf %add3A_1870, %get3A_1876 : vector<16xf32>
    %gt3A_1878 = arith.cmpf ogt, %sub3A_1877, %select_n3A_1854 : vector<16xf32>
    %select_n3A_1879 = arith.select %gt3A_1878, %sub3A_1877, %select_n3A_1854 : vector<16xi1>, vector<16xf32>
    %jit3A_1880 = arith.constant 3 : i32
    %broadcast_in_dim3A_1881 = vector.broadcast %jit3A_1880 : i32 to vector<16xi32>
    %select_n3A_1882 = arith.select %gt3A_1878, %broadcast_in_dim3A_1881, %select_n3A_1857 : vector<16xi1>, vector<16xi32>
    %shift_left3A_1883 = arith.constant 2 : i32
    %shift_left3A_1884 = vector.broadcast %shift_left3A_1883 : i32 to vector<16xi32>
    %shift_left3A_1885 = arith.shli %select_n3A_1882, %shift_left3A_1884 : vector<16xi32>
    %or3A_1886 = arith.ori %or3A_1785, %shift_left3A_1885 : vector<16xi32>
    %get3A_1887 = arith.constant 0 : i32
    %get3A_1888 = arith.constant 2 : i32
    %get3A_1889 = arith.index_cast %get3A_1887 : i32 to index
    %get3A_1890 = arith.index_cast %get3A_1888 : i32 to index
    %get3A_1891 = arith.constant 32 : index
    %get3A_1892 = tpu.vector_load %arg6[%get3A_1889, %get3A_1890, %get3A_1891] {strides = array<i32>} : memref<4x8x64xf32, #tpu.memory_space<vmem>>, vector<16xf32>,
    %get3A_1893 = arith.constant 0 : i32
    %get3A_1894 = arith.constant 2 : i32
    %get3A_1895 = arith.index_cast %get3A_1893 : i32 to index
    %get3A_1896 = arith.index_cast %get3A_1894 : i32 to index
    %get3A_1897 = arith.constant 32 : index
    %get3A_1898 = tpu.vector_load %arg7[%get3A_1895, %get3A_1896, %get3A_1897] {strides = array<i32>} : memref<4x8x64xf32, #tpu.memory_space<vmem>>, vector<16xf32>,
    %add3A_1899 = arith.addf %get3A_1892, %get3A_1898 : vector<16xf32>
    %get3A_1900 = arith.constant 0 : i32
    %get3A_1901 = arith.constant 2 : i32
    %get3A_1902 = arith.index_cast %get3A_1900 : i32 to index
    %get3A_1903 = arith.index_cast %get3A_1901 : i32 to index
    %get3A_1904 = arith.constant 32 : index
    %get3A_1905 = tpu.vector_load %arg8[%get3A_1902, %get3A_1903, %get3A_1904] {strides = array<i32>} : memref<4x8x64xf32, #tpu.memory_space<vmem>>, vector<16xf32>,
    %sub3A_1906 = arith.subf %add3A_1899, %get3A_1905 : vector<16xf32>
    %broadcast_in_dim3A_1907 = arith.constant 0 : i32
    %broadcast_in_dim3A_1908 = vector.broadcast %broadcast_in_dim3A_1907 : i32 to vector<16xi32>
    %get3A_1909 = arith.constant 1 : i32
    %get3A_1910 = arith.constant 2 : i32
    %get3A_1911 = arith.index_cast %get3A_1909 : i32 to index
    %get3A_1912 = arith.index_cast %get3A_1910 : i32 to index
    %get3A_1913 = arith.constant 32 : index
    %get3A_1914 = tpu.vector_load %arg6[%get3A_1911, %get3A_1912, %get3A_1913] {strides = array<i32>} : memref<4x8x64xf32, #tpu.memory_space<vmem>>, vector<16xf32>,
    %get3A_1915 = arith.constant 1 : i32
    %get3A_1916 = arith.constant 2 : i32
    %get3A_1917 = arith.index_cast %get3A_1915 : i32 to index
    %get3A_1918 = arith.index_cast %get3A_1916 : i32 to index
    %get3A_1919 = arith.constant 32 : index
    %get3A_1920 = tpu.vector_load %arg7[%get3A_1917, %get3A_1918, %get3A_1919] {strides = array<i32>} : memref<4x8x64xf32, #tpu.memory_space<vmem>>, vector<16xf32>,
    %add3A_1921 = arith.addf %get3A_1914, %get3A_1920 : vector<16xf32>
    %get3A_1922 = arith.constant 1 : i32
    %get3A_1923 = arith.constant 2 : i32
    %get3A_1924 = arith.index_cast %get3A_1922 : i32 to index
    %get3A_1925 = arith.index_cast %get3A_1923 : i32 to index
    %get3A_1926 = arith.constant 32 : index
    %get3A_1927 = tpu.vector_load %arg8[%get3A_1924, %get3A_1925, %get3A_1926] {strides = array<i32>} : memref<4x8x64xf32, #tpu.memory_space<vmem>>, vector<16xf32>,
    %sub3A_1928 = arith.subf %add3A_1921, %get3A_1927 : vector<16xf32>
    %gt3A_1929 = arith.cmpf ogt, %sub3A_1928, %sub3A_1906 : vector<16xf32>
    %select_n3A_1930 = arith.select %gt3A_1929, %sub3A_1928, %sub3A_1906 : vector<16xi1>, vector<16xf32>
    %jit3A_1931 = arith.constant 1 : i32
    %broadcast_in_dim3A_1932 = vector.broadcast %jit3A_1931 : i32 to vector<16xi32>
    %select_n3A_1933 = arith.select %gt3A_1929, %broadcast_in_dim3A_1932, %broadcast_in_dim3A_1908 : vector<16xi1>, vector<16xi32>
    %get3A_1934 = arith.constant 2 : i32
    %get3A_1935 = arith.constant 2 : i32
    %get3A_1936 = arith.index_cast %get3A_1934 : i32 to index
    %get3A_1937 = arith.index_cast %get3A_1935 : i32 to index
    %get3A_1938 = arith.constant 32 : index
    %get3A_1939 = tpu.vector_load %arg6[%get3A_1936, %get3A_1937, %get3A_1938] {strides = array<i32>} : memref<4x8x64xf32, #tpu.memory_space<vmem>>, vector<16xf32>,
    %get3A_1940 = arith.constant 2 : i32
    %get3A_1941 = arith.constant 2 : i32
    %get3A_1942 = arith.index_cast %get3A_1940 : i32 to index
    %get3A_1943 = arith.index_cast %get3A_1941 : i32 to index
    %get3A_1944 = arith.constant 32 : index
    %get3A_1945 = tpu.vector_load %arg7[%get3A_1942, %get3A_1943, %get3A_1944] {strides = array<i32>} : memref<4x8x64xf32, #tpu.memory_space<vmem>>, vector<16xf32>,
    %add3A_1946 = arith.addf %get3A_1939, %get3A_1945 : vector<16xf32>
    %get3A_1947 = arith.constant 2 : i32
    %get3A_1948 = arith.constant 2 : i32
    %get3A_1949 = arith.index_cast %get3A_1947 : i32 to index
    %get3A_1950 = arith.index_cast %get3A_1948 : i32 to index
    %get3A_1951 = arith.constant 32 : index
    %get3A_1952 = tpu.vector_load %arg8[%get3A_1949, %get3A_1950, %get3A_1951] {strides = array<i32>} : memref<4x8x64xf32, #tpu.memory_space<vmem>>, vector<16xf32>,
    %sub3A_1953 = arith.subf %add3A_1946, %get3A_1952 : vector<16xf32>
    %gt3A_1954 = arith.cmpf ogt, %sub3A_1953, %select_n3A_1930 : vector<16xf32>
    %select_n3A_1955 = arith.select %gt3A_1954, %sub3A_1953, %select_n3A_1930 : vector<16xi1>, vector<16xf32>
    %jit3A_1956 = arith.constant 2 : i32
    %broadcast_in_dim3A_1957 = vector.broadcast %jit3A_1956 : i32 to vector<16xi32>
    %select_n3A_1958 = arith.select %gt3A_1954, %broadcast_in_dim3A_1957, %select_n3A_1933 : vector<16xi1>, vector<16xi32>
    %get3A_1959 = arith.constant 3 : i32
    %get3A_1960 = arith.constant 2 : i32
    %get3A_1961 = arith.index_cast %get3A_1959 : i32 to index
    %get3A_1962 = arith.index_cast %get3A_1960 : i32 to index
    %get3A_1963 = arith.constant 32 : index
    %get3A_1964 = tpu.vector_load %arg6[%get3A_1961, %get3A_1962, %get3A_1963] {strides = array<i32>} : memref<4x8x64xf32, #tpu.memory_space<vmem>>, vector<16xf32>,
    %get3A_1965 = arith.constant 3 : i32
    %get3A_1966 = arith.constant 2 : i32
    %get3A_1967 = arith.index_cast %get3A_1965 : i32 to index
    %get3A_1968 = arith.index_cast %get3A_1966 : i32 to index
    %get3A_1969 = arith.constant 32 : index
    %get3A_1970 = tpu.vector_load %arg7[%get3A_1967, %get3A_1968, %get3A_1969] {strides = array<i32>} : memref<4x8x64xf32, #tpu.memory_space<vmem>>, vector<16xf32>,
    %add3A_1971 = arith.addf %get3A_1964, %get3A_1970 : vector<16xf32>
    %get3A_1972 = arith.constant 3 : i32
    %get3A_1973 = arith.constant 2 : i32
    %get3A_1974 = arith.index_cast %get3A_1972 : i32 to index
    %get3A_1975 = arith.index_cast %get3A_1973 : i32 to index
    %get3A_1976 = arith.constant 32 : index
    %get3A_1977 = tpu.vector_load %arg8[%get3A_1974, %get3A_1975, %get3A_1976] {strides = array<i32>} : memref<4x8x64xf32, #tpu.memory_space<vmem>>, vector<16xf32>,
    %sub3A_1978 = arith.subf %add3A_1971, %get3A_1977 : vector<16xf32>
    %gt3A_1979 = arith.cmpf ogt, %sub3A_1978, %select_n3A_1955 : vector<16xf32>
    %select_n3A_1980 = arith.select %gt3A_1979, %sub3A_1978, %select_n3A_1955 : vector<16xi1>, vector<16xf32>
    %jit3A_1981 = arith.constant 3 : i32
    %broadcast_in_dim3A_1982 = vector.broadcast %jit3A_1981 : i32 to vector<16xi32>
    %select_n3A_1983 = arith.select %gt3A_1979, %broadcast_in_dim3A_1982, %select_n3A_1958 : vector<16xi1>, vector<16xi32>
    %shift_left3A_1984 = arith.constant 4 : i32
    %shift_left3A_1985 = vector.broadcast %shift_left3A_1984 : i32 to vector<16xi32>
    %shift_left3A_1986 = arith.shli %select_n3A_1983, %shift_left3A_1985 : vector<16xi32>
    %or3A_1987 = arith.ori %or3A_1886, %shift_left3A_1986 : vector<16xi32>
    %get3A_1988 = arith.constant 0 : i32
    %get3A_1989 = arith.constant 3 : i32
    %get3A_1990 = arith.index_cast %get3A_1988 : i32 to index
    %get3A_1991 = arith.index_cast %get3A_1989 : i32 to index
    %get3A_1992 = arith.constant 32 : index
    %get3A_1993 = tpu.vector_load %arg6[%get3A_1990, %get3A_1991, %get3A_1992] {strides = array<i32>} : memref<4x8x64xf32, #tpu.memory_space<vmem>>, vector<16xf32>,
    %get3A_1994 = arith.constant 0 : i32
    %get3A_1995 = arith.constant 3 : i32
    %get3A_1996 = arith.index_cast %get3A_1994 : i32 to index
    %get3A_1997 = arith.index_cast %get3A_1995 : i32 to index
    %get3A_1998 = arith.constant 32 : index
    %get3A_1999 = tpu.vector_load %arg7[%get3A_1996, %get3A_1997, %get3A_1998] {strides = array<i32>} : memref<4x8x64xf32, #tpu.memory_space<vmem>>, vector<16xf32>,
    %add3A_2000 = arith.addf %get3A_1993, %get3A_1999 : vector<16xf32>
    %get3A_2001 = arith.constant 0 : i32
    %get3A_2002 = arith.constant 3 : i32
    %get3A_2003 = arith.index_cast %get3A_2001 : i32 to index
    %get3A_2004 = arith.index_cast %get3A_2002 : i32 to index
    %get3A_2005 = arith.constant 32 : index
    %get3A_2006 = tpu.vector_load %arg8[%get3A_2003, %get3A_2004, %get3A_2005] {strides = array<i32>} : memref<4x8x64xf32, #tpu.memory_space<vmem>>, vector<16xf32>,
    %sub3A_2007 = arith.subf %add3A_2000, %get3A_2006 : vector<16xf32>
    %broadcast_in_dim3A_2008 = arith.constant 0 : i32
    %broadcast_in_dim3A_2009 = vector.broadcast %broadcast_in_dim3A_2008 : i32 to vector<16xi32>
    %get3A_2010 = arith.constant 1 : i32
    %get3A_2011 = arith.constant 3 : i32
    %get3A_2012 = arith.index_cast %get3A_2010 : i32 to index
    %get3A_2013 = arith.index_cast %get3A_2011 : i32 to index
    %get3A_2014 = arith.constant 32 : index
    %get3A_2015 = tpu.vector_load %arg6[%get3A_2012, %get3A_2013, %get3A_2014] {strides = array<i32>} : memref<4x8x64xf32, #tpu.memory_space<vmem>>, vector<16xf32>,
    %get3A_2016 = arith.constant 1 : i32
    %get3A_2017 = arith.constant 3 : i32
    %get3A_2018 = arith.index_cast %get3A_2016 : i32 to index
    %get3A_2019 = arith.index_cast %get3A_2017 : i32 to index
    %get3A_2020 = arith.constant 32 : index
    %get3A_2021 = tpu.vector_load %arg7[%get3A_2018, %get3A_2019, %get3A_2020] {strides = array<i32>} : memref<4x8x64xf32, #tpu.memory_space<vmem>>, vector<16xf32>,
    %add3A_2022 = arith.addf %get3A_2015, %get3A_2021 : vector<16xf32>
    %get3A_2023 = arith.constant 1 : i32
    %get3A_2024 = arith.constant 3 : i32
    %get3A_2025 = arith.index_cast %get3A_2023 : i32 to index
    %get3A_2026 = arith.index_cast %get3A_2024 : i32 to index
    %get3A_2027 = arith.constant 32 : index
    %get3A_2028 = tpu.vector_load %arg8[%get3A_2025, %get3A_2026, %get3A_2027] {strides = array<i32>} : memref<4x8x64xf32, #tpu.memory_space<vmem>>, vector<16xf32>,
    %sub3A_2029 = arith.subf %add3A_2022, %get3A_2028 : vector<16xf32>
    %gt3A_2030 = arith.cmpf ogt, %sub3A_2029, %sub3A_2007 : vector<16xf32>
    %select_n3A_2031 = arith.select %gt3A_2030, %sub3A_2029, %sub3A_2007 : vector<16xi1>, vector<16xf32>
    %jit3A_2032 = arith.constant 1 : i32
    %broadcast_in_dim3A_2033 = vector.broadcast %jit3A_2032 : i32 to vector<16xi32>
    %select_n3A_2034 = arith.select %gt3A_2030, %broadcast_in_dim3A_2033, %broadcast_in_dim3A_2009 : vector<16xi1>, vector<16xi32>
    %get3A_2035 = arith.constant 2 : i32
    %get3A_2036 = arith.constant 3 : i32
    %get3A_2037 = arith.index_cast %get3A_2035 : i32 to index
    %get3A_2038 = arith.index_cast %get3A_2036 : i32 to index
    %get3A_2039 = arith.constant 32 : index
    %get3A_2040 = tpu.vector_load %arg6[%get3A_2037, %get3A_2038, %get3A_2039] {strides = array<i32>} : memref<4x8x64xf32, #tpu.memory_space<vmem>>, vector<16xf32>,
    %get3A_2041 = arith.constant 2 : i32
    %get3A_2042 = arith.constant 3 : i32
    %get3A_2043 = arith.index_cast %get3A_2041 : i32 to index
    %get3A_2044 = arith.index_cast %get3A_2042 : i32 to index
    %get3A_2045 = arith.constant 32 : index
    %get3A_2046 = tpu.vector_load %arg7[%get3A_2043, %get3A_2044, %get3A_2045] {strides = array<i32>} : memref<4x8x64xf32, #tpu.memory_space<vmem>>, vector<16xf32>,
    %add3A_2047 = arith.addf %get3A_2040, %get3A_2046 : vector<16xf32>
    %get3A_2048 = arith.constant 2 : i32
    %get3A_2049 = arith.constant 3 : i32
    %get3A_2050 = arith.index_cast %get3A_2048 : i32 to index
    %get3A_2051 = arith.index_cast %get3A_2049 : i32 to index
    %get3A_2052 = arith.constant 32 : index
    %get3A_2053 = tpu.vector_load %arg8[%get3A_2050, %get3A_2051, %get3A_2052] {strides = array<i32>} : memref<4x8x64xf32, #tpu.memory_space<vmem>>, vector<16xf32>,
    %sub3A_2054 = arith.subf %add3A_2047, %get3A_2053 : vector<16xf32>
    %gt3A_2055 = arith.cmpf ogt, %sub3A_2054, %select_n3A_2031 : vector<16xf32>
    %select_n3A_2056 = arith.select %gt3A_2055, %sub3A_2054, %select_n3A_2031 : vector<16xi1>, vector<16xf32>
    %jit3A_2057 = arith.constant 2 : i32
    %broadcast_in_dim3A_2058 = vector.broadcast %jit3A_2057 : i32 to vector<16xi32>
    %select_n3A_2059 = arith.select %gt3A_2055, %broadcast_in_dim3A_2058, %select_n3A_2034 : vector<16xi1>, vector<16xi32>
    %get3A_2060 = arith.constant 3 : i32
    %get3A_2061 = arith.constant 3 : i32
    %get3A_2062 = arith.index_cast %get3A_2060 : i32 to index
    %get3A_2063 = arith.index_cast %get3A_2061 : i32 to index
    %get3A_2064 = arith.constant 32 : index
    %get3A_2065 = tpu.vector_load %arg6[%get3A_2062, %get3A_2063, %get3A_2064] {strides = array<i32>} : memref<4x8x64xf32, #tpu.memory_space<vmem>>, vector<16xf32>,
    %get3A_2066 = arith.constant 3 : i32
    %get3A_2067 = arith.constant 3 : i32
    %get3A_2068 = arith.index_cast %get3A_2066 : i32 to index
    %get3A_2069 = arith.index_cast %get3A_2067 : i32 to index
    %get3A_2070 = arith.constant 32 : index
    %get3A_2071 = tpu.vector_load %arg7[%get3A_2068, %get3A_2069, %get3A_2070] {strides = array<i32>} : memref<4x8x64xf32, #tpu.memory_space<vmem>>, vector<16xf32>,
    %add3A_2072 = arith.addf %get3A_2065, %get3A_2071 : vector<16xf32>
    %get3A_2073 = arith.constant 3 : i32
    %get3A_2074 = arith.constant 3 : i32
    %get3A_2075 = arith.index_cast %get3A_2073 : i32 to index
    %get3A_2076 = arith.index_cast %get3A_2074 : i32 to index
    %get3A_2077 = arith.constant 32 : index
    %get3A_2078 = tpu.vector_load %arg8[%get3A_2075, %get3A_2076, %get3A_2077] {strides = array<i32>} : memref<4x8x64xf32, #tpu.memory_space<vmem>>, vector<16xf32>,
    %sub3A_2079 = arith.subf %add3A_2072, %get3A_2078 : vector<16xf32>
    %gt3A_2080 = arith.cmpf ogt, %sub3A_2079, %select_n3A_2056 : vector<16xf32>
    %select_n3A_2081 = arith.select %gt3A_2080, %sub3A_2079, %select_n3A_2056 : vector<16xi1>, vector<16xf32>
    %jit3A_2082 = arith.constant 3 : i32
    %broadcast_in_dim3A_2083 = vector.broadcast %jit3A_2082 : i32 to vector<16xi32>
    %select_n3A_2084 = arith.select %gt3A_2080, %broadcast_in_dim3A_2083, %select_n3A_2059 : vector<16xi1>, vector<16xi32>
    %shift_left3A_2085 = arith.constant 6 : i32
    %shift_left3A_2086 = vector.broadcast %shift_left3A_2085 : i32 to vector<16xi32>
    %shift_left3A_2087 = arith.shli %select_n3A_2084, %shift_left3A_2086 : vector<16xi32>
    %or3A_2088 = arith.ori %or3A_1987, %shift_left3A_2087 : vector<16xi32>
    %get3A_2089 = arith.constant 0 : i32
    %get3A_2090 = arith.constant 4 : i32
    %get3A_2091 = arith.index_cast %get3A_2089 : i32 to index
    %get3A_2092 = arith.index_cast %get3A_2090 : i32 to index
    %get3A_2093 = arith.constant 32 : index
    %get3A_2094 = tpu.vector_load %arg6[%get3A_2091, %get3A_2092, %get3A_2093] {strides = array<i32>} : memref<4x8x64xf32, #tpu.memory_space<vmem>>, vector<16xf32>,
    %get3A_2095 = arith.constant 0 : i32
    %get3A_2096 = arith.constant 4 : i32
    %get3A_2097 = arith.index_cast %get3A_2095 : i32 to index
    %get3A_2098 = arith.index_cast %get3A_2096 : i32 to index
    %get3A_2099 = arith.constant 32 : index
    %get3A_2100 = tpu.vector_load %arg7[%get3A_2097, %get3A_2098, %get3A_2099] {strides = array<i32>} : memref<4x8x64xf32, #tpu.memory_space<vmem>>, vector<16xf32>,
    %add3A_2101 = arith.addf %get3A_2094, %get3A_2100 : vector<16xf32>
    %get3A_2102 = arith.constant 0 : i32
    %get3A_2103 = arith.constant 4 : i32
    %get3A_2104 = arith.index_cast %get3A_2102 : i32 to index
    %get3A_2105 = arith.index_cast %get3A_2103 : i32 to index
    %get3A_2106 = arith.constant 32 : index
    %get3A_2107 = tpu.vector_load %arg8[%get3A_2104, %get3A_2105, %get3A_2106] {strides = array<i32>} : memref<4x8x64xf32, #tpu.memory_space<vmem>>, vector<16xf32>,
    %sub3A_2108 = arith.subf %add3A_2101, %get3A_2107 : vector<16xf32>
    %broadcast_in_dim3A_2109 = arith.constant 0 : i32
    %broadcast_in_dim3A_2110 = vector.broadcast %broadcast_in_dim3A_2109 : i32 to vector<16xi32>
    %get3A_2111 = arith.constant 1 : i32
    %get3A_2112 = arith.constant 4 : i32
    %get3A_2113 = arith.index_cast %get3A_2111 : i32 to index
    %get3A_2114 = arith.index_cast %get3A_2112 : i32 to index
    %get3A_2115 = arith.constant 32 : index
    %get3A_2116 = tpu.vector_load %arg6[%get3A_2113, %get3A_2114, %get3A_2115] {strides = array<i32>} : memref<4x8x64xf32, #tpu.memory_space<vmem>>, vector<16xf32>,
    %get3A_2117 = arith.constant 1 : i32
    %get3A_2118 = arith.constant 4 : i32
    %get3A_2119 = arith.index_cast %get3A_2117 : i32 to index
    %get3A_2120 = arith.index_cast %get3A_2118 : i32 to index
    %get3A_2121 = arith.constant 32 : index
    %get3A_2122 = tpu.vector_load %arg7[%get3A_2119, %get3A_2120, %get3A_2121] {strides = array<i32>} : memref<4x8x64xf32, #tpu.memory_space<vmem>>, vector<16xf32>,
    %add3A_2123 = arith.addf %get3A_2116, %get3A_2122 : vector<16xf32>
    %get3A_2124 = arith.constant 1 : i32
    %get3A_2125 = arith.constant 4 : i32
    %get3A_2126 = arith.index_cast %get3A_2124 : i32 to index
    %get3A_2127 = arith.index_cast %get3A_2125 : i32 to index
    %get3A_2128 = arith.constant 32 : index
    %get3A_2129 = tpu.vector_load %arg8[%get3A_2126, %get3A_2127, %get3A_2128] {strides = array<i32>} : memref<4x8x64xf32, #tpu.memory_space<vmem>>, vector<16xf32>,
    %sub3A_2130 = arith.subf %add3A_2123, %get3A_2129 : vector<16xf32>
    %gt3A_2131 = arith.cmpf ogt, %sub3A_2130, %sub3A_2108 : vector<16xf32>
    %select_n3A_2132 = arith.select %gt3A_2131, %sub3A_2130, %sub3A_2108 : vector<16xi1>, vector<16xf32>
    %jit3A_2133 = arith.constant 1 : i32
    %broadcast_in_dim3A_2134 = vector.broadcast %jit3A_2133 : i32 to vector<16xi32>
    %select_n3A_2135 = arith.select %gt3A_2131, %broadcast_in_dim3A_2134, %broadcast_in_dim3A_2110 : vector<16xi1>, vector<16xi32>
    %get3A_2136 = arith.constant 2 : i32
    %get3A_2137 = arith.constant 4 : i32
    %get3A_2138 = arith.index_cast %get3A_2136 : i32 to index
    %get3A_2139 = arith.index_cast %get3A_2137 : i32 to index
    %get3A_2140 = arith.constant 32 : index
    %get3A_2141 = tpu.vector_load %arg6[%get3A_2138, %get3A_2139, %get3A_2140] {strides = array<i32>} : memref<4x8x64xf32, #tpu.memory_space<vmem>>, vector<16xf32>,
    %get3A_2142 = arith.constant 2 : i32
    %get3A_2143 = arith.constant 4 : i32
    %get3A_2144 = arith.index_cast %get3A_2142 : i32 to index
    %get3A_2145 = arith.index_cast %get3A_2143 : i32 to index
    %get3A_2146 = arith.constant 32 : index
    %get3A_2147 = tpu.vector_load %arg7[%get3A_2144, %get3A_2145, %get3A_2146] {strides = array<i32>} : memref<4x8x64xf32, #tpu.memory_space<vmem>>, vector<16xf32>,
    %add3A_2148 = arith.addf %get3A_2141, %get3A_2147 : vector<16xf32>
    %get3A_2149 = arith.constant 2 : i32
    %get3A_2150 = arith.constant 4 : i32
    %get3A_2151 = arith.index_cast %get3A_2149 : i32 to index
    %get3A_2152 = arith.index_cast %get3A_2150 : i32 to index
    %get3A_2153 = arith.constant 32 : index
    %get3A_2154 = tpu.vector_load %arg8[%get3A_2151, %get3A_2152, %get3A_2153] {strides = array<i32>} : memref<4x8x64xf32, #tpu.memory_space<vmem>>, vector<16xf32>,
    %sub3A_2155 = arith.subf %add3A_2148, %get3A_2154 : vector<16xf32>
    %gt3A_2156 = arith.cmpf ogt, %sub3A_2155, %select_n3A_2132 : vector<16xf32>
    %select_n3A_2157 = arith.select %gt3A_2156, %sub3A_2155, %select_n3A_2132 : vector<16xi1>, vector<16xf32>
    %jit3A_2158 = arith.constant 2 : i32
    %broadcast_in_dim3A_2159 = vector.broadcast %jit3A_2158 : i32 to vector<16xi32>
    %select_n3A_2160 = arith.select %gt3A_2156, %broadcast_in_dim3A_2159, %select_n3A_2135 : vector<16xi1>, vector<16xi32>
    %get3A_2161 = arith.constant 3 : i32
    %get3A_2162 = arith.constant 4 : i32
    %get3A_2163 = arith.index_cast %get3A_2161 : i32 to index
    %get3A_2164 = arith.index_cast %get3A_2162 : i32 to index
    %get3A_2165 = arith.constant 32 : index
    %get3A_2166 = tpu.vector_load %arg6[%get3A_2163, %get3A_2164, %get3A_2165] {strides = array<i32>} : memref<4x8x64xf32, #tpu.memory_space<vmem>>, vector<16xf32>,
    %get3A_2167 = arith.constant 3 : i32
    %get3A_2168 = arith.constant 4 : i32
    %get3A_2169 = arith.index_cast %get3A_2167 : i32 to index
    %get3A_2170 = arith.index_cast %get3A_2168 : i32 to index
    %get3A_2171 = arith.constant 32 : index
    %get3A_2172 = tpu.vector_load %arg7[%get3A_2169, %get3A_2170, %get3A_2171] {strides = array<i32>} : memref<4x8x64xf32, #tpu.memory_space<vmem>>, vector<16xf32>,
    %add3A_2173 = arith.addf %get3A_2166, %get3A_2172 : vector<16xf32>
    %get3A_2174 = arith.constant 3 : i32
    %get3A_2175 = arith.constant 4 : i32
    %get3A_2176 = arith.index_cast %get3A_2174 : i32 to index
    %get3A_2177 = arith.index_cast %get3A_2175 : i32 to index
    %get3A_2178 = arith.constant 32 : index
    %get3A_2179 = tpu.vector_load %arg8[%get3A_2176, %get3A_2177, %get3A_2178] {strides = array<i32>} : memref<4x8x64xf32, #tpu.memory_space<vmem>>, vector<16xf32>,
    %sub3A_2180 = arith.subf %add3A_2173, %get3A_2179 : vector<16xf32>
    %gt3A_2181 = arith.cmpf ogt, %sub3A_2180, %select_n3A_2157 : vector<16xf32>
    %select_n3A_2182 = arith.select %gt3A_2181, %sub3A_2180, %select_n3A_2157 : vector<16xi1>, vector<16xf32>
    %jit3A_2183 = arith.constant 3 : i32
    %broadcast_in_dim3A_2184 = vector.broadcast %jit3A_2183 : i32 to vector<16xi32>
    %select_n3A_2185 = arith.select %gt3A_2181, %broadcast_in_dim3A_2184, %select_n3A_2160 : vector<16xi1>, vector<16xi32>
    %shift_left3A_2186 = arith.constant 8 : i32
    %shift_left3A_2187 = vector.broadcast %shift_left3A_2186 : i32 to vector<16xi32>
    %shift_left3A_2188 = arith.shli %select_n3A_2185, %shift_left3A_2187 : vector<16xi32>
    %or3A_2189 = arith.ori %or3A_2088, %shift_left3A_2188 : vector<16xi32>
    %get3A_2190 = arith.constant 0 : i32
    %get3A_2191 = arith.constant 5 : i32
    %get3A_2192 = arith.index_cast %get3A_2190 : i32 to index
    %get3A_2193 = arith.index_cast %get3A_2191 : i32 to index
    %get3A_2194 = arith.constant 32 : index
    %get3A_2195 = tpu.vector_load %arg6[%get3A_2192, %get3A_2193, %get3A_2194] {strides = array<i32>} : memref<4x8x64xf32, #tpu.memory_space<vmem>>, vector<16xf32>,
    %get3A_2196 = arith.constant 0 : i32
    %get3A_2197 = arith.constant 5 : i32
    %get3A_2198 = arith.index_cast %get3A_2196 : i32 to index
    %get3A_2199 = arith.index_cast %get3A_2197 : i32 to index
    %get3A_2200 = arith.constant 32 : index
    %get3A_2201 = tpu.vector_load %arg7[%get3A_2198, %get3A_2199, %get3A_2200] {strides = array<i32>} : memref<4x8x64xf32, #tpu.memory_space<vmem>>, vector<16xf32>,
    %add3A_2202 = arith.addf %get3A_2195, %get3A_2201 : vector<16xf32>
    %get3A_2203 = arith.constant 0 : i32
    %get3A_2204 = arith.constant 5 : i32
    %get3A_2205 = arith.index_cast %get3A_2203 : i32 to index
    %get3A_2206 = arith.index_cast %get3A_2204 : i32 to index
    %get3A_2207 = arith.constant 32 : index
    %get3A_2208 = tpu.vector_load %arg8[%get3A_2205, %get3A_2206, %get3A_2207] {strides = array<i32>} : memref<4x8x64xf32, #tpu.memory_space<vmem>>, vector<16xf32>,
    %sub3A_2209 = arith.subf %add3A_2202, %get3A_2208 : vector<16xf32>
    %broadcast_in_dim3A_2210 = arith.constant 0 : i32
    %broadcast_in_dim3A_2211 = vector.broadcast %broadcast_in_dim3A_2210 : i32 to vector<16xi32>
    %get3A_2212 = arith.constant 1 : i32
    %get3A_2213 = arith.constant 5 : i32
    %get3A_2214 = arith.index_cast %get3A_2212 : i32 to index
    %get3A_2215 = arith.index_cast %get3A_2213 : i32 to index
    %get3A_2216 = arith.constant 32 : index
    %get3A_2217 = tpu.vector_load %arg6[%get3A_2214, %get3A_2215, %get3A_2216] {strides = array<i32>} : memref<4x8x64xf32, #tpu.memory_space<vmem>>, vector<16xf32>,
    %get3A_2218 = arith.constant 1 : i32
    %get3A_2219 = arith.constant 5 : i32
    %get3A_2220 = arith.index_cast %get3A_2218 : i32 to index
    %get3A_2221 = arith.index_cast %get3A_2219 : i32 to index
    %get3A_2222 = arith.constant 32 : index
    %get3A_2223 = tpu.vector_load %arg7[%get3A_2220, %get3A_2221, %get3A_2222] {strides = array<i32>} : memref<4x8x64xf32, #tpu.memory_space<vmem>>, vector<16xf32>,
    %add3A_2224 = arith.addf %get3A_2217, %get3A_2223 : vector<16xf32>
    %get3A_2225 = arith.constant 1 : i32
    %get3A_2226 = arith.constant 5 : i32
    %get3A_2227 = arith.index_cast %get3A_2225 : i32 to index
    %get3A_2228 = arith.index_cast %get3A_2226 : i32 to index
    %get3A_2229 = arith.constant 32 : index
    %get3A_2230 = tpu.vector_load %arg8[%get3A_2227, %get3A_2228, %get3A_2229] {strides = array<i32>} : memref<4x8x64xf32, #tpu.memory_space<vmem>>, vector<16xf32>,
    %sub3A_2231 = arith.subf %add3A_2224, %get3A_2230 : vector<16xf32>
    %gt3A_2232 = arith.cmpf ogt, %sub3A_2231, %sub3A_2209 : vector<16xf32>
    %select_n3A_2233 = arith.select %gt3A_2232, %sub3A_2231, %sub3A_2209 : vector<16xi1>, vector<16xf32>
    %jit3A_2234 = arith.constant 1 : i32
    %broadcast_in_dim3A_2235 = vector.broadcast %jit3A_2234 : i32 to vector<16xi32>
    %select_n3A_2236 = arith.select %gt3A_2232, %broadcast_in_dim3A_2235, %broadcast_in_dim3A_2211 : vector<16xi1>, vector<16xi32>
    %get3A_2237 = arith.constant 2 : i32
    %get3A_2238 = arith.constant 5 : i32
    %get3A_2239 = arith.index_cast %get3A_2237 : i32 to index
    %get3A_2240 = arith.index_cast %get3A_2238 : i32 to index
    %get3A_2241 = arith.constant 32 : index
    %get3A_2242 = tpu.vector_load %arg6[%get3A_2239, %get3A_2240, %get3A_2241] {strides = array<i32>} : memref<4x8x64xf32, #tpu.memory_space<vmem>>, vector<16xf32>,
    %get3A_2243 = arith.constant 2 : i32
    %get3A_2244 = arith.constant 5 : i32
    %get3A_2245 = arith.index_cast %get3A_2243 : i32 to index
    %get3A_2246 = arith.index_cast %get3A_2244 : i32 to index
    %get3A_2247 = arith.constant 32 : index
    %get3A_2248 = tpu.vector_load %arg7[%get3A_2245, %get3A_2246, %get3A_2247] {strides = array<i32>} : memref<4x8x64xf32, #tpu.memory_space<vmem>>, vector<16xf32>,
    %add3A_2249 = arith.addf %get3A_2242, %get3A_2248 : vector<16xf32>
    %get3A_2250 = arith.constant 2 : i32
    %get3A_2251 = arith.constant 5 : i32
    %get3A_2252 = arith.index_cast %get3A_2250 : i32 to index
    %get3A_2253 = arith.index_cast %get3A_2251 : i32 to index
    %get3A_2254 = arith.constant 32 : index
    %get3A_2255 = tpu.vector_load %arg8[%get3A_2252, %get3A_2253, %get3A_2254] {strides = array<i32>} : memref<4x8x64xf32, #tpu.memory_space<vmem>>, vector<16xf32>,
    %sub3A_2256 = arith.subf %add3A_2249, %get3A_2255 : vector<16xf32>
    %gt3A_2257 = arith.cmpf ogt, %sub3A_2256, %select_n3A_2233 : vector<16xf32>
    %select_n3A_2258 = arith.select %gt3A_2257, %sub3A_2256, %select_n3A_2233 : vector<16xi1>, vector<16xf32>
    %jit3A_2259 = arith.constant 2 : i32
    %broadcast_in_dim3A_2260 = vector.broadcast %jit3A_2259 : i32 to vector<16xi32>
    %select_n3A_2261 = arith.select %gt3A_2257, %broadcast_in_dim3A_2260, %select_n3A_2236 : vector<16xi1>, vector<16xi32>
    %get3A_2262 = arith.constant 3 : i32
    %get3A_2263 = arith.constant 5 : i32
    %get3A_2264 = arith.index_cast %get3A_2262 : i32 to index
    %get3A_2265 = arith.index_cast %get3A_2263 : i32 to index
    %get3A_2266 = arith.constant 32 : index
    %get3A_2267 = tpu.vector_load %arg6[%get3A_2264, %get3A_2265, %get3A_2266] {strides = array<i32>} : memref<4x8x64xf32, #tpu.memory_space<vmem>>, vector<16xf32>,
    %get3A_2268 = arith.constant 3 : i32
    %get3A_2269 = arith.constant 5 : i32
    %get3A_2270 = arith.index_cast %get3A_2268 : i32 to index
    %get3A_2271 = arith.index_cast %get3A_2269 : i32 to index
    %get3A_2272 = arith.constant 32 : index
    %get3A_2273 = tpu.vector_load %arg7[%get3A_2270, %get3A_2271, %get3A_2272] {strides = array<i32>} : memref<4x8x64xf32, #tpu.memory_space<vmem>>, vector<16xf32>,
    %add3A_2274 = arith.addf %get3A_2267, %get3A_2273 : vector<16xf32>
    %get3A_2275 = arith.constant 3 : i32
    %get3A_2276 = arith.constant 5 : i32
    %get3A_2277 = arith.index_cast %get3A_2275 : i32 to index
    %get3A_2278 = arith.index_cast %get3A_2276 : i32 to index
    %get3A_2279 = arith.constant 32 : index
    %get3A_2280 = tpu.vector_load %arg8[%get3A_2277, %get3A_2278, %get3A_2279] {strides = array<i32>} : memref<4x8x64xf32, #tpu.memory_space<vmem>>, vector<16xf32>,
    %sub3A_2281 = arith.subf %add3A_2274, %get3A_2280 : vector<16xf32>
    %gt3A_2282 = arith.cmpf ogt, %sub3A_2281, %select_n3A_2258 : vector<16xf32>
    %select_n3A_2283 = arith.select %gt3A_2282, %sub3A_2281, %select_n3A_2258 : vector<16xi1>, vector<16xf32>
    %jit3A_2284 = arith.constant 3 : i32
    %broadcast_in_dim3A_2285 = vector.broadcast %jit3A_2284 : i32 to vector<16xi32>
    %select_n3A_2286 = arith.select %gt3A_2282, %broadcast_in_dim3A_2285, %select_n3A_2261 : vector<16xi1>, vector<16xi32>
    %shift_left3A_2287 = arith.constant 10 : i32
    %shift_left3A_2288 = vector.broadcast %shift_left3A_2287 : i32 to vector<16xi32>
    %shift_left3A_2289 = arith.shli %select_n3A_2286, %shift_left3A_2288 : vector<16xi32>
    %or3A_2290 = arith.ori %or3A_2189, %shift_left3A_2289 : vector<16xi32>
    %get3A_2291 = arith.constant 0 : i32
    %get3A_2292 = arith.constant 6 : i32
    %get3A_2293 = arith.index_cast %get3A_2291 : i32 to index
    %get3A_2294 = arith.index_cast %get3A_2292 : i32 to index
    %get3A_2295 = arith.constant 32 : index
    %get3A_2296 = tpu.vector_load %arg6[%get3A_2293, %get3A_2294, %get3A_2295] {strides = array<i32>} : memref<4x8x64xf32, #tpu.memory_space<vmem>>, vector<16xf32>,
    %get3A_2297 = arith.constant 0 : i32
    %get3A_2298 = arith.constant 6 : i32
    %get3A_2299 = arith.index_cast %get3A_2297 : i32 to index
    %get3A_2300 = arith.index_cast %get3A_2298 : i32 to index
    %get3A_2301 = arith.constant 32 : index
    %get3A_2302 = tpu.vector_load %arg7[%get3A_2299, %get3A_2300, %get3A_2301] {strides = array<i32>} : memref<4x8x64xf32, #tpu.memory_space<vmem>>, vector<16xf32>,
    %add3A_2303 = arith.addf %get3A_2296, %get3A_2302 : vector<16xf32>
    %get3A_2304 = arith.constant 0 : i32
    %get3A_2305 = arith.constant 6 : i32
    %get3A_2306 = arith.index_cast %get3A_2304 : i32 to index
    %get3A_2307 = arith.index_cast %get3A_2305 : i32 to index
    %get3A_2308 = arith.constant 32 : index
    %get3A_2309 = tpu.vector_load %arg8[%get3A_2306, %get3A_2307, %get3A_2308] {strides = array<i32>} : memref<4x8x64xf32, #tpu.memory_space<vmem>>, vector<16xf32>,
    %sub3A_2310 = arith.subf %add3A_2303, %get3A_2309 : vector<16xf32>
    %broadcast_in_dim3A_2311 = arith.constant 0 : i32
    %broadcast_in_dim3A_2312 = vector.broadcast %broadcast_in_dim3A_2311 : i32 to vector<16xi32>
    %get3A_2313 = arith.constant 1 : i32
    %get3A_2314 = arith.constant 6 : i32
    %get3A_2315 = arith.index_cast %get3A_2313 : i32 to index
    %get3A_2316 = arith.index_cast %get3A_2314 : i32 to index
    %get3A_2317 = arith.constant 32 : index
    %get3A_2318 = tpu.vector_load %arg6[%get3A_2315, %get3A_2316, %get3A_2317] {strides = array<i32>} : memref<4x8x64xf32, #tpu.memory_space<vmem>>, vector<16xf32>,
    %get3A_2319 = arith.constant 1 : i32
    %get3A_2320 = arith.constant 6 : i32
    %get3A_2321 = arith.index_cast %get3A_2319 : i32 to index
    %get3A_2322 = arith.index_cast %get3A_2320 : i32 to index
    %get3A_2323 = arith.constant 32 : index
    %get3A_2324 = tpu.vector_load %arg7[%get3A_2321, %get3A_2322, %get3A_2323] {strides = array<i32>} : memref<4x8x64xf32, #tpu.memory_space<vmem>>, vector<16xf32>,
    %add3A_2325 = arith.addf %get3A_2318, %get3A_2324 : vector<16xf32>
    %get3A_2326 = arith.constant 1 : i32
    %get3A_2327 = arith.constant 6 : i32
    %get3A_2328 = arith.index_cast %get3A_2326 : i32 to index
    %get3A_2329 = arith.index_cast %get3A_2327 : i32 to index
    %get3A_2330 = arith.constant 32 : index
    %get3A_2331 = tpu.vector_load %arg8[%get3A_2328, %get3A_2329, %get3A_2330] {strides = array<i32>} : memref<4x8x64xf32, #tpu.memory_space<vmem>>, vector<16xf32>,
    %sub3A_2332 = arith.subf %add3A_2325, %get3A_2331 : vector<16xf32>
    %gt3A_2333 = arith.cmpf ogt, %sub3A_2332, %sub3A_2310 : vector<16xf32>
    %select_n3A_2334 = arith.select %gt3A_2333, %sub3A_2332, %sub3A_2310 : vector<16xi1>, vector<16xf32>
    %jit3A_2335 = arith.constant 1 : i32
    %broadcast_in_dim3A_2336 = vector.broadcast %jit3A_2335 : i32 to vector<16xi32>
    %select_n3A_2337 = arith.select %gt3A_2333, %broadcast_in_dim3A_2336, %broadcast_in_dim3A_2312 : vector<16xi1>, vector<16xi32>
    %get3A_2338 = arith.constant 2 : i32
    %get3A_2339 = arith.constant 6 : i32
    %get3A_2340 = arith.index_cast %get3A_2338 : i32 to index
    %get3A_2341 = arith.index_cast %get3A_2339 : i32 to index
    %get3A_2342 = arith.constant 32 : index
    %get3A_2343 = tpu.vector_load %arg6[%get3A_2340, %get3A_2341, %get3A_2342] {strides = array<i32>} : memref<4x8x64xf32, #tpu.memory_space<vmem>>, vector<16xf32>,
    %get3A_2344 = arith.constant 2 : i32
    %get3A_2345 = arith.constant 6 : i32
    %get3A_2346 = arith.index_cast %get3A_2344 : i32 to index
    %get3A_2347 = arith.index_cast %get3A_2345 : i32 to index
    %get3A_2348 = arith.constant 32 : index
    %get3A_2349 = tpu.vector_load %arg7[%get3A_2346, %get3A_2347, %get3A_2348] {strides = array<i32>} : memref<4x8x64xf32, #tpu.memory_space<vmem>>, vector<16xf32>,
    %add3A_2350 = arith.addf %get3A_2343, %get3A_2349 : vector<16xf32>
    %get3A_2351 = arith.constant 2 : i32
    %get3A_2352 = arith.constant 6 : i32
    %get3A_2353 = arith.index_cast %get3A_2351 : i32 to index
    %get3A_2354 = arith.index_cast %get3A_2352 : i32 to index
    %get3A_2355 = arith.constant 32 : index
    %get3A_2356 = tpu.vector_load %arg8[%get3A_2353, %get3A_2354, %get3A_2355] {strides = array<i32>} : memref<4x8x64xf32, #tpu.memory_space<vmem>>, vector<16xf32>,
    %sub3A_2357 = arith.subf %add3A_2350, %get3A_2356 : vector<16xf32>
    %gt3A_2358 = arith.cmpf ogt, %sub3A_2357, %select_n3A_2334 : vector<16xf32>
    %select_n3A_2359 = arith.select %gt3A_2358, %sub3A_2357, %select_n3A_2334 : vector<16xi1>, vector<16xf32>
    %jit3A_2360 = arith.constant 2 : i32
    %broadcast_in_dim3A_2361 = vector.broadcast %jit3A_2360 : i32 to vector<16xi32>
    %select_n3A_2362 = arith.select %gt3A_2358, %broadcast_in_dim3A_2361, %select_n3A_2337 : vector<16xi1>, vector<16xi32>
    %get3A_2363 = arith.constant 3 : i32
    %get3A_2364 = arith.constant 6 : i32
    %get3A_2365 = arith.index_cast %get3A_2363 : i32 to index
    %get3A_2366 = arith.index_cast %get3A_2364 : i32 to index
    %get3A_2367 = arith.constant 32 : index
    %get3A_2368 = tpu.vector_load %arg6[%get3A_2365, %get3A_2366, %get3A_2367] {strides = array<i32>} : memref<4x8x64xf32, #tpu.memory_space<vmem>>, vector<16xf32>,
    %get3A_2369 = arith.constant 3 : i32
    %get3A_2370 = arith.constant 6 : i32
    %get3A_2371 = arith.index_cast %get3A_2369 : i32 to index
    %get3A_2372 = arith.index_cast %get3A_2370 : i32 to index
    %get3A_2373 = arith.constant 32 : index
    %get3A_2374 = tpu.vector_load %arg7[%get3A_2371, %get3A_2372, %get3A_2373] {strides = array<i32>} : memref<4x8x64xf32, #tpu.memory_space<vmem>>, vector<16xf32>,
    %add3A_2375 = arith.addf %get3A_2368, %get3A_2374 : vector<16xf32>
    %get3A_2376 = arith.constant 3 : i32
    %get3A_2377 = arith.constant 6 : i32
    %get3A_2378 = arith.index_cast %get3A_2376 : i32 to index
    %get3A_2379 = arith.index_cast %get3A_2377 : i32 to index
    %get3A_2380 = arith.constant 32 : index
    %get3A_2381 = tpu.vector_load %arg8[%get3A_2378, %get3A_2379, %get3A_2380] {strides = array<i32>} : memref<4x8x64xf32, #tpu.memory_space<vmem>>, vector<16xf32>,
    %sub3A_2382 = arith.subf %add3A_2375, %get3A_2381 : vector<16xf32>
    %gt3A_2383 = arith.cmpf ogt, %sub3A_2382, %select_n3A_2359 : vector<16xf32>
    %select_n3A_2384 = arith.select %gt3A_2383, %sub3A_2382, %select_n3A_2359 : vector<16xi1>, vector<16xf32>
    %jit3A_2385 = arith.constant 3 : i32
    %broadcast_in_dim3A_2386 = vector.broadcast %jit3A_2385 : i32 to vector<16xi32>
    %select_n3A_2387 = arith.select %gt3A_2383, %broadcast_in_dim3A_2386, %select_n3A_2362 : vector<16xi1>, vector<16xi32>
    %shift_left3A_2388 = arith.constant 12 : i32
    %shift_left3A_2389 = vector.broadcast %shift_left3A_2388 : i32 to vector<16xi32>
    %shift_left3A_2390 = arith.shli %select_n3A_2387, %shift_left3A_2389 : vector<16xi32>
    %or3A_2391 = arith.ori %or3A_2290, %shift_left3A_2390 : vector<16xi32>
    %get3A_2392 = arith.constant 0 : i32
    %get3A_2393 = arith.constant 7 : i32
    %get3A_2394 = arith.index_cast %get3A_2392 : i32 to index
    %get3A_2395 = arith.index_cast %get3A_2393 : i32 to index
    %get3A_2396 = arith.constant 32 : index
    %get3A_2397 = tpu.vector_load %arg6[%get3A_2394, %get3A_2395, %get3A_2396] {strides = array<i32>} : memref<4x8x64xf32, #tpu.memory_space<vmem>>, vector<16xf32>,
    %get3A_2398 = arith.constant 0 : i32
    %get3A_2399 = arith.constant 7 : i32
    %get3A_2400 = arith.index_cast %get3A_2398 : i32 to index
    %get3A_2401 = arith.index_cast %get3A_2399 : i32 to index
    %get3A_2402 = arith.constant 32 : index
    %get3A_2403 = tpu.vector_load %arg7[%get3A_2400, %get3A_2401, %get3A_2402] {strides = array<i32>} : memref<4x8x64xf32, #tpu.memory_space<vmem>>, vector<16xf32>,
    %add3A_2404 = arith.addf %get3A_2397, %get3A_2403 : vector<16xf32>
    %get3A_2405 = arith.constant 0 : i32
    %get3A_2406 = arith.constant 7 : i32
    %get3A_2407 = arith.index_cast %get3A_2405 : i32 to index
    %get3A_2408 = arith.index_cast %get3A_2406 : i32 to index
    %get3A_2409 = arith.constant 32 : index
    %get3A_2410 = tpu.vector_load %arg8[%get3A_2407, %get3A_2408, %get3A_2409] {strides = array<i32>} : memref<4x8x64xf32, #tpu.memory_space<vmem>>, vector<16xf32>,
    %sub3A_2411 = arith.subf %add3A_2404, %get3A_2410 : vector<16xf32>
    %broadcast_in_dim3A_2412 = arith.constant 0 : i32
    %broadcast_in_dim3A_2413 = vector.broadcast %broadcast_in_dim3A_2412 : i32 to vector<16xi32>
    %get3A_2414 = arith.constant 1 : i32
    %get3A_2415 = arith.constant 7 : i32
    %get3A_2416 = arith.index_cast %get3A_2414 : i32 to index
    %get3A_2417 = arith.index_cast %get3A_2415 : i32 to index
    %get3A_2418 = arith.constant 32 : index
    %get3A_2419 = tpu.vector_load %arg6[%get3A_2416, %get3A_2417, %get3A_2418] {strides = array<i32>} : memref<4x8x64xf32, #tpu.memory_space<vmem>>, vector<16xf32>,
    %get3A_2420 = arith.constant 1 : i32
    %get3A_2421 = arith.constant 7 : i32
    %get3A_2422 = arith.index_cast %get3A_2420 : i32 to index
    %get3A_2423 = arith.index_cast %get3A_2421 : i32 to index
    %get3A_2424 = arith.constant 32 : index
    %get3A_2425 = tpu.vector_load %arg7[%get3A_2422, %get3A_2423, %get3A_2424] {strides = array<i32>} : memref<4x8x64xf32, #tpu.memory_space<vmem>>, vector<16xf32>,
    %add3A_2426 = arith.addf %get3A_2419, %get3A_2425 : vector<16xf32>
    %get3A_2427 = arith.constant 1 : i32
    %get3A_2428 = arith.constant 7 : i32
    %get3A_2429 = arith.index_cast %get3A_2427 : i32 to index
    %get3A_2430 = arith.index_cast %get3A_2428 : i32 to index
    %get3A_2431 = arith.constant 32 : index
    %get3A_2432 = tpu.vector_load %arg8[%get3A_2429, %get3A_2430, %get3A_2431] {strides = array<i32>} : memref<4x8x64xf32, #tpu.memory_space<vmem>>, vector<16xf32>,
    %sub3A_2433 = arith.subf %add3A_2426, %get3A_2432 : vector<16xf32>
    %gt3A_2434 = arith.cmpf ogt, %sub3A_2433, %sub3A_2411 : vector<16xf32>
    %select_n3A_2435 = arith.select %gt3A_2434, %sub3A_2433, %sub3A_2411 : vector<16xi1>, vector<16xf32>
    %jit3A_2436 = arith.constant 1 : i32
    %broadcast_in_dim3A_2437 = vector.broadcast %jit3A_2436 : i32 to vector<16xi32>
    %select_n3A_2438 = arith.select %gt3A_2434, %broadcast_in_dim3A_2437, %broadcast_in_dim3A_2413 : vector<16xi1>, vector<16xi32>
    %get3A_2439 = arith.constant 2 : i32
    %get3A_2440 = arith.constant 7 : i32
    %get3A_2441 = arith.index_cast %get3A_2439 : i32 to index
    %get3A_2442 = arith.index_cast %get3A_2440 : i32 to index
    %get3A_2443 = arith.constant 32 : index
    %get3A_2444 = tpu.vector_load %arg6[%get3A_2441, %get3A_2442, %get3A_2443] {strides = array<i32>} : memref<4x8x64xf32, #tpu.memory_space<vmem>>, vector<16xf32>,
    %get3A_2445 = arith.constant 2 : i32
    %get3A_2446 = arith.constant 7 : i32
    %get3A_2447 = arith.index_cast %get3A_2445 : i32 to index
    %get3A_2448 = arith.index_cast %get3A_2446 : i32 to index
    %get3A_2449 = arith.constant 32 : index
    %get3A_2450 = tpu.vector_load %arg7[%get3A_2447, %get3A_2448, %get3A_2449] {strides = array<i32>} : memref<4x8x64xf32, #tpu.memory_space<vmem>>, vector<16xf32>,
    %add3A_2451 = arith.addf %get3A_2444, %get3A_2450 : vector<16xf32>
    %get3A_2452 = arith.constant 2 : i32
    %get3A_2453 = arith.constant 7 : i32
    %get3A_2454 = arith.index_cast %get3A_2452 : i32 to index
    %get3A_2455 = arith.index_cast %get3A_2453 : i32 to index
    %get3A_2456 = arith.constant 32 : index
    %get3A_2457 = tpu.vector_load %arg8[%get3A_2454, %get3A_2455, %get3A_2456] {strides = array<i32>} : memref<4x8x64xf32, #tpu.memory_space<vmem>>, vector<16xf32>,
    %sub3A_2458 = arith.subf %add3A_2451, %get3A_2457 : vector<16xf32>
    %gt3A_2459 = arith.cmpf ogt, %sub3A_2458, %select_n3A_2435 : vector<16xf32>
    %select_n3A_2460 = arith.select %gt3A_2459, %sub3A_2458, %select_n3A_2435 : vector<16xi1>, vector<16xf32>
    %jit3A_2461 = arith.constant 2 : i32
    %broadcast_in_dim3A_2462 = vector.broadcast %jit3A_2461 : i32 to vector<16xi32>
    %select_n3A_2463 = arith.select %gt3A_2459, %broadcast_in_dim3A_2462, %select_n3A_2438 : vector<16xi1>, vector<16xi32>
    %get3A_2464 = arith.constant 3 : i32
    %get3A_2465 = arith.constant 7 : i32
    %get3A_2466 = arith.index_cast %get3A_2464 : i32 to index
    %get3A_2467 = arith.index_cast %get3A_2465 : i32 to index
    %get3A_2468 = arith.constant 32 : index
    %get3A_2469 = tpu.vector_load %arg6[%get3A_2466, %get3A_2467, %get3A_2468] {strides = array<i32>} : memref<4x8x64xf32, #tpu.memory_space<vmem>>, vector<16xf32>,
    %get3A_2470 = arith.constant 3 : i32
    %get3A_2471 = arith.constant 7 : i32
    %get3A_2472 = arith.index_cast %get3A_2470 : i32 to index
    %get3A_2473 = arith.index_cast %get3A_2471 : i32 to index
    %get3A_2474 = arith.constant 32 : index
    %get3A_2475 = tpu.vector_load %arg7[%get3A_2472, %get3A_2473, %get3A_2474] {strides = array<i32>} : memref<4x8x64xf32, #tpu.memory_space<vmem>>, vector<16xf32>,
    %add3A_2476 = arith.addf %get3A_2469, %get3A_2475 : vector<16xf32>
    %get3A_2477 = arith.constant 3 : i32
    %get3A_2478 = arith.constant 7 : i32
    %get3A_2479 = arith.index_cast %get3A_2477 : i32 to index
    %get3A_2480 = arith.index_cast %get3A_2478 : i32 to index
    %get3A_2481 = arith.constant 32 : index
    %get3A_2482 = tpu.vector_load %arg8[%get3A_2479, %get3A_2480, %get3A_2481] {strides = array<i32>} : memref<4x8x64xf32, #tpu.memory_space<vmem>>, vector<16xf32>,
    %sub3A_2483 = arith.subf %add3A_2476, %get3A_2482 : vector<16xf32>
    %gt3A_2484 = arith.cmpf ogt, %sub3A_2483, %select_n3A_2460 : vector<16xf32>
    %select_n3A_2485 = arith.select %gt3A_2484, %sub3A_2483, %select_n3A_2460 : vector<16xi1>, vector<16xf32>
    %jit3A_2486 = arith.constant 3 : i32
    %broadcast_in_dim3A_2487 = vector.broadcast %jit3A_2486 : i32 to vector<16xi32>
    %select_n3A_2488 = arith.select %gt3A_2484, %broadcast_in_dim3A_2487, %select_n3A_2463 : vector<16xi1>, vector<16xi32>
    %shift_left3A_2489 = arith.constant 14 : i32
    %shift_left3A_2490 = vector.broadcast %shift_left3A_2489 : i32 to vector<16xi32>
    %shift_left3A_2491 = arith.shli %select_n3A_2488, %shift_left3A_2490 : vector<16xi32>
    %or3A_2492 = arith.ori %or3A_2391, %shift_left3A_2491 : vector<16xi32>
    %swap3A_2493 = arith.constant 32 : index
    %swap3A_2494 = tpu.vector_load %arg9[%swap3A_2493] {strides = array<i32>} : memref<64xi32, #tpu.memory_space<vmem>>, vector<16xi32>,
    tpu.vector_store %arg9[%swap3A_2493], %or3A_2492 {strides = array<i32>} : memref<64xi32, #tpu.memory_space<vmem>>, vector<16xi32>,
    %broadcast_in_dim3A_2495 = arith.constant 0 : i32
    %broadcast_in_dim3A_2496 = vector.broadcast %broadcast_in_dim3A_2495 : i32 to vector<16xi32>
    %get3A_2497 = arith.constant 0 : i32
    %get3A_2498 = arith.constant 0 : i32
    %get3A_2499 = arith.index_cast %get3A_2497 : i32 to index
    %get3A_2500 = arith.index_cast %get3A_2498 : i32 to index
    %get3A_2501 = arith.constant 48 : index
    %get3A_2502 = tpu.vector_load %arg6[%get3A_2499, %get3A_2500, %get3A_2501] {strides = array<i32>} : memref<4x8x64xf32, #tpu.memory_space<vmem>>, vector<16xf32>,
    %get3A_2503 = arith.constant 0 : i32
    %get3A_2504 = arith.constant 0 : i32
    %get3A_2505 = arith.index_cast %get3A_2503 : i32 to index
    %get3A_2506 = arith.index_cast %get3A_2504 : i32 to index
    %get3A_2507 = arith.constant 48 : index
    %get3A_2508 = tpu.vector_load %arg7[%get3A_2505, %get3A_2506, %get3A_2507] {strides = array<i32>} : memref<4x8x64xf32, #tpu.memory_space<vmem>>, vector<16xf32>,
    %add3A_2509 = arith.addf %get3A_2502, %get3A_2508 : vector<16xf32>
    %get3A_2510 = arith.constant 0 : i32
    %get3A_2511 = arith.constant 0 : i32
    %get3A_2512 = arith.index_cast %get3A_2510 : i32 to index
    %get3A_2513 = arith.index_cast %get3A_2511 : i32 to index
    %get3A_2514 = arith.constant 48 : index
    %get3A_2515 = tpu.vector_load %arg8[%get3A_2512, %get3A_2513, %get3A_2514] {strides = array<i32>} : memref<4x8x64xf32, #tpu.memory_space<vmem>>, vector<16xf32>,
    %sub3A_2516 = arith.subf %add3A_2509, %get3A_2515 : vector<16xf32>
    %broadcast_in_dim3A_2517 = arith.constant 0 : i32
    %broadcast_in_dim3A_2518 = vector.broadcast %broadcast_in_dim3A_2517 : i32 to vector<16xi32>
    %get3A_2519 = arith.constant 1 : i32
    %get3A_2520 = arith.constant 0 : i32
    %get3A_2521 = arith.index_cast %get3A_2519 : i32 to index
    %get3A_2522 = arith.index_cast %get3A_2520 : i32 to index
    %get3A_2523 = arith.constant 48 : index
    %get3A_2524 = tpu.vector_load %arg6[%get3A_2521, %get3A_2522, %get3A_2523] {strides = array<i32>} : memref<4x8x64xf32, #tpu.memory_space<vmem>>, vector<16xf32>,
    %get3A_2525 = arith.constant 1 : i32
    %get3A_2526 = arith.constant 0 : i32
    %get3A_2527 = arith.index_cast %get3A_2525 : i32 to index
    %get3A_2528 = arith.index_cast %get3A_2526 : i32 to index
    %get3A_2529 = arith.constant 48 : index
    %get3A_2530 = tpu.vector_load %arg7[%get3A_2527, %get3A_2528, %get3A_2529] {strides = array<i32>} : memref<4x8x64xf32, #tpu.memory_space<vmem>>, vector<16xf32>,
    %add3A_2531 = arith.addf %get3A_2524, %get3A_2530 : vector<16xf32>
    %get3A_2532 = arith.constant 1 : i32
    %get3A_2533 = arith.constant 0 : i32
    %get3A_2534 = arith.index_cast %get3A_2532 : i32 to index
    %get3A_2535 = arith.index_cast %get3A_2533 : i32 to index
    %get3A_2536 = arith.constant 48 : index
    %get3A_2537 = tpu.vector_load %arg8[%get3A_2534, %get3A_2535, %get3A_2536] {strides = array<i32>} : memref<4x8x64xf32, #tpu.memory_space<vmem>>, vector<16xf32>,
    %sub3A_2538 = arith.subf %add3A_2531, %get3A_2537 : vector<16xf32>
    %gt3A_2539 = arith.cmpf ogt, %sub3A_2538, %sub3A_2516 : vector<16xf32>
    %select_n3A_2540 = arith.select %gt3A_2539, %sub3A_2538, %sub3A_2516 : vector<16xi1>, vector<16xf32>
    %jit3A_2541 = arith.constant 1 : i32
    %broadcast_in_dim3A_2542 = vector.broadcast %jit3A_2541 : i32 to vector<16xi32>
    %select_n3A_2543 = arith.select %gt3A_2539, %broadcast_in_dim3A_2542, %broadcast_in_dim3A_2518 : vector<16xi1>, vector<16xi32>
    %get3A_2544 = arith.constant 2 : i32
    %get3A_2545 = arith.constant 0 : i32
    %get3A_2546 = arith.index_cast %get3A_2544 : i32 to index
    %get3A_2547 = arith.index_cast %get3A_2545 : i32 to index
    %get3A_2548 = arith.constant 48 : index
    %get3A_2549 = tpu.vector_load %arg6[%get3A_2546, %get3A_2547, %get3A_2548] {strides = array<i32>} : memref<4x8x64xf32, #tpu.memory_space<vmem>>, vector<16xf32>,
    %get3A_2550 = arith.constant 2 : i32
    %get3A_2551 = arith.constant 0 : i32
    %get3A_2552 = arith.index_cast %get3A_2550 : i32 to index
    %get3A_2553 = arith.index_cast %get3A_2551 : i32 to index
    %get3A_2554 = arith.constant 48 : index
    %get3A_2555 = tpu.vector_load %arg7[%get3A_2552, %get3A_2553, %get3A_2554] {strides = array<i32>} : memref<4x8x64xf32, #tpu.memory_space<vmem>>, vector<16xf32>,
    %add3A_2556 = arith.addf %get3A_2549, %get3A_2555 : vector<16xf32>
    %get3A_2557 = arith.constant 2 : i32
    %get3A_2558 = arith.constant 0 : i32
    %get3A_2559 = arith.index_cast %get3A_2557 : i32 to index
    %get3A_2560 = arith.index_cast %get3A_2558 : i32 to index
    %get3A_2561 = arith.constant 48 : index
    %get3A_2562 = tpu.vector_load %arg8[%get3A_2559, %get3A_2560, %get3A_2561] {strides = array<i32>} : memref<4x8x64xf32, #tpu.memory_space<vmem>>, vector<16xf32>,
    %sub3A_2563 = arith.subf %add3A_2556, %get3A_2562 : vector<16xf32>
    %gt3A_2564 = arith.cmpf ogt, %sub3A_2563, %select_n3A_2540 : vector<16xf32>
    %select_n3A_2565 = arith.select %gt3A_2564, %sub3A_2563, %select_n3A_2540 : vector<16xi1>, vector<16xf32>
    %jit3A_2566 = arith.constant 2 : i32
    %broadcast_in_dim3A_2567 = vector.broadcast %jit3A_2566 : i32 to vector<16xi32>
    %select_n3A_2568 = arith.select %gt3A_2564, %broadcast_in_dim3A_2567, %select_n3A_2543 : vector<16xi1>, vector<16xi32>
    %get3A_2569 = arith.constant 3 : i32
    %get3A_2570 = arith.constant 0 : i32
    %get3A_2571 = arith.index_cast %get3A_2569 : i32 to index
    %get3A_2572 = arith.index_cast %get3A_2570 : i32 to index
    %get3A_2573 = arith.constant 48 : index
    %get3A_2574 = tpu.vector_load %arg6[%get3A_2571, %get3A_2572, %get3A_2573] {strides = array<i32>} : memref<4x8x64xf32, #tpu.memory_space<vmem>>, vector<16xf32>,
    %get3A_2575 = arith.constant 3 : i32
    %get3A_2576 = arith.constant 0 : i32
    %get3A_2577 = arith.index_cast %get3A_2575 : i32 to index
    %get3A_2578 = arith.index_cast %get3A_2576 : i32 to index
    %get3A_2579 = arith.constant 48 : index
    %get3A_2580 = tpu.vector_load %arg7[%get3A_2577, %get3A_2578, %get3A_2579] {strides = array<i32>} : memref<4x8x64xf32, #tpu.memory_space<vmem>>, vector<16xf32>,
    %add3A_2581 = arith.addf %get3A_2574, %get3A_2580 : vector<16xf32>
    %get3A_2582 = arith.constant 3 : i32
    %get3A_2583 = arith.constant 0 : i32
    %get3A_2584 = arith.index_cast %get3A_2582 : i32 to index
    %get3A_2585 = arith.index_cast %get3A_2583 : i32 to index
    %get3A_2586 = arith.constant 48 : index
    %get3A_2587 = tpu.vector_load %arg8[%get3A_2584, %get3A_2585, %get3A_2586] {strides = array<i32>} : memref<4x8x64xf32, #tpu.memory_space<vmem>>, vector<16xf32>,
    %sub3A_2588 = arith.subf %add3A_2581, %get3A_2587 : vector<16xf32>
    %gt3A_2589 = arith.cmpf ogt, %sub3A_2588, %select_n3A_2565 : vector<16xf32>
    %select_n3A_2590 = arith.select %gt3A_2589, %sub3A_2588, %select_n3A_2565 : vector<16xi1>, vector<16xf32>
    %jit3A_2591 = arith.constant 3 : i32
    %broadcast_in_dim3A_2592 = vector.broadcast %jit3A_2591 : i32 to vector<16xi32>
    %select_n3A_2593 = arith.select %gt3A_2589, %broadcast_in_dim3A_2592, %select_n3A_2568 : vector<16xi1>, vector<16xi32>
    %shift_left3A_2594 = arith.constant 0 : i32
    %shift_left3A_2595 = vector.broadcast %shift_left3A_2594 : i32 to vector<16xi32>
    %shift_left3A_2596 = arith.shli %select_n3A_2593, %shift_left3A_2595 : vector<16xi32>
    %or3A_2597 = arith.ori %broadcast_in_dim3A_2496, %shift_left3A_2596 : vector<16xi32>
    %get3A_2598 = arith.constant 0 : i32
    %get3A_2599 = arith.constant 1 : i32
    %get3A_2600 = arith.index_cast %get3A_2598 : i32 to index
    %get3A_2601 = arith.index_cast %get3A_2599 : i32 to index
    %get3A_2602 = arith.constant 48 : index
    %get3A_2603 = tpu.vector_load %arg6[%get3A_2600, %get3A_2601, %get3A_2602] {strides = array<i32>} : memref<4x8x64xf32, #tpu.memory_space<vmem>>, vector<16xf32>,
    %get3A_2604 = arith.constant 0 : i32
    %get3A_2605 = arith.constant 1 : i32
    %get3A_2606 = arith.index_cast %get3A_2604 : i32 to index
    %get3A_2607 = arith.index_cast %get3A_2605 : i32 to index
    %get3A_2608 = arith.constant 48 : index
    %get3A_2609 = tpu.vector_load %arg7[%get3A_2606, %get3A_2607, %get3A_2608] {strides = array<i32>} : memref<4x8x64xf32, #tpu.memory_space<vmem>>, vector<16xf32>,
    %add3A_2610 = arith.addf %get3A_2603, %get3A_2609 : vector<16xf32>
    %get3A_2611 = arith.constant 0 : i32
    %get3A_2612 = arith.constant 1 : i32
    %get3A_2613 = arith.index_cast %get3A_2611 : i32 to index
    %get3A_2614 = arith.index_cast %get3A_2612 : i32 to index
    %get3A_2615 = arith.constant 48 : index
    %get3A_2616 = tpu.vector_load %arg8[%get3A_2613, %get3A_2614, %get3A_2615] {strides = array<i32>} : memref<4x8x64xf32, #tpu.memory_space<vmem>>, vector<16xf32>,
    %sub3A_2617 = arith.subf %add3A_2610, %get3A_2616 : vector<16xf32>
    %broadcast_in_dim3A_2618 = arith.constant 0 : i32
    %broadcast_in_dim3A_2619 = vector.broadcast %broadcast_in_dim3A_2618 : i32 to vector<16xi32>
    %get3A_2620 = arith.constant 1 : i32
    %get3A_2621 = arith.constant 1 : i32
    %get3A_2622 = arith.index_cast %get3A_2620 : i32 to index
    %get3A_2623 = arith.index_cast %get3A_2621 : i32 to index
    %get3A_2624 = arith.constant 48 : index
    %get3A_2625 = tpu.vector_load %arg6[%get3A_2622, %get3A_2623, %get3A_2624] {strides = array<i32>} : memref<4x8x64xf32, #tpu.memory_space<vmem>>, vector<16xf32>,
    %get3A_2626 = arith.constant 1 : i32
    %get3A_2627 = arith.constant 1 : i32
    %get3A_2628 = arith.index_cast %get3A_2626 : i32 to index
    %get3A_2629 = arith.index_cast %get3A_2627 : i32 to index
    %get3A_2630 = arith.constant 48 : index
    %get3A_2631 = tpu.vector_load %arg7[%get3A_2628, %get3A_2629, %get3A_2630] {strides = array<i32>} : memref<4x8x64xf32, #tpu.memory_space<vmem>>, vector<16xf32>,
    %add3A_2632 = arith.addf %get3A_2625, %get3A_2631 : vector<16xf32>
    %get3A_2633 = arith.constant 1 : i32
    %get3A_2634 = arith.constant 1 : i32
    %get3A_2635 = arith.index_cast %get3A_2633 : i32 to index
    %get3A_2636 = arith.index_cast %get3A_2634 : i32 to index
    %get3A_2637 = arith.constant 48 : index
    %get3A_2638 = tpu.vector_load %arg8[%get3A_2635, %get3A_2636, %get3A_2637] {strides = array<i32>} : memref<4x8x64xf32, #tpu.memory_space<vmem>>, vector<16xf32>,
    %sub3A_2639 = arith.subf %add3A_2632, %get3A_2638 : vector<16xf32>
    %gt3A_2640 = arith.cmpf ogt, %sub3A_2639, %sub3A_2617 : vector<16xf32>
    %select_n3A_2641 = arith.select %gt3A_2640, %sub3A_2639, %sub3A_2617 : vector<16xi1>, vector<16xf32>
    %jit3A_2642 = arith.constant 1 : i32
    %broadcast_in_dim3A_2643 = vector.broadcast %jit3A_2642 : i32 to vector<16xi32>
    %select_n3A_2644 = arith.select %gt3A_2640, %broadcast_in_dim3A_2643, %broadcast_in_dim3A_2619 : vector<16xi1>, vector<16xi32>
    %get3A_2645 = arith.constant 2 : i32
    %get3A_2646 = arith.constant 1 : i32
    %get3A_2647 = arith.index_cast %get3A_2645 : i32 to index
    %get3A_2648 = arith.index_cast %get3A_2646 : i32 to index
    %get3A_2649 = arith.constant 48 : index
    %get3A_2650 = tpu.vector_load %arg6[%get3A_2647, %get3A_2648, %get3A_2649] {strides = array<i32>} : memref<4x8x64xf32, #tpu.memory_space<vmem>>, vector<16xf32>,
    %get3A_2651 = arith.constant 2 : i32
    %get3A_2652 = arith.constant 1 : i32
    %get3A_2653 = arith.index_cast %get3A_2651 : i32 to index
    %get3A_2654 = arith.index_cast %get3A_2652 : i32 to index
    %get3A_2655 = arith.constant 48 : index
    %get3A_2656 = tpu.vector_load %arg7[%get3A_2653, %get3A_2654, %get3A_2655] {strides = array<i32>} : memref<4x8x64xf32, #tpu.memory_space<vmem>>, vector<16xf32>,
    %add3A_2657 = arith.addf %get3A_2650, %get3A_2656 : vector<16xf32>
    %get3A_2658 = arith.constant 2 : i32
    %get3A_2659 = arith.constant 1 : i32
    %get3A_2660 = arith.index_cast %get3A_2658 : i32 to index
    %get3A_2661 = arith.index_cast %get3A_2659 : i32 to index
    %get3A_2662 = arith.constant 48 : index
    %get3A_2663 = tpu.vector_load %arg8[%get3A_2660, %get3A_2661, %get3A_2662] {strides = array<i32>} : memref<4x8x64xf32, #tpu.memory_space<vmem>>, vector<16xf32>,
    %sub3A_2664 = arith.subf %add3A_2657, %get3A_2663 : vector<16xf32>
    %gt3A_2665 = arith.cmpf ogt, %sub3A_2664, %select_n3A_2641 : vector<16xf32>
    %select_n3A_2666 = arith.select %gt3A_2665, %sub3A_2664, %select_n3A_2641 : vector<16xi1>, vector<16xf32>
    %jit3A_2667 = arith.constant 2 : i32
    %broadcast_in_dim3A_2668 = vector.broadcast %jit3A_2667 : i32 to vector<16xi32>
    %select_n3A_2669 = arith.select %gt3A_2665, %broadcast_in_dim3A_2668, %select_n3A_2644 : vector<16xi1>, vector<16xi32>
    %get3A_2670 = arith.constant 3 : i32
    %get3A_2671 = arith.constant 1 : i32
    %get3A_2672 = arith.index_cast %get3A_2670 : i32 to index
    %get3A_2673 = arith.index_cast %get3A_2671 : i32 to index
    %get3A_2674 = arith.constant 48 : index
    %get3A_2675 = tpu.vector_load %arg6[%get3A_2672, %get3A_2673, %get3A_2674] {strides = array<i32>} : memref<4x8x64xf32, #tpu.memory_space<vmem>>, vector<16xf32>,
    %get3A_2676 = arith.constant 3 : i32
    %get3A_2677 = arith.constant 1 : i32
    %get3A_2678 = arith.index_cast %get3A_2676 : i32 to index
    %get3A_2679 = arith.index_cast %get3A_2677 : i32 to index
    %get3A_2680 = arith.constant 48 : index
    %get3A_2681 = tpu.vector_load %arg7[%get3A_2678, %get3A_2679, %get3A_2680] {strides = array<i32>} : memref<4x8x64xf32, #tpu.memory_space<vmem>>, vector<16xf32>,
    %add3A_2682 = arith.addf %get3A_2675, %get3A_2681 : vector<16xf32>
    %get3A_2683 = arith.constant 3 : i32
    %get3A_2684 = arith.constant 1 : i32
    %get3A_2685 = arith.index_cast %get3A_2683 : i32 to index
    %get3A_2686 = arith.index_cast %get3A_2684 : i32 to index
    %get3A_2687 = arith.constant 48 : index
    %get3A_2688 = tpu.vector_load %arg8[%get3A_2685, %get3A_2686, %get3A_2687] {strides = array<i32>} : memref<4x8x64xf32, #tpu.memory_space<vmem>>, vector<16xf32>,
    %sub3A_2689 = arith.subf %add3A_2682, %get3A_2688 : vector<16xf32>
    %gt3A_2690 = arith.cmpf ogt, %sub3A_2689, %select_n3A_2666 : vector<16xf32>
    %select_n3A_2691 = arith.select %gt3A_2690, %sub3A_2689, %select_n3A_2666 : vector<16xi1>, vector<16xf32>
    %jit3A_2692 = arith.constant 3 : i32
    %broadcast_in_dim3A_2693 = vector.broadcast %jit3A_2692 : i32 to vector<16xi32>
    %select_n3A_2694 = arith.select %gt3A_2690, %broadcast_in_dim3A_2693, %select_n3A_2669 : vector<16xi1>, vector<16xi32>
    %shift_left3A_2695 = arith.constant 2 : i32
    %shift_left3A_2696 = vector.broadcast %shift_left3A_2695 : i32 to vector<16xi32>
    %shift_left3A_2697 = arith.shli %select_n3A_2694, %shift_left3A_2696 : vector<16xi32>
    %or3A_2698 = arith.ori %or3A_2597, %shift_left3A_2697 : vector<16xi32>
    %get3A_2699 = arith.constant 0 : i32
    %get3A_2700 = arith.constant 2 : i32
    %get3A_2701 = arith.index_cast %get3A_2699 : i32 to index
    %get3A_2702 = arith.index_cast %get3A_2700 : i32 to index
    %get3A_2703 = arith.constant 48 : index
    %get3A_2704 = tpu.vector_load %arg6[%get3A_2701, %get3A_2702, %get3A_2703] {strides = array<i32>} : memref<4x8x64xf32, #tpu.memory_space<vmem>>, vector<16xf32>,
    %get3A_2705 = arith.constant 0 : i32
    %get3A_2706 = arith.constant 2 : i32
    %get3A_2707 = arith.index_cast %get3A_2705 : i32 to index
    %get3A_2708 = arith.index_cast %get3A_2706 : i32 to index
    %get3A_2709 = arith.constant 48 : index
    %get3A_2710 = tpu.vector_load %arg7[%get3A_2707, %get3A_2708, %get3A_2709] {strides = array<i32>} : memref<4x8x64xf32, #tpu.memory_space<vmem>>, vector<16xf32>,
    %add3A_2711 = arith.addf %get3A_2704, %get3A_2710 : vector<16xf32>
    %get3A_2712 = arith.constant 0 : i32
    %get3A_2713 = arith.constant 2 : i32
    %get3A_2714 = arith.index_cast %get3A_2712 : i32 to index
    %get3A_2715 = arith.index_cast %get3A_2713 : i32 to index
    %get3A_2716 = arith.constant 48 : index
    %get3A_2717 = tpu.vector_load %arg8[%get3A_2714, %get3A_2715, %get3A_2716] {strides = array<i32>} : memref<4x8x64xf32, #tpu.memory_space<vmem>>, vector<16xf32>,
    %sub3A_2718 = arith.subf %add3A_2711, %get3A_2717 : vector<16xf32>
    %broadcast_in_dim3A_2719 = arith.constant 0 : i32
    %broadcast_in_dim3A_2720 = vector.broadcast %broadcast_in_dim3A_2719 : i32 to vector<16xi32>
    %get3A_2721 = arith.constant 1 : i32
    %get3A_2722 = arith.constant 2 : i32
    %get3A_2723 = arith.index_cast %get3A_2721 : i32 to index
    %get3A_2724 = arith.index_cast %get3A_2722 : i32 to index
    %get3A_2725 = arith.constant 48 : index
    %get3A_2726 = tpu.vector_load %arg6[%get3A_2723, %get3A_2724, %get3A_2725] {strides = array<i32>} : memref<4x8x64xf32, #tpu.memory_space<vmem>>, vector<16xf32>,
    %get3A_2727 = arith.constant 1 : i32
    %get3A_2728 = arith.constant 2 : i32
    %get3A_2729 = arith.index_cast %get3A_2727 : i32 to index
    %get3A_2730 = arith.index_cast %get3A_2728 : i32 to index
    %get3A_2731 = arith.constant 48 : index
    %get3A_2732 = tpu.vector_load %arg7[%get3A_2729, %get3A_2730, %get3A_2731] {strides = array<i32>} : memref<4x8x64xf32, #tpu.memory_space<vmem>>, vector<16xf32>,
    %add3A_2733 = arith.addf %get3A_2726, %get3A_2732 : vector<16xf32>
    %get3A_2734 = arith.constant 1 : i32
    %get3A_2735 = arith.constant 2 : i32
    %get3A_2736 = arith.index_cast %get3A_2734 : i32 to index
    %get3A_2737 = arith.index_cast %get3A_2735 : i32 to index
    %get3A_2738 = arith.constant 48 : index
    %get3A_2739 = tpu.vector_load %arg8[%get3A_2736, %get3A_2737, %get3A_2738] {strides = array<i32>} : memref<4x8x64xf32, #tpu.memory_space<vmem>>, vector<16xf32>,
    %sub3A_2740 = arith.subf %add3A_2733, %get3A_2739 : vector<16xf32>
    %gt3A_2741 = arith.cmpf ogt, %sub3A_2740, %sub3A_2718 : vector<16xf32>
    %select_n3A_2742 = arith.select %gt3A_2741, %sub3A_2740, %sub3A_2718 : vector<16xi1>, vector<16xf32>
    %jit3A_2743 = arith.constant 1 : i32
    %broadcast_in_dim3A_2744 = vector.broadcast %jit3A_2743 : i32 to vector<16xi32>
    %select_n3A_2745 = arith.select %gt3A_2741, %broadcast_in_dim3A_2744, %broadcast_in_dim3A_2720 : vector<16xi1>, vector<16xi32>
    %get3A_2746 = arith.constant 2 : i32
    %get3A_2747 = arith.constant 2 : i32
    %get3A_2748 = arith.index_cast %get3A_2746 : i32 to index
    %get3A_2749 = arith.index_cast %get3A_2747 : i32 to index
    %get3A_2750 = arith.constant 48 : index
    %get3A_2751 = tpu.vector_load %arg6[%get3A_2748, %get3A_2749, %get3A_2750] {strides = array<i32>} : memref<4x8x64xf32, #tpu.memory_space<vmem>>, vector<16xf32>,
    %get3A_2752 = arith.constant 2 : i32
    %get3A_2753 = arith.constant 2 : i32
    %get3A_2754 = arith.index_cast %get3A_2752 : i32 to index
    %get3A_2755 = arith.index_cast %get3A_2753 : i32 to index
    %get3A_2756 = arith.constant 48 : index
    %get3A_2757 = tpu.vector_load %arg7[%get3A_2754, %get3A_2755, %get3A_2756] {strides = array<i32>} : memref<4x8x64xf32, #tpu.memory_space<vmem>>, vector<16xf32>,
    %add3A_2758 = arith.addf %get3A_2751, %get3A_2757 : vector<16xf32>
    %get3A_2759 = arith.constant 2 : i32
    %get3A_2760 = arith.constant 2 : i32
    %get3A_2761 = arith.index_cast %get3A_2759 : i32 to index
    %get3A_2762 = arith.index_cast %get3A_2760 : i32 to index
    %get3A_2763 = arith.constant 48 : index
    %get3A_2764 = tpu.vector_load %arg8[%get3A_2761, %get3A_2762, %get3A_2763] {strides = array<i32>} : memref<4x8x64xf32, #tpu.memory_space<vmem>>, vector<16xf32>,
    %sub3A_2765 = arith.subf %add3A_2758, %get3A_2764 : vector<16xf32>
    %gt3A_2766 = arith.cmpf ogt, %sub3A_2765, %select_n3A_2742 : vector<16xf32>
    %select_n3A_2767 = arith.select %gt3A_2766, %sub3A_2765, %select_n3A_2742 : vector<16xi1>, vector<16xf32>
    %jit3A_2768 = arith.constant 2 : i32
    %broadcast_in_dim3A_2769 = vector.broadcast %jit3A_2768 : i32 to vector<16xi32>
    %select_n3A_2770 = arith.select %gt3A_2766, %broadcast_in_dim3A_2769, %select_n3A_2745 : vector<16xi1>, vector<16xi32>
    %get3A_2771 = arith.constant 3 : i32
    %get3A_2772 = arith.constant 2 : i32
    %get3A_2773 = arith.index_cast %get3A_2771 : i32 to index
    %get3A_2774 = arith.index_cast %get3A_2772 : i32 to index
    %get3A_2775 = arith.constant 48 : index
    %get3A_2776 = tpu.vector_load %arg6[%get3A_2773, %get3A_2774, %get3A_2775] {strides = array<i32>} : memref<4x8x64xf32, #tpu.memory_space<vmem>>, vector<16xf32>,
    %get3A_2777 = arith.constant 3 : i32
    %get3A_2778 = arith.constant 2 : i32
    %get3A_2779 = arith.index_cast %get3A_2777 : i32 to index
    %get3A_2780 = arith.index_cast %get3A_2778 : i32 to index
    %get3A_2781 = arith.constant 48 : index
    %get3A_2782 = tpu.vector_load %arg7[%get3A_2779, %get3A_2780, %get3A_2781] {strides = array<i32>} : memref<4x8x64xf32, #tpu.memory_space<vmem>>, vector<16xf32>,
    %add3A_2783 = arith.addf %get3A_2776, %get3A_2782 : vector<16xf32>
    %get3A_2784 = arith.constant 3 : i32
    %get3A_2785 = arith.constant 2 : i32
    %get3A_2786 = arith.index_cast %get3A_2784 : i32 to index
    %get3A_2787 = arith.index_cast %get3A_2785 : i32 to index
    %get3A_2788 = arith.constant 48 : index
    %get3A_2789 = tpu.vector_load %arg8[%get3A_2786, %get3A_2787, %get3A_2788] {strides = array<i32>} : memref<4x8x64xf32, #tpu.memory_space<vmem>>, vector<16xf32>,
    %sub3A_2790 = arith.subf %add3A_2783, %get3A_2789 : vector<16xf32>
    %gt3A_2791 = arith.cmpf ogt, %sub3A_2790, %select_n3A_2767 : vector<16xf32>
    %select_n3A_2792 = arith.select %gt3A_2791, %sub3A_2790, %select_n3A_2767 : vector<16xi1>, vector<16xf32>
    %jit3A_2793 = arith.constant 3 : i32
    %broadcast_in_dim3A_2794 = vector.broadcast %jit3A_2793 : i32 to vector<16xi32>
    %select_n3A_2795 = arith.select %gt3A_2791, %broadcast_in_dim3A_2794, %select_n3A_2770 : vector<16xi1>, vector<16xi32>
    %shift_left3A_2796 = arith.constant 4 : i32
    %shift_left3A_2797 = vector.broadcast %shift_left3A_2796 : i32 to vector<16xi32>
    %shift_left3A_2798 = arith.shli %select_n3A_2795, %shift_left3A_2797 : vector<16xi32>
    %or3A_2799 = arith.ori %or3A_2698, %shift_left3A_2798 : vector<16xi32>
    %get3A_2800 = arith.constant 0 : i32
    %get3A_2801 = arith.constant 3 : i32
    %get3A_2802 = arith.index_cast %get3A_2800 : i32 to index
    %get3A_2803 = arith.index_cast %get3A_2801 : i32 to index
    %get3A_2804 = arith.constant 48 : index
    %get3A_2805 = tpu.vector_load %arg6[%get3A_2802, %get3A_2803, %get3A_2804] {strides = array<i32>} : memref<4x8x64xf32, #tpu.memory_space<vmem>>, vector<16xf32>,
    %get3A_2806 = arith.constant 0 : i32
    %get3A_2807 = arith.constant 3 : i32
    %get3A_2808 = arith.index_cast %get3A_2806 : i32 to index
    %get3A_2809 = arith.index_cast %get3A_2807 : i32 to index
    %get3A_2810 = arith.constant 48 : index
    %get3A_2811 = tpu.vector_load %arg7[%get3A_2808, %get3A_2809, %get3A_2810] {strides = array<i32>} : memref<4x8x64xf32, #tpu.memory_space<vmem>>, vector<16xf32>,
    %add3A_2812 = arith.addf %get3A_2805, %get3A_2811 : vector<16xf32>
    %get3A_2813 = arith.constant 0 : i32
    %get3A_2814 = arith.constant 3 : i32
    %get3A_2815 = arith.index_cast %get3A_2813 : i32 to index
    %get3A_2816 = arith.index_cast %get3A_2814 : i32 to index
    %get3A_2817 = arith.constant 48 : index
    %get3A_2818 = tpu.vector_load %arg8[%get3A_2815, %get3A_2816, %get3A_2817] {strides = array<i32>} : memref<4x8x64xf32, #tpu.memory_space<vmem>>, vector<16xf32>,
    %sub3A_2819 = arith.subf %add3A_2812, %get3A_2818 : vector<16xf32>
    %broadcast_in_dim3A_2820 = arith.constant 0 : i32
    %broadcast_in_dim3A_2821 = vector.broadcast %broadcast_in_dim3A_2820 : i32 to vector<16xi32>
    %get3A_2822 = arith.constant 1 : i32
    %get3A_2823 = arith.constant 3 : i32
    %get3A_2824 = arith.index_cast %get3A_2822 : i32 to index
    %get3A_2825 = arith.index_cast %get3A_2823 : i32 to index
    %get3A_2826 = arith.constant 48 : index
    %get3A_2827 = tpu.vector_load %arg6[%get3A_2824, %get3A_2825, %get3A_2826] {strides = array<i32>} : memref<4x8x64xf32, #tpu.memory_space<vmem>>, vector<16xf32>,
    %get3A_2828 = arith.constant 1 : i32
    %get3A_2829 = arith.constant 3 : i32
    %get3A_2830 = arith.index_cast %get3A_2828 : i32 to index
    %get3A_2831 = arith.index_cast %get3A_2829 : i32 to index
    %get3A_2832 = arith.constant 48 : index
    %get3A_2833 = tpu.vector_load %arg7[%get3A_2830, %get3A_2831, %get3A_2832] {strides = array<i32>} : memref<4x8x64xf32, #tpu.memory_space<vmem>>, vector<16xf32>,
    %add3A_2834 = arith.addf %get3A_2827, %get3A_2833 : vector<16xf32>
    %get3A_2835 = arith.constant 1 : i32
    %get3A_2836 = arith.constant 3 : i32
    %get3A_2837 = arith.index_cast %get3A_2835 : i32 to index
    %get3A_2838 = arith.index_cast %get3A_2836 : i32 to index
    %get3A_2839 = arith.constant 48 : index
    %get3A_2840 = tpu.vector_load %arg8[%get3A_2837, %get3A_2838, %get3A_2839] {strides = array<i32>} : memref<4x8x64xf32, #tpu.memory_space<vmem>>, vector<16xf32>,
    %sub3A_2841 = arith.subf %add3A_2834, %get3A_2840 : vector<16xf32>
    %gt3A_2842 = arith.cmpf ogt, %sub3A_2841, %sub3A_2819 : vector<16xf32>
    %select_n3A_2843 = arith.select %gt3A_2842, %sub3A_2841, %sub3A_2819 : vector<16xi1>, vector<16xf32>
    %jit3A_2844 = arith.constant 1 : i32
    %broadcast_in_dim3A_2845 = vector.broadcast %jit3A_2844 : i32 to vector<16xi32>
    %select_n3A_2846 = arith.select %gt3A_2842, %broadcast_in_dim3A_2845, %broadcast_in_dim3A_2821 : vector<16xi1>, vector<16xi32>
    %get3A_2847 = arith.constant 2 : i32
    %get3A_2848 = arith.constant 3 : i32
    %get3A_2849 = arith.index_cast %get3A_2847 : i32 to index
    %get3A_2850 = arith.index_cast %get3A_2848 : i32 to index
    %get3A_2851 = arith.constant 48 : index
    %get3A_2852 = tpu.vector_load %arg6[%get3A_2849, %get3A_2850, %get3A_2851] {strides = array<i32>} : memref<4x8x64xf32, #tpu.memory_space<vmem>>, vector<16xf32>,
    %get3A_2853 = arith.constant 2 : i32
    %get3A_2854 = arith.constant 3 : i32
    %get3A_2855 = arith.index_cast %get3A_2853 : i32 to index
    %get3A_2856 = arith.index_cast %get3A_2854 : i32 to index
    %get3A_2857 = arith.constant 48 : index
    %get3A_2858 = tpu.vector_load %arg7[%get3A_2855, %get3A_2856, %get3A_2857] {strides = array<i32>} : memref<4x8x64xf32, #tpu.memory_space<vmem>>, vector<16xf32>,
    %add3A_2859 = arith.addf %get3A_2852, %get3A_2858 : vector<16xf32>
    %get3A_2860 = arith.constant 2 : i32
    %get3A_2861 = arith.constant 3 : i32
    %get3A_2862 = arith.index_cast %get3A_2860 : i32 to index
    %get3A_2863 = arith.index_cast %get3A_2861 : i32 to index
    %get3A_2864 = arith.constant 48 : index
    %get3A_2865 = tpu.vector_load %arg8[%get3A_2862, %get3A_2863, %get3A_2864] {strides = array<i32>} : memref<4x8x64xf32, #tpu.memory_space<vmem>>, vector<16xf32>,
    %sub3A_2866 = arith.subf %add3A_2859, %get3A_2865 : vector<16xf32>
    %gt3A_2867 = arith.cmpf ogt, %sub3A_2866, %select_n3A_2843 : vector<16xf32>
    %select_n3A_2868 = arith.select %gt3A_2867, %sub3A_2866, %select_n3A_2843 : vector<16xi1>, vector<16xf32>
    %jit3A_2869 = arith.constant 2 : i32
    %broadcast_in_dim3A_2870 = vector.broadcast %jit3A_2869 : i32 to vector<16xi32>
    %select_n3A_2871 = arith.select %gt3A_2867, %broadcast_in_dim3A_2870, %select_n3A_2846 : vector<16xi1>, vector<16xi32>
    %get3A_2872 = arith.constant 3 : i32
    %get3A_2873 = arith.constant 3 : i32
    %get3A_2874 = arith.index_cast %get3A_2872 : i32 to index
    %get3A_2875 = arith.index_cast %get3A_2873 : i32 to index
    %get3A_2876 = arith.constant 48 : index
    %get3A_2877 = tpu.vector_load %arg6[%get3A_2874, %get3A_2875, %get3A_2876] {strides = array<i32>} : memref<4x8x64xf32, #tpu.memory_space<vmem>>, vector<16xf32>,
    %get3A_2878 = arith.constant 3 : i32
    %get3A_2879 = arith.constant 3 : i32
    %get3A_2880 = arith.index_cast %get3A_2878 : i32 to index
    %get3A_2881 = arith.index_cast %get3A_2879 : i32 to index
    %get3A_2882 = arith.constant 48 : index
    %get3A_2883 = tpu.vector_load %arg7[%get3A_2880, %get3A_2881, %get3A_2882] {strides = array<i32>} : memref<4x8x64xf32, #tpu.memory_space<vmem>>, vector<16xf32>,
    %add3A_2884 = arith.addf %get3A_2877, %get3A_2883 : vector<16xf32>
    %get3A_2885 = arith.constant 3 : i32
    %get3A_2886 = arith.constant 3 : i32
    %get3A_2887 = arith.index_cast %get3A_2885 : i32 to index
    %get3A_2888 = arith.index_cast %get3A_2886 : i32 to index
    %get3A_2889 = arith.constant 48 : index
    %get3A_2890 = tpu.vector_load %arg8[%get3A_2887, %get3A_2888, %get3A_2889] {strides = array<i32>} : memref<4x8x64xf32, #tpu.memory_space<vmem>>, vector<16xf32>,
    %sub3A_2891 = arith.subf %add3A_2884, %get3A_2890 : vector<16xf32>
    %gt3A_2892 = arith.cmpf ogt, %sub3A_2891, %select_n3A_2868 : vector<16xf32>
    %select_n3A_2893 = arith.select %gt3A_2892, %sub3A_2891, %select_n3A_2868 : vector<16xi1>, vector<16xf32>
    %jit3A_2894 = arith.constant 3 : i32
    %broadcast_in_dim3A_2895 = vector.broadcast %jit3A_2894 : i32 to vector<16xi32>
    %select_n3A_2896 = arith.select %gt3A_2892, %broadcast_in_dim3A_2895, %select_n3A_2871 : vector<16xi1>, vector<16xi32>
    %shift_left3A_2897 = arith.constant 6 : i32
    %shift_left3A_2898 = vector.broadcast %shift_left3A_2897 : i32 to vector<16xi32>
    %shift_left3A_2899 = arith.shli %select_n3A_2896, %shift_left3A_2898 : vector<16xi32>
    %or3A_2900 = arith.ori %or3A_2799, %shift_left3A_2899 : vector<16xi32>
    %get3A_2901 = arith.constant 0 : i32
    %get3A_2902 = arith.constant 4 : i32
    %get3A_2903 = arith.index_cast %get3A_2901 : i32 to index
    %get3A_2904 = arith.index_cast %get3A_2902 : i32 to index
    %get3A_2905 = arith.constant 48 : index
    %get3A_2906 = tpu.vector_load %arg6[%get3A_2903, %get3A_2904, %get3A_2905] {strides = array<i32>} : memref<4x8x64xf32, #tpu.memory_space<vmem>>, vector<16xf32>,
    %get3A_2907 = arith.constant 0 : i32
    %get3A_2908 = arith.constant 4 : i32
    %get3A_2909 = arith.index_cast %get3A_2907 : i32 to index
    %get3A_2910 = arith.index_cast %get3A_2908 : i32 to index
    %get3A_2911 = arith.constant 48 : index
    %get3A_2912 = tpu.vector_load %arg7[%get3A_2909, %get3A_2910, %get3A_2911] {strides = array<i32>} : memref<4x8x64xf32, #tpu.memory_space<vmem>>, vector<16xf32>,
    %add3A_2913 = arith.addf %get3A_2906, %get3A_2912 : vector<16xf32>
    %get3A_2914 = arith.constant 0 : i32
    %get3A_2915 = arith.constant 4 : i32
    %get3A_2916 = arith.index_cast %get3A_2914 : i32 to index
    %get3A_2917 = arith.index_cast %get3A_2915 : i32 to index
    %get3A_2918 = arith.constant 48 : index
    %get3A_2919 = tpu.vector_load %arg8[%get3A_2916, %get3A_2917, %get3A_2918] {strides = array<i32>} : memref<4x8x64xf32, #tpu.memory_space<vmem>>, vector<16xf32>,
    %sub3A_2920 = arith.subf %add3A_2913, %get3A_2919 : vector<16xf32>
    %broadcast_in_dim3A_2921 = arith.constant 0 : i32
    %broadcast_in_dim3A_2922 = vector.broadcast %broadcast_in_dim3A_2921 : i32 to vector<16xi32>
    %get3A_2923 = arith.constant 1 : i32
    %get3A_2924 = arith.constant 4 : i32
    %get3A_2925 = arith.index_cast %get3A_2923 : i32 to index
    %get3A_2926 = arith.index_cast %get3A_2924 : i32 to index
    %get3A_2927 = arith.constant 48 : index
    %get3A_2928 = tpu.vector_load %arg6[%get3A_2925, %get3A_2926, %get3A_2927] {strides = array<i32>} : memref<4x8x64xf32, #tpu.memory_space<vmem>>, vector<16xf32>,
    %get3A_2929 = arith.constant 1 : i32
    %get3A_2930 = arith.constant 4 : i32
    %get3A_2931 = arith.index_cast %get3A_2929 : i32 to index
    %get3A_2932 = arith.index_cast %get3A_2930 : i32 to index
    %get3A_2933 = arith.constant 48 : index
    %get3A_2934 = tpu.vector_load %arg7[%get3A_2931, %get3A_2932, %get3A_2933] {strides = array<i32>} : memref<4x8x64xf32, #tpu.memory_space<vmem>>, vector<16xf32>,
    %add3A_2935 = arith.addf %get3A_2928, %get3A_2934 : vector<16xf32>
    %get3A_2936 = arith.constant 1 : i32
    %get3A_2937 = arith.constant 4 : i32
    %get3A_2938 = arith.index_cast %get3A_2936 : i32 to index
    %get3A_2939 = arith.index_cast %get3A_2937 : i32 to index
    %get3A_2940 = arith.constant 48 : index
    %get3A_2941 = tpu.vector_load %arg8[%get3A_2938, %get3A_2939, %get3A_2940] {strides = array<i32>} : memref<4x8x64xf32, #tpu.memory_space<vmem>>, vector<16xf32>,
    %sub3A_2942 = arith.subf %add3A_2935, %get3A_2941 : vector<16xf32>
    %gt3A_2943 = arith.cmpf ogt, %sub3A_2942, %sub3A_2920 : vector<16xf32>
    %select_n3A_2944 = arith.select %gt3A_2943, %sub3A_2942, %sub3A_2920 : vector<16xi1>, vector<16xf32>
    %jit3A_2945 = arith.constant 1 : i32
    %broadcast_in_dim3A_2946 = vector.broadcast %jit3A_2945 : i32 to vector<16xi32>
    %select_n3A_2947 = arith.select %gt3A_2943, %broadcast_in_dim3A_2946, %broadcast_in_dim3A_2922 : vector<16xi1>, vector<16xi32>
    %get3A_2948 = arith.constant 2 : i32
    %get3A_2949 = arith.constant 4 : i32
    %get3A_2950 = arith.index_cast %get3A_2948 : i32 to index
    %get3A_2951 = arith.index_cast %get3A_2949 : i32 to index
    %get3A_2952 = arith.constant 48 : index
    %get3A_2953 = tpu.vector_load %arg6[%get3A_2950, %get3A_2951, %get3A_2952] {strides = array<i32>} : memref<4x8x64xf32, #tpu.memory_space<vmem>>, vector<16xf32>,
    %get3A_2954 = arith.constant 2 : i32
    %get3A_2955 = arith.constant 4 : i32
    %get3A_2956 = arith.index_cast %get3A_2954 : i32 to index
    %get3A_2957 = arith.index_cast %get3A_2955 : i32 to index
    %get3A_2958 = arith.constant 48 : index
    %get3A_2959 = tpu.vector_load %arg7[%get3A_2956, %get3A_2957, %get3A_2958] {strides = array<i32>} : memref<4x8x64xf32, #tpu.memory_space<vmem>>, vector<16xf32>,
    %add3A_2960 = arith.addf %get3A_2953, %get3A_2959 : vector<16xf32>
    %get3A_2961 = arith.constant 2 : i32
    %get3A_2962 = arith.constant 4 : i32
    %get3A_2963 = arith.index_cast %get3A_2961 : i32 to index
    %get3A_2964 = arith.index_cast %get3A_2962 : i32 to index
    %get3A_2965 = arith.constant 48 : index
    %get3A_2966 = tpu.vector_load %arg8[%get3A_2963, %get3A_2964, %get3A_2965] {strides = array<i32>} : memref<4x8x64xf32, #tpu.memory_space<vmem>>, vector<16xf32>,
    %sub3A_2967 = arith.subf %add3A_2960, %get3A_2966 : vector<16xf32>
    %gt3A_2968 = arith.cmpf ogt, %sub3A_2967, %select_n3A_2944 : vector<16xf32>
    %select_n3A_2969 = arith.select %gt3A_2968, %sub3A_2967, %select_n3A_2944 : vector<16xi1>, vector<16xf32>
    %jit3A_2970 = arith.constant 2 : i32
    %broadcast_in_dim3A_2971 = vector.broadcast %jit3A_2970 : i32 to vector<16xi32>
    %select_n3A_2972 = arith.select %gt3A_2968, %broadcast_in_dim3A_2971, %select_n3A_2947 : vector<16xi1>, vector<16xi32>
    %get3A_2973 = arith.constant 3 : i32
    %get3A_2974 = arith.constant 4 : i32
    %get3A_2975 = arith.index_cast %get3A_2973 : i32 to index
    %get3A_2976 = arith.index_cast %get3A_2974 : i32 to index
    %get3A_2977 = arith.constant 48 : index
    %get3A_2978 = tpu.vector_load %arg6[%get3A_2975, %get3A_2976, %get3A_2977] {strides = array<i32>} : memref<4x8x64xf32, #tpu.memory_space<vmem>>, vector<16xf32>,
    %get3A_2979 = arith.constant 3 : i32
    %get3A_2980 = arith.constant 4 : i32
    %get3A_2981 = arith.index_cast %get3A_2979 : i32 to index
    %get3A_2982 = arith.index_cast %get3A_2980 : i32 to index
    %get3A_2983 = arith.constant 48 : index
    %get3A_2984 = tpu.vector_load %arg7[%get3A_2981, %get3A_2982, %get3A_2983] {strides = array<i32>} : memref<4x8x64xf32, #tpu.memory_space<vmem>>, vector<16xf32>,
    %add3A_2985 = arith.addf %get3A_2978, %get3A_2984 : vector<16xf32>
    %get3A_2986 = arith.constant 3 : i32
    %get3A_2987 = arith.constant 4 : i32
    %get3A_2988 = arith.index_cast %get3A_2986 : i32 to index
    %get3A_2989 = arith.index_cast %get3A_2987 : i32 to index
    %get3A_2990 = arith.constant 48 : index
    %get3A_2991 = tpu.vector_load %arg8[%get3A_2988, %get3A_2989, %get3A_2990] {strides = array<i32>} : memref<4x8x64xf32, #tpu.memory_space<vmem>>, vector<16xf32>,
    %sub3A_2992 = arith.subf %add3A_2985, %get3A_2991 : vector<16xf32>
    %gt3A_2993 = arith.cmpf ogt, %sub3A_2992, %select_n3A_2969 : vector<16xf32>
    %select_n3A_2994 = arith.select %gt3A_2993, %sub3A_2992, %select_n3A_2969 : vector<16xi1>, vector<16xf32>
    %jit3A_2995 = arith.constant 3 : i32
    %broadcast_in_dim3A_2996 = vector.broadcast %jit3A_2995 : i32 to vector<16xi32>
    %select_n3A_2997 = arith.select %gt3A_2993, %broadcast_in_dim3A_2996, %select_n3A_2972 : vector<16xi1>, vector<16xi32>
    %shift_left3A_2998 = arith.constant 8 : i32
    %shift_left3A_2999 = vector.broadcast %shift_left3A_2998 : i32 to vector<16xi32>
    %shift_left3A_3000 = arith.shli %select_n3A_2997, %shift_left3A_2999 : vector<16xi32>
    %or3A_3001 = arith.ori %or3A_2900, %shift_left3A_3000 : vector<16xi32>
    %get3A_3002 = arith.constant 0 : i32
    %get3A_3003 = arith.constant 5 : i32
    %get3A_3004 = arith.index_cast %get3A_3002 : i32 to index
    %get3A_3005 = arith.index_cast %get3A_3003 : i32 to index
    %get3A_3006 = arith.constant 48 : index
    %get3A_3007 = tpu.vector_load %arg6[%get3A_3004, %get3A_3005, %get3A_3006] {strides = array<i32>} : memref<4x8x64xf32, #tpu.memory_space<vmem>>, vector<16xf32>,
    %get3A_3008 = arith.constant 0 : i32
    %get3A_3009 = arith.constant 5 : i32
    %get3A_3010 = arith.index_cast %get3A_3008 : i32 to index
    %get3A_3011 = arith.index_cast %get3A_3009 : i32 to index
    %get3A_3012 = arith.constant 48 : index
    %get3A_3013 = tpu.vector_load %arg7[%get3A_3010, %get3A_3011, %get3A_3012] {strides = array<i32>} : memref<4x8x64xf32, #tpu.memory_space<vmem>>, vector<16xf32>,
    %add3A_3014 = arith.addf %get3A_3007, %get3A_3013 : vector<16xf32>
    %get3A_3015 = arith.constant 0 : i32
    %get3A_3016 = arith.constant 5 : i32
    %get3A_3017 = arith.index_cast %get3A_3015 : i32 to index
    %get3A_3018 = arith.index_cast %get3A_3016 : i32 to index
    %get3A_3019 = arith.constant 48 : index
    %get3A_3020 = tpu.vector_load %arg8[%get3A_3017, %get3A_3018, %get3A_3019] {strides = array<i32>} : memref<4x8x64xf32, #tpu.memory_space<vmem>>, vector<16xf32>,
    %sub3A_3021 = arith.subf %add3A_3014, %get3A_3020 : vector<16xf32>
    %broadcast_in_dim3A_3022 = arith.constant 0 : i32
    %broadcast_in_dim3A_3023 = vector.broadcast %broadcast_in_dim3A_3022 : i32 to vector<16xi32>
    %get3A_3024 = arith.constant 1 : i32
    %get3A_3025 = arith.constant 5 : i32
    %get3A_3026 = arith.index_cast %get3A_3024 : i32 to index
    %get3A_3027 = arith.index_cast %get3A_3025 : i32 to index
    %get3A_3028 = arith.constant 48 : index
    %get3A_3029 = tpu.vector_load %arg6[%get3A_3026, %get3A_3027, %get3A_3028] {strides = array<i32>} : memref<4x8x64xf32, #tpu.memory_space<vmem>>, vector<16xf32>,
    %get3A_3030 = arith.constant 1 : i32
    %get3A_3031 = arith.constant 5 : i32
    %get3A_3032 = arith.index_cast %get3A_3030 : i32 to index
    %get3A_3033 = arith.index_cast %get3A_3031 : i32 to index
    %get3A_3034 = arith.constant 48 : index
    %get3A_3035 = tpu.vector_load %arg7[%get3A_3032, %get3A_3033, %get3A_3034] {strides = array<i32>} : memref<4x8x64xf32, #tpu.memory_space<vmem>>, vector<16xf32>,
    %add3A_3036 = arith.addf %get3A_3029, %get3A_3035 : vector<16xf32>
    %get3A_3037 = arith.constant 1 : i32
    %get3A_3038 = arith.constant 5 : i32
    %get3A_3039 = arith.index_cast %get3A_3037 : i32 to index
    %get3A_3040 = arith.index_cast %get3A_3038 : i32 to index
    %get3A_3041 = arith.constant 48 : index
    %get3A_3042 = tpu.vector_load %arg8[%get3A_3039, %get3A_3040, %get3A_3041] {strides = array<i32>} : memref<4x8x64xf32, #tpu.memory_space<vmem>>, vector<16xf32>,
    %sub3A_3043 = arith.subf %add3A_3036, %get3A_3042 : vector<16xf32>
    %gt3A_3044 = arith.cmpf ogt, %sub3A_3043, %sub3A_3021 : vector<16xf32>
    %select_n3A_3045 = arith.select %gt3A_3044, %sub3A_3043, %sub3A_3021 : vector<16xi1>, vector<16xf32>
    %jit3A_3046 = arith.constant 1 : i32
    %broadcast_in_dim3A_3047 = vector.broadcast %jit3A_3046 : i32 to vector<16xi32>
    %select_n3A_3048 = arith.select %gt3A_3044, %broadcast_in_dim3A_3047, %broadcast_in_dim3A_3023 : vector<16xi1>, vector<16xi32>
    %get3A_3049 = arith.constant 2 : i32
    %get3A_3050 = arith.constant 5 : i32
    %get3A_3051 = arith.index_cast %get3A_3049 : i32 to index
    %get3A_3052 = arith.index_cast %get3A_3050 : i32 to index
    %get3A_3053 = arith.constant 48 : index
    %get3A_3054 = tpu.vector_load %arg6[%get3A_3051, %get3A_3052, %get3A_3053] {strides = array<i32>} : memref<4x8x64xf32, #tpu.memory_space<vmem>>, vector<16xf32>,
    %get3A_3055 = arith.constant 2 : i32
    %get3A_3056 = arith.constant 5 : i32
    %get3A_3057 = arith.index_cast %get3A_3055 : i32 to index
    %get3A_3058 = arith.index_cast %get3A_3056 : i32 to index
    %get3A_3059 = arith.constant 48 : index
    %get3A_3060 = tpu.vector_load %arg7[%get3A_3057, %get3A_3058, %get3A_3059] {strides = array<i32>} : memref<4x8x64xf32, #tpu.memory_space<vmem>>, vector<16xf32>,
    %add3A_3061 = arith.addf %get3A_3054, %get3A_3060 : vector<16xf32>
    %get3A_3062 = arith.constant 2 : i32
    %get3A_3063 = arith.constant 5 : i32
    %get3A_3064 = arith.index_cast %get3A_3062 : i32 to index
    %get3A_3065 = arith.index_cast %get3A_3063 : i32 to index
    %get3A_3066 = arith.constant 48 : index
    %get3A_3067 = tpu.vector_load %arg8[%get3A_3064, %get3A_3065, %get3A_3066] {strides = array<i32>} : memref<4x8x64xf32, #tpu.memory_space<vmem>>, vector<16xf32>,
    %sub3A_3068 = arith.subf %add3A_3061, %get3A_3067 : vector<16xf32>
    %gt3A_3069 = arith.cmpf ogt, %sub3A_3068, %select_n3A_3045 : vector<16xf32>
    %select_n3A_3070 = arith.select %gt3A_3069, %sub3A_3068, %select_n3A_3045 : vector<16xi1>, vector<16xf32>
    %jit3A_3071 = arith.constant 2 : i32
    %broadcast_in_dim3A_3072 = vector.broadcast %jit3A_3071 : i32 to vector<16xi32>
    %select_n3A_3073 = arith.select %gt3A_3069, %broadcast_in_dim3A_3072, %select_n3A_3048 : vector<16xi1>, vector<16xi32>
    %get3A_3074 = arith.constant 3 : i32
    %get3A_3075 = arith.constant 5 : i32
    %get3A_3076 = arith.index_cast %get3A_3074 : i32 to index
    %get3A_3077 = arith.index_cast %get3A_3075 : i32 to index
    %get3A_3078 = arith.constant 48 : index
    %get3A_3079 = tpu.vector_load %arg6[%get3A_3076, %get3A_3077, %get3A_3078] {strides = array<i32>} : memref<4x8x64xf32, #tpu.memory_space<vmem>>, vector<16xf32>,
    %get3A_3080 = arith.constant 3 : i32
    %get3A_3081 = arith.constant 5 : i32
    %get3A_3082 = arith.index_cast %get3A_3080 : i32 to index
    %get3A_3083 = arith.index_cast %get3A_3081 : i32 to index
    %get3A_3084 = arith.constant 48 : index
    %get3A_3085 = tpu.vector_load %arg7[%get3A_3082, %get3A_3083, %get3A_3084] {strides = array<i32>} : memref<4x8x64xf32, #tpu.memory_space<vmem>>, vector<16xf32>,
    %add3A_3086 = arith.addf %get3A_3079, %get3A_3085 : vector<16xf32>
    %get3A_3087 = arith.constant 3 : i32
    %get3A_3088 = arith.constant 5 : i32
    %get3A_3089 = arith.index_cast %get3A_3087 : i32 to index
    %get3A_3090 = arith.index_cast %get3A_3088 : i32 to index
    %get3A_3091 = arith.constant 48 : index
    %get3A_3092 = tpu.vector_load %arg8[%get3A_3089, %get3A_3090, %get3A_3091] {strides = array<i32>} : memref<4x8x64xf32, #tpu.memory_space<vmem>>, vector<16xf32>,
    %sub3A_3093 = arith.subf %add3A_3086, %get3A_3092 : vector<16xf32>
    %gt3A_3094 = arith.cmpf ogt, %sub3A_3093, %select_n3A_3070 : vector<16xf32>
    %select_n3A_3095 = arith.select %gt3A_3094, %sub3A_3093, %select_n3A_3070 : vector<16xi1>, vector<16xf32>
    %jit3A_3096 = arith.constant 3 : i32
    %broadcast_in_dim3A_3097 = vector.broadcast %jit3A_3096 : i32 to vector<16xi32>
    %select_n3A_3098 = arith.select %gt3A_3094, %broadcast_in_dim3A_3097, %select_n3A_3073 : vector<16xi1>, vector<16xi32>
    %shift_left3A_3099 = arith.constant 10 : i32
    %shift_left3A_3100 = vector.broadcast %shift_left3A_3099 : i32 to vector<16xi32>
    %shift_left3A_3101 = arith.shli %select_n3A_3098, %shift_left3A_3100 : vector<16xi32>
    %or3A_3102 = arith.ori %or3A_3001, %shift_left3A_3101 : vector<16xi32>
    %get3A_3103 = arith.constant 0 : i32
    %get3A_3104 = arith.constant 6 : i32
    %get3A_3105 = arith.index_cast %get3A_3103 : i32 to index
    %get3A_3106 = arith.index_cast %get3A_3104 : i32 to index
    %get3A_3107 = arith.constant 48 : index
    %get3A_3108 = tpu.vector_load %arg6[%get3A_3105, %get3A_3106, %get3A_3107] {strides = array<i32>} : memref<4x8x64xf32, #tpu.memory_space<vmem>>, vector<16xf32>,
    %get3A_3109 = arith.constant 0 : i32
    %get3A_3110 = arith.constant 6 : i32
    %get3A_3111 = arith.index_cast %get3A_3109 : i32 to index
    %get3A_3112 = arith.index_cast %get3A_3110 : i32 to index
    %get3A_3113 = arith.constant 48 : index
    %get3A_3114 = tpu.vector_load %arg7[%get3A_3111, %get3A_3112, %get3A_3113] {strides = array<i32>} : memref<4x8x64xf32, #tpu.memory_space<vmem>>, vector<16xf32>,
    %add3A_3115 = arith.addf %get3A_3108, %get3A_3114 : vector<16xf32>
    %get3A_3116 = arith.constant 0 : i32
    %get3A_3117 = arith.constant 6 : i32
    %get3A_3118 = arith.index_cast %get3A_3116 : i32 to index
    %get3A_3119 = arith.index_cast %get3A_3117 : i32 to index
    %get3A_3120 = arith.constant 48 : index
    %get3A_3121 = tpu.vector_load %arg8[%get3A_3118, %get3A_3119, %get3A_3120] {strides = array<i32>} : memref<4x8x64xf32, #tpu.memory_space<vmem>>, vector<16xf32>,
    %sub3A_3122 = arith.subf %add3A_3115, %get3A_3121 : vector<16xf32>
    %broadcast_in_dim3A_3123 = arith.constant 0 : i32
    %broadcast_in_dim3A_3124 = vector.broadcast %broadcast_in_dim3A_3123 : i32 to vector<16xi32>
    %get3A_3125 = arith.constant 1 : i32
    %get3A_3126 = arith.constant 6 : i32
    %get3A_3127 = arith.index_cast %get3A_3125 : i32 to index
    %get3A_3128 = arith.index_cast %get3A_3126 : i32 to index
    %get3A_3129 = arith.constant 48 : index
    %get3A_3130 = tpu.vector_load %arg6[%get3A_3127, %get3A_3128, %get3A_3129] {strides = array<i32>} : memref<4x8x64xf32, #tpu.memory_space<vmem>>, vector<16xf32>,
    %get3A_3131 = arith.constant 1 : i32
    %get3A_3132 = arith.constant 6 : i32
    %get3A_3133 = arith.index_cast %get3A_3131 : i32 to index
    %get3A_3134 = arith.index_cast %get3A_3132 : i32 to index
    %get3A_3135 = arith.constant 48 : index
    %get3A_3136 = tpu.vector_load %arg7[%get3A_3133, %get3A_3134, %get3A_3135] {strides = array<i32>} : memref<4x8x64xf32, #tpu.memory_space<vmem>>, vector<16xf32>,
    %add3A_3137 = arith.addf %get3A_3130, %get3A_3136 : vector<16xf32>
    %get3A_3138 = arith.constant 1 : i32
    %get3A_3139 = arith.constant 6 : i32
    %get3A_3140 = arith.index_cast %get3A_3138 : i32 to index
    %get3A_3141 = arith.index_cast %get3A_3139 : i32 to index
    %get3A_3142 = arith.constant 48 : index
    %get3A_3143 = tpu.vector_load %arg8[%get3A_3140, %get3A_3141, %get3A_3142] {strides = array<i32>} : memref<4x8x64xf32, #tpu.memory_space<vmem>>, vector<16xf32>,
    %sub3A_3144 = arith.subf %add3A_3137, %get3A_3143 : vector<16xf32>
    %gt3A_3145 = arith.cmpf ogt, %sub3A_3144, %sub3A_3122 : vector<16xf32>
    %select_n3A_3146 = arith.select %gt3A_3145, %sub3A_3144, %sub3A_3122 : vector<16xi1>, vector<16xf32>
    %jit3A_3147 = arith.constant 1 : i32
    %broadcast_in_dim3A_3148 = vector.broadcast %jit3A_3147 : i32 to vector<16xi32>
    %select_n3A_3149 = arith.select %gt3A_3145, %broadcast_in_dim3A_3148, %broadcast_in_dim3A_3124 : vector<16xi1>, vector<16xi32>
    %get3A_3150 = arith.constant 2 : i32
    %get3A_3151 = arith.constant 6 : i32
    %get3A_3152 = arith.index_cast %get3A_3150 : i32 to index
    %get3A_3153 = arith.index_cast %get3A_3151 : i32 to index
    %get3A_3154 = arith.constant 48 : index
    %get3A_3155 = tpu.vector_load %arg6[%get3A_3152, %get3A_3153, %get3A_3154] {strides = array<i32>} : memref<4x8x64xf32, #tpu.memory_space<vmem>>, vector<16xf32>,
    %get3A_3156 = arith.constant 2 : i32
    %get3A_3157 = arith.constant 6 : i32
    %get3A_3158 = arith.index_cast %get3A_3156 : i32 to index
    %get3A_3159 = arith.index_cast %get3A_3157 : i32 to index
    %get3A_3160 = arith.constant 48 : index
    %get3A_3161 = tpu.vector_load %arg7[%get3A_3158, %get3A_3159, %get3A_3160] {strides = array<i32>} : memref<4x8x64xf32, #tpu.memory_space<vmem>>, vector<16xf32>,
    %add3A_3162 = arith.addf %get3A_3155, %get3A_3161 : vector<16xf32>
    %get3A_3163 = arith.constant 2 : i32
    %get3A_3164 = arith.constant 6 : i32
    %get3A_3165 = arith.index_cast %get3A_3163 : i32 to index
    %get3A_3166 = arith.index_cast %get3A_3164 : i32 to index
    %get3A_3167 = arith.constant 48 : index
    %get3A_3168 = tpu.vector_load %arg8[%get3A_3165, %get3A_3166, %get3A_3167] {strides = array<i32>} : memref<4x8x64xf32, #tpu.memory_space<vmem>>, vector<16xf32>,
    %sub3A_3169 = arith.subf %add3A_3162, %get3A_3168 : vector<16xf32>
    %gt3A_3170 = arith.cmpf ogt, %sub3A_3169, %select_n3A_3146 : vector<16xf32>
    %select_n3A_3171 = arith.select %gt3A_3170, %sub3A_3169, %select_n3A_3146 : vector<16xi1>, vector<16xf32>
    %jit3A_3172 = arith.constant 2 : i32
    %broadcast_in_dim3A_3173 = vector.broadcast %jit3A_3172 : i32 to vector<16xi32>
    %select_n3A_3174 = arith.select %gt3A_3170, %broadcast_in_dim3A_3173, %select_n3A_3149 : vector<16xi1>, vector<16xi32>
    %get3A_3175 = arith.constant 3 : i32
    %get3A_3176 = arith.constant 6 : i32
    %get3A_3177 = arith.index_cast %get3A_3175 : i32 to index
    %get3A_3178 = arith.index_cast %get3A_3176 : i32 to index
    %get3A_3179 = arith.constant 48 : index
    %get3A_3180 = tpu.vector_load %arg6[%get3A_3177, %get3A_3178, %get3A_3179] {strides = array<i32>} : memref<4x8x64xf32, #tpu.memory_space<vmem>>, vector<16xf32>,
    %get3A_3181 = arith.constant 3 : i32
    %get3A_3182 = arith.constant 6 : i32
    %get3A_3183 = arith.index_cast %get3A_3181 : i32 to index
    %get3A_3184 = arith.index_cast %get3A_3182 : i32 to index
    %get3A_3185 = arith.constant 48 : index
    %get3A_3186 = tpu.vector_load %arg7[%get3A_3183, %get3A_3184, %get3A_3185] {strides = array<i32>} : memref<4x8x64xf32, #tpu.memory_space<vmem>>, vector<16xf32>,
    %add3A_3187 = arith.addf %get3A_3180, %get3A_3186 : vector<16xf32>
    %get3A_3188 = arith.constant 3 : i32
    %get3A_3189 = arith.constant 6 : i32
    %get3A_3190 = arith.index_cast %get3A_3188 : i32 to index
    %get3A_3191 = arith.index_cast %get3A_3189 : i32 to index
    %get3A_3192 = arith.constant 48 : index
    %get3A_3193 = tpu.vector_load %arg8[%get3A_3190, %get3A_3191, %get3A_3192] {strides = array<i32>} : memref<4x8x64xf32, #tpu.memory_space<vmem>>, vector<16xf32>,
    %sub3A_3194 = arith.subf %add3A_3187, %get3A_3193 : vector<16xf32>
    %gt3A_3195 = arith.cmpf ogt, %sub3A_3194, %select_n3A_3171 : vector<16xf32>
    %select_n3A_3196 = arith.select %gt3A_3195, %sub3A_3194, %select_n3A_3171 : vector<16xi1>, vector<16xf32>
    %jit3A_3197 = arith.constant 3 : i32
    %broadcast_in_dim3A_3198 = vector.broadcast %jit3A_3197 : i32 to vector<16xi32>
    %select_n3A_3199 = arith.select %gt3A_3195, %broadcast_in_dim3A_3198, %select_n3A_3174 : vector<16xi1>, vector<16xi32>
    %shift_left3A_3200 = arith.constant 12 : i32
    %shift_left3A_3201 = vector.broadcast %shift_left3A_3200 : i32 to vector<16xi32>
    %shift_left3A_3202 = arith.shli %select_n3A_3199, %shift_left3A_3201 : vector<16xi32>
    %or3A_3203 = arith.ori %or3A_3102, %shift_left3A_3202 : vector<16xi32>
    %get3A_3204 = arith.constant 0 : i32
    %get3A_3205 = arith.constant 7 : i32
    %get3A_3206 = arith.index_cast %get3A_3204 : i32 to index
    %get3A_3207 = arith.index_cast %get3A_3205 : i32 to index
    %get3A_3208 = arith.constant 48 : index
    %get3A_3209 = tpu.vector_load %arg6[%get3A_3206, %get3A_3207, %get3A_3208] {strides = array<i32>} : memref<4x8x64xf32, #tpu.memory_space<vmem>>, vector<16xf32>,
    %get3A_3210 = arith.constant 0 : i32
    %get3A_3211 = arith.constant 7 : i32
    %get3A_3212 = arith.index_cast %get3A_3210 : i32 to index
    %get3A_3213 = arith.index_cast %get3A_3211 : i32 to index
    %get3A_3214 = arith.constant 48 : index
    %get3A_3215 = tpu.vector_load %arg7[%get3A_3212, %get3A_3213, %get3A_3214] {strides = array<i32>} : memref<4x8x64xf32, #tpu.memory_space<vmem>>, vector<16xf32>,
    %add3A_3216 = arith.addf %get3A_3209, %get3A_3215 : vector<16xf32>
    %get3A_3217 = arith.constant 0 : i32
    %get3A_3218 = arith.constant 7 : i32
    %get3A_3219 = arith.index_cast %get3A_3217 : i32 to index
    %get3A_3220 = arith.index_cast %get3A_3218 : i32 to index
    %get3A_3221 = arith.constant 48 : index
    %get3A_3222 = tpu.vector_load %arg8[%get3A_3219, %get3A_3220, %get3A_3221] {strides = array<i32>} : memref<4x8x64xf32, #tpu.memory_space<vmem>>, vector<16xf32>,
    %sub3A_3223 = arith.subf %add3A_3216, %get3A_3222 : vector<16xf32>
    %broadcast_in_dim3A_3224 = arith.constant 0 : i32
    %broadcast_in_dim3A_3225 = vector.broadcast %broadcast_in_dim3A_3224 : i32 to vector<16xi32>
    %get3A_3226 = arith.constant 1 : i32
    %get3A_3227 = arith.constant 7 : i32
    %get3A_3228 = arith.index_cast %get3A_3226 : i32 to index
    %get3A_3229 = arith.index_cast %get3A_3227 : i32 to index
    %get3A_3230 = arith.constant 48 : index
    %get3A_3231 = tpu.vector_load %arg6[%get3A_3228, %get3A_3229, %get3A_3230] {strides = array<i32>} : memref<4x8x64xf32, #tpu.memory_space<vmem>>, vector<16xf32>,
    %get3A_3232 = arith.constant 1 : i32
    %get3A_3233 = arith.constant 7 : i32
    %get3A_3234 = arith.index_cast %get3A_3232 : i32 to index
    %get3A_3235 = arith.index_cast %get3A_3233 : i32 to index
    %get3A_3236 = arith.constant 48 : index
    %get3A_3237 = tpu.vector_load %arg7[%get3A_3234, %get3A_3235, %get3A_3236] {strides = array<i32>} : memref<4x8x64xf32, #tpu.memory_space<vmem>>, vector<16xf32>,
    %add3A_3238 = arith.addf %get3A_3231, %get3A_3237 : vector<16xf32>
    %get3A_3239 = arith.constant 1 : i32
    %get3A_3240 = arith.constant 7 : i32
    %get3A_3241 = arith.index_cast %get3A_3239 : i32 to index
    %get3A_3242 = arith.index_cast %get3A_3240 : i32 to index
    %get3A_3243 = arith.constant 48 : index
    %get3A_3244 = tpu.vector_load %arg8[%get3A_3241, %get3A_3242, %get3A_3243] {strides = array<i32>} : memref<4x8x64xf32, #tpu.memory_space<vmem>>, vector<16xf32>,
    %sub3A_3245 = arith.subf %add3A_3238, %get3A_3244 : vector<16xf32>
    %gt3A_3246 = arith.cmpf ogt, %sub3A_3245, %sub3A_3223 : vector<16xf32>
    %select_n3A_3247 = arith.select %gt3A_3246, %sub3A_3245, %sub3A_3223 : vector<16xi1>, vector<16xf32>
    %jit3A_3248 = arith.constant 1 : i32
    %broadcast_in_dim3A_3249 = vector.broadcast %jit3A_3248 : i32 to vector<16xi32>
    %select_n3A_3250 = arith.select %gt3A_3246, %broadcast_in_dim3A_3249, %broadcast_in_dim3A_3225 : vector<16xi1>, vector<16xi32>
    %get3A_3251 = arith.constant 2 : i32
    %get3A_3252 = arith.constant 7 : i32
    %get3A_3253 = arith.index_cast %get3A_3251 : i32 to index
    %get3A_3254 = arith.index_cast %get3A_3252 : i32 to index
    %get3A_3255 = arith.constant 48 : index
    %get3A_3256 = tpu.vector_load %arg6[%get3A_3253, %get3A_3254, %get3A_3255] {strides = array<i32>} : memref<4x8x64xf32, #tpu.memory_space<vmem>>, vector<16xf32>,
    %get3A_3257 = arith.constant 2 : i32
    %get3A_3258 = arith.constant 7 : i32
    %get3A_3259 = arith.index_cast %get3A_3257 : i32 to index
    %get3A_3260 = arith.index_cast %get3A_3258 : i32 to index
    %get3A_3261 = arith.constant 48 : index
    %get3A_3262 = tpu.vector_load %arg7[%get3A_3259, %get3A_3260, %get3A_3261] {strides = array<i32>} : memref<4x8x64xf32, #tpu.memory_space<vmem>>, vector<16xf32>,
    %add3A_3263 = arith.addf %get3A_3256, %get3A_3262 : vector<16xf32>
    %get3A_3264 = arith.constant 2 : i32
    %get3A_3265 = arith.constant 7 : i32
    %get3A_3266 = arith.index_cast %get3A_3264 : i32 to index
    %get3A_3267 = arith.index_cast %get3A_3265 : i32 to index
    %get3A_3268 = arith.constant 48 : index
    %get3A_3269 = tpu.vector_load %arg8[%get3A_3266, %get3A_3267, %get3A_3268] {strides = array<i32>} : memref<4x8x64xf32, #tpu.memory_space<vmem>>, vector<16xf32>,
    %sub3A_3270 = arith.subf %add3A_3263, %get3A_3269 : vector<16xf32>
    %gt3A_3271 = arith.cmpf ogt, %sub3A_3270, %select_n3A_3247 : vector<16xf32>
    %select_n3A_3272 = arith.select %gt3A_3271, %sub3A_3270, %select_n3A_3247 : vector<16xi1>, vector<16xf32>
    %jit3A_3273 = arith.constant 2 : i32
    %broadcast_in_dim3A_3274 = vector.broadcast %jit3A_3273 : i32 to vector<16xi32>
    %select_n3A_3275 = arith.select %gt3A_3271, %broadcast_in_dim3A_3274, %select_n3A_3250 : vector<16xi1>, vector<16xi32>
    %get3A_3276 = arith.constant 3 : i32
    %get3A_3277 = arith.constant 7 : i32
    %get3A_3278 = arith.index_cast %get3A_3276 : i32 to index
    %get3A_3279 = arith.index_cast %get3A_3277 : i32 to index
    %get3A_3280 = arith.constant 48 : index
    %get3A_3281 = tpu.vector_load %arg6[%get3A_3278, %get3A_3279, %get3A_3280] {strides = array<i32>} : memref<4x8x64xf32, #tpu.memory_space<vmem>>, vector<16xf32>,
    %get3A_3282 = arith.constant 3 : i32
    %get3A_3283 = arith.constant 7 : i32
    %get3A_3284 = arith.index_cast %get3A_3282 : i32 to index
    %get3A_3285 = arith.index_cast %get3A_3283 : i32 to index
    %get3A_3286 = arith.constant 48 : index
    %get3A_3287 = tpu.vector_load %arg7[%get3A_3284, %get3A_3285, %get3A_3286] {strides = array<i32>} : memref<4x8x64xf32, #tpu.memory_space<vmem>>, vector<16xf32>,
    %add3A_3288 = arith.addf %get3A_3281, %get3A_3287 : vector<16xf32>
    %get3A_3289 = arith.constant 3 : i32
    %get3A_3290 = arith.constant 7 : i32
    %get3A_3291 = arith.index_cast %get3A_3289 : i32 to index
    %get3A_3292 = arith.index_cast %get3A_3290 : i32 to index
    %get3A_3293 = arith.constant 48 : index
    %get3A_3294 = tpu.vector_load %arg8[%get3A_3291, %get3A_3292, %get3A_3293] {strides = array<i32>} : memref<4x8x64xf32, #tpu.memory_space<vmem>>, vector<16xf32>,
    %sub3A_3295 = arith.subf %add3A_3288, %get3A_3294 : vector<16xf32>
    %gt3A_3296 = arith.cmpf ogt, %sub3A_3295, %select_n3A_3272 : vector<16xf32>
    %select_n3A_3297 = arith.select %gt3A_3296, %sub3A_3295, %select_n3A_3272 : vector<16xi1>, vector<16xf32>
    %jit3A_3298 = arith.constant 3 : i32
    %broadcast_in_dim3A_3299 = vector.broadcast %jit3A_3298 : i32 to vector<16xi32>
    %select_n3A_3300 = arith.select %gt3A_3296, %broadcast_in_dim3A_3299, %select_n3A_3275 : vector<16xi1>, vector<16xi32>
    %shift_left3A_3301 = arith.constant 14 : i32
    %shift_left3A_3302 = vector.broadcast %shift_left3A_3301 : i32 to vector<16xi32>
    %shift_left3A_3303 = arith.shli %select_n3A_3300, %shift_left3A_3302 : vector<16xi32>
    %or3A_3304 = arith.ori %or3A_3203, %shift_left3A_3303 : vector<16xi32>
    %swap3A_3305 = arith.constant 48 : index
    %swap3A_3306 = tpu.vector_load %arg9[%swap3A_3305] {strides = array<i32>} : memref<64xi32, #tpu.memory_space<vmem>>, vector<16xi32>,
    tpu.vector_store %arg9[%swap3A_3305], %or3A_3304 {strides = array<i32>} : memref<64xi32, #tpu.memory_space<vmem>>, vector<16xi32>,
    "tpu.region"() ({
      %run_scoped3A = tpu.sem_alloc : memref<!tpu.dma_semaphore, #tpu.memory_space<semaphore_mem>>
      %dma_start3A_3339 = tpu.memref_slice %arg10[%min3A_8] : memref<1000xi32, #tpu.memory_space<vmem_shared>> -> memref<64xi32, #tpu.memory_space<vmem_shared>>
      %dma_start3A_3340 = tpu.memref_slice %arg10[%min3A_8] : memref<1000xi32, #tpu.memory_space<vmem_shared>> -> memref<64xi32, #tpu.memory_space<vmem_shared>>
      tpu.enqueue_dma source(%arg9 : memref<64xi32, #tpu.memory_space<vmem>>) target(%dma_start3A_3340 : memref<64xi32, #tpu.memory_space<vmem_shared>>) target_semaphore(%run_scoped3A : memref<!tpu.dma_semaphore, #tpu.memory_space<semaphore_mem>>)
      %dma_wait3A_3341 = tpu.memref_slice %arg10[%min3A_8] : memref<1000xi32, #tpu.memory_space<vmem_shared>> -> memref<64xi32, #tpu.memory_space<vmem_shared>>
      %dma_wait3A_3342 = tpu.memref_slice %arg10[%min3A_8] : memref<1000xi32, #tpu.memory_space<vmem_shared>> -> memref<64xi32, #tpu.memory_space<vmem_shared>>
      tpu.wait_dma2 semaphore(%run_scoped3A : memref<!tpu.dma_semaphore, #tpu.memory_space<semaphore_mem>>) src(%arg9 : memref<64xi32, #tpu.memory_space<vmem>>) dst(%dma_wait3A_3342 : memref<64xi32, #tpu.memory_space<vmem_shared>>)
      tpu.yield
    }) : () -> ()
    %barrier3A = arith.constant 0 : index
    tpu.barrier barrier_id(%barrier3A)
    "tpu.region"() ({
      %run_scoped3A = tpu.sem_alloc : memref<!tpu.dma_semaphore, #tpu.memory_space<semaphore_mem>>
      tpu.enqueue_dma source(%arg10 : memref<1000xi32, #tpu.memory_space<vmem_shared>>) target(%arg11 : memref<1000xi32, #tpu.memory_space<vmem>>) target_semaphore(%run_scoped3A : memref<!tpu.dma_semaphore, #tpu.memory_space<semaphore_mem>>)
      tpu.wait_dma2 semaphore(%run_scoped3A : memref<!tpu.dma_semaphore, #tpu.memory_space<semaphore_mem>>) src(%arg10 : memref<1000xi32, #tpu.memory_space<vmem_shared>>) dst(%arg11 : memref<1000xi32, #tpu.memory_space<vmem>>)
      tpu.yield
    }) : () -> ()
    %scan3A = arith.constant 0 : i32
    %scan3A_3307 = arith.constant 32 : i32
    %scan3A_3308 = arith.addi %scan3A, %scan3A_3307 : i32
    %scan3A_3309 = arith.constant 1 : i32
    scf.for %scan3A_3339 = %scan3A to %scan3A_3308 step %scan3A_3309  : i32 {
      %mul3A_3340 = arith.constant 16 : i32
      %mul3A_3341 = arith.muli %scan3A_3339, %mul3A_3340 : i32
      %get3A_3342 = arith.index_cast %mul3A_3341 : i32 to index
      %get3A_3343 = tpu.vector_load %arg12[%get3A_3342] {strides = array<i32>} : memref<512xi32, #tpu.memory_space<vmem>>, vector<16xi32>,
      %gather3A = tpu.vector_load_idx %arg11[%get3A_3343] : memref<1000xi32, #tpu.memory_space<vmem>>[vector<16xi32>], vector<16xi32>,
      %shift_right_arithmetic3A_3344 = arith.constant 3 : i32
      %shift_right_arithmetic3A_3345 = arith.shrsi %scan3A_3339, %shift_right_arithmetic3A_3344 : i32
      %and3A_3346 = arith.constant 7 : i32
      %and3A_3347 = arith.andi %scan3A_3339, %and3A_3346 : i32
      %mul3A_3348 = arith.constant 16 : i32
      %mul3A_3349 = arith.muli %and3A_3347, %mul3A_3348 : i32
      %shift_right_arithmetic3A_3350 = arith.constant 0 : i32
      %shift_right_arithmetic3A_3351 = vector.broadcast %shift_right_arithmetic3A_3350 : i32 to vector<16xi32>
      %shift_right_arithmetic3A_3352 = arith.shrsi %gather3A, %shift_right_arithmetic3A_3351 : vector<16xi32>
      %and3A_3353 = arith.andi %shift_right_arithmetic3A_3352, %broadcast_in_dim3A_2 : vector<16xi32>
      %shift_left3A_3354 = arith.constant 3 : i32
      %shift_left3A_3355 = vector.broadcast %shift_left3A_3354 : i32 to vector<16xi32>
      %shift_left3A_3356 = arith.shli %and3A_3353, %shift_left3A_3355 : vector<16xi32>
      %or3A_3357 = arith.constant 0 : i32
      %or3A_3358 = vector.broadcast %or3A_3357 : i32 to vector<16xi32>
      %or3A_3359 = arith.ori %shift_left3A_3356, %or3A_3358 : vector<16xi32>
      %swap3A_3360 = arith.constant 0 : i32
      %swap3A_3361 = arith.index_cast %shift_right_arithmetic3A_3345 : i32 to index
      %swap3A_3362 = arith.index_cast %swap3A_3360 : i32 to index
      %swap3A_3363 = arith.index_cast %mul3A_3349 : i32 to index
      %swap3A_3364 = tpu.vector_load %arg14[%swap3A_3361, %swap3A_3362, %swap3A_3363] {strides = array<i32>} : memref<4x8x128xi32, #tpu.memory_space<vmem>>, vector<16xi32>,
      tpu.vector_store %arg14[%swap3A_3361, %swap3A_3362, %swap3A_3363], %or3A_3359 {strides = array<i32>} : memref<4x8x128xi32, #tpu.memory_space<vmem>>, vector<16xi32>,
      %swap3A_3365 = arith.constant 0 : i32
      %swap3A_3366 = arith.index_cast %shift_right_arithmetic3A_3345 : i32 to index
      %swap3A_3367 = arith.index_cast %swap3A_3365 : i32 to index
      %swap3A_3368 = arith.index_cast %mul3A_3349 : i32 to index
      %swap3A_3369 = tpu.vector_load %arg13[%swap3A_3366, %swap3A_3367, %swap3A_3368] {strides = array<i32>} : memref<4x8x128xf32, #tpu.memory_space<vmem>>, vector<16xf32>,
      tpu.vector_store %arg13[%swap3A_3366, %swap3A_3367, %swap3A_3368], %broadcast_in_dim3A_0 {strides = array<i32>} : memref<4x8x128xf32, #tpu.memory_space<vmem>>, vector<16xf32>,
      %shift_right_arithmetic3A_3370 = arith.constant 2 : i32
      %shift_right_arithmetic3A_3371 = vector.broadcast %shift_right_arithmetic3A_3370 : i32 to vector<16xi32>
      %shift_right_arithmetic3A_3372 = arith.shrsi %gather3A, %shift_right_arithmetic3A_3371 : vector<16xi32>
      %and3A_3373 = arith.andi %shift_right_arithmetic3A_3372, %broadcast_in_dim3A_2 : vector<16xi32>
      %shift_left3A_3374 = arith.constant 3 : i32
      %shift_left3A_3375 = vector.broadcast %shift_left3A_3374 : i32 to vector<16xi32>
      %shift_left3A_3376 = arith.shli %and3A_3373, %shift_left3A_3375 : vector<16xi32>
      %or3A_3377 = arith.constant 1 : i32
      %or3A_3378 = vector.broadcast %or3A_3377 : i32 to vector<16xi32>
      %or3A_3379 = arith.ori %shift_left3A_3376, %or3A_3378 : vector<16xi32>
      %swap3A_3380 = arith.constant 1 : i32
      %swap3A_3381 = arith.index_cast %shift_right_arithmetic3A_3345 : i32 to index
      %swap3A_3382 = arith.index_cast %swap3A_3380 : i32 to index
      %swap3A_3383 = arith.index_cast %mul3A_3349 : i32 to index
      %swap3A_3384 = tpu.vector_load %arg14[%swap3A_3381, %swap3A_3382, %swap3A_3383] {strides = array<i32>} : memref<4x8x128xi32, #tpu.memory_space<vmem>>, vector<16xi32>,
      tpu.vector_store %arg14[%swap3A_3381, %swap3A_3382, %swap3A_3383], %or3A_3379 {strides = array<i32>} : memref<4x8x128xi32, #tpu.memory_space<vmem>>, vector<16xi32>,
      %swap3A_3385 = arith.constant 1 : i32
      %swap3A_3386 = arith.index_cast %shift_right_arithmetic3A_3345 : i32 to index
      %swap3A_3387 = arith.index_cast %swap3A_3385 : i32 to index
      %swap3A_3388 = arith.index_cast %mul3A_3349 : i32 to index
      %swap3A_3389 = tpu.vector_load %arg13[%swap3A_3386, %swap3A_3387, %swap3A_3388] {strides = array<i32>} : memref<4x8x128xf32, #tpu.memory_space<vmem>>, vector<16xf32>,
      tpu.vector_store %arg13[%swap3A_3386, %swap3A_3387, %swap3A_3388], %broadcast_in_dim3A_0 {strides = array<i32>} : memref<4x8x128xf32, #tpu.memory_space<vmem>>, vector<16xf32>,
      %shift_right_arithmetic3A_3390 = arith.constant 4 : i32
      %shift_right_arithmetic3A_3391 = vector.broadcast %shift_right_arithmetic3A_3390 : i32 to vector<16xi32>
      %shift_right_arithmetic3A_3392 = arith.shrsi %gather3A, %shift_right_arithmetic3A_3391 : vector<16xi32>
      %and3A_3393 = arith.andi %shift_right_arithmetic3A_3392, %broadcast_in_dim3A_2 : vector<16xi32>
      %shift_left3A_3394 = arith.constant 3 : i32
      %shift_left3A_3395 = vector.broadcast %shift_left3A_3394 : i32 to vector<16xi32>
      %shift_left3A_3396 = arith.shli %and3A_3393, %shift_left3A_3395 : vector<16xi32>
      %or3A_3397 = arith.constant 2 : i32
      %or3A_3398 = vector.broadcast %or3A_3397 : i32 to vector<16xi32>
      %or3A_3399 = arith.ori %shift_left3A_3396, %or3A_3398 : vector<16xi32>
      %swap3A_3400 = arith.constant 2 : i32
      %swap3A_3401 = arith.index_cast %shift_right_arithmetic3A_3345 : i32 to index
      %swap3A_3402 = arith.index_cast %swap3A_3400 : i32 to index
      %swap3A_3403 = arith.index_cast %mul3A_3349 : i32 to index
      %swap3A_3404 = tpu.vector_load %arg14[%swap3A_3401, %swap3A_3402, %swap3A_3403] {strides = array<i32>} : memref<4x8x128xi32, #tpu.memory_space<vmem>>, vector<16xi32>,
      tpu.vector_store %arg14[%swap3A_3401, %swap3A_3402, %swap3A_3403], %or3A_3399 {strides = array<i32>} : memref<4x8x128xi32, #tpu.memory_space<vmem>>, vector<16xi32>,
      %swap3A_3405 = arith.constant 2 : i32
      %swap3A_3406 = arith.index_cast %shift_right_arithmetic3A_3345 : i32 to index
      %swap3A_3407 = arith.index_cast %swap3A_3405 : i32 to index
      %swap3A_3408 = arith.index_cast %mul3A_3349 : i32 to index
      %swap3A_3409 = tpu.vector_load %arg13[%swap3A_3406, %swap3A_3407, %swap3A_3408] {strides = array<i32>} : memref<4x8x128xf32, #tpu.memory_space<vmem>>, vector<16xf32>,
      tpu.vector_store %arg13[%swap3A_3406, %swap3A_3407, %swap3A_3408], %broadcast_in_dim3A_0 {strides = array<i32>} : memref<4x8x128xf32, #tpu.memory_space<vmem>>, vector<16xf32>,
      %shift_right_arithmetic3A_3410 = arith.constant 6 : i32
      %shift_right_arithmetic3A_3411 = vector.broadcast %shift_right_arithmetic3A_3410 : i32 to vector<16xi32>
      %shift_right_arithmetic3A_3412 = arith.shrsi %gather3A, %shift_right_arithmetic3A_3411 : vector<16xi32>
      %and3A_3413 = arith.andi %shift_right_arithmetic3A_3412, %broadcast_in_dim3A_2 : vector<16xi32>
      %shift_left3A_3414 = arith.constant 3 : i32
      %shift_left3A_3415 = vector.broadcast %shift_left3A_3414 : i32 to vector<16xi32>
      %shift_left3A_3416 = arith.shli %and3A_3413, %shift_left3A_3415 : vector<16xi32>
      %or3A_3417 = arith.constant 3 : i32
      %or3A_3418 = vector.broadcast %or3A_3417 : i32 to vector<16xi32>
      %or3A_3419 = arith.ori %shift_left3A_3416, %or3A_3418 : vector<16xi32>
      %swap3A_3420 = arith.constant 3 : i32
      %swap3A_3421 = arith.index_cast %shift_right_arithmetic3A_3345 : i32 to index
      %swap3A_3422 = arith.index_cast %swap3A_3420 : i32 to index
      %swap3A_3423 = arith.index_cast %mul3A_3349 : i32 to index
      %swap3A_3424 = tpu.vector_load %arg14[%swap3A_3421, %swap3A_3422, %swap3A_3423] {strides = array<i32>} : memref<4x8x128xi32, #tpu.memory_space<vmem>>, vector<16xi32>,
      tpu.vector_store %arg14[%swap3A_3421, %swap3A_3422, %swap3A_3423], %or3A_3419 {strides = array<i32>} : memref<4x8x128xi32, #tpu.memory_space<vmem>>, vector<16xi32>,
      %swap3A_3425 = arith.constant 3 : i32
      %swap3A_3426 = arith.index_cast %shift_right_arithmetic3A_3345 : i32 to index
      %swap3A_3427 = arith.index_cast %swap3A_3425 : i32 to index
      %swap3A_3428 = arith.index_cast %mul3A_3349 : i32 to index
      %swap3A_3429 = tpu.vector_load %arg13[%swap3A_3426, %swap3A_3427, %swap3A_3428] {strides = array<i32>} : memref<4x8x128xf32, #tpu.memory_space<vmem>>, vector<16xf32>,
      tpu.vector_store %arg13[%swap3A_3426, %swap3A_3427, %swap3A_3428], %broadcast_in_dim3A_0 {strides = array<i32>} : memref<4x8x128xf32, #tpu.memory_space<vmem>>, vector<16xf32>,
      %shift_right_arithmetic3A_3430 = arith.constant 8 : i32
      %shift_right_arithmetic3A_3431 = vector.broadcast %shift_right_arithmetic3A_3430 : i32 to vector<16xi32>
      %shift_right_arithmetic3A_3432 = arith.shrsi %gather3A, %shift_right_arithmetic3A_3431 : vector<16xi32>
      %and3A_3433 = arith.andi %shift_right_arithmetic3A_3432, %broadcast_in_dim3A_2 : vector<16xi32>
      %shift_left3A_3434 = arith.constant 3 : i32
      %shift_left3A_3435 = vector.broadcast %shift_left3A_3434 : i32 to vector<16xi32>
      %shift_left3A_3436 = arith.shli %and3A_3433, %shift_left3A_3435 : vector<16xi32>
      %or3A_3437 = arith.constant 4 : i32
      %or3A_3438 = vector.broadcast %or3A_3437 : i32 to vector<16xi32>
      %or3A_3439 = arith.ori %shift_left3A_3436, %or3A_3438 : vector<16xi32>
      %swap3A_3440 = arith.constant 4 : i32
      %swap3A_3441 = arith.index_cast %shift_right_arithmetic3A_3345 : i32 to index
      %swap3A_3442 = arith.index_cast %swap3A_3440 : i32 to index
      %swap3A_3443 = arith.index_cast %mul3A_3349 : i32 to index
      %swap3A_3444 = tpu.vector_load %arg14[%swap3A_3441, %swap3A_3442, %swap3A_3443] {strides = array<i32>} : memref<4x8x128xi32, #tpu.memory_space<vmem>>, vector<16xi32>,
      tpu.vector_store %arg14[%swap3A_3441, %swap3A_3442, %swap3A_3443], %or3A_3439 {strides = array<i32>} : memref<4x8x128xi32, #tpu.memory_space<vmem>>, vector<16xi32>,
      %swap3A_3445 = arith.constant 4 : i32
      %swap3A_3446 = arith.index_cast %shift_right_arithmetic3A_3345 : i32 to index
      %swap3A_3447 = arith.index_cast %swap3A_3445 : i32 to index
      %swap3A_3448 = arith.index_cast %mul3A_3349 : i32 to index
      %swap3A_3449 = tpu.vector_load %arg13[%swap3A_3446, %swap3A_3447, %swap3A_3448] {strides = array<i32>} : memref<4x8x128xf32, #tpu.memory_space<vmem>>, vector<16xf32>,
      tpu.vector_store %arg13[%swap3A_3446, %swap3A_3447, %swap3A_3448], %broadcast_in_dim3A_0 {strides = array<i32>} : memref<4x8x128xf32, #tpu.memory_space<vmem>>, vector<16xf32>,
      %shift_right_arithmetic3A_3450 = arith.constant 10 : i32
      %shift_right_arithmetic3A_3451 = vector.broadcast %shift_right_arithmetic3A_3450 : i32 to vector<16xi32>
      %shift_right_arithmetic3A_3452 = arith.shrsi %gather3A, %shift_right_arithmetic3A_3451 : vector<16xi32>
      %and3A_3453 = arith.andi %shift_right_arithmetic3A_3452, %broadcast_in_dim3A_2 : vector<16xi32>
      %shift_left3A_3454 = arith.constant 3 : i32
      %shift_left3A_3455 = vector.broadcast %shift_left3A_3454 : i32 to vector<16xi32>
      %shift_left3A_3456 = arith.shli %and3A_3453, %shift_left3A_3455 : vector<16xi32>
      %or3A_3457 = arith.constant 5 : i32
      %or3A_3458 = vector.broadcast %or3A_3457 : i32 to vector<16xi32>
      %or3A_3459 = arith.ori %shift_left3A_3456, %or3A_3458 : vector<16xi32>
      %swap3A_3460 = arith.constant 5 : i32
      %swap3A_3461 = arith.index_cast %shift_right_arithmetic3A_3345 : i32 to index
      %swap3A_3462 = arith.index_cast %swap3A_3460 : i32 to index
      %swap3A_3463 = arith.index_cast %mul3A_3349 : i32 to index
      %swap3A_3464 = tpu.vector_load %arg14[%swap3A_3461, %swap3A_3462, %swap3A_3463] {strides = array<i32>} : memref<4x8x128xi32, #tpu.memory_space<vmem>>, vector<16xi32>,
      tpu.vector_store %arg14[%swap3A_3461, %swap3A_3462, %swap3A_3463], %or3A_3459 {strides = array<i32>} : memref<4x8x128xi32, #tpu.memory_space<vmem>>, vector<16xi32>,
      %swap3A_3465 = arith.constant 5 : i32
      %swap3A_3466 = arith.index_cast %shift_right_arithmetic3A_3345 : i32 to index
      %swap3A_3467 = arith.index_cast %swap3A_3465 : i32 to index
      %swap3A_3468 = arith.index_cast %mul3A_3349 : i32 to index
      %swap3A_3469 = tpu.vector_load %arg13[%swap3A_3466, %swap3A_3467, %swap3A_3468] {strides = array<i32>} : memref<4x8x128xf32, #tpu.memory_space<vmem>>, vector<16xf32>,
      tpu.vector_store %arg13[%swap3A_3466, %swap3A_3467, %swap3A_3468], %broadcast_in_dim3A_0 {strides = array<i32>} : memref<4x8x128xf32, #tpu.memory_space<vmem>>, vector<16xf32>,
      %shift_right_arithmetic3A_3470 = arith.constant 12 : i32
      %shift_right_arithmetic3A_3471 = vector.broadcast %shift_right_arithmetic3A_3470 : i32 to vector<16xi32>
      %shift_right_arithmetic3A_3472 = arith.shrsi %gather3A, %shift_right_arithmetic3A_3471 : vector<16xi32>
      %and3A_3473 = arith.andi %shift_right_arithmetic3A_3472, %broadcast_in_dim3A_2 : vector<16xi32>
      %shift_left3A_3474 = arith.constant 3 : i32
      %shift_left3A_3475 = vector.broadcast %shift_left3A_3474 : i32 to vector<16xi32>
      %shift_left3A_3476 = arith.shli %and3A_3473, %shift_left3A_3475 : vector<16xi32>
      %or3A_3477 = arith.constant 6 : i32
      %or3A_3478 = vector.broadcast %or3A_3477 : i32 to vector<16xi32>
      %or3A_3479 = arith.ori %shift_left3A_3476, %or3A_3478 : vector<16xi32>
      %swap3A_3480 = arith.constant 6 : i32
      %swap3A_3481 = arith.index_cast %shift_right_arithmetic3A_3345 : i32 to index
      %swap3A_3482 = arith.index_cast %swap3A_3480 : i32 to index
      %swap3A_3483 = arith.index_cast %mul3A_3349 : i32 to index
      %swap3A_3484 = tpu.vector_load %arg14[%swap3A_3481, %swap3A_3482, %swap3A_3483] {strides = array<i32>} : memref<4x8x128xi32, #tpu.memory_space<vmem>>, vector<16xi32>,
      tpu.vector_store %arg14[%swap3A_3481, %swap3A_3482, %swap3A_3483], %or3A_3479 {strides = array<i32>} : memref<4x8x128xi32, #tpu.memory_space<vmem>>, vector<16xi32>,
      %swap3A_3485 = arith.constant 6 : i32
      %swap3A_3486 = arith.index_cast %shift_right_arithmetic3A_3345 : i32 to index
      %swap3A_3487 = arith.index_cast %swap3A_3485 : i32 to index
      %swap3A_3488 = arith.index_cast %mul3A_3349 : i32 to index
      %swap3A_3489 = tpu.vector_load %arg13[%swap3A_3486, %swap3A_3487, %swap3A_3488] {strides = array<i32>} : memref<4x8x128xf32, #tpu.memory_space<vmem>>, vector<16xf32>,
      tpu.vector_store %arg13[%swap3A_3486, %swap3A_3487, %swap3A_3488], %broadcast_in_dim3A_0 {strides = array<i32>} : memref<4x8x128xf32, #tpu.memory_space<vmem>>, vector<16xf32>,
      %shift_right_arithmetic3A_3490 = arith.constant 14 : i32
      %shift_right_arithmetic3A_3491 = vector.broadcast %shift_right_arithmetic3A_3490 : i32 to vector<16xi32>
      %shift_right_arithmetic3A_3492 = arith.shrsi %gather3A, %shift_right_arithmetic3A_3491 : vector<16xi32>
      %and3A_3493 = arith.andi %shift_right_arithmetic3A_3492, %broadcast_in_dim3A_2 : vector<16xi32>
      %shift_left3A_3494 = arith.constant 3 : i32
      %shift_left3A_3495 = vector.broadcast %shift_left3A_3494 : i32 to vector<16xi32>
      %shift_left3A_3496 = arith.shli %and3A_3493, %shift_left3A_3495 : vector<16xi32>
      %or3A_3497 = arith.constant 7 : i32
      %or3A_3498 = vector.broadcast %or3A_3497 : i32 to vector<16xi32>
      %or3A_3499 = arith.ori %shift_left3A_3496, %or3A_3498 : vector<16xi32>
      %swap3A_3500 = arith.constant 7 : i32
      %swap3A_3501 = arith.index_cast %shift_right_arithmetic3A_3345 : i32 to index
      %swap3A_3502 = arith.index_cast %swap3A_3500 : i32 to index
      %swap3A_3503 = arith.index_cast %mul3A_3349 : i32 to index
      %swap3A_3504 = tpu.vector_load %arg14[%swap3A_3501, %swap3A_3502, %swap3A_3503] {strides = array<i32>} : memref<4x8x128xi32, #tpu.memory_space<vmem>>, vector<16xi32>,
      tpu.vector_store %arg14[%swap3A_3501, %swap3A_3502, %swap3A_3503], %or3A_3499 {strides = array<i32>} : memref<4x8x128xi32, #tpu.memory_space<vmem>>, vector<16xi32>,
      %swap3A_3505 = arith.constant 7 : i32
      %swap3A_3506 = arith.index_cast %shift_right_arithmetic3A_3345 : i32 to index
      %swap3A_3507 = arith.index_cast %swap3A_3505 : i32 to index
      %swap3A_3508 = arith.index_cast %mul3A_3349 : i32 to index
      %swap3A_3509 = tpu.vector_load %arg13[%swap3A_3506, %swap3A_3507, %swap3A_3508] {strides = array<i32>} : memref<4x8x128xf32, #tpu.memory_space<vmem>>, vector<16xf32>,
      tpu.vector_store %arg13[%swap3A_3506, %swap3A_3507, %swap3A_3508], %broadcast_in_dim3A_0 {strides = array<i32>} : memref<4x8x128xf32, #tpu.memory_space<vmem>>, vector<16xf32>,
    }
    %scan3A_3310 = arith.constant 32 : i32
    %mul3A_3311 = arith.constant 4 : i32
    %mul3A_3312 = arith.muli %add3A, %mul3A_3311 : i32
    %dma_start3A_3313 = arith.constant 0 : i32
    %dma_start3A_3314 = arith.constant 0 : i32
    %dma_start3A_3315 = tpu.memref_slice %arg4[%mul3A_3312, %dma_start3A_3313, %dma_start3A_3314] : memref<128x8x128xf32, #tpu.memory_space<hbm>> -> memref<4x8x128xf32, #tpu.memory_space<hbm>>
    %dma_start3A_3316 = arith.constant 0 : i32
    %dma_start3A_3317 = arith.constant 0 : i32
    %dma_start3A_3318 = tpu.memref_slice %arg4[%mul3A_3312, %dma_start3A_3316, %dma_start3A_3317] : memref<128x8x128xf32, #tpu.memory_space<hbm>> -> memref<4x8x128xf32, #tpu.memory_space<hbm>>
    tpu.enqueue_dma source(%arg13 : memref<4x8x128xf32, #tpu.memory_space<vmem>>) target(%dma_start3A_3318 : memref<4x8x128xf32, #tpu.memory_space<hbm>>) target_semaphore(%arg15 : memref<!tpu.dma_semaphore, #tpu.memory_space<semaphore_mem>>)
    %mul3A_3319 = arith.constant 4 : i32
    %mul3A_3320 = arith.muli %add3A, %mul3A_3319 : i32
    %dma_start3A_3321 = arith.constant 0 : i32
    %dma_start3A_3322 = arith.constant 0 : i32
    %dma_start3A_3323 = tpu.memref_slice %arg5[%mul3A_3320, %dma_start3A_3321, %dma_start3A_3322] : memref<128x8x128xi32, #tpu.memory_space<hbm>> -> memref<4x8x128xi32, #tpu.memory_space<hbm>>
    %dma_start3A_3324 = arith.constant 0 : i32
    %dma_start3A_3325 = arith.constant 0 : i32
    %dma_start3A_3326 = tpu.memref_slice %arg5[%mul3A_3320, %dma_start3A_3324, %dma_start3A_3325] : memref<128x8x128xi32, #tpu.memory_space<hbm>> -> memref<4x8x128xi32, #tpu.memory_space<hbm>>
    tpu.enqueue_dma source(%arg14 : memref<4x8x128xi32, #tpu.memory_space<vmem>>) target(%dma_start3A_3326 : memref<4x8x128xi32, #tpu.memory_space<hbm>>) target_semaphore(%arg15 : memref<!tpu.dma_semaphore, #tpu.memory_space<semaphore_mem>>)
    %dma_wait3A_3327 = arith.constant 0 : i32
    %dma_wait3A_3328 = arith.constant 0 : i32
    %dma_wait3A_3329 = tpu.memref_slice %arg4[%mul3A_3312, %dma_wait3A_3327, %dma_wait3A_3328] : memref<128x8x128xf32, #tpu.memory_space<hbm>> -> memref<4x8x128xf32, #tpu.memory_space<hbm>>
    %dma_wait3A_3330 = arith.constant 0 : i32
    %dma_wait3A_3331 = arith.constant 0 : i32
    %dma_wait3A_3332 = tpu.memref_slice %arg4[%mul3A_3312, %dma_wait3A_3330, %dma_wait3A_3331] : memref<128x8x128xf32, #tpu.memory_space<hbm>> -> memref<4x8x128xf32, #tpu.memory_space<hbm>>
    tpu.wait_dma2 semaphore(%arg15 : memref<!tpu.dma_semaphore, #tpu.memory_space<semaphore_mem>>) src(%arg13 : memref<4x8x128xf32, #tpu.memory_space<vmem>>) dst(%dma_wait3A_3332 : memref<4x8x128xf32, #tpu.memory_space<hbm>>)
    %dma_wait3A_3333 = arith.constant 0 : i32
    %dma_wait3A_3334 = arith.constant 0 : i32
    %dma_wait3A_3335 = tpu.memref_slice %arg5[%mul3A_3320, %dma_wait3A_3333, %dma_wait3A_3334] : memref<128x8x128xi32, #tpu.memory_space<hbm>> -> memref<4x8x128xi32, #tpu.memory_space<hbm>>
    %dma_wait3A_3336 = arith.constant 0 : i32
    %dma_wait3A_3337 = arith.constant 0 : i32
    %dma_wait3A_3338 = tpu.memref_slice %arg5[%mul3A_3320, %dma_wait3A_3336, %dma_wait3A_3337] : memref<128x8x128xi32, #tpu.memory_space<hbm>> -> memref<4x8x128xi32, #tpu.memory_space<hbm>>
    tpu.wait_dma2 semaphore(%arg15 : memref<!tpu.dma_semaphore, #tpu.memory_space<semaphore_mem>>) src(%arg14 : memref<4x8x128xi32, #tpu.memory_space<vmem>>) dst(%dma_wait3A_3338 : memref<4x8x128xi32, #tpu.memory_space<hbm>>)
    return
  }
}

</mosaic_0001>

<sc_bundles>
// kernel: kernel.3.cloned.1.call-start
scs
__scs_entry_jumppad:
0x0: {  	(pc) =	sbr.rel $0x88, $3  }
0x1: {  	(tag) =	ssettag $0x0;
	lr =	simm.s32 $0x1  }
0x2: {  	[smem:$0x3F9C] =	sst lr;
	_ =	strace $0xD0000000  }
0x3: {  	_ = 	snop  }
0x4: {  	_ = 	snop  }
0x5: {  	_ = 	snop  }
0x6: {  	_ = 	snop  }
0x7: {  	_ = 	snop  }
__scs_overlays_trampoline_lowered:
0x8: {  	[smem:$0x3FAB] =	sst s0  }
0x9: {  	[smem:$0x3FAC] =	sst s1  }
0xa: {  	[smem:$0x3FAD] =	sst s2  }
0xb: {  	[smem:$0x3FAE] =	sst s3  }
0xc: {  	[smem:$0x3FAF] =	sst s4  }
0xd: {  	[smem:$0x3FB0] =	sst s5  }
0xe: {  	[smem:$0x3FB1] =	sst s6  }
0xf: {  	[smem:$0x3FB2] =	sst s7  }
0x10: {  	[smem:$0x3FB3] =	sst s8  }
0x11: {  	[smem:$0x3FB4] =	sst s9;
	s0 =	simm.s32 @!p0 $0x0  }
0x12: {  	s1 =	sld [smem:$0x3F9A];
	s0 =	simm.s32 @p0 $0x1  }
0x13: {  	[smem:$0x3FB5] =	sst s0;
	s0 =	simm.s32 @!p1 $0x0  }
0x14: {  	s2 =	sld [smem:$0x3F99];
	s0 =	simm.s32 @p1 $0x1  }
0x15: {  	[smem:$0x3FB6] =	sst s0;
	s0 =	simm.s32 @!p2 $0x0  }
0x16: {  	s3 =	sld [smem:$0x3FDB];
	s0 =	simm.s32 @p2 $0x1  }
0x17: {  	s4 =	simm.s32 $0x1BF5;
	[smem:$0x3FB8] =	sst s0  }
0x18: {  	s0 =	sld [smem:$0x3F9B];
	_ =	swait.ge [sflag:s4], $0x0  }
0x19: {  	s7 =	sld [smem:$0x3F9C]  }
0x1a: {  	s8 =	sadd.s32 $0xFFFFE003, lr  }
0x1b: {  	s9 =	sadd.s32 $0xFFFFFEF7, lr;
	s5 =	simm.s32 $0xFFFFFFFF;
	p2 =	slt.u32 s8, $0xFFFFF086  }
0x1c: {  	p1 =	slt.u32 s9, $0xF7A;
	s5 =	simm.s32 @!p2 $0x0  }
0x1d: {  	s5 =	simm.s32 @p1 $0x1;
	p0 =	seq.s32 s7, s2  }
0x1e: {  	s7 =	smul.u32 @!p0 $0xF7A, s2;
	p2 =	seq.s32 @!p0 s5, $0x0  }
0x1f: {  	s9 =	smul.u32 $0xF7A, s1;
	s8 =	simm.s32 @!p0 $0x1BF5;
	p2 =	por !p2, p0  }
0x20: {  	[sflag:s8] =	ssyncset.s32 @!p0 $0xFFFFF086;
	s6 =	sadd.s32 @!p0 s3, s7;
	s7 =	simm.s32 @!p0 $0x108  }
0x21: {  	s3 =	sadd.s32 s3, s9;
	s6 =	sadd.s32 @!p0 $0x88, s6;
	s7 =	simm.s32 @p2 $0x1082  }
0x22: {  	[simem:s7], [sflag:s8] =	dma.local @!p0 [hbm:s6], $0xF7A  }
0x23: {  	s9 =	sor.u32 $0xD0000000, s2;
	s6 =	simm.s32 $0x108;
	_ =	swait.ge @!p0 [sflag:s8], $0x0  }
0x24: {  	s3 =	sadd.s32 $0x88, s3;
	s6 =	simm.s32 @!p1 $0x1082;
	[sflag:s4] =	ssyncset.s32 $0xFFFFF086  }
0x25: {  	[simem:s6], [sflag:s4] =	dma.local [hbm:s3], $0xF7A  }
0x26: {  	[smem:$0x3F9C] =	sst s1;
	(tag) =	ssettag s2;
	_ =	strace s9  }
0x27: {  	s1 =	sld [smem:$0x3FAC]  }
0x28: {  	s2 =	sld [smem:$0x3FAD]  }
0x29: {  	s4 =	sld [smem:$0x3FAF]  }
0x2a: {  	p0 =	seq.s32 s5, $0x0;
	s5 =	sld [smem:$0x3FB0]  }
0x2b: {  	s6 =	sld [smem:$0x3FB1]  }
0x2c: {  	s7 =	sld [smem:$0x3FB2]  }
0x2d: {  	s3 =	simm.s32 $0x108;
	s8 =	sld [smem:$0x3FB3]  }
0x2e: {  	s3 =	simm.s32 @!p0 $0x1082;
	s9 =	sld [smem:$0x3FB4]  }
0x2f: {  	lr =	sadd.s32 s0, s3;
	s0 =	sld [smem:$0x3FAB]  }
0x30: {  	s3 =	sld [smem:$0x3FAE]  }
0x31: {  	[smem:$0x3FB7] =	sst s10  }
0x32: {  	s10 =	sld [smem:$0x3FB5];
	_ =	sdelay $0x3  }
0x33: {  	p0 =	seq.s32 s10, $0x1;
	s10 =	sld [smem:$0x3FB7];
	_ =	sdelay $0x3  }
0x34: {  	[smem:$0x3FB7] =	sst s10  }
0x35: {  	s10 =	sld [smem:$0x3FB6];
	_ =	sdelay $0x3  }
0x36: {  	p1 =	seq.s32 s10, $0x1;
	s10 =	sld [smem:$0x3FB7];
	_ =	sdelay $0x3  }
0x37: {  	[smem:$0x3FB7] =	sst s10  }
0x38: {  	s10 =	sld [smem:$0x3FB8]  }
0x39: {  	_ = 	snop;
	(pc) =	sbr.ind lr, $3  }
0x3a: {  	_ = 	snop  }
0x3b: {  	_ = 	snop  }
0x3c: {  	p2 =	seq.s32 s10, $0x1;
	s10 =	sld [smem:$0x3FB7]  }
0x3d: {  	_ =	shalt  }
0x3e: {  	_ =	shalt  }
0x3f: {  	_ =	shalt  }
0x40: {  	_ =	shalt  }
0x41: {  	_ =	shalt  }
0x42: {  	_ =	shalt  }
0x43: {  	_ =	shalt  }
0x44: {  	_ =	shalt  }
0x45: {  	_ =	shalt  }
0x46: {  	_ =	shalt  }
0x47: {  	_ =	shalt  }
0x48: {  	_ =	shalt  }
0x49: {  	_ =	shalt  }
0x4a: {  	_ =	shalt  }
0x4b: {  	_ =	shalt  }
0x4c: {  	_ =	shalt  }
0x4d: {  	_ =	shalt  }
0x4e: {  	_ =	shalt  }
0x4f: {  	_ =	shalt  }
0x50: {  	_ =	shalt  }
0x51: {  	_ =	shalt  }
0x52: {  	_ =	shalt  }
0x53: {  	_ =	shalt  }
0x54: {  	_ =	shalt  }
0x55: {  	_ =	shalt  }
0x56: {  	_ =	shalt  }
0x57: {  	_ =	shalt  }
0x58: {  	_ =	shalt  }
0x59: {  	_ =	shalt  }
0x5a: {  	_ =	shalt  }
0x5b: {  	_ =	shalt  }
0x5c: {  	_ =	shalt  }
0x5d: {  	_ =	shalt  }
0x5e: {  	_ =	shalt  }
0x5f: {  	_ =	shalt  }
0x60: {  	_ =	shalt  }
0x61: {  	_ =	shalt  }
0x62: {  	_ =	shalt  }
0x63: {  	_ =	shalt  }
0x64: {  	_ =	shalt  }
0x65: {  	_ =	shalt  }
0x66: {  	_ =	shalt  }
0x67: {  	_ =	shalt  }
0x68: {  	_ =	shalt  }
0x69: {  	_ =	shalt  }
0x6a: {  	_ =	shalt  }
0x6b: {  	_ =	shalt  }
0x6c: {  	_ =	shalt  }
0x6d: {  	_ =	shalt  }
0x6e: {  	_ =	shalt  }
0x6f: {  	_ =	shalt  }
0x70: {  	_ =	shalt  }
0x71: {  	_ =	shalt  }
0x72: {  	_ =	shalt  }
0x73: {  	_ =	shalt  }
0x74: {  	_ =	shalt  }
0x75: {  	_ =	shalt  }
0x76: {  	_ =	shalt  }
0x77: {  	_ =	shalt  }
0x78: {  	_ =	shalt  }
0x79: {  	_ =	shalt  }
0x7a: {  	_ =	shalt  }
0x7b: {  	_ =	shalt  }
0x7c: {  	_ =	shalt  }
0x7d: {  	_ =	shalt  }
0x7e: {  	_ =	shalt  }
0x7f: {  	_ =	shalt  }
0x80: {  	_ =	shalt  }
0x81: {  	_ =	shalt  }
0x82: {  	_ =	shalt  }
0x83: {  	_ =	shalt  }
0x84: {  	_ =	shalt  }
0x85: {  	_ =	shalt  }
0x86: {  	_ =	shalt  }
0x87: {  	_ =	shalt  }
.Lfunc_end0:
.L_simem_size_0:
called_computation_lowered:
.L_overlay_start_0:
0x88: {  	s2 =	sld [smem:$0x3FD9]  }
0x89: {  	s3 =	sld [smem:$0x3FFE];
	_ =	sdelay $0x1  }
0x8a: {  	s1 =	srdreg.scid  }
0x8b: {  	s0 =	sand.u32 $0x1, s1  }
0x8c: {  	s14 =	sshll.u32 s0, $0xA;
	s2 =	sadd.s32 s3, s2  }
0x8d: {  	s2 =	sadd.s32 s2, s14  }
0x8e: {  	[smem:$0x3FC3] =	sst s2  }
0x8f: {  	_ = 	snop  }
0x90: {  	s2 =	sld [smem:$0x3FD0];
	_ =	sdelay $0x2  }
0x91: {  	s4 =	simm.s32 $0xA;
	s5 =	simm.s32 $0x10;
	s15 =	sld [smem:$0x3FC9]  }
0x92: {  	[smem:s5], [sflag:s4] =	dma.local [hbm:s2], $0x1  }
0x93: {  	_ =	swait.eq [sflag:s4], $0x1  }
0x94: {  	[sflag:s4] =	ssyncset.done $0x0  }
0x95: {  	s16 =	sld [smem:$0x10];
	[sflag:s4] =	ssyncadd.s32 $0xFFFFFFFF  }
0x96: {  	s17 =	sld [smem:$0x11];
	(tm) =	ssettm $0x1  }
0x97: {  	s18 =	sld [smem:$0x3FFB];
	_ =	sdelay $0x3  }
0x98: {  	_ =	strace s18  }
0x99: {  	s5 =	sld [smem:$0x3FFC];
	_ =	sdelay $0x3  }
0x9a: {  	_ =	strace s5  }
0x9b: {  	s5 =	sld [smem:$0x3FFD];
	_ =	sdelay $0x3  }
0x9c: {  	_ =	strace s5  }
0x9d: {  	_ =	strace $0x8FFFFFFF  }
0x9e: {  	s19 =	sld [smem:$0x3FDB];
	_ =	sdelay $0x1  }
0x9f: {  	s6 =	simm.s32 $_scs_section_size  }
0xa0: {  	s7 =	simm.s32 $_size__tile_overlayer_lowered;
	s8 =	simm.s32 $_tile_overlayer_lowered  }
0xa1: {  	s22 =	simm.s32 $0x1BFF;
	s21 =	sshll.u32 s8, $0x1;
	s5 =	sadd.s32 s6, s19  }
0xa2: {  	s9 =	simm.s32 $0x0;
	s20 =	sshll.u32 s7, $0x1;
	s7 =	sadd.s32 s21, s5  }
0xa3: {  	[timem:s9], [sflag:s22] =	dma.local [hbm:s7], s20  }
0xa4: {  	_ =	swait.ge [sflag:s22], s20  }
0xa5: {  	s6 =	ssub.s32 $0x0, s20;
	[sflag:s22] =	ssyncset.done $0x0  }
0xa6: {  	[sflag:s22] =	ssyncadd.s32 s6;
	_ =	sdelay $0x1  }
0xa7: {  	s23 =	simm.s32 $0x1B8B  }
0xa8: {  	_ =	swait.ge [sflag:s23], $0x1  }
0xa9: {  	[sflag:s23] =	ssyncset.done $0x0  }
0xaa: {  	s25 =	simm.s32 $0x1B8E;
	s24 =	sld [smem:$0x3FFE];
	[sflag:s23] =	ssyncadd.s32 $0xFFFFFFFF  }
0xab: {  	s26 =	simm.s32 $execute0_lowered;
	[smem:$0x3FD2] =	sst s25  }
0xac: {  	s7 =	sshll.u32 s26, $0x1;
	_ =	strace $0x80000046;
	[dreg:$0x1] =	wrdreg $0xFFFFFFFF  }
0xad: {  	s28 =	simm.s32 $_size_execute0_lowered;
	s5 =	sadd.s32 s5, s7;
	[dreg:$0x0] =	wrdreg $0x0  }
0xae: {  	s7 =	sshll.u32 s28, $0x1;
	[dreg:$0x2] =	wrdreg s5  }
0xaf: {  	[dreg:$0x3] =	wrdreg s7  }
0xb0: {  	[dreg:$0x4] =	wrdreg $0xC0  }
0xb1: {  	_ =	task [dreg:s9], $0x5FFFF  }
0xb2: {  	[dreg:$0x1] =	wrdreg $0xFFFFFFFF  }
0xb3: {  	[dreg:$0x0] =	wrdreg $0x60  }
0xb4: {  	[dreg:$0x2] =	wrdreg s24  }
0xb5: {  	[dreg:$0x3] =	wrdreg s15  }
0xb6: {  	[dreg:$0x4] =	wrdreg s17  }
0xb7: {  	[dreg:$0x5] =	wrdreg s16  }
0xb8: {  	[dreg:$0x6] =	wrdreg $0x18400  }
0xb9: {  	[dreg:$0x7] =	wrdreg $0x9  }
0xba: {  	_ =	task.clear_ibuf [dreg:s9], $0x8FFFF;
	_ =	strace $0x90000046  }
0xbb: {  	s29 =	simm.s32 $0x9;
	_ =	strace $0x80000048  }
0xbc: {  	_ =	swait.ge [sflag:s29], $0x1  }
0xbd: {  	[sflag:s29] =	ssyncadd.s32 $0xFFFFFFFF  }
0xbe: {  	_ =	strace $0x90000048  }
0xbf: {  	_ =	sfence  }
0xc0: {  	s30 =	sld [smem:$0x0];
	_ =	sdelay $0x2  }
0xc1: {  	s31 =	sshll.u32 s1, $0xD;
	s1 =	sshrl.u32 s1, $0x2  }
0xc2: {  	s3 =	sand.u32 $0x4000, s31;
	s1 =	sadd.s32 s1, s30  }
0xc3: {  	s0 =	sor.u32 s3, s0;
	s1 =	sshll.u32 s1, $0x11  }
0xc4: {  	s0 =	sor.u32 s1, s0  }
0xc5: {  	s0 =	sadd.s32 $0x8F2B, s0  }
0xc6: {  	[sflag:s0] =	ssyncadd.remote.s32 $0x1  }
0xc7: {  	_ =	sfence.sel $0xFFFF  }
0xc8: {  	[dreg:$0x0] =	wrdreg $0xFFFFFFFF;
	(pc) =	sbr.abs _section_cstart, $3  }
0xc9: {  	[dreg:$0x1] =	wrdreg $0xFFFFFFFF  }
0xca: {  	_ =	task.clear_ibuf [dreg:s9], $0x2FFFF;
	_ =	strace $0x9FFFFFFF  }
0xcb: {  	(tm) =	ssettm $0x7FFFFFFF  }
tec
execute0_lowered:
.L_overlay_start_1:
0x0: {  	(tag) =	ssettag $0x1  }
0x1: {  	s0 =	rddreg [dreg:$0x0]  }
0x2: {  	s1 =	rddreg [dreg:$0x1]  }
0x3: {  	s2 =	rddreg [dreg:$0x2]  }
0x4: {  	s10 =	rddreg [dreg:$0x3];
	s9 =	stileid.u32  }
0x5: {  	s12 =	rddreg [dreg:$0x4];
	s3 =	simm.s32 $0x0;
	s5 =	srdreg.scid  }
0x6: {  	s21 =	simm.s32 $0x40;
	s22 =	simm.s32 $0x80;
	s23 =	simm.s32 $0x1  }
0x7: {  	s25 =	simm.s32 $0x2;
	s26 =	simm.s32 $0x1880;
	s30 =	simm.s32 $0x0  }
0x8: {  	s4 =	sshll.u32 s9, $0x6;
	[smem:$0x7FF] =	sst s3;
	s5 =	sand.u32 $0x1, s5  }
0x9: {  	s8 =	smin.u32 s4, $0x3A8;
	_ =	strace $0x80000047;
	s28 =	ssub.s32 $0x2, s5  }
0xa: {  	s5 =	sshll.u32 s5, $0x4;
	s4 =	sshll.u32 s8, $0x3;
	s6 =	sand.u32 $0x68, s8  }
0xb: {  	s7 =	sshrl.u32 s28, $0x1;
	s9 =	sor.u32 s9, s5;
	s4 =	sand.u32 $0x1C00, s4  }
0xc: {  	s8 =	sadd.s32 s8, s12;
	s11 =	ssub.s32 s28, s7;
	s4 =	sor.u32 s6, s4  }
0xd: {  	s29 =	sshll.u32 s9, $0x6;
	s31 =	sshll.u32 s9, $0x9;
	s4 =	sshrl.u32 s4, $0x3  }
0xe: {  	s7 =	sadd.s32 s1, s29;
	s9 =	sadd.s32 s2, s31;
	s0 =	sadd.s32 s4, s0  }
0xf: {  	s10 =	sadd.s32 s10, s31;
	s11 =	smax.u32 s11, $0x1;
	s4 =	sadd.s32 $0xC00, s0  }
0x10: {  	s5 =	sadd.s32 $0x1C00, s0;
	s6 =	sadd.s32 $0x2C00, s0;
	s12 =	sadd.s32 $0x1000, s0  }
0x11: {  	s13 =	sadd.s32 $0x1400, s0;
	s14 =	sadd.s32 $0x1800, s0;
	s15 =	sadd.s32 $0x2000, s0  }
0x12: {  	s16 =	sadd.s32 $0x2400, s0;
	s17 =	sadd.s32 $0x2800, s0;
	s18 =	sadd.s32 $0x3000, s0  }
0x13: {  	v39 =	vimm.s32 $0x0;
	v1 =	vimm.f32 $1.000000000e+00;
	s19 =	sadd.s32 $0x3400, s0;
	s20 =	sadd.s32 $0x3800, s0;
	[dreg:$0x6] =	wrdreg s4  }
.LBB2_1:
0x14: {  	s0 =	rddreg [dreg:$0x6]  }
0x15: {  	[tilespmem:s3], [sflag:$0x1] =	stream.strided.gather [hbm4b:s0+s21], $0x200, s22, s21, $0x38;
	[tilespmem:$0x3E68] =	vst v63  }
0x16: {  	s2 =	simm.s32 $0x200  }
0x17: {  	[tilespmem:s2], [sflag:$0x1] =	stream.strided.gather [hbm4b:s12+s21], $0x200, s22, s21, $0x38;
	[tilespmem:$0x3E68] =	vst v63  }
0x18: {  	s4 =	simm.s32 $0x400  }
0x19: {  	[tilespmem:s4], [sflag:$0x1] =	stream.strided.gather [hbm4b:s13+s21], $0x200, s22, s21, $0x38;
	[tilespmem:$0x3E68] =	vst v63  }
0x1a: {  	s24 =	simm.s32 $0x600  }
0x1b: {  	[tilespmem:s24], [sflag:$0x1] =	stream.strided.gather [hbm4b:s14+s21], $0x200, s22, s21, $0x38;
	[tilespmem:$0x3E68] =	vst v63  }
0x1c: {  	s28 =	simm.s32 $0x800  }
0x1d: {  	[tilespmem:s28], [sflag:$0x1] =	stream.strided.gather [hbm4b:s5+s21], $0x200, s22, s21, $0x38;
	[tilespmem:$0x3E68] =	vst v63  }
0x1e: {  	s1 =	simm.s32 $0xA00  }
0x1f: {  	[tilespmem:s1], [sflag:$0x1] =	stream.strided.gather [hbm4b:s15+s21], $0x200, s22, s21, $0x38;
	[tilespmem:$0x3E68] =	vst v63  }
0x20: {  	s2 =	simm.s32 $0xC00  }
0x21: {  	[tilespmem:s2], [sflag:$0x1] =	stream.strided.gather [hbm4b:s16+s21], $0x200, s22, s21, $0x38;
	[tilespmem:$0x3E68] =	vst v63  }
0x22: {  	s4 =	simm.s32 $0xE00  }
0x23: {  	[tilespmem:s4], [sflag:$0x1] =	stream.strided.gather [hbm4b:s17+s21], $0x200, s22, s21, $0x38;
	[tilespmem:$0x3E68] =	vst v63  }
0x24: {  	s24 =	simm.s32 $0x1000  }
0x25: {  	[tilespmem:s24], [sflag:$0x1] =	stream.strided.gather [hbm4b:s6+s21], $0x200, s22, s21, $0x38;
	[tilespmem:$0x3E68] =	vst v63  }
0x26: {  	s28 =	simm.s32 $0x1200  }
0x27: {  	[tilespmem:s28], [sflag:$0x1] =	stream.strided.gather [hbm4b:s18+s21], $0x200, s22, s21, $0x38;
	[tilespmem:$0x3E68] =	vst v63  }
0x28: {  	s1 =	simm.s32 $0x1400  }
0x29: {  	[tilespmem:s1], [sflag:$0x1] =	stream.strided.gather [hbm4b:s19+s21], $0x200, s22, s21, $0x38;
	[tilespmem:$0x3E68] =	vst v63  }
0x2a: {  	s2 =	simm.s32 $0x1600  }
0x2b: {  	[tilespmem:s2], [sflag:$0x1] =	stream.strided.gather [hbm4b:s20+s21], $0x200, s22, s21, $0x38;
	[tilespmem:$0x3E68] =	vst v63  }
0x2c: {  	s31 =	simm.s32 $0x1C68  }
0x2d: {  	[tilespmem:s31], [sflag:$0x1] =	stream.linear.gather [hbm4b:s7+s3], $0x200, $0x38;
	[tilespmem:$0x3E68] =	vst v63  }
0x2e: {  	_ =	swait.ge [sflag:s23], $0x800  }
0x2f: {  	[sflag:s23] =	ssyncset.done $0x0  }
0x30: {  	[sflag:s23] =	ssyncadd.s32 $0xFFFFF800  }
0x31: {  	_ =	swait.ge [sflag:s23], $0x800  }
0x32: {  	[sflag:s23] =	ssyncset.done $0x0  }
0x33: {  	[sflag:s23] =	ssyncadd.s32 $0xFFFFF800  }
0x34: {  	_ =	swait.ge [sflag:s23], $0x800  }
0x35: {  	[sflag:s23] =	ssyncset.done $0x0  }
0x36: {  	[sflag:s23] =	ssyncadd.s32 $0xFFFFF800  }
0x37: {  	_ =	swait.ge [sflag:s23], $0x200  }
0x38: {  	[sflag:s23] =	ssyncset.done $0x0  }
0x39: {  	[sflag:s23] =	ssyncadd.s32 $0xFFFFFE00  }
0x3a: {  	v61 =	vld [tilespmem:$0x700];
	_ =	sdelay $0x4  }
0x3b: {  	[tilespmem:$0x1F220] =	vst v61;
	v61 =	vld [tilespmem:$0xD40];
	_ =	sdelay $0x4  }
0x3c: {  	[tilespmem:$0x1F280] =	vst v61;
	v61 =	vld [tilespmem:$0x740];
	_ =	sdelay $0x4  }
0x3d: {  	[tilespmem:$0x1F2C0] =	vst v61;
	v61 =	vld [tilespmem:$0x1740];
	_ =	sdelay $0x4  }
0x3e: {  	[tilespmem:$0x1F320] =	vst v61;
	v61 =	vld [tilespmem:$0x980];
	_ =	sdelay $0x4  }
0x3f: {  	[tilespmem:$0x1F2A0] =	vst v61;
	v61 =	vld [tilespmem:$0x1380];
	_ =	sdelay $0x4  }
0x40: {  	[tilespmem:$0x1F2F0] =	vst v61;
	v61 =	vld [tilespmem:$0x580];
	_ =	sdelay $0x4  }
0x41: {  	[tilespmem:$0x1F300] =	vst v61;
	v61 =	vld [tilespmem:$0xD80];
	_ =	sdelay $0x4  }
0x42: {  	[tilespmem:$0x1F310] =	vst v61;
	v61 =	vld [tilespmem:$0x1580];
	_ =	sdelay $0x4  }
0x43: {  	[tilespmem:$0x1F330] =	vst v61;
	v61 =	vld [tilespmem:$0x780];
	_ =	sdelay $0x4  }
0x44: {  	[tilespmem:$0x1F340] =	vst v61;
	v61 =	vld [tilespmem:$0xF80];
	_ =	sdelay $0x4  }
0x45: {  	[tilespmem:$0x1F350] =	vst v61;
	v61 =	vld [tilespmem:$0x1780];
	_ =	sdelay $0x4  }
0x46: {  	[tilespmem:$0x1F3A0] =	vst v61;
	v61 =	vld [tilespmem:$0x1C0];
	_ =	sdelay $0x4  }
0x47: {  	[tilespmem:$0x1F360] =	vst v61;
	v61 =	vld [tilespmem:$0x9C0];
	_ =	sdelay $0x4  }
0x48: {  	[tilespmem:$0x1F370] =	vst v61;
	v61 =	vld [tilespmem:$0x11C0];
	_ =	sdelay $0x4  }
0x49: {  	[tilespmem:$0x1F3B0] =	vst v61;
	v61 =	vld [tilespmem:$0x3C0];
	_ =	sdelay $0x4  }
0x4a: {  	[tilespmem:$0x1F380] =	vst v61;
	v61 =	vld [tilespmem:$0xBC0];
	_ =	sdelay $0x4  }
0x4b: {  	[tilespmem:$0x1F390] =	vst v61;
	v61 =	vld [tilespmem:$0x13C0];
	_ =	sdelay $0x4  }
0x4c: {  	[tilespmem:$0x1F3C0] =	vst v61;
	v61 =	vld [tilespmem:$0x5C0];
	_ =	sdelay $0x4  }
0x4d: {  	[tilespmem:$0x1F3D0] =	vst v61;
	v61 =	vld [tilespmem:$0xDC0];
	_ =	sdelay $0x4  }
0x4e: {  	[tilespmem:$0x1F3E0] =	vst v61;
	v61 =	vld [tilespmem:$0x15C0];
	_ =	sdelay $0x4  }
0x4f: {  	[tilespmem:$0x1F3F0] =	vst v61;
	v61 =	vld [tilespmem:$0x7C0];
	_ =	sdelay $0x4  }
0x50: {  	[tilespmem:$0x1F400] =	vst v61;
	v61 =	vld [tilespmem:$0xFC0];
	_ =	sdelay $0x4  }
0x51: {  	[tilespmem:$0x1F410] =	vst v61;
	v61 =	vld [tilespmem:$0x17C0];
	_ =	sdelay $0x4  }
0x52: {  	[tilespmem:$0x1F460] =	vst v61;
	v61 =	vld [tilespmem:$0x10];
	_ =	sdelay $0x4  }
0x53: {  	[tilespmem:$0x1F420] =	vst v61;
	v61 =	vld [tilespmem:$0x810];
	_ =	sdelay $0x4  }
0x54: {  	[tilespmem:$0x1F430] =	vst v61;
	v61 =	vld [tilespmem:$0x1010];
	_ =	sdelay $0x4  }
0x55: {  	[tilespmem:$0x1F470] =	vst v61;
	v61 =	vld [tilespmem:$0x210];
	_ =	sdelay $0x4  }
0x56: {  	[tilespmem:$0x1F440] =	vst v61;
	v61 =	vld [tilespmem:$0xA10];
	_ =	sdelay $0x4  }
0x57: {  	[tilespmem:$0x1F450] =	vst v61;
	v61 =	vld [tilespmem:$0x1210];
	_ =	sdelay $0x4  }
0x58: {  	[tilespmem:$0x1F480] =	vst v61;
	v61 =	vld [tilespmem:$0x410];
	_ =	sdelay $0x4  }
0x59: {  	[tilespmem:$0x1F490] =	vst v61;
	v61 =	vld [tilespmem:$0xC10];
	_ =	sdelay $0x4  }
0x5a: {  	[tilespmem:$0x1F4A0] =	vst v61;
	v61 =	vld [tilespmem:$0x1410];
	_ =	sdelay $0x4  }
0x5b: {  	[tilespmem:$0x1F4F0] =	vst v61;
	v61 =	vld [tilespmem:$0x610];
	_ =	sdelay $0x4  }
0x5c: {  	[tilespmem:$0x1F4B0] =	vst v61;
	v61 =	vld [tilespmem:$0xE10];
	_ =	sdelay $0x4  }
0x5d: {  	[tilespmem:$0x1F4C0] =	vst v61;
	v61 =	vld [tilespmem:$0x1610];
	_ =	sdelay $0x4  }
0x5e: {  	[tilespmem:$0x1F500] =	vst v61;
	v61 =	vld [tilespmem:$0x50];
	_ =	sdelay $0x4  }
0x5f: {  	[tilespmem:$0x1F4D0] =	vst v61;
	v61 =	vld [tilespmem:$0x850];
	_ =	sdelay $0x4  }
0x60: {  	[tilespmem:$0x1F4E0] =	vst v61;
	v61 =	vld [tilespmem:$0x1050];
	_ =	sdelay $0x4  }
0x61: {  	[tilespmem:$0x1F510] =	vst v61;
	v61 =	vld [tilespmem:$0x250];
	_ =	sdelay $0x4  }
0x62: {  	[tilespmem:$0x1F520] =	vst v61;
	v61 =	vld [tilespmem:$0xA50];
	_ =	sdelay $0x4  }
0x63: {  	[tilespmem:$0x1F530] =	vst v61;
	v61 =	vld [tilespmem:$0x1250];
	_ =	sdelay $0x4  }
0x64: {  	[tilespmem:$0x1F580] =	vst v61;
	v61 =	vld [tilespmem:$0x450];
	_ =	sdelay $0x4  }
0x65: {  	[tilespmem:$0x1F540] =	vst v61;
	v61 =	vld [tilespmem:$0xC50];
	_ =	sdelay $0x4  }
0x66: {  	[tilespmem:$0x1F550] =	vst v61;
	v61 =	vld [tilespmem:$0x1450];
	_ =	sdelay $0x4  }
0x67: {  	[tilespmem:$0x1F5B0] =	vst v61;
	v61 =	vld [tilespmem:$0x650];
	_ =	sdelay $0x4  }
0x68: {  	[tilespmem:$0x1F560] =	vst v61;
	v61 =	vld [tilespmem:$0xE50];
	_ =	sdelay $0x4  }
0x69: {  	[tilespmem:$0x1F570] =	vst v61;
	v61 =	vld [tilespmem:$0x1650];
	_ =	sdelay $0x4  }
0x6a: {  	[tilespmem:$0x1F5C0] =	vst v61;
	v61 =	vld [tilespmem:$0x90];
	_ =	sdelay $0x4  }
0x6b: {  	[tilespmem:$0x1F590] =	vst v61;
	v61 =	vld [tilespmem:$0x890];
	_ =	sdelay $0x4  }
0x6c: {  	[tilespmem:$0x1F5A0] =	vst v61;
	v61 =	vld [tilespmem:$0x1090];
	_ =	sdelay $0x4  }
0x6d: {  	[tilespmem:$0x1F5D0] =	vst v61;
	v61 =	vld [tilespmem:$0x290];
	_ =	sdelay $0x4  }
0x6e: {  	[tilespmem:$0x1F5E0] =	vst v61;
	v61 =	vld [tilespmem:$0xA90];
	_ =	sdelay $0x4  }
0x6f: {  	[tilespmem:$0x1F5F0] =	vst v61;
	v61 =	vld [tilespmem:$0x1290];
	_ =	sdelay $0x4  }
0x70: {  	[tilespmem:$0x1F640] =	vst v61;
	v61 =	vld [tilespmem:$0x490];
	_ =	sdelay $0x4  }
0x71: {  	[tilespmem:$0x1F600] =	vst v61;
	v61 =	vld [tilespmem:$0xC90];
	_ =	sdelay $0x4  }
0x72: {  	[tilespmem:$0x1F610] =	vst v61;
	v61 =	vld [tilespmem:$0x1490];
	_ =	sdelay $0x4  }
0x73: {  	[tilespmem:$0x1F650] =	vst v61;
	v61 =	vld [tilespmem:$0x690];
	_ =	sdelay $0x4  }
0x74: {  	[tilespmem:$0x1F620] =	vst v61;
	v61 =	vld [tilespmem:$0xE90];
	_ =	sdelay $0x4  }
0x75: {  	[tilespmem:$0x1F630] =	vst v61;
	v61 =	vld [tilespmem:$0x1690];
	_ =	sdelay $0x4  }
0x76: {  	[tilespmem:$0x1F660] =	vst v61;
	v61 =	vld [tilespmem:$0xD0];
	_ =	sdelay $0x4  }
0x77: {  	[tilespmem:$0x1F670] =	vst v61;
	v61 =	vld [tilespmem:$0x8D0];
	_ =	sdelay $0x4  }
0x78: {  	[tilespmem:$0x1F680] =	vst v61;
	v61 =	vld [tilespmem:$0x10D0];
	_ =	sdelay $0x4  }
0x79: {  	[tilespmem:$0x1F6D0] =	vst v61;
	v61 =	vld [tilespmem:$0x2D0];
	_ =	sdelay $0x4  }
0x7a: {  	[tilespmem:$0x1F690] =	vst v61;
	v61 =	vld [tilespmem:$0xAD0];
	_ =	sdelay $0x4  }
0x7b: {  	[tilespmem:$0x1F6A0] =	vst v61;
	v61 =	vld [tilespmem:$0x12D0];
	_ =	sdelay $0x4  }
0x7c: {  	[tilespmem:$0x1F6F0] =	vst v61;
	v61 =	vld [tilespmem:$0x4D0];
	_ =	sdelay $0x4  }
0x7d: {  	[tilespmem:$0x1F6B0] =	vst v61;
	v61 =	vld [tilespmem:$0xCD0];
	_ =	sdelay $0x4  }
0x7e: {  	[tilespmem:$0x1F6C0] =	vst v61;
	v61 =	vld [tilespmem:$0x14D0];
	_ =	sdelay $0x4  }
0x7f: {  	[tilespmem:$0x1F700] =	vst v61;
	v61 =	vld [tilespmem:$0x6D0];
	_ =	sdelay $0x4  }
0x80: {  	[tilespmem:$0x1F730] =	vst v61;
	v61 =	vld [tilespmem:$0xED0];
	_ =	sdelay $0x4  }
0x81: {  	[tilespmem:$0x1F740] =	vst v61;
	v61 =	vld [tilespmem:$0x16D0];
	_ =	sdelay $0x4  }
0x82: {  	[tilespmem:$0x1F7B0] =	vst v61;
	v61 =	vld [tilespmem:$0x110];
	_ =	sdelay $0x4  }
0x83: {  	[tilespmem:$0x1F710] =	vst v61;
	v61 =	vld [tilespmem:$0x910];
	_ =	sdelay $0x4  }
0x84: {  	[tilespmem:$0x1F720] =	vst v61;
	v61 =	vld [tilespmem:$0x1110];
	_ =	sdelay $0x4  }
0x85: {  	[tilespmem:$0x1F770] =	vst v61;
	v61 =	vld [tilespmem:$0x310];
	_ =	sdelay $0x4  }
0x86: {  	[tilespmem:$0x1F750] =	vst v61;
	v61 =	vld [tilespmem:$0xB10];
	_ =	sdelay $0x4  }
0x87: {  	[tilespmem:$0x1F760] =	vst v61;
	v61 =	vld [tilespmem:$0x1310];
	_ =	sdelay $0x4  }
0x88: {  	[tilespmem:$0x1F780] =	vst v61;
	v61 =	vld [tilespmem:$0x510];
	_ =	sdelay $0x4  }
0x89: {  	[tilespmem:$0x1F790] =	vst v61;
	v61 =	vld [tilespmem:$0xD10];
	_ =	sdelay $0x4  }
0x8a: {  	[tilespmem:$0x1F7A0] =	vst v61;
	v61 =	vld [tilespmem:$0x1510];
	_ =	sdelay $0x4  }
0x8b: {  	[tilespmem:$0x1F7C0] =	vst v61;
	v61 =	vld [tilespmem:$0x710];
	_ =	sdelay $0x4  }
0x8c: {  	[tilespmem:$0x1F7D0] =	vst v61;
	v61 =	vld [tilespmem:$0xF10];
	_ =	sdelay $0x4  }
0x8d: {  	[tilespmem:$0x1F7E0] =	vst v61;
	v61 =	vld [tilespmem:$0x1710];
	_ =	sdelay $0x4  }
0x8e: {  	[tilespmem:$0x1F840] =	vst v61;
	v61 =	vld [tilespmem:$0x150];
	_ =	sdelay $0x4  }
0x8f: {  	[tilespmem:$0x1F7F0] =	vst v61;
	v61 =	vld [tilespmem:$0x950];
	_ =	sdelay $0x4  }
0x90: {  	[tilespmem:$0x1F800] =	vst v61;
	v61 =	vld [tilespmem:$0x1150];
	_ =	sdelay $0x4  }
0x91: {  	[tilespmem:$0x1F850] =	vst v61;
	v61 =	vld [tilespmem:$0x350];
	_ =	sdelay $0x4  }
0x92: {  	[tilespmem:$0x1F810] =	vst v61;
	v61 =	vld [tilespmem:$0xB50];
	_ =	sdelay $0x4  }
0x93: {  	[tilespmem:$0x1F820] =	vst v61;
	v61 =	vld [tilespmem:$0x1350];
	_ =	sdelay $0x4  }
0x94: {  	[tilespmem:$0x1F860] =	vst v61;
	v61 =	vld [tilespmem:$0x550];
	_ =	sdelay $0x4  }
0x95: {  	[tilespmem:$0x1F870] =	vst v61;
	v61 =	vld [tilespmem:$0xD50];
	_ =	sdelay $0x4  }
0x96: {  	[tilespmem:$0x1F880] =	vst v61;
	v61 =	vld [tilespmem:$0x1550];
	_ =	sdelay $0x4  }
0x97: {  	[tilespmem:$0x1F890] =	vst v61;
	v61 =	vld [tilespmem:$0x750];
	_ =	sdelay $0x4  }
0x98: {  	[tilespmem:$0x1F8B0] =	vst v61;
	v61 =	vld [tilespmem:$0xF50];
	_ =	sdelay $0x4  }
0x99: {  	[tilespmem:$0x1F8C0] =	vst v61;
	v61 =	vld [tilespmem:$0x1750];
	_ =	sdelay $0x4  }
0x9a: {  	[tilespmem:$0x1F910] =	vst v61;
	v61 =	vld [tilespmem:$0x190];
	_ =	sdelay $0x4  }
0x9b: {  	[tilespmem:$0x1F8D0] =	vst v61;
	v61 =	vld [tilespmem:$0x990];
	_ =	sdelay $0x4  }
0x9c: {  	[tilespmem:$0x1F8E0] =	vst v61;
	v61 =	vld [tilespmem:$0x1190];
	_ =	sdelay $0x4  }
0x9d: {  	[tilespmem:$0x1F920] =	vst v61;
	v61 =	vld [tilespmem:$0x390];
	_ =	sdelay $0x4  }
0x9e: {  	[tilespmem:$0x1F8F0] =	vst v61;
	v61 =	vld [tilespmem:$0xB90];
	_ =	sdelay $0x4  }
0x9f: {  	[tilespmem:$0x1F900] =	vst v61;
	v61 =	vld [tilespmem:$0x1390];
	_ =	sdelay $0x4  }
0xa0: {  	[tilespmem:$0x1F930] =	vst v61;
	v61 =	vld [tilespmem:$0x590];
	_ =	sdelay $0x4  }
0xa1: {  	[tilespmem:$0x1F940] =	vst v61;
	v61 =	vld [tilespmem:$0xD90];
	_ =	sdelay $0x4  }
0xa2: {  	[tilespmem:$0x1F950] =	vst v61;
	v61 =	vld [tilespmem:$0x1590];
	_ =	sdelay $0x4  }
0xa3: {  	[tilespmem:$0x1F9A0] =	vst v61;
	v61 =	vld [tilespmem:$0x790];
	_ =	sdelay $0x4  }
0xa4: {  	[tilespmem:$0x1F960] =	vst v61;
	v61 =	vld [tilespmem:$0xF90];
	_ =	sdelay $0x4  }
0xa5: {  	[tilespmem:$0x1F970] =	vst v61;
	v61 =	vld [tilespmem:$0x1790];
	_ =	sdelay $0x4  }
0xa6: {  	[tilespmem:$0x1F9C0] =	vst v61;
	v61 =	vld [tilespmem:$0x1D0];
	_ =	sdelay $0x4  }
0xa7: {  	[tilespmem:$0x1F980] =	vst v61;
	v61 =	vld [tilespmem:$0x9D0];
	_ =	sdelay $0x4  }
0xa8: {  	[tilespmem:$0x1F990] =	vst v61;
	v61 =	vld [tilespmem:$0x11D0];
	_ =	sdelay $0x4  }
0xa9: {  	[tilespmem:$0x1F9D0] =	vst v61;
	v61 =	vld [tilespmem:$0x3D0];
	_ =	sdelay $0x4  }
0xaa: {  	[tilespmem:$0x1F9E0] =	vst v61;
	v61 =	vld [tilespmem:$0xBD0];
	_ =	sdelay $0x4  }
0xab: {  	[tilespmem:$0x1F9F0] =	vst v61;
	v61 =	vld [tilespmem:$0x13D0];
	_ =	sdelay $0x1  }
0xac: {  	v10 =	vld [tilespmem:$0x0]  }
0xad: {  	v8 =	vld [tilespmem:$0x800]  }
0xae: {  	v14 =	vld [tilespmem:$0x1000]  }
0xaf: {  	[tilespmem:$0x1FA40] =	vst v61;
	v61 =	vld [tilespmem:$0x5D0]  }
0xb0: {  	v7 =	vld [tilespmem:$0x200]  }
0xb1: {  	v6 =	vld [tilespmem:$0xA00]  }
0xb2: {  	v11 =	vld [tilespmem:$0x1200]  }
0xb3: {  	v12 =	vld [tilespmem:$0x400]  }
0xb4: {  	[tilespmem:$0x1FA00] =	vst v61;
	v61 =	vld [tilespmem:$0xDD0]  }
0xb5: {  	v9 =	vld [tilespmem:$0xC00]  }
0xb6: {  	v18 =	vld [tilespmem:$0x1400]  }
0xb7: {  	v29 =	vld [tilespmem:$0x600]  }
0xb8: {  	v26 =	vld [tilespmem:$0xE00]  }
0xb9: {  	[tilespmem:$0x1FA10] =	vst v61;
	v61 =	vld [tilespmem:$0x15D0]  }
0xba: {  	v40 =	vld [tilespmem:$0x1600]  }
0xbb: {  	v4 =	vld [tilespmem:$0x40]  }
0xbc: {  	v2 =	vld [tilespmem:$0x840]  }
0xbd: {  	v17 =	vld [tilespmem:$0x1040]  }
0xbe: {  	[tilespmem:$0x1FA70] =	vst v61;
	v61 =	vld [tilespmem:$0x7D0]  }
0xbf: {  	v5 =	vld [tilespmem:$0x240]  }
0xc0: {  	v3 =	vld [tilespmem:$0xA40]  }
0xc1: {  	v15 =	vld [tilespmem:$0x1240]  }
0xc2: {  	v16 =	vld [tilespmem:$0x440]  }
0xc3: {  	[tilespmem:$0x1FA20] =	vst v61;
	v61 =	vld [tilespmem:$0xFD0]  }
0xc4: {  	v13 =	vld [tilespmem:$0xC40]  }
0xc5: {  	v27 =	vld [tilespmem:$0x1440]  }
0xc6: {  	v24 =	vld [tilespmem:$0x640]  }
0xc7: {  	v23 =	vld [tilespmem:$0xE40]  }
0xc8: {  	[tilespmem:$0x1FA30] =	vst v61;
	v61 =	vld [tilespmem:$0x17D0]  }
0xc9: {  	v0 =	vld [tilespmem:$0x1640]  }
0xca: {  	v30 =	vld [tilespmem:$0x80]  }
0xcb: {  	v25 =	vld [tilespmem:$0x880]  }
0xcc: {  	v38 =	vld [tilespmem:$0x1080]  }
0xcd: {  	[tilespmem:$0x1FA80] =	vst v61;
	v61 =	vld [tilespmem:$0x20]  }
0xce: {  	v21 =	vld [tilespmem:$0x280]  }
0xcf: {  	v20 =	vld [tilespmem:$0xA80]  }
0xd0: {  	v33 =	vld [tilespmem:$0x1280]  }
0xd1: {  	v22 =	vld [tilespmem:$0x480]  }
0xd2: {  	[tilespmem:$0x1FA50] =	vst v61;
	v61 =	vld [tilespmem:$0x820]  }
0xd3: {  	v19 =	vld [tilespmem:$0xC80]  }
0xd4: {  	v37 =	vld [tilespmem:$0x1480]  }
0xd5: {  	v51 =	vld [tilespmem:$0x680]  }
0xd6: {  	v50 =	vld [tilespmem:$0xE80]  }
0xd7: {  	[tilespmem:$0x1FA60] =	vst v61;
	v61 =	vld [tilespmem:$0x1020]  }
0xd8: {  	v28 =	vld [tilespmem:$0x1680]  }
0xd9: {  	v34 =	vld [tilespmem:$0xC0]  }
0xda: {  	v35 =	vld [tilespmem:$0x8C0]  }
0xdb: {  	v46 =	vld [tilespmem:$0x10C0]  }
0xdc: {  	[tilespmem:$0x1FA90] =	vst v61;
	v61 =	vld [tilespmem:$0x220]  }
0xdd: {  	v31 =	vld [tilespmem:$0x2C0]  }
0xde: {  	v42 =	vld [tilespmem:$0x12C0]  }
0xdf: {  	v36 =	vld [tilespmem:$0x4C0]  }
0xe0: {  	v32 =	vld [tilespmem:$0xCC0]  }
0xe1: {  	[tilespmem:$0x1FAA0] =	vst v61;
	v61 =	vld [tilespmem:$0xA20]  }
0xe2: {  	v47 =	vld [tilespmem:$0x14C0]  }
0xe3: {  	v48 =	vld [tilespmem:$0x6C0]  }
0xe4: {  	v44 =	vld [tilespmem:$0xEC0]  }
0xe5: {  	v41 =	vld [tilespmem:$0x16C0]  }
0xe6: {  	[tilespmem:$0x1FAB0] =	vst v61;
	v61 =	vld [tilespmem:$0x1220]  }
0xe7: {  	v43 =	vld [tilespmem:$0x100]  }
0xe8: {  	v58 =	vld [tilespmem:$0x1100]  }
0xe9: {  	v49 =	vld [tilespmem:$0x300]  }
0xea: {  	v57 =	vld [tilespmem:$0x540]  }
0xeb: {  	[tilespmem:$0x1FB00] =	vst v61;
	v61 =	vld [tilespmem:$0x420]  }
0xec: {  	v45 =	vld [tilespmem:$0xB00]  }
0xed: {  	v62 =	vld [tilespmem:$0x1300]  }
0xee: {  	v63 =	vld [tilespmem:$0x500]  }
0xef: {  	[tilespmem:$0x1F270] =	vst v57;
	v57 =	vld [tilespmem:$0x1540]  }
0xf0: {  	[tilespmem:$0x1FAC0] =	vst v61;
	v61 =	vld [tilespmem:$0xC20]  }
0xf1: {  	v59 =	vld [tilespmem:$0xD00]  }
0xf2: {  	v52 =	vld [tilespmem:$0x1500]  }
0xf3: {  	v60 =	vld [tilespmem:$0xF00]  }
0xf4: {  	[tilespmem:$0x1F2B0] =	vst v57;
	v57 =	vld [tilespmem:$0xF40]  }
0xf5: {  	[tilespmem:$0x1FAD0] =	vst v61;
	v61 =	vld [tilespmem:$0x1420]  }
0xf6: {  	v56 =	vld [tilespmem:$0x1700]  }
0xf7: {  	v53 =	vld [tilespmem:$0x1140]  }
0xf8: {  	v54 =	vld [tilespmem:$0x340]  }
0xf9: {  	[tilespmem:$0x1F2D0] =	vst v57;
	v57 =	vld [tilespmem:$0x180]  }
0xfa: {  	[tilespmem:$0x1FB10] =	vst v61;
	v61 =	vld [tilespmem:$0x620]  }
0xfb: {  	v55 =	vld [tilespmem:$0x1340];
	[tilespmem:$0x1F200] =	vst v28  }
0xfc: {  	v28 =	vld [tilespmem:$0xAC0];
	[tilespmem:$0x1F210] =	vst v41  }
0xfd: {  	v41 =	vld [tilespmem:$0x900];
	[tilespmem:$0x1F230] =	vst v52  }
0xfe: {  	[tilespmem:$0x1F290] =	vst v57;
	v57 =	vld [tilespmem:$0x1180]  }
0xff: {  	[tilespmem:$0x1FAE0] =	vst v61;
	v61 =	vld [tilespmem:$0xE20]  }
0x100: {  	[tilespmem:$0x1F240] =	vst v56;
	v56 =	vld [tilespmem:$0x140]  }
0x101: {  	v52 =	vld [tilespmem:$0x940];
	[tilespmem:$0x1F250] =	vst v53  }
0x102: {  	v53 =	vld [tilespmem:$0xB40];
	[tilespmem:$0x1F260] =	vst v55  }
0x103: {  	v55 =	vld [tilespmem:$0xB80];
	[tilespmem:$0x1F2E0] =	vst v57  }
0x104: {  	v57 =	vld [tilespmem:$0x380];
	[tilespmem:$0x1FAF0] =	vst v61  }
0x105: {  	v61 =	vld [tilespmem:$0x1620];
	_ =	sdelay $0x4  }
0x106: {  	[tilespmem:$0x1FB20] =	vst v61;
	v61 =	vld [tilespmem:$0x60];
	_ =	sdelay $0x4  }
0x107: {  	[tilespmem:$0x1FB30] =	vst v61;
	v61 =	vld [tilespmem:$0x860];
	_ =	sdelay $0x4  }
0x108: {  	[tilespmem:$0x1FB40] =	vst v61;
	v61 =	vld [tilespmem:$0x1060];
	_ =	sdelay $0x4  }
0x109: {  	[tilespmem:$0x1FB90] =	vst v61;
	v61 =	vld [tilespmem:$0x260];
	_ =	sdelay $0x4  }
0x10a: {  	[tilespmem:$0x1FB50] =	vst v61;
	v61 =	vld [tilespmem:$0xA60];
	_ =	sdelay $0x4  }
0x10b: {  	[tilespmem:$0x1FB60] =	vst v61;
	v61 =	vld [tilespmem:$0x1260];
	_ =	sdelay $0x4  }
0x10c: {  	[tilespmem:$0x1FBA0] =	vst v61;
	v61 =	vld [tilespmem:$0x460];
	_ =	sdelay $0x4  }
0x10d: {  	[tilespmem:$0x1FB70] =	vst v61;
	v61 =	vld [tilespmem:$0xC60];
	_ =	sdelay $0x4  }
0x10e: {  	[tilespmem:$0x1FB80] =	vst v61;
	v61 =	vld [tilespmem:$0x1460];
	_ =	sdelay $0x4  }
0x10f: {  	[tilespmem:$0x1FBB0] =	vst v61;
	v61 =	vld [tilespmem:$0x660];
	_ =	sdelay $0x4  }
0x110: {  	[tilespmem:$0x1FBE0] =	vst v61;
	v61 =	vld [tilespmem:$0xE60];
	_ =	sdelay $0x4  }
0x111: {  	[tilespmem:$0x1FBF0] =	vst v61;
	v61 =	vld [tilespmem:$0x1660];
	_ =	sdelay $0x4  }
0x112: {  	[tilespmem:$0x1FC30] =	vst v61;
	v61 =	vld [tilespmem:$0xA0];
	_ =	sdelay $0x4  }
0x113: {  	[tilespmem:$0x1FBC0] =	vst v61;
	v61 =	vld [tilespmem:$0x8A0];
	_ =	sdelay $0x1  }
0x114: {  	v8 =	vadd.f32 v8, v10;
	v6 =	vadd.f32 v6, v7  }
0x115: {  	v2 =	vadd.f32 v2, v4;
	v3 =	vadd.f32 v3, v5  }
0x116: {  	v7 =	vsub.f32 v8, v14;
	v6 =	vsub.f32 v6, v11  }
0x117: {  	v24 =	vadd.f32 v23, v24;
	[tilespmem:$0x1FBD0] =	vst v61;
	v61 =	vld [tilespmem:$0xAA0]  }
0x118: {  	v2 =	vsub.f32 v2, v17;
	v3 =	vsub.f32 v3, v15;
	vm1 =	vgt.f32 v6, v7  }
0x119: {  	v26 =	vadd.f32 v26, v29;
	v11 =	vsel vm1, v6, v7;
	v7 =	vsub.f32 v24, v0;
	v0 =	vld [tilespmem:$0xAE0]  }
0x11a: {  	v29 =	vadd.f32 v13, v16;
	vm2 =	vgt.f32 v3, v2  }
0x11b: {  	v40 =	vsub.f32 v26, v40;
	v2 =	vsel vm2, v3, v2;
	v3 =	vadd.f32 v25, v30  }
0x11c: {  	v26 =	vadd.f32 v20, v21;
	[tilespmem:$0x1FC10] =	vst v61;
	v61 =	vsub.f32 v29, v27  }
0x11d: {  	v3 =	vsub.f32 v3, v38  }
0x11e: {  	[tilespmem:$0x1FC40] =	vst v0;
	v0 =	vld [tilespmem:$0x1F200];
	v27 =	vadd.f32 v19, v22;
	v29 =	vsub.f32 v26, v33;
	vm6 =	vgt.f32 v61, v2  }
0x11f: {  	v2 =	vsel vm6, v61, v2  }
0x120: {  	vm14 =	vgt.f32 v29, v3;
	vm5 =	vgt.f32 v7, v2;
	v2 =	vsub.f32 v27, v37  }
0x121: {  	v38 =	vadd.f32 v50, v51;
	v3 =	vsel vm14, v29, v3  }
0x122: {  	vm10 =	vgt.f32 v2, v3  }
0x123: {  	v2 =	vsel vm10, v2, v3;
	v3 =	vsub.f32 v38, v0;
	v0 =	vld [tilespmem:$0xCE0];
	_ =	sdelay $0x1  }
0x124: {  	v10 =	vld [tilespmem:$0x10A0];
	_ =	sdelay $0x2  }
0x125: {  	v8 =	vadd.f32 v9, v12;
	[tilespmem:$0x1FC60] =	vst v0;
	v0 =	vld [tilespmem:$0x14E0];
	_ =	sdelay $0x1  }
0x126: {  	[tilespmem:$0x1FC20] =	vst v10;
	v10 =	vsub.f32 v8, v18;
	_ =	sdelay $0x1  }
0x127: {  	vm4 =	vgt.f32 v10, v11  }
0x128: {  	v30 =	vadd.f32 v35, v34;
	v4 =	vsel vm4, v10, v11;
	[tilespmem:$0x1FC70] =	vst v0;
	v0 =	vld [tilespmem:$0x1F210]  }
0x129: {  	vm13 =	vgt.f32 v40, v4;
	v40 =	vadd.f32 v32, v36  }
0x12a: {  	v4 =	vsub.f32 v30, v46  }
0x12b: {  	v46 =	vsub.f32 v40, v47;
	v47 =	vadd.f32 v44, v48;
	_ =	sdelay $0x1  }
0x12c: {  	vm15 =	vgt.f32 v3, v2;
	v3 =	vadd.f32 v45, v49;
	v49 =	vsub.f32 v47, v0;
	v0 =	vld [tilespmem:$0xEE0];
	_ =	sdelay $0x1  }
0x12d: {  	v37 =	vadd.f32 v28, v31;
	_ =	sdelay $0x1  }
0x12e: {  	v5 =	vsub.f32 v37, v42  }
0x12f: {  	[tilespmem:$0x1FC90] =	vst v0;
	v0 =	vld [tilespmem:$0x1F220]  }
0x130: {  	vm8 =	vgt.f32 v5, v4  }
0x131: {  	v2 =	vsel vm8, v5, v4  }
0x132: {  	vm12 =	vgt.f32 v46, v2  }
0x133: {  	v2 =	vsel vm12, v46, v2  }
0x134: {  	vm11 =	vgt.f32 v49, v2;
	v2 =	vadd.f32 v60, v0;
	v0 =	vld [tilespmem:$0x1F230];
	_ =	sdelay $0x2  }
0x135: {  	v51 =	vadd.f32 v59, v63;
	_ =	sdelay $0x1  }
0x136: {  	v6 =	vsub.f32 v51, v0;
	v0 =	vld [tilespmem:$0x120];
	_ =	sdelay $0x4  }
0x137: {  	[tilespmem:$0x1FCA0] =	vst v0;
	v0 =	vld [tilespmem:$0x1F240];
	_ =	sdelay $0x4  }
0x138: {  	v2 =	vsub.f32 v2, v0;
	v0 =	vld [tilespmem:$0x1F250]  }
0x139: {  	v48 =	vadd.f32 v41, v43;
	_ =	sdelay $0x1  }
0x13a: {  	v50 =	vsub.f32 v48, v58;
	v58 =	vadd.f32 v52, v56;
	_ =	sdelay $0x1  }
0x13b: {  	v4 =	vsub.f32 v58, v0;
	v0 =	vld [tilespmem:$0x920];
	_ =	sdelay $0x4  }
0x13c: {  	[tilespmem:$0x1FCB0] =	vst v0;
	v0 =	vld [tilespmem:$0x1F260];
	_ =	sdelay $0x2  }
0x13d: {  	v59 =	vadd.f32 v53, v54  }
0x13e: {  	v61 =	vld [tilespmem:$0x1F280]  }
0x13f: {  	v60 =	vsub.f32 v59, v0;
	v0 =	vld [tilespmem:$0x1F270];
	_ =	sdelay $0x4  }
0x140: {  	v7 =	vadd.f32 v61, v0;
	v0 =	vld [tilespmem:$0x1120];
	_ =	sdelay $0x3  }
0x141: {  	v3 =	vsub.f32 v3, v62;
	v62 =	vld [tilespmem:$0x1F2A0]  }
0x142: {  	[tilespmem:$0x1FCE0] =	vst v0;
	v0 =	vld [tilespmem:$0x1F290];
	_ =	sdelay $0x1  }
0x143: {  	vm9 =	vgt.f32 v3, v50  }
0x144: {  	v3 =	vsel vm9, v3, v50  }
0x145: {  	vm7 =	vgt.f32 v6, v3  }
0x146: {  	v3 =	vsel vm7, v6, v3;
	v6 =	vadd.f32 v62, v0;
	v0 =	vld [tilespmem:$0x320];
	_ =	sdelay $0x4  }
0x147: {  	[tilespmem:$0x1FCC0] =	vst v0;
	v0 =	vld [tilespmem:$0x1F2B0];
	_ =	sdelay $0x3  }
0x148: {  	v19 =	vld [tilespmem:$0x1F2D0]  }
0x149: {  	v7 =	vsub.f32 v7, v0;
	v0 =	vld [tilespmem:$0x1F2C0];
	_ =	sdelay $0x4  }
0x14a: {  	v9 =	vadd.f32 v19, v0;
	v0 =	vld [tilespmem:$0xB20];
	_ =	sdelay $0x4  }
0x14b: {  	[tilespmem:$0x1FCD0] =	vst v0;
	v0 =	vld [tilespmem:$0x1F2E0];
	_ =	sdelay $0x4  }
0x14c: {  	v21 =	vsub.f32 v6, v0;
	v0 =	vld [tilespmem:$0x1F2F0];
	_ =	sdelay $0x2  }
0x14d: {  	v63 =	vadd.f32 v55, v57;
	_ =	sdelay $0x1  }
0x14e: {  	v22 =	vsub.f32 v63, v0;
	v0 =	vld [tilespmem:$0x1320];
	_ =	sdelay $0x3  }
0x14f: {  	v23 =	vld [tilespmem:$0x1F310]  }
0x150: {  	[tilespmem:$0x1FCF0] =	vst v0;
	v0 =	vld [tilespmem:$0x1F300];
	_ =	sdelay $0x4  }
0x151: {  	v8 =	vadd.f32 v23, v0;
	v0 =	vld [tilespmem:$0x520];
	_ =	sdelay $0x4  }
0x152: {  	v24 =	vsel vm1, $0x1, v39;
	vm1 =	vgt.f32 v2, v3;
	[tilespmem:$0x1FD00] =	vst v0;
	v0 =	vimm.s32 $0x0  }
0x153: {  	v0 =	vsel vm1, $0xFFFFFFFF, v0  }
0x154: {  	[tilespmem:$0x1F6E0] =	vst v0;
	v0 =	vld [tilespmem:$0x1F320];
	_ =	sdelay $0x4  }
0x155: {  	v3 =	vsub.f32 v9, v0;
	v0 =	vld [tilespmem:$0xD20];
	_ =	sdelay $0x4  }
0x156: {  	[tilespmem:$0x1FD10] =	vst v0;
	v0 =	vld [tilespmem:$0x1F330];
	_ =	sdelay $0x4  }
0x157: {  	v25 =	vsub.f32 v8, v0;
	v0 =	vld [tilespmem:$0x1520];
	_ =	sdelay $0x3  }
0x158: {  	v27 =	vld [tilespmem:$0x1F350]  }
0x159: {  	[tilespmem:$0x1FD60] =	vst v0;
	v0 =	vld [tilespmem:$0x1F340];
	_ =	sdelay $0x3  }
0x15a: {  	v28 =	vld [tilespmem:$0x1F370]  }
0x15b: {  	v6 =	vadd.f32 v27, v0;
	v0 =	vld [tilespmem:$0x1F360];
	_ =	sdelay $0x4  }
0x15c: {  	v8 =	vadd.f32 v28, v0;
	v0 =	vld [tilespmem:$0x720];
	_ =	sdelay $0x3  }
0x15d: {  	v29 =	vld [tilespmem:$0x1F390]  }
0x15e: {  	[tilespmem:$0x1FD20] =	vst v0;
	v0 =	vld [tilespmem:$0x1F380];
	_ =	sdelay $0x3  }
0x15f: {  	v26 =	vsel vm4, $0x2, v24  }
0x160: {  	v9 =	vadd.f32 v29, v0;
	v0 =	vsel vm13, $0x3, v26  }
0x161: {  	[tilespmem:$0x1FF00] =	vst v0;
	v0 =	vld [tilespmem:$0xF20];
	_ =	sdelay $0x4  }
0x162: {  	[tilespmem:$0x1FD30] =	vst v0;
	v0 =	vld [tilespmem:$0x1F3A0];
	_ =	sdelay $0x4  }
0x163: {  	v30 =	vsub.f32 v6, v0;
	v0 =	vld [tilespmem:$0x1F3B0];
	_ =	sdelay $0x4  }
0x164: {  	v31 =	vsub.f32 v8, v0;
	v0 =	vld [tilespmem:$0x1720];
	_ =	sdelay $0x4  }
0x165: {  	[tilespmem:$0x1FD80] =	vst v0;
	v0 =	vld [tilespmem:$0x1F3C0];
	_ =	sdelay $0x3  }
0x166: {  	v40 =	vld [tilespmem:$0x1F3E0]  }
0x167: {  	v34 =	vsub.f32 v9, v0;
	v0 =	vld [tilespmem:$0x1F3D0];
	_ =	sdelay $0x4  }
0x168: {  	vm3 =	vgt.f32 v60, v4;
	v8 =	vadd.f32 v40, v0;
	v0 =	vld [tilespmem:$0x160]  }
0x169: {  	v4 =	vsel vm3, v60, v4;
	vm1 =	vgt.f32 v22, v21  }
0x16a: {  	vm0 =	vgt.f32 v7, v4;
	v5 =	vsel vm1, v22, v21  }
0x16b: {  	v2 =	vsel vm0, v7, v4;
	vm4 =	vgt.f32 v25, v5  }
0x16c: {  	v41 =	vsel vm2, $0x4, v39;
	v4 =	vsel vm4, v25, v5;
	vm13 =	vgt.f32 v3, v2  }
0x16d: {  	v2 =	vsel vm6, $0x8, v41;
	vm6 =	vgt.f32 v30, v4;
	[tilespmem:$0x1FD40] =	vst v0;
	v0 =	vimm.s32 $0x0  }
0x16e: {  	v0 =	vsel vm6, $0xFFFFFFFF, v0  }
0x16f: {  	[tilespmem:$0x1F830] =	vst v0;
	v0 =	vld [tilespmem:$0x960];
	_ =	sdelay $0x4  }
0x170: {  	[tilespmem:$0x1FD50] =	vst v0;
	v0 =	vld [tilespmem:$0x1F3F0];
	_ =	sdelay $0x4  }
0x171: {  	v3 =	vsub.f32 v8, v0;
	v0 =	vsel vm5, $0xC, v2  }
0x172: {  	[tilespmem:$0x1FF10] =	vst v0;
	v0 =	vld [tilespmem:$0x1160];
	_ =	sdelay $0x3  }
0x173: {  	v42 =	vld [tilespmem:$0x1F410]  }
0x174: {  	[tilespmem:$0x1FD90] =	vst v0;
	v0 =	vld [tilespmem:$0x1F400];
	_ =	sdelay $0x3  }
0x175: {  	v43 =	vld [tilespmem:$0x1F430]  }
0x176: {  	v4 =	vadd.f32 v42, v0;
	v0 =	vld [tilespmem:$0x1F420];
	_ =	sdelay $0x4  }
0x177: {  	v5 =	vadd.f32 v43, v0;
	v0 =	vld [tilespmem:$0x360];
	_ =	sdelay $0x3  }
0x178: {  	v44 =	vld [tilespmem:$0x1F450]  }
0x179: {  	[tilespmem:$0x1FDA0] =	vst v0;
	v0 =	vld [tilespmem:$0x1F440];
	_ =	sdelay $0x4  }
0x17a: {  	v6 =	vadd.f32 v44, v0;
	v0 =	vld [tilespmem:$0xB60];
	_ =	sdelay $0x4  }
0x17b: {  	[tilespmem:$0x1FDB0] =	vst v0;
	v0 =	vld [tilespmem:$0x1F460];
	_ =	sdelay $0x1  }
0x17c: {  	vm2 =	vgt.f32 v34, v31  }
0x17d: {  	v2 =	vsel vm2, v34, v31  }
0x17e: {  	vm6 =	vgt.f32 v3, v2  }
0x17f: {  	v2 =	vsel vm6, v3, v2;
	v3 =	vsub.f32 v4, v0;
	v0 =	vld [tilespmem:$0x1F470];
	_ =	sdelay $0x4  }
0x180: {  	v46 =	vsub.f32 v5, v0;
	v0 =	vld [tilespmem:$0x1360];
	_ =	sdelay $0x4  }
0x181: {  	[tilespmem:$0x1FE00] =	vst v0;
	v0 =	vld [tilespmem:$0x1F480];
	_ =	sdelay $0x3  }
0x182: {  	v48 =	vld [tilespmem:$0x1F4A0]  }
0x183: {  	v47 =	vsub.f32 v6, v0;
	v0 =	vld [tilespmem:$0x1F490];
	_ =	sdelay $0x4  }
0x184: {  	v6 =	vadd.f32 v48, v0;
	v0 =	vld [tilespmem:$0x560];
	_ =	sdelay $0x4  }
0x185: {  	v45 =	vsel vm14, $0x10, v39;
	vm14 =	vgt.f32 v3, v2;
	[tilespmem:$0x1FDC0] =	vst v0;
	v0 =	vimm.s32 $0x0  }
0x186: {  	v2 =	vld [tilespmem:$0x1F4C0];
	v0 =	vsel vm14, $0xFFFFFFFF, v0  }
0x187: {  	[tilespmem:$0x1F8A0] =	vst v0;
	v0 =	vld [tilespmem:$0x1F4B0];
	_ =	sdelay $0x3  }
0x188: {  	v3 =	vld [tilespmem:$0x1F4E0]  }
0x189: {  	v2 =	vadd.f32 v2, v0;
	v0 =	vld [tilespmem:$0x1F4D0];
	_ =	sdelay $0x4  }
0x18a: {  	v3 =	vadd.f32 v3, v0;
	v0 =	vld [tilespmem:$0xD60];
	_ =	sdelay $0x4  }
0x18b: {  	[tilespmem:$0x1FDD0] =	vst v0;
	v0 =	vld [tilespmem:$0x1F4F0];
	_ =	sdelay $0x3  }
0x18c: {  	v7 =	vsel vm10, $0x20, v45  }
0x18d: {  	v6 =	vsub.f32 v6, v0;
	v0 =	vsel vm15, $0x30, v7  }
0x18e: {  	[tilespmem:$0x1FF20] =	vst v0;
	v0 =	vld [tilespmem:$0x1560];
	_ =	sdelay $0x4  }
0x18f: {  	[tilespmem:$0x1FE20] =	vst v0;
	v0 =	vld [tilespmem:$0x1F500];
	_ =	sdelay $0x4  }
0x190: {  	v2 =	vsub.f32 v2, v0;
	v0 =	vld [tilespmem:$0x1F510];
	_ =	sdelay $0x4  }
0x191: {  	v3 =	vsub.f32 v3, v0;
	v0 =	vld [tilespmem:$0x760];
	_ =	sdelay $0x3  }
0x192: {  	v49 =	vld [tilespmem:$0x1F530]  }
0x193: {  	[tilespmem:$0x1FDE0] =	vst v0;
	v0 =	vld [tilespmem:$0x1F520];
	_ =	sdelay $0x4  }
0x194: {  	v5 =	vadd.f32 v49, v0;
	v0 =	vld [tilespmem:$0xF60];
	_ =	sdelay $0x3  }
0x195: {  	v51 =	vld [tilespmem:$0x1F550]  }
0x196: {  	[tilespmem:$0x1FDF0] =	vst v0;
	v0 =	vld [tilespmem:$0x1F540];
	_ =	sdelay $0x1  }
0x197: {  	vm10 =	vgt.f32 v47, v46  }
0x198: {  	v4 =	vsel vm10, v47, v46  }
0x199: {  	v52 =	vld [tilespmem:$0x1F570];
	v50 =	vsel vm8, $0x40, v39;
	vm8 =	vgt.f32 v6, v4  }
0x19a: {  	v4 =	vsel vm8, v6, v4;
	v6 =	vadd.f32 v51, v0;
	v0 =	vld [tilespmem:$0x1F560];
	_ =	sdelay $0x4  }
0x19b: {  	v8 =	vadd.f32 v52, v0;
	v0 =	vld [tilespmem:$0x1760];
	_ =	sdelay $0x4  }
0x19c: {  	[tilespmem:$0x1FE30] =	vst v0;
	v0 =	vld [tilespmem:$0x1F580];
	_ =	sdelay $0x3  }
0x19d: {  	v53 =	vld [tilespmem:$0x1F5A0]  }
0x19e: {  	v5 =	vsub.f32 v5, v0;
	v0 =	vld [tilespmem:$0x1F590];
	_ =	sdelay $0x4  }
0x19f: {  	v9 =	vadd.f32 v53, v0;
	v0 =	vld [tilespmem:$0x1A0];
	_ =	sdelay $0x4  }
0x1a0: {  	vm15 =	vgt.f32 v2, v4;
	[tilespmem:$0x1FE10] =	vst v0;
	v0 =	vimm.s32 $0x0  }
0x1a1: {  	v0 =	vsel vm15, $0xFFFFFFFF, v0  }
0x1a2: {  	[tilespmem:$0x1F9B0] =	vst v0;
	v0 =	vld [tilespmem:$0x1F5B0];
	_ =	sdelay $0x4  }
0x1a3: {  	v2 =	vsub.f32 v6, v0;
	v0 =	vld [tilespmem:$0x1F5C0];
	_ =	sdelay $0x4  }
0x1a4: {  	v54 =	vsub.f32 v8, v0;
	v0 =	vld [tilespmem:$0x1F5D0];
	_ =	sdelay $0x3  }
0x1a5: {  	v7 =	vsel vm12, $0x80, v50  }
0x1a6: {  	v56 =	vld [tilespmem:$0x1F5F0];
	v55 =	vsub.f32 v9, v0;
	v0 =	vsel vm11, $0xC0, v7  }
0x1a7: {  	[tilespmem:$0x1FF30] =	vst v0;
	v0 =	vld [tilespmem:$0x1F5E0];
	_ =	sdelay $0x3  }
0x1a8: {  	v57 =	vld [tilespmem:$0x1F610];
	vm11 =	vgt.f32 v5, v3  }
0x1a9: {  	v3 =	vsel vm11, v5, v3;
	v5 =	vadd.f32 v56, v0;
	v0 =	vld [tilespmem:$0x1F600];
	_ =	sdelay $0x4  }
0x1aa: {  	v7 =	vadd.f32 v57, v0;
	v0 =	vld [tilespmem:$0x3A0];
	_ =	sdelay $0x3  }
0x1ab: {  	v58 =	vld [tilespmem:$0x1F630]  }
0x1ac: {  	[tilespmem:$0x1FE40] =	vst v0;
	v0 =	vld [tilespmem:$0x1F620];
	_ =	sdelay $0x4  }
0x1ad: {  	v8 =	vadd.f32 v58, v0;
	v0 =	vld [tilespmem:$0xBA0];
	_ =	sdelay $0x4  }
0x1ae: {  	[tilespmem:$0x1FE50] =	vst v0;
	v0 =	vld [tilespmem:$0x1F640];
	_ =	sdelay $0x3  }
0x1af: {  	v59 =	vsel vm9, $0x100, v39;
	vm9 =	vgt.f32 v2, v3  }
0x1b0: {  	v2 =	vsel vm9, v2, v3;
	v3 =	vsub.f32 v5, v0;
	v0 =	vld [tilespmem:$0x1F650];
	_ =	sdelay $0x4  }
0x1b1: {  	v61 =	vsub.f32 v7, v0;
	v0 =	vld [tilespmem:$0x13A0];
	_ =	sdelay $0x4  }
0x1b2: {  	[tilespmem:$0x1FE80] =	vst v0;
	v0 =	vld [tilespmem:$0x1F660];
	_ =	sdelay $0x3  }
0x1b3: {  	v63 =	vld [tilespmem:$0x1F680]  }
0x1b4: {  	v62 =	vsub.f32 v8, v0;
	v0 =	vld [tilespmem:$0x1F670];
	_ =	sdelay $0x4  }
0x1b5: {  	v8 =	vadd.f32 v63, v0;
	v0 =	vld [tilespmem:$0x5A0];
	_ =	sdelay $0x3  }
0x1b6: {  	vm15 =	vgt.f32 v54, v2;
	v2 =	vld [tilespmem:$0x1F6A0]  }
0x1b7: {  	[tilespmem:$0x1FE60] =	vst v0;
	v0 =	vld [tilespmem:$0x1F690];
	_ =	sdelay $0x3  }
0x1b8: {  	v10 =	vld [tilespmem:$0x1F6C0]  }
0x1b9: {  	v2 =	vadd.f32 v2, v0;
	v0 =	vld [tilespmem:$0x1F6B0];
	_ =	sdelay $0x4  }
0x1ba: {  	v4 =	vadd.f32 v10, v0;
	v0 =	vld [tilespmem:$0xDA0];
	_ =	sdelay $0x4  }
0x1bb: {  	[tilespmem:$0x1FE70] =	vst v0;
	v0 =	vld [tilespmem:$0x1F6D0];
	_ =	sdelay $0x4  }
0x1bc: {  	v8 =	vsub.f32 v8, v0;
	v0 =	vld [tilespmem:$0x1F6E0];
	_ =	sdelay $0x4  }
0x1bd: {  	v9 =	vsel vm7, $0x200, v59;
	vm12 =	vnez.u8 v0  }
0x1be: {  	v0 =	vsel vm12, $0x300, v9  }
0x1bf: {  	[tilespmem:$0x1FF40] =	vst v0;
	v0 =	vld [tilespmem:$0x15A0];
	_ =	sdelay $0x4  }
0x1c0: {  	[tilespmem:$0x1FE90] =	vst v0;
	v0 =	vld [tilespmem:$0x1F6F0];
	_ =	sdelay $0x4  }
0x1c1: {  	v2 =	vsub.f32 v2, v0;
	v0 =	vld [tilespmem:$0x1F700];
	_ =	sdelay $0x3  }
0x1c2: {  	v19 =	vld [tilespmem:$0x1F720]  }
0x1c3: {  	v4 =	vsub.f32 v4, v0;
	v0 =	vld [tilespmem:$0x1F710];
	_ =	sdelay $0x3  }
0x1c4: {  	v22 =	vld [tilespmem:$0x1F740]  }
0x1c5: {  	v6 =	vadd.f32 v19, v0;
	v0 =	vld [tilespmem:$0x1F730];
	_ =	sdelay $0x3  }
0x1c6: {  	v23 =	vld [tilespmem:$0x1F760]  }
0x1c7: {  	v5 =	vadd.f32 v22, v0;
	v0 =	vld [tilespmem:$0x1F750];
	_ =	sdelay $0x4  }
0x1c8: {  	v10 =	vadd.f32 v23, v0;
	v0 =	vld [tilespmem:$0x17A0];
	_ =	sdelay $0x4  }
0x1c9: {  	[tilespmem:$0x1FEA0] =	vst v0;
	v0 =	vld [tilespmem:$0x1F770];
	_ =	sdelay $0x4  }
0x1ca: {  	v6 =	vsub.f32 v6, v0;
	v0 =	vld [tilespmem:$0x1E0];
	_ =	sdelay $0x4  }
0x1cb: {  	[tilespmem:$0x1FEB0] =	vst v0;
	v0 =	vld [tilespmem:$0x1F780];
	_ =	sdelay $0x3  }
0x1cc: {  	v25 =	vld [tilespmem:$0x1F7A0]  }
0x1cd: {  	v24 =	vsub.f32 v10, v0;
	v0 =	vld [tilespmem:$0x1F790];
	_ =	sdelay $0x2  }
0x1ce: {  	v21 =	vsel vm3, $0x400, v39  }
0x1cf: {  	v9 =	vsel vm0, $0x800, v21  }
0x1d0: {  	v10 =	vadd.f32 v25, v0;
	v0 =	vsel vm13, $0xC00, v9  }
0x1d1: {  	[tilespmem:$0x1FF50] =	vst v0;
	v0 =	vld [tilespmem:$0x11E0];
	_ =	sdelay $0x4  }
0x1d2: {  	[tilespmem:$0x1FEC0] =	vst v0;
	v0 =	vld [tilespmem:$0x1F7B0]  }
0x1d3: {  	vm12 =	vgt.f32 v3, v55  }
0x1d4: {  	v3 =	vsel vm12, v3, v55  }
0x1d5: {  	vm7 =	vgt.f32 v61, v3  }
0x1d6: {  	v3 =	vsel vm7, v61, v3  }
0x1d7: {  	vm14 =	vgt.f32 v62, v3;
	v3 =	vsub.f32 v5, v0;
	v0 =	vld [tilespmem:$0x1F7C0];
	_ =	sdelay $0x3  }
0x1d8: {  	v46 =	vld [tilespmem:$0x1F7E0]  }
0x1d9: {  	v27 =	vsub.f32 v10, v0;
	v0 =	vld [tilespmem:$0x1F7D0];
	_ =	sdelay $0x3  }
0x1da: {  	v47 =	vld [tilespmem:$0x1F800]  }
0x1db: {  	v7 =	vadd.f32 v46, v0;
	v0 =	vld [tilespmem:$0x1F7F0];
	_ =	sdelay $0x3  }
0x1dc: {  	vm3 =	vgt.f32 v2, v8  }
0x1dd: {  	v2 =	vsel vm3, v2, v8;
	v8 =	vadd.f32 v47, v0;
	v0 =	vld [tilespmem:$0x13E0];
	_ =	sdelay $0x3  }
0x1de: {  	v48 =	vld [tilespmem:$0x1F820]  }
0x1df: {  	[tilespmem:$0x1FED0] =	vst v0;
	v0 =	vld [tilespmem:$0x1F810];
	_ =	sdelay $0x4  }
0x1e0: {  	v9 =	vadd.f32 v48, v0;
	v0 =	vld [tilespmem:$0x1F830];
	_ =	sdelay $0x3  }
0x1e1: {  	v26 =	vsel vm1, $0x1000, v39  }
0x1e2: {  	v45 =	vsel vm4, $0x2000, v26;
	vm13 =	vnez.u8 v0  }
0x1e3: {  	v0 =	vsel vm13, $0x3000, v45  }
0x1e4: {  	[tilespmem:$0x1FF80] =	vst v0;
	v0 =	vld [tilespmem:$0x1F840];
	_ =	sdelay $0x4  }
0x1e5: {  	v49 =	vsub.f32 v7, v0;
	v0 =	vld [tilespmem:$0x1F850];
	_ =	sdelay $0x4  }
0x1e6: {  	v50 =	vsub.f32 v8, v0;
	v0 =	vld [tilespmem:$0x1F860];
	_ =	sdelay $0x3  }
0x1e7: {  	v52 =	vld [tilespmem:$0x1F880]  }
0x1e8: {  	v51 =	vsub.f32 v9, v0;
	v0 =	vld [tilespmem:$0x1F870]  }
0x1e9: {  	vm1 =	vgt.f32 v24, v6  }
0x1ea: {  	v6 =	vsel vm1, v24, v6  }
0x1eb: {  	vm0 =	vgt.f32 v4, v2;
	vm4 =	vgt.f32 v27, v6  }
0x1ec: {  	v2 =	vsel vm0, v4, v2;
	v4 =	vsel vm4, v27, v6  }
0x1ed: {  	vm13 =	vgt.f32 v49, v4;
	v8 =	vadd.f32 v52, v0;
	v0 =	vimm.s32 $0x0  }
0x1ee: {  	v0 =	vsel vm13, $0xFFFFFFFF, v0  }
0x1ef: {  	[tilespmem:$0x1FC50] =	vst v0;
	v0 =	vld [tilespmem:$0x1F890];
	_ =	sdelay $0x4  }
0x1f0: {  	vm5 =	vgt.f32 v3, v2;
	v3 =	vsub.f32 v8, v0;
	v0 =	vld [tilespmem:$0x1F8A0];
	_ =	sdelay $0x3  }
0x1f1: {  	v53 =	vsel vm2, $0x4000, v39  }
0x1f2: {  	v2 =	vsel vm6, $0x8000, v53;
	vm6 =	vnez.u8 v0  }
0x1f3: {  	v54 =	vld [tilespmem:$0x1F8C0];
	v0 =	vsel vm6, $0xC000, v2  }
0x1f4: {  	[tilespmem:$0x1FFA0] =	vst v0;
	v0 =	vld [tilespmem:$0x1F8B0];
	_ =	sdelay $0x3  }
0x1f5: {  	v55 =	vld [tilespmem:$0x1F8E0]  }
0x1f6: {  	v4 =	vadd.f32 v54, v0;
	v0 =	vld [tilespmem:$0x1F8D0];
	_ =	sdelay $0x4  }
0x1f7: {  	v5 =	vadd.f32 v55, v0;
	v0 =	vld [tilespmem:$0x17E0];
	_ =	sdelay $0x3  }
0x1f8: {  	v56 =	vld [tilespmem:$0x1F900]  }
0x1f9: {  	[tilespmem:$0x1FEE0] =	vst v0;
	v0 =	vld [tilespmem:$0x1F8F0];
	_ =	sdelay $0x4  }
0x1fa: {  	v6 =	vadd.f32 v56, v0;
	v0 =	vld [tilespmem:$0x1F910];
	_ =	sdelay $0x1  }
0x1fb: {  	vm2 =	vgt.f32 v51, v50  }
0x1fc: {  	v2 =	vsel vm2, v51, v50  }
0x1fd: {  	vm6 =	vgt.f32 v3, v2  }
0x1fe: {  	v2 =	vsel vm6, v3, v2;
	v3 =	vsub.f32 v4, v0;
	v0 =	vld [tilespmem:$0x1F920];
	_ =	sdelay $0x4  }
0x1ff: {  	v58 =	vsub.f32 v5, v0;
	v0 =	vld [tilespmem:$0x1F930];
	_ =	sdelay $0x3  }
0x200: {  	v61 =	vld [tilespmem:$0x1F950]  }
0x201: {  	v59 =	vsub.f32 v6, v0;
	v0 =	vld [tilespmem:$0x1F940];
	_ =	sdelay $0x4  }
0x202: {  	vm13 =	vgt.f32 v3, v2;
	v6 =	vadd.f32 v61, v0;
	v0 =	vimm.s32 $0x0  }
0x203: {  	v2 =	vld [tilespmem:$0x1F970];
	v0 =	vsel vm13, $0xFFFFFFFF, v0  }
0x204: {  	[tilespmem:$0x1FC80] =	vst v0;
	v0 =	vld [tilespmem:$0x1F960];
	_ =	sdelay $0x3  }
0x205: {  	v3 =	vld [tilespmem:$0x1F990]  }
0x206: {  	v2 =	vadd.f32 v2, v0;
	v0 =	vld [tilespmem:$0x1F980];
	_ =	sdelay $0x4  }
0x207: {  	v3 =	vadd.f32 v3, v0;
	v0 =	vld [tilespmem:$0x1F9A0];
	_ =	sdelay $0x4  }
0x208: {  	v6 =	vsub.f32 v6, v0;
	v0 =	vld [tilespmem:$0x1F9B0];
	_ =	sdelay $0x3  }
0x209: {  	v57 =	vsel vm10, $0x1, v39  }
0x20a: {  	v7 =	vsel vm8, $0x2, v57;
	vm13 =	vnez.u8 v0  }
0x20b: {  	v0 =	vsel vm13, $0x3, v7  }
0x20c: {  	[tilespmem:$0x1FF60] =	vst v0;
	v0 =	vld [tilespmem:$0x1F9C0];
	_ =	sdelay $0x4  }
0x20d: {  	v2 =	vsub.f32 v2, v0;
	v0 =	vld [tilespmem:$0x1F9D0];
	_ =	sdelay $0x3  }
0x20e: {  	v62 =	vld [tilespmem:$0x1F9F0]  }
0x20f: {  	v3 =	vsub.f32 v3, v0;
	v0 =	vld [tilespmem:$0x1F9E0];
	_ =	sdelay $0x3  }
0x210: {  	v19 =	vld [tilespmem:$0x1FA10]  }
0x211: {  	v5 =	vadd.f32 v62, v0;
	v0 =	vld [tilespmem:$0x1FA00];
	_ =	sdelay $0x1  }
0x212: {  	vm13 =	vgt.f32 v59, v58  }
0x213: {  	v4 =	vsel vm13, v59, v58  }
0x214: {  	v21 =	vld [tilespmem:$0x1FA30];
	vm8 =	vgt.f32 v6, v4  }
0x215: {  	v4 =	vsel vm8, v6, v4;
	v6 =	vadd.f32 v19, v0;
	v0 =	vld [tilespmem:$0x1FA20];
	_ =	sdelay $0x4  }
0x216: {  	v8 =	vadd.f32 v21, v0;
	v0 =	vld [tilespmem:$0x1FA40];
	_ =	sdelay $0x3  }
0x217: {  	v22 =	vld [tilespmem:$0x1FA60]  }
0x218: {  	v5 =	vsub.f32 v5, v0;
	v0 =	vld [tilespmem:$0x1FA50];
	_ =	sdelay $0x2  }
0x219: {  	v63 =	vsel vm11, $0x4, v39  }
0x21a: {  	v7 =	vsel vm9, $0x8, v63  }
0x21b: {  	vm9 =	vgt.f32 v2, v4;
	v9 =	vadd.f32 v22, v0;
	v0 =	vimm.s32 $0x0  }
0x21c: {  	v0 =	vsel vm9, $0xFFFFFFFF, v0  }
0x21d: {  	[tilespmem:$0x1FD70] =	vst v0;
	v0 =	vld [tilespmem:$0x1FA70];
	_ =	sdelay $0x4  }
0x21e: {  	v2 =	vsub.f32 v6, v0;
	v0 =	vld [tilespmem:$0x1FA80];
	_ =	sdelay $0x4  }
0x21f: {  	v23 =	vsub.f32 v8, v0;
	v0 =	vld [tilespmem:$0x1FA90];
	_ =	sdelay $0x4  }
0x220: {  	v24 =	vld [tilespmem:$0x1FAB0];
	v19 =	vsub.f32 v9, v0;
	v0 =	vsel vm15, $0xC, v7  }
0x221: {  	[tilespmem:$0x1FF70] =	vst v0;
	v0 =	vld [tilespmem:$0x1FAA0];
	_ =	sdelay $0x3  }
0x222: {  	v25 =	vld [tilespmem:$0x1FAD0];
	vm11 =	vgt.f32 v5, v3  }
0x223: {  	v3 =	vsel vm11, v5, v3;
	v5 =	vadd.f32 v24, v0;
	v0 =	vld [tilespmem:$0x1FAC0];
	_ =	sdelay $0x3  }
0x224: {  	v26 =	vld [tilespmem:$0x1FAF0]  }
0x225: {  	v7 =	vadd.f32 v25, v0;
	v0 =	vld [tilespmem:$0x1FAE0];
	_ =	sdelay $0x4  }
0x226: {  	v8 =	vadd.f32 v26, v0;
	v0 =	vld [tilespmem:$0x1FB00];
	_ =	sdelay $0x3  }
0x227: {  	vm9 =	vgt.f32 v2, v3  }
0x228: {  	v2 =	vsel vm9, v2, v3;
	v3 =	vsub.f32 v5, v0;
	v0 =	vld [tilespmem:$0x1FB10];
	_ =	sdelay $0x4  }
0x229: {  	v5 =	vsub.f32 v7, v0;
	v0 =	vld [tilespmem:$0x1FB20];
	_ =	sdelay $0x3  }
0x22a: {  	v62 =	vld [tilespmem:$0x1FB40]  }
0x22b: {  	v7 =	vsub.f32 v8, v0;
	v0 =	vld [tilespmem:$0x1FB30];
	_ =	sdelay $0x3  }
0x22c: {  	vm15 =	vgt.f32 v23, v2;
	v2 =	vld [tilespmem:$0x1FB60]  }
0x22d: {  	v8 =	vadd.f32 v62, v0;
	v0 =	vld [tilespmem:$0x1FB50];
	_ =	sdelay $0x3  }
0x22e: {  	v63 =	vld [tilespmem:$0x1FB80]  }
0x22f: {  	v2 =	vadd.f32 v2, v0;
	v0 =	vld [tilespmem:$0x1FB70];
	_ =	sdelay $0x4  }
0x230: {  	v4 =	vadd.f32 v63, v0;
	v0 =	vld [tilespmem:$0x1FB90];
	_ =	sdelay $0x2  }
0x231: {  	v27 =	vsel vm12, $0x10, v39  }
0x232: {  	v9 =	vsel vm7, $0x20, v27  }
0x233: {  	v8 =	vsub.f32 v8, v0;
	v0 =	vsel vm14, $0x30, v9  }
0x234: {  	[tilespmem:$0x1FF90] =	vst v0;
	v0 =	vld [tilespmem:$0x1FBA0];
	_ =	sdelay $0x4  }
0x235: {  	v2 =	vsub.f32 v2, v0;
	v0 =	vld [tilespmem:$0x1FBB0];
	_ =	sdelay $0x3  }
0x236: {  	v10 =	vld [tilespmem:$0x1FBD0]  }
0x237: {  	v4 =	vsub.f32 v4, v0;
	v0 =	vld [tilespmem:$0x1FBC0];
	_ =	sdelay $0x2  }
0x238: {  	v14 =	vld [tilespmem:$0x2A0]  }
0x239: {  	v62 =	vld [tilespmem:$0x1FBF0]  }
0x23a: {  	v6 =	vadd.f32 v10, v0;
	v0 =	vld [tilespmem:$0x1FBE0];
	_ =	sdelay $0x1  }
0x23b: {  	vm12 =	vgt.f32 v3, v19  }
0x23c: {  	v3 =	vsel vm12, v3, v19  }
0x23d: {  	[tilespmem:$0x1FC00] =	vst v14;
	vm10 =	vgt.f32 v5, v3;
	v63 =	vld [tilespmem:$0x1FC10]  }
0x23e: {  	v3 =	vsel vm10, v5, v3;
	v5 =	vadd.f32 v62, v0;
	v0 =	vld [tilespmem:$0x1FC00];
	_ =	sdelay $0x4  }
0x23f: {  	v10 =	vadd.f32 v63, v0;
	v0 =	vld [tilespmem:$0x1FC20];
	_ =	sdelay $0x2  }
0x240: {  	v19 =	vsel vm3, $0x40, v39  }
0x241: {  	v17 =	vld [tilespmem:$0xCA0];
	v9 =	vsel vm0, $0x80, v19  }
0x242: {  	v13 =	vld [tilespmem:$0x14A0];
	v6 =	vsub.f32 v6, v0;
	v0 =	vsel vm5, $0xC0, v9  }
0x243: {  	[tilespmem:$0x1FFB0] =	vst v0;
	v0 =	vld [tilespmem:$0x1FC30]  }
0x244: {  	v15 =	vld [tilespmem:$0xEA0]  }
0x245: {  	v18 =	vld [tilespmem:$0x4A0]  }
0x246: {  	v35 =	vld [tilespmem:$0x2E0]  }
0x247: {  	v11 =	vld [tilespmem:$0x6A0]  }
0x248: {  	vm5 =	vgt.f32 v7, v3;
	v3 =	vsub.f32 v5, v0;
	v0 =	vld [tilespmem:$0x1FC40]  }
0x249: {  	vm3 =	vgt.f32 v2, v8  }
0x24a: {  	v18 =	vadd.f32 v17, v18;
	v2 =	vsel vm3, v2, v8  }
0x24b: {  	vm0 =	vgt.f32 v4, v2  }
0x24c: {  	v2 =	vsel vm0, v4, v2;
	v4 =	vsub.f32 v18, v13  }
0x24d: {  	v13 =	vadd.f32 v15, v11;
	v15 =	vadd.f32 v0, v35;
	v0 =	vld [tilespmem:$0x1FC50];
	_ =	sdelay $0x1  }
0x24e: {  	v12 =	vld [tilespmem:$0x16A0]  }
0x24f: {  	v16 =	vld [tilespmem:$0xE0]  }
0x250: {  	v20 =	vld [tilespmem:$0x8E0];
	v19 =	vsel vm1, $0x100, v39  }
0x251: {  	v14 =	vld [tilespmem:$0x12A0];
	v5 =	vsel vm4, $0x200, v19;
	vm14 =	vnez.u8 v0  }
0x252: {  	v36 =	vld [tilespmem:$0x4E0];
	v0 =	vsel vm14, $0x300, v5  }
0x253: {  	[tilespmem:$0x1FFC0] =	vst v0;
	v0 =	vld [tilespmem:$0x1FC60]  }
0x254: {  	v32 =	vld [tilespmem:$0x12E0]  }
0x255: {  	v33 =	vld [tilespmem:$0x10E0]  }
0x256: {  	v37 =	vld [tilespmem:$0x6E0]  }
0x257: {  	v38 =	vld [tilespmem:$0x16E0]  }
0x258: {  	v35 =	vadd.f32 v0, v36;
	v0 =	vld [tilespmem:$0x1FC70]  }
0x259: {  	v60 =	vld [tilespmem:$0x11A0]  }
0x25a: {  	v28 =	vld [tilespmem:$0x7A0]  }
0x25b: {  	v29 =	vld [tilespmem:$0x9E0]  }
0x25c: {  	v31 =	vld [tilespmem:$0xFA0];
	v14 =	vsub.f32 v10, v14  }
0x25d: {  	vm14 =	vgt.f32 v3, v2;
	v3 =	vsub.f32 v35, v0;
	v0 =	vld [tilespmem:$0x1FC80]  }
0x25e: {  	v41 =	vld [tilespmem:$0x7E0];
	vm1 =	vgt.f32 v14, v6  }
0x25f: {  	v30 =	vld [tilespmem:$0x3E0];
	v6 =	vsel vm1, v14, v6;
	v14 =	vadd.f32 v20, v16  }
0x260: {  	v40 =	vld [tilespmem:$0xBE0]  }
0x261: {  	v34 =	vld [tilespmem:$0x9A0];
	v31 =	vadd.f32 v31, v28;
	v18 =	vsub.f32 v14, v33;
	v36 =	vsel vm2, $0x400, v39  }
0x262: {  	v28 =	vld [tilespmem:$0x14F0];
	v33 =	vsub.f32 v15, v32;
	v2 =	vsel vm6, $0x800, v36;
	vm7 =	vnez.u8 v0  }
0x263: {  	v42 =	vld [tilespmem:$0x5E0];
	v0 =	vsel vm7, $0xC00, v2  }
0x264: {  	v43 =	vld [tilespmem:$0x15E0];
	vm7 =	vgt.f32 v33, v18;
	[tilespmem:$0x1FFD0] =	vst v0;
	v0 =	vimm.s32 $0x0  }
0x265: {  	v44 =	vld [tilespmem:$0xFE0];
	v0 =	vsel vm7, $0xFFFFFFFF, v0  }
0x266: {  	[tilespmem:$0x1FEF0] =	vst v0;
	v0 =	vld [tilespmem:$0x1FC90]  }
0x267: {  	v53 =	vld [tilespmem:$0x1430]  }
0x268: {  	v46 =	vld [tilespmem:$0x30];
	v17 =	vsub.f32 v13, v12;
	vm4 =	vgt.f32 v4, v6  }
0x269: {  	v47 =	vld [tilespmem:$0x1030];
	v4 =	vsel vm4, v4, v6  }
0x26a: {  	vm6 =	vgt.f32 v17, v4;
	v17 =	vld [tilespmem:$0x1FCB0]  }
0x26b: {  	v37 =	vadd.f32 v0, v37;
	v0 =	vld [tilespmem:$0x1FCA0]  }
0x26c: {  	v48 =	vld [tilespmem:$0x830]  }
0x26d: {  	v45 =	vld [tilespmem:$0xDE0]  }
0x26e: {  	v57 =	vld [tilespmem:$0xC30]  }
0x26f: {  	v32 =	vld [tilespmem:$0x1FCD0]  }
0x270: {  	v2 =	vsel vm7, v33, v18;
	v18 =	vadd.f32 v17, v0;
	v0 =	vld [tilespmem:$0x1FCC0]  }
0x271: {  	v49 =	vld [tilespmem:$0x230]  }
0x272: {  	v55 =	vld [tilespmem:$0x430]  }
0x273: {  	v54 =	vld [tilespmem:$0xA30]  }
0x274: {  	v52 =	vld [tilespmem:$0x1630]  }
0x275: {  	v33 =	vadd.f32 v32, v0;
	v0 =	vld [tilespmem:$0x1FCE0]  }
0x276: {  	v50 =	vld [tilespmem:$0x1230]  }
0x277: {  	v51 =	vld [tilespmem:$0x630];
	v55 =	vadd.f32 v57, v55  }
0x278: {  	v54 =	vadd.f32 v54, v49;
	v49 =	vld [tilespmem:$0x530]  }
0x279: {  	v55 =	vsub.f32 v55, v53;
	v53 =	vld [tilespmem:$0xD70]  }
0x27a: {  	vm2 =	vgt.f32 v3, v2;
	v36 =	vsub.f32 v18, v0;
	v0 =	vld [tilespmem:$0x1FCF0]  }
0x27b: {  	v56 =	vld [tilespmem:$0xE30];
	v2 =	vsel vm2, v3, v2;
	v3 =	vsub.f32 v37, v38  }
0x27c: {  	v38 =	vld [tilespmem:$0x1FD10]  }
0x27d: {  	v35 =	vsel vm13, $0x1000, v39;
	vm13 =	vgt.f32 v3, v2;
	v2 =	vld [tilespmem:$0x1FD20]  }
0x27e: {  	v3 =	vld [tilespmem:$0x1FD30]  }
0x27f: {  	v37 =	vsub.f32 v33, v0;
	v0 =	vld [tilespmem:$0x1FD00]  }
0x280: {  	v33 =	vld [tilespmem:$0x1FD70]  }
0x281: {  	v61 =	vld [tilespmem:$0x870]  }
0x282: {  	v58 =	vld [tilespmem:$0x70]  }
0x283: {  	v59 =	vld [tilespmem:$0x1070]  }
0x284: {  	v17 =	vld [tilespmem:$0x1FD50];
	v2 =	vadd.f32 v3, v2  }
0x285: {  	v3 =	vld [tilespmem:$0x1FD40];
	v12 =	vadd.f32 v38, v0;
	v0 =	vsel vm8, $0x2000, v35;
	vm7 =	vnez.u8 v33  }
0x286: {  	v21 =	vld [tilespmem:$0xC70];
	vm8 =	vgt.f32 v37, v36;
	v0 =	vsel vm7, $0x3000, v0  }
0x287: {  	[tilespmem:$0x1FFE0] =	vst v0;
	v0 =	vsel vm8, v37, v36;
	v36 =	vld [tilespmem:$0x1FD90]  }
0x288: {  	v22 =	vld [tilespmem:$0xA70]  }
0x289: {  	v27 =	vld [tilespmem:$0x270]  }
0x28a: {  	v3 =	vadd.f32 v17, v3;
	v35 =	vld [tilespmem:$0x1FD80]  }
0x28b: {  	v37 =	vld [tilespmem:$0x1FDB0]  }
0x28c: {  	v36 =	vsub.f32 v3, v36;
	v3 =	vld [tilespmem:$0x1FDA0]  }
0x28d: {  	v23 =	vld [tilespmem:$0x1470]  }
0x28e: {  	v32 =	vld [tilespmem:$0x1FD60]  }
0x28f: {  	v22 =	vadd.f32 v22, v27;
	v27 =	vld [tilespmem:$0xF30]  }
0x290: {  	v33 =	vld [tilespmem:$0x1FDD0]  }
0x291: {  	v2 =	vsub.f32 v2, v35;
	v35 =	vadd.f32 v37, v3;
	v3 =	vld [tilespmem:$0x1FDC0]  }
0x292: {  	v26 =	vld [tilespmem:$0x1270]  }
0x293: {  	v24 =	vld [tilespmem:$0x470];
	v12 =	vsub.f32 v12, v32  }
0x294: {  	v25 =	vld [tilespmem:$0xE70]  }
0x295: {  	v38 =	vsel vm11, $0x4000, v39;
	vm11 =	vgt.f32 v12, v0;
	v37 =	vld [tilespmem:$0x1FDF0]  }
0x296: {  	v0 =	vsel vm11, v12, v0;
	v12 =	vadd.f32 v33, v3;
	v3 =	vld [tilespmem:$0x1FDE0]  }
0x297: {  	v22 =	vsub.f32 v22, v26;
	v26 =	vld [tilespmem:$0x170]  }
0x298: {  	v8 =	vld [tilespmem:$0x2B0]  }
0x299: {  	v11 =	vld [tilespmem:$0x14B0]  }
0x29a: {  	v13 =	vld [tilespmem:$0xF0]  }
0x29b: {  	v33 =	vadd.f32 v37, v3;
	v3 =	vld [tilespmem:$0x1FE00]  }
0x29c: {  	v62 =	vld [tilespmem:$0x1670]  }
0x29d: {  	v63 =	vld [tilespmem:$0x670]  }
0x29e: {  	v10 =	vld [tilespmem:$0x4B0]  }
0x29f: {  	v9 =	vld [tilespmem:$0x12B0]  }
0x2a0: {  	v35 =	vsub.f32 v35, v3;
	v3 =	vld [tilespmem:$0x1FE10]  }
0x2a1: {  	v7 =	vld [tilespmem:$0x8F0]  }
0x2a2: {  	v16 =	vld [tilespmem:$0x8B0]  }
0x2a3: {  	v20 =	vld [tilespmem:$0x10B0]  }
0x2a4: {  	v37 =	vsel vm9, $0x8000, v38;
	vm9 =	vgt.f32 v2, v0;
	v2 =	vld [tilespmem:$0x1FE30]  }
0x2a5: {  	v38 =	vld [tilespmem:$0x1FE50];
	v34 =	vadd.f32 v34, v3;
	v3 =	vsel vm15, $0xC000, v37  }
0x2a6: {  	[tilespmem:$0x1FFF0] =	vst v3;
	v3 =	vld [tilespmem:$0x1FE40]  }
0x2a7: {  	v14 =	vld [tilespmem:$0x10F0]  }
0x2a8: {  	v19 =	vld [tilespmem:$0xB0]  }
0x2a9: {  	v6 =	vld [tilespmem:$0xCB0];
	vm15 =	vgt.f32 v35, v36  }
0x2aa: {  	v2 =	vsub.f32 v33, v2;
	v33 =	vsub.f32 v34, v60;
	v34 =	vsel vm15, v35, v36;
	v36 =	vld [tilespmem:$0x1FE70]  }
0x2ab: {  	v35 =	vadd.f32 v38, v3;
	v3 =	vld [tilespmem:$0x1FE60]  }
0x2ac: {  	v7 =	vadd.f32 v7, v13;
	v13 =	vld [tilespmem:$0x1B0]  }
0x2ad: {  	v16 =	vadd.f32 v16, v19;
	v19 =	vld [tilespmem:$0x370]  }
0x2ae: {  	v15 =	vld [tilespmem:$0xEB0]  }
0x2af: {  	v6 =	vadd.f32 v6, v10;
	v16 =	vsub.f32 v16, v20;
	v20 =	vld [tilespmem:$0x1370]  }
0x2b0: {  	v36 =	vadd.f32 v36, v3;
	v3 =	vld [tilespmem:$0x1FE80]  }
0x2b1: {  	v6 =	vsub.f32 v6, v11;
	v11 =	vld [tilespmem:$0x1570]  }
0x2b2: {  	v5 =	vld [tilespmem:$0xAB0]  }
0x2b3: {  	v4 =	vld [tilespmem:$0x2F0]  }
0x2b4: {  	v32 =	vld [tilespmem:$0xAF0]  }
0x2b5: {  	v35 =	vsub.f32 v35, v3;
	v3 =	vld [tilespmem:$0x1FE90]  }
0x2b6: {  	v0 =	vld [tilespmem:$0x1FE20]  }
0x2b7: {  	v17 =	vld [tilespmem:$0x16B0]  }
0x2b8: {  	v18 =	vld [tilespmem:$0x6B0]  }
0x2b9: {  	v5 =	vadd.f32 v5, v8;
	v4 =	vadd.f32 v32, v4;
	v32 =	vld [tilespmem:$0x3B0]  }
0x2ba: {  	v36 =	vsub.f32 v36, v3;
	v3 =	vld [tilespmem:$0x1FEA0]  }
0x2bb: {  	v5 =	vsub.f32 v5, v9;
	v0 =	vsub.f32 v12, v0;
	v12 =	vld [tilespmem:$0x12F0]  }
0x2bc: {  	v37 =	vld [tilespmem:$0xCF0]  }
0x2bd: {  	v56 =	vadd.f32 v56, v51;
	v51 =	vsel vm15, $0x400, v39;
	v60 =	vld [tilespmem:$0x4F0];
	vm15 =	vgt.f32 v5, v16  }
0x2be: {  	v5 =	vsel vm15, v5, v16;
	v16 =	vld [tilespmem:$0x770];
	v38 =	vsel vm12, $0x1, v39;
	vm12 =	vgt.f32 v0, v34  }
0x2bf: {  	v0 =	vsel vm12, v0, v34;
	v31 =	vsub.f32 v31, v3;
	v3 =	vld [tilespmem:$0x1FEB0]  }
0x2c0: {  	v38 =	vsel vm10, $0x2, v38;
	vm10 =	vgt.f32 v2, v0;
	v2 =	vadd.f32 v45, v42;
	v42 =	vld [tilespmem:$0x1FEC0]  }
0x2c1: {  	v45 =	vld [tilespmem:$0x1FED0]  }
0x2c2: {  	v34 =	vld [tilespmem:$0x6F0]  }
0x2c3: {  	v9 =	vsel vm12, $0x800, v51;
	v51 =	vld [tilespmem:$0x9F0]  }
0x2c4: {  	v0 =	vadd.f32 v40, v30;
	v40 =	vld [tilespmem:$0x16F0];
	v29 =	vadd.f32 v29, v3  }
0x2c5: {  	v30 =	vsel vm5, $0x3, v38;
	v38 =	vld [tilespmem:$0x130];
	v2 =	vsub.f32 v2, v43  }
0x2c6: {  	v0 =	vsub.f32 v0, v45;
	v45 =	vld [tilespmem:$0x1130];
	vm5 =	vgt.f32 v35, v33;
	v29 =	vsub.f32 v29, v42  }
0x2c7: {  	v33 =	vsel vm5, v35, v33;
	v35 =	vld [tilespmem:$0x930];
	v42 =	vadd.f32 v48, v46;
	v48 =	vsel vm3, $0x4, v39  }
0x2c8: {  	v3 =	vld [tilespmem:$0xEF0];
	vm3 =	vgt.f32 v36, v33;
	v43 =	vsel vm0, $0x8, v48;
	vm0 =	vgt.f32 v0, v29  }
0x2c9: {  	v21 =	vadd.f32 v21, v24;
	v46 =	vld [tilespmem:$0xB30];
	v33 =	vsel vm3, v36, v33;
	v0 =	vsel vm0, v0, v29  }
0x2ca: {  	vm7 =	vgt.f32 v31, v33;
	v33 =	vld [tilespmem:$0xD30];
	v29 =	vsel vm14, $0xC, v43;
	vm14 =	vgt.f32 v2, v0  }
0x2cb: {  	v21 =	vsub.f32 v21, v23;
	v15 =	vadd.f32 v15, v18;
	v0 =	vsel vm14, v2, v0;
	v2 =	vld [tilespmem:$0x1FEE0]  }
0x2cc: {  	v7 =	vsub.f32 v7, v14;
	v36 =	vadd.f32 v44, v41;
	v44 =	vld [tilespmem:$0x330]  }
0x2cd: {  	v15 =	vsub.f32 v15, v17;
	v48 =	vld [tilespmem:$0x1330];
	v3 =	vadd.f32 v3, v34  }
0x2ce: {  	v4 =	vsub.f32 v4, v12;
	v41 =	vsub.f32 v54, v50;
	v50 =	vld [tilespmem:$0x730]  }
0x2cf: {  	v57 =	vsel vm1, $0x10, v39;
	v42 =	vsub.f32 v42, v47;
	v47 =	vld [tilespmem:$0x1730];
	v3 =	vsub.f32 v3, v40  }
0x2d0: {  	v10 =	vsel vm10, $0xC00, v9;
	v34 =	vld [tilespmem:$0x5B0];
	v40 =	vadd.f32 v33, v49;
	v54 =	vsub.f32 v36, v2  }
0x2d1: {  	v2 =	vsel vm4, $0x20, v57;
	vm4 =	vgt.f32 v41, v42;
	v57 =	vadd.f32 v61, v58;
	v61 =	vld [tilespmem:$0x1FEF0]  }
0x2d2: {  	v58 =	vsub.f32 v56, v52;
	v41 =	vsel vm4, v41, v42;
	v42 =	vadd.f32 v25, v63;
	v25 =	vld [tilespmem:$0xB70]  }
0x2d3: {  	v2 =	vsel vm6, $0x30, v2;
	v63 =	vld [tilespmem:$0xDB0];
	vm6 =	vgt.f32 v55, v41;
	v59 =	vsub.f32 v57, v59  }
0x2d4: {  	v31 =	vld [tilespmem:$0x1170];
	v57 =	vsel vm4, $0x1, v39;
	v52 =	vsub.f32 v42, v62;
	v62 =	vadd.f32 v46, v44  }
0x2d5: {  	v43 =	vld [tilespmem:$0x1530];
	v56 =	vsel vm0, $0x4000, v39;
	v36 =	vsel vm6, v55, v41;
	v18 =	vsel vm6, $0x2, v57  }
0x2d6: {  	v49 =	vld [tilespmem:$0x17B0];
	vm1 =	vnez.u8 v61;
	v61 =	vadd.f32 v35, v38;
	v35 =	vsub.f32 v62, v48  }
0x2d7: {  	v42 =	vld [tilespmem:$0x15B0];
	v24 =	vsel vm1, $0x40, v39;
	vm1 =	vgt.f32 v54, v0;
	v54 =	vsel vm5, $0x1000, v39  }
0x2d8: {  	v44 =	vld [tilespmem:$0x7B0];
	v19 =	vadd.f32 v25, v19;
	v62 =	vadd.f32 v63, v34;
	v0 =	vsel vm2, $0x80, v24  }
0x2d9: {  	v46 =	vld [tilespmem:$0xFB0];
	vm2 =	vgt.f32 v58, v36;
	v36 =	vsel vm8, $0x100, v39;
	vm8 =	vgt.f32 v22, v59  }
0x2da: {  	v38 =	vld [tilespmem:$0xFF0];
	v55 =	vsel vm3, $0x2000, v54;
	v22 =	vsel vm8, v22, v59;
	v0 =	vsel vm13, $0xC0, v0  }
0x2db: {  	v63 =	vld [tilespmem:$0xDF0];
	v41 =	vsel vm11, $0x200, v36;
	vm11 =	vgt.f32 v6, v5;
	v9 =	vsel vm7, $0x3000, v55  }
0x2dc: {  	v24 =	vld [tilespmem:$0x970];
	v58 =	vsel vm8, $0x4, v39;
	v59 =	vadd.f32 v37, v60;
	v18 =	vsel vm2, $0x3, v18  }
0x2dd: {  	v54 =	vld [tilespmem:$0x11F0];
	v60 =	vsel vm15, $0x10, v39;
	v8 =	vsel vm9, $0x300, v41;
	vm13 =	vgt.f32 v21, v22  }
0x2de: {  	v36 =	vld [tilespmem:$0x570];
	v6 =	vsel vm11, v6, v5;
	v21 =	vsel vm13, v21, v22;
	v17 =	vsel vm13, $0x8, v58  }
0x2df: {  	v55 =	vld [tilespmem:$0x1FF00];
	vm12 =	vgt.f32 v15, v6;
	vm13 =	vgt.f32 v4, v7;
	v12 =	vsub.f32 v59, v28  }
0x2e0: {  	v41 =	vld [tilespmem:$0x1770];
	v15 =	vsel vm11, $0x20, v60;
	vm10 =	vgt.f32 v52, v21;
	v21 =	vsel vm14, $0x8000, v56  }
0x2e1: {  	v22 =	vld [tilespmem:$0xF70];
	v4 =	vsel vm13, v4, v7;
	v7 =	vsub.f32 v61, v45;
	v15 =	vsel vm12, $0x30, v15  }
0x2e2: {  	v6 =	vld [tilespmem:$0xBB0];
	v45 =	vadd.f32 v27, v50;
	v48 =	vsel vm13, $0x40, v39;
	v52 =	vsub.f32 v19, v20  }
0x2e3: {  	v28 =	vld [tilespmem:$0x13B0];
	v5 =	vsel vm1, $0xC000, v21;
	v17 =	vsel vm10, $0xC, v17;
	vm14 =	vgt.f32 v12, v4  }
0x2e4: {  	v60 =	vld [tilespmem:$0x5F0];
	v24 =	vadd.f32 v24, v26;
	v4 =	vsel vm14, v12, v4;
	vm4 =	vgt.f32 v35, v7  }
0x2e5: {  	v50 =	vld [tilespmem:$0x1F0];
	v27 =	vsel vm14, $0x80, v48;
	vm15 =	vgt.f32 v3, v4;
	v3 =	vsub.f32 v40, v43  }
0x2e6: {  	v56 =	vld [tilespmem:$0x1FF10];
	v53 =	vadd.f32 v53, v36;
	v12 =	vadd.f32 v46, v44;
	v7 =	vsel vm4, v35, v7  }
0x2e7: {  	v21 =	vld [tilespmem:$0x9B0];
	v4 =	vsub.f32 v45, v47;
	v24 =	vsub.f32 v24, v31;
	vm5 =	vgt.f32 v3, v7  }
0x2e8: {  	v58 =	vld [tilespmem:$0xBF0];
	v57 =	vsel vm4, $0x100, v39;
	v35 =	vsub.f32 v62, v42;
	v3 =	vsel vm5, v3, v7  }
0x2e9: {  	v11 =	vsub.f32 v53, v11;
	v16 =	vadd.f32 v22, v16;
	vm6 =	vgt.f32 v4, v3;
	v3 =	vld [tilespmem:$0x3F0]  }
0x2ea: {  	v59 =	vld [tilespmem:$0x13F0];
	v27 =	vsel vm15, $0xC0, v27;
	v6 =	vadd.f32 v6, v32;
	v22 =	vadd.f32 v63, v60  }
0x2eb: {  	v36 =	vld [tilespmem:$0x7F0];
	v12 =	vsub.f32 v12, v49;
	v23 =	vor.u32 v55, v56;
	vm7 =	vgt.f32 v52, v24  }
0x2ec: {  	v14 =	vld [tilespmem:$0x11B0];
	v40 =	vadd.f32 v51, v50;
	v56 =	vor.u32 v30, v29;
	v13 =	vadd.f32 v21, v13  }
0x2ed: {  	v32 =	vld [tilespmem:$0x15F0];
	v7 =	vsel vm7, v52, v24;
	v61 =	vsub.f32 v16, v41;
	v6 =	vsub.f32 v6, v28  }
0x2ee: {  	v34 =	vld [tilespmem:$0x1FF20];
	v37 =	vsel vm7, $0x400, v39;
	v2 =	vor.u32 v2, v56;
	v3 =	vadd.f32 v58, v3  }
0x2ef: {  	v42 =	vld [tilespmem:$0x17F0];
	v4 =	vsel vm5, $0x200, v57;
	vm8 =	vgt.f32 v11, v7;
	v43 =	vsub.f32 v40, v54  }
0x2f0: {  	v47 =	vld [tilespmem:$0x1FF30];
	v16 =	vadd.f32 v38, v36;
	v0 =	vor.u32 v0, v2;
	v3 =	vsub.f32 v3, v59  }
0x2f1: {  	v53 =	vld [tilespmem:$0x1FF70];
	v2 =	vor.u32 v18, v17;
	v7 =	vsel vm8, v11, v7;
	v13 =	vsub.f32 v13, v14  }
0x2f2: {  	v50 =	vld [tilespmem:$0x1FF40];
	v4 =	vsel vm6, $0x300, v4;
	v44 =	vsub.f32 v22, v32;
	vm12 =	vgt.f32 v3, v43  }
0x2f3: {  	v55 =	vld [tilespmem:$0x1FF90];
	v41 =	vsel vm8, $0x800, v37;
	v0 =	vor.u32 v8, v0;
	v3 =	vsel vm12, v3, v43  }
0x2f4: {  	v52 =	vld [tilespmem:$0x1FF60];
	v2 =	vor.u32 v15, v2;
	v48 =	vsub.f32 v16, v42;
	vm14 =	vgt.f32 v44, v3  }
0x2f5: {  	v54 =	vld [tilespmem:$0x1FF80];
	vm9 =	vgt.f32 v61, v7;
	vm10 =	vgt.f32 v6, v13;
	v3 =	vsel vm14, v44, v3  }
0x2f6: {  	v7 =	vor.u32 v34, v23;
	v6 =	vsel vm10, v6, v13;
	vm15 =	vgt.f32 v48, v3;
	v3 =	vld [tilespmem:$0x1FF50]  }
0x2f7: {  	v57 =	vld [tilespmem:$0x1FFA0];
	v0 =	vor.u32 v10, v0;
	v2 =	vor.u32 v27, v2;
	vm11 =	vgt.f32 v35, v6  }
0x2f8: {  	v45 =	vsel vm9, $0xC00, v41;
	v0 =	vor.u32 v9, v0;
	v58 =	vld [tilespmem:$0x1FFB0];
	v6 =	vsel vm11, v35, v6  }
0x2f9: {  	v2 =	vor.u32 v4, v2;
	vm13 =	vgt.f32 v12, v6;
	v6 =	vor.u32 v47, v7;
	v59 =	vld [tilespmem:$0x1FFC0]  }
0x2fa: {  	v60 =	vld [tilespmem:$0x1FFD0];
	v46 =	vsel vm10, $0x1000, v39;
	v2 =	vor.u32 v45, v2;
	v6 =	vor.u32 v50, v6  }
0x2fb: {  	v61 =	vld [tilespmem:$0x1FFE0];
	v0 =	vor.u32 v5, v0;
	v3 =	vor.u32 v3, v6;
	v6 =	vor.u32 v52, v53  }
0x2fc: {  	v62 =	vld [tilespmem:$0x1FFF0];
	v49 =	vsel vm11, $0x2000, v46;
	v3 =	vor.u32 v54, v3;
	v6 =	vor.u32 v55, v6  }
0x2fd: {  	v51 =	vsel vm12, $0x4000, v39;
	v3 =	vor.u32 v57, v3;
	v6 =	vor.u32 v58, v6  }
0x2fe: {  	v63 =	vsel vm14, $0x8000, v51;
	v6 =	vor.u32 v59, v6;
	[tilespmem:$0x1800] =	vst v3;
	v3 =	vsel vm13, $0x3000, v49  }
0x2ff: {  	v6 =	vor.u32 v60, v6;
	v2 =	vor.u32 v3, v2;
	v3 =	vsel vm15, $0xC000, v63  }
0x300: {  	[tilespmem:$0x1820] =	vst v0;
	v6 =	vor.u32 v61, v6;
	v0 =	vor.u32 v3, v2  }
0x301: {  	v6 =	vor.u32 v62, v6;
	[tilespmem:$0x1830] =	vst v0  }
0x302: {  	s4 =	simm.s32 $0x1800;
	[tilespmem:$0x1810] =	vst v6  }
0x303: {  	[spmem:s8] =	stream.linear.scatter [tilespmem:s4], [sflag:$0x2], $0x40, $0x38;
	[tilespmem:$0x3E68] =	vst v63  }
0x304: {  	_ =	swait.ge [sflag:s25], $0x40  }
0x305: {  	[sflag:s25] =	ssyncset.done $0x0  }
0x306: {  	[sflag:s25] =	ssyncadd.s32 $0xFFFFFFC0  }
0x307: {  	[bflag:$0x0] =	sbarrier.arrive $0xFFFF  }
0x308: {  	s24 =	rddreg [dreg:$0x4]  }
0x309: {  	[tilespmem:s26], [sflag:$0x2] =	stream.linear.gather [spmem:s24], $0x3E8, $0x38;
	[tilespmem:$0x3E68] =	vst v63  }
0x30a: {  	_ =	swait.ge [sflag:s25], $0x3E8  }
0x30b: {  	[sflag:s25] =	ssyncset.done $0x0  }
0x30c: {  	[sflag:s25] =	ssyncadd.s32 $0xFFFFFC18  }
0x30d: {  	v0 =	vld [tilespmem:s31+$0x0];
	_ =	sdelay $0x7  }
0x30e: {  	v2 =	vld.idx.msk [tilespmem:v0+s26+$0x0], $0xffff  }
0x30f: {  	s28 =	sand.u32 $0x70, s3  }
0x310: {  	s1 =	sor.u32 s3, s3;
	s2 =	simm.s32 $0x10;
	s24 =	sand.u32 $0xC00, s3  }
0x311: {  	s0 =	sor.u32 s28, s24;
	s29 =	sor.u32 s24, s3;
	s24 =	simm.s32 $0x0  }
.LBB2_2:
0x312: {  	p0 =	sne.s32 s2, $0x1F0;
	[tilespmem:s0+$0x1F68] =	vst v1;
	s24 =	sadd.s32 $0x80, s24;
	s31 =	sadd.s32 $0x10, s31  }
0x313: {  	v0 =	vshll.u32 v2, $0x3;
	v3 =	vshll.u32 v2, $0x1;
	v4 =	vshrl.u32 v2, $0x1;
	s28 =	smov.u32 s2;
	s4 =	sor.u32 s24, s2;
	[tilespmem:s0+$0x1EE8] =	vst v1;
	s2 =	sadd.s32 $0x10, s2  }
0x314: {  	v0 =	vand.u32 $0x18, v0;
	v3 =	vand.u32 $0x18, v3;
	v4 =	vand.u32 $0x18, v4;
	[tilespmem:s0+$0x1E68] =	vst v1  }
0x315: {  	[tilespmem:s0+$0x2E68] =	vst v0;
	v0 =	vor.u32 $0x1, v3;
	v3 =	vor.u32 $0x2, v4;
	v4 =	vshrl.u32 v2, $0x3  }
0x316: {  	v5 =	vshrl.u32 v2, $0x9;
	[tilespmem:s0+$0x2F68] =	vst v3;
	v3 =	vand.u32 $0x18, v4;
	v4 =	vshrl.u32 v2, $0x7  }
0x317: {  	s29 =	sor.u32 $0x180, s29;
	[tilespmem:s0+$0x2EE8] =	vst v0;
	v0 =	vor.u32 $0x3, v3;
	v3 =	vand.u32 $0x18, v4;
	v4 =	vand.u32 $0x18, v5  }
0x318: {  	[tilespmem:s29+$0x2E68] =	vst v0;
	v0 =	vshrl.u32 v2, $0x5;
	v2 =	vshrl.u32 v2, $0xB  }
0x319: {  	v4 =	vor.u32 $0x6, v4;
	[tilespmem:s29+$0x1E68] =	vst v1;
	v0 =	vand.u32 $0x18, v0;
	v2 =	vand.u32 $0x18, v2  }
0x31a: {  	v3 =	vor.u32 $0x5, v3;
	[tilespmem:s0+$0x3168] =	vst v4  }
0x31b: {  	v0 =	vor.u32 $0x4, v0;
	[tilespmem:s0+$0x30E8] =	vst v3  }
0x31c: {  	[tilespmem:s0+$0x3068] =	vst v0  }
0x31d: {  	[tilespmem:s0+$0x20E8] =	vst v1  }
0x31e: {  	[tilespmem:s0+$0x2168] =	vst v1  }
0x31f: {  	v0 =	vor.u32 $0x7, v2;
	[tilespmem:s0+$0x2068] =	vst v1;
	s0 =	sor.u32 $0x380, s1;
	s1 =	smov.u32 s4  }
0x320: {  	[tilespmem:s0+$0x2E68] =	vst v0  }
0x321: {  	[tilespmem:s0+$0x1E68] =	vst v1  }
0x322: {  	v0 =	vld [tilespmem:s31+$0x0];
	_ =	sdelay $0x7  }
.Ltmp0:
0x323: {  	v2 =	vld.idx.msk [tilespmem:v0+s26+$0x0], $0xffff;
	(pc) =	sbr.rel @p0 .LBB2_2-.Ltmp0, $3  }
0x324: {  	_ =	sdelay $0x1  }
0x325: {  	s4 =	sand.u32 $0xC00, s24;
	s0 =	sand.u32 $0x70, s28  }
0x326: {  	s29 =	sor.u32 s4, s28;
	s0 =	sor.u32 s0, s4  }
0x327: {  	[tilespmem:s0+$0x1F68] =	vst v1  }
0x328: {  	v0 =	vshll.u32 v2, $0x3;
	[tilespmem:s0+$0x1EE8] =	vst v1;
	v3 =	vshrl.u32 v2, $0x1  }
0x329: {  	v4 =	vshll.u32 v2, $0x1;
	[tilespmem:s0+$0x1E68] =	vst v1;
	v0 =	vand.u32 $0x18, v0;
	v3 =	vand.u32 $0x18, v3  }
0x32a: {  	v4 =	vand.u32 $0x18, v4;
	[tilespmem:s0+$0x2E68] =	vst v0;
	v0 =	vor.u32 $0x2, v3  }
0x32b: {  	v3 =	vshrl.u32 v2, $0x3;
	v4 =	vor.u32 $0x1, v4;
	[tilespmem:s0+$0x2F68] =	vst v0  }
0x32c: {  	s2 =	sor.u32 $0x180, s29;
	v0 =	vand.u32 $0x18, v3;
	v3 =	vshrl.u32 v2, $0x9;
	[tilespmem:s0+$0x2EE8] =	vst v4  }
0x32d: {  	v0 =	vor.u32 $0x3, v0;
	v3 =	vand.u32 $0x18, v3;
	[tilespmem:s2+$0x1E68] =	vst v1  }
0x32e: {  	[tilespmem:s2+$0x2E68] =	vst v0;
	v3 =	vor.u32 $0x6, v3  }
0x32f: {  	[tilespmem:s0+$0x3168] =	vst v3  }
0x330: {  	v62 =	vshrl.u32 v2, $0x7;
	[tilespmem:s0+$0x20E8] =	vst v1  }
0x331: {  	v63 =	vshrl.u32 v2, $0x5;
	v0 =	vand.u32 $0x18, v62;
	[tilespmem:s0+$0x2168] =	vst v1  }
0x332: {  	v4 =	vand.u32 $0x18, v63;
	v0 =	vor.u32 $0x5, v0;
	[tilespmem:s0+$0x2068] =	vst v1  }
0x333: {  	v3 =	vor.u32 $0x4, v4;
	[tilespmem:s0+$0x30E8] =	vst v0;
	v0 =	vshrl.u32 v2, $0xB  }
0x334: {  	s28 =	sor.u32 $0x380, s1;
	[tilespmem:s0+$0x3068] =	vst v3;
	v0 =	vand.u32 $0x18, v0  }
0x335: {  	[tilespmem:s28+$0x1E68] =	vst v1;
	v0 =	vor.u32 $0x7, v0  }
0x336: {  	s29 =	simm.s32 $0x1E68;
	[tilespmem:s28+$0x2E68] =	vst v0  }
0x337: {  	[hbm4b:s9+s3] =	stream.linear.scatter [tilespmem:s29], [sflag:$0x1], $0x1000, $0x38;
	[tilespmem:$0x3E68] =	vst v63  }
0x338: {  	s31 =	simm.s32 $0x2E68;
	s30 =	sadd.s32 $0x1, s30  }
0x339: {  	[hbm4b:s10+s3] =	stream.linear.scatter [tilespmem:s31], [sflag:$0x1], $0x1000, $0x38;
	[tilespmem:$0x3E68] =	vst v63  }
0x33a: {  	p0 =	sne.s32 s30, s11;
	_ =	swait.ge [sflag:s23], $0x1000  }
.Ltmp1:
0x33b: {  	[sflag:s23] =	ssyncset.done $0x0;
	(pc) =	sbr.rel @p0 .LBB2_1-.Ltmp1, $4  }
0x33c: {  	[sflag:s23] =	ssyncadd.s32 $0xFFFFF000  }
0x33d: {  	_ =	swait.ge [sflag:s23], $0x1000  }
0x33e: {  	[sflag:s23] =	ssyncset.done $0x0  }
0x33f: {  	[sflag:s23] =	ssyncadd.s32 $0xFFFFF000  }
0x340: {  	_ =	sfence.sel $0x180000  }
0x341: {  	[bflag:$0x0] =	sbarrier.arrive $0xFFFF  }
0x342: {  	_ =	strace $0x90000047  }
0x343: {  	s0 =	stileid.u32;
	[bflag:$0x2] =	sbarrier.arrive $0xFFFF  }
0x344: {  	p0 =	sne.s32 s0, $0x0;
	s0 =	rddreg [dreg:$0x5]  }
0x345: {  	s0 =	sadd.s32 @!p0 $0x100000, s0  }
0x346: {  	[sflag:s0] =	ssyncadd.tile.s32 @!p0 $0x1;
	_ =	shalt  }
.Lfunc_end2:
_tile_overlayer_lowered:
.L_overlay_start_2:
0x347: {  	(tag) =	ssettag $0x2  }
0x348: {  	s0 =	rddreg [dreg:$0x0];
	s2 =	stileid.u32  }
0x349: {  	s1 =	rddreg [dreg:$0x1];
	p0 =	sne.s32 s2, $0x0  }
0x34a: {  	s3 =	rddreg [dreg:$0x2];
	[bflag:$0x3] =	sbarrier.arrive $0xFFFF;
	s2 =	simm.s32 @!p0 $0x1C02  }
0x34b: {  	[timem:s3], [sflag:s2] =	dma.local @!p0 [hbm:s0], s1  }
0x34c: {  	s0 =	simm.s32 @!p0 $0x2  }
0x34d: {  	_ =	swait.ge @!p0 [sflag:s0], s1  }
0x34e: {  	s1 =	ssub.s32 @!p0 $0x0, s1;
	[sflag:s0] =	ssyncset.done @!p0 $0x0  }
0x34f: {  	[sflag:s0] =	ssyncadd.s32 @!p0 s1  }
0x350: {  	[bflag:$0x3] =	sbarrier.arrive $0xFFFF  }
0x351: {  	_ =	shalt  }

</sc_bundles>
